<compile_context>
chip_gen: v7x
topology: tpu7x:2x2x1
jax: 0.10.2.dev20260603
libtpu: 0.0.44.dev20260713+nightly
codegen_flags: <defaults>
</compile_context>

<pallas_src>
import functools
import math

import jax
import jax.numpy as jnp
from jax import lax
from jax.experimental import pallas as pl
from jax.experimental.pallas import tpu as pltpu
from jax.experimental.pallas import tpu_sc as plsc

_RES_MIN = 16
_RES_MAX = 256
_L = 16
_T = 65536
_B = 4
_N = _RES_MAX * _RES_MAX
_NC = 2
_NS = 16
_NW = _NC * _NS
_PAIRS = _B * _L
_CH = 4096
_SCH = 4096
_LANES = 16
_HASH_C = -1640531535


def _bf16_hi(bits):
    return (bits + 32767 + ((bits >> 16) & 1)) & jnp.int32(-65536)


def _retrieve_body(tab_hbm, crd_hbm, res_hbm, feats_hbm,
                   tab_v, stage0_v, stage1_v, cx0_v, cx1_v, cy0_v, cy1_v,
                   a00_v, a01_v, a10_v, a11_v, res_v,
                   sem_pack, sem_in, sem_out):
    wid = lax.axis_index("s") * _NC + lax.axis_index("c")
    offs1 = lax.iota(jnp.int32, _LANES)
    offs2 = offs1 * 2
    stages = (stage0_v, stage1_v)
    cxs = (cx0_v, cx1_v)
    cys = (cy0_v, cy1_v)
    accs = ((a00_v, a01_v), (a10_v, a11_v))
    n_pack = _T // _SCH
    n_chunk = _N // _CH
    for k in range(_PAIRS // _NW):
        pair = wid * (_PAIRS // _NW) + k
        b = pair // _L
        lvl = pair % _L
        l2 = lvl * 2
        pltpu.sync_copy(res_hbm.at[pair], res_v)
        res = res_v[...]

        rgg = pair // 8
        sl = pair % 8
        n_cg = 2 * _SCH // 128

        def start_stage(sc, p):
            pltpu.async_copy(
                tab_hbm.at[pl.ds(rgg * 1024 + sc * n_cg, n_cg),
                           pl.ds(sl * 128, 128)],
                stages[p], sem_pack)

        start_stage(0, 0)

        def pack_chunk(gg, carry):
            for p in range(2):
                sc = gg * 2 + p

                @pl.when(sc + 1 < n_pack)
                def _():
                    start_stage(sc + 1, p ^ 1)

                pltpu.make_async_copy(
                    tab_hbm.at[pl.ds(0, n_cg), pl.ds(0, 128)],
                    stages[p], sem_pack).wait()
                stage_v = stages[p]

                @plsc.parallel_loop(0, _SCH // _LANES, unroll=8)
                def pack_body(j):
                    base2 = j * 32
                    f0 = offs2 + base2
                    f1 = offs2 + (base2 + 1)
                    e = plsc.bitcast(
                        plsc.load_gather(stage_v, [f0 >> 7, f0 & 127]),
                        jnp.int32)
                    o = plsc.bitcast(
                        plsc.load_gather(stage_v, [f1 >> 7, f1 & 127]),
                        jnp.int32)
                    lo16 = lax.shift_right_logical(_bf16_hi(e), 16)
                    packed = lo16 | _bf16_hi(o)
                    tab_v[pl.ds(sc * _SCH + j * _LANES, _LANES)] = packed
            return carry

        lax.fori_loop(0, n_pack // 2, pack_chunk, 0)

        def start_in(c, p):
            pltpu.async_copy(crd_hbm.at[2 * b, pl.ds(c * _CH, _CH)],
                             cxs[p], sem_in)
            pltpu.async_copy(crd_hbm.at[2 * b + 1, pl.ds(c * _CH, _CH)],
                             cys[p], sem_in)

        def wait_in(p):
            pltpu.make_async_copy(crd_hbm.at[0, pl.ds(0, _CH)],
                                  cxs[p], sem_in).wait()
            pltpu.make_async_copy(crd_hbm.at[0, pl.ds(0, _CH)],
                                  cys[p], sem_in).wait()

        def wait_out(p):
            pltpu.make_async_copy(accs[p][0], feats_hbm.at[0, pl.ds(0, _CH)],
                                  sem_out).wait()
            pltpu.make_async_copy(accs[p][1], feats_hbm.at[0, pl.ds(0, _CH)],
                                  sem_out).wait()

        start_in(0, 0)

        def chunk_body(gg, carry):
            for p in range(2):
                c = gg * 2 + p
                base = c * _CH

                @pl.when(c + 1 < n_chunk)
                def _():
                    start_in(c + 1, p ^ 1)

                wait_in(p)

                @pl.when(c >= 2)
                def _():
                    wait_out(p)

                cx_v = cxs[p]
                cy_v = cys[p]
                a0_v, a1_v = accs[p]

                @plsc.parallel_loop(0, _CH // _LANES, unroll=8)
                def pt_body(i):
                    o = i * _LANES
                    x = cx_v[pl.ds(o, _LANES)]
                    y = cy_v[pl.ds(o, _LANES)]
                    sx = x * res
                    sy = y * res
                    x0 = sx.astype(jnp.int32)
                    y0 = sy.astype(jnp.int32)
                    fx = sx - x0.astype(jnp.float32)
                    fy = sy - y0.astype(jnp.float32)
                    hc = jnp.int32(_HASH_C)
                    h0 = y0 * hc
                    h1 = h0 + hc
                    x1 = x0 + 1
                    m = jnp.int32(65535)
                    i00 = (x0 ^ h0) & m
                    i10 = (x1 ^ h0) & m
                    i01 = (x0 ^ h1) & m
                    i11 = (x1 ^ h1) & m
                    w00 = plsc.load_gather(tab_v, [i00])
                    w10 = plsc.load_gather(tab_v, [i10])
                    w01 = plsc.load_gather(tab_v, [i01])
                    w11 = plsc.load_gather(tab_v, [i11])
                    hi_m = jnp.int32(-65536)
                    gx = 1.0 - fx
                    gy = 1.0 - fy
                    c00 = gx * gy
                    c10 = fx * gy
                    c01 = gx * fy
                    c11 = fx * fy

                    def flo(w):
                        return plsc.bitcast(w << 16, jnp.float32)

                    def fhi(w):
                        return plsc.bitcast(w & hi_m, jnp.float32)

                    a0 = (flo(w00) * c00 + flo(w10) * c10
                          + flo(w01) * c01 + flo(w11) * c11)
                    a1 = (fhi(w00) * c00 + fhi(w10) * c10
                          + fhi(w01) * c01 + fhi(w11) * c11)
                    a0_v[pl.ds(o, _LANES)] = a0
                    a1_v[pl.ds(o, _LANES)] = a1

                row = b * (2 * _L) + l2
                pltpu.async_copy(a0_v, feats_hbm.at[row, pl.ds(base, _CH)],
                                 sem_out)
                pltpu.async_copy(a1_v, feats_hbm.at[row + 1, pl.ds(base, _CH)],
                                 sem_out)
            return carry

        lax.fori_loop(0, n_chunk // 2, chunk_body, 0)
        wait_out(0)
        wait_out(1)


_sc_mesh = plsc.VectorSubcoreMesh(core_axis_name="c", subcore_axis_name="s",
                                  num_cores=_NC, num_subcores=_NS)

_retrieve = functools.partial(
    pl.kernel,
    out_type=jax.ShapeDtypeStruct((_B * 2 * _L, _N), jnp.float32),
    mesh=_sc_mesh,
    scratch_types=[
        pltpu.VMEM((_T,), jnp.int32),
        pltpu.VMEM((2 * _SCH // 128, 128), jnp.float32),
        pltpu.VMEM((2 * _SCH // 128, 128), jnp.float32),
        pltpu.VMEM((_CH,), jnp.float32),
        pltpu.VMEM((_CH,), jnp.float32),
        pltpu.VMEM((_CH,), jnp.float32),
        pltpu.VMEM((_CH,), jnp.float32),
        pltpu.VMEM((_CH,), jnp.float32),
        pltpu.VMEM((_CH,), jnp.float32),
        pltpu.VMEM((_CH,), jnp.float32),
        pltpu.VMEM((_CH,), jnp.float32),
        pltpu.VMEM((_LANES,), jnp.float32),
        pltpu.SemaphoreType.DMA,
        pltpu.SemaphoreType.DMA,
        pltpu.SemaphoreType.DMA,
    ],
    compiler_params=pltpu.CompilerParams(needs_layout_passes=False,
                                         use_tc_tiling_on_sc=False),
)(_retrieve_body)


def _wmod_body(s_ref, w_ref, aW_ref, ab_ref, out_ref):
    style = lax.dot_general(s_ref[...], aW_ref[...], (((1,), (1,)), ((), ())),
                            preferred_element_type=jnp.float32)
    style = style + ab_ref[...]
    w = w_ref[...][None, :, :] * style[:, None, :]
    demod = lax.rsqrt(jnp.sum(w * w, axis=-1) + 1e-8)
    out_ref[...] = w * demod[..., None]


def _wmod(s, weight, affine_W, affine_b132):
    return pl.pallas_call(
        _wmod_body,
        out_shape=jax.ShapeDtypeStruct((_B, 3, 2 * _L), jnp.float32),
    )(s, weight, affine_W, affine_b132)


_BLK = 32768


def _modlin_body(feats_ref, wm_ref, b_ref, out_ref):
    bidx = pl.program_id(0)
    wm = wm_ref[...]
    sel = (lax.broadcasted_iota(jnp.int32, (_B, 1, 1), 0) == bidx)
    wb = jnp.sum(jnp.where(sel, wm, 0.0), axis=0)
    f = feats_ref[...][0]
    accs = [jnp.broadcast_to(b_ref[...][:, :, None], (3, _BLK // 128, 128))]
    accs += [jnp.zeros((3, _BLK // 128, 128), jnp.float32) for _ in range(3)]
    for i in range(2 * _L):
        k = i % 4
        accs[k] = accs[k] + wb[:, i][:, None, None] * f[i][None]
    acc = (accs[0] + accs[1]) + (accs[2] + accs[3])
    out_ref[...] = acc[None]


def _modlin(feats4, wm, bias31):
    return pl.pallas_call(
        _modlin_body,
        grid=(_B, _N // _BLK),
        in_specs=[
            pl.BlockSpec((1, 2 * _L, _BLK // 128, 128),
                         lambda b, n: (b, 0, n, 0)),
            pl.BlockSpec((_B, 3, 2 * _L), lambda b, n: (0, 0, 0)),
            pl.BlockSpec((3, 1), lambda b, n: (0, 0)),
        ],
        out_specs=pl.BlockSpec((1, 3, _BLK // 128, 128),
                               lambda b, n: (b, 0, n, 0)),
        out_shape=jax.ShapeDtypeStruct((_B, 3, _N // 128, 128),
                                       jnp.float32),
    )(feats4, wm, bias31)


def kernel(x, coords, s, weight, bias, affine_W, affine_b):
    b_, l_, tt = x.shape
    x2 = (x.reshape(b_, 2, 8, tt // 128, 128)
          .transpose(0, 1, 3, 2, 4).reshape(b_ * 2 * (tt // 128), 8 * 128))
    crd = coords.transpose(0, 2, 1).reshape(2 * b_, coords.shape[1])
    growth = math.exp((math.log(_RES_MAX) - math.log(_RES_MIN)) / (l_ - 1))
    res = jnp.floor(_RES_MIN * growth ** jnp.arange(l_, dtype=jnp.float32))
    res_pairs = jnp.broadcast_to(jnp.tile(res, b_)[:, None], (b_ * l_, _LANES))
    feats = _retrieve(x2, crd, res_pairs)
    feats4 = feats.reshape(b_, 2 * _L, _N // 128, 128)
    wm = _wmod(s, weight, affine_W, affine_b.reshape(1, 2 * _L))
    out = _modlin(feats4, wm, bias.reshape(3, 1))
    return out.reshape(b_, 3, _RES_MAX, _RES_MAX)

# --- scband reference (transcript-rebuilt; emitter-appended) ---
"""Pipeline reference for scband-hash-side-out-1322849927726 (READ-ONLY COPY).

The authoritative reference and input builder live on the scoring server;
editing this copy changes nothing except your own understanding.
"""

import jax, jax.numpy as jnp
import numpy as np
import math

RES_MIN = 16
RES_MAX = 256
TABLE_NUM = 16
STYLE_DIM = 512
TABLE_SIZE = 65536  # entries per level (x.shape[2] // 2)
B = 4
N = RES_MAX * RES_MAX  # sampled coordinates per image


def setup_inputs(seed: int = 0) -> dict:
    key = jax.random.key(seed)
    k1, k2, k3, k4, k5, k6 = jax.random.split(key, 6)
    # forward args
    x = jax.random.normal(k1, (B, TABLE_NUM, 2 * TABLE_SIZE), dtype=jnp.float32) * 0.01
    coords = jax.random.uniform(k2, (B, N, 2), dtype=jnp.float32)  # in [0, 1)
    s = jax.random.normal(k3, (B, STYLE_DIM), dtype=jnp.float32)
    # learned parameters of ModulatedLinear(table_num*2 -> 3, style_dim)
    weight = jax.random.normal(k4, (3, TABLE_NUM * 2), dtype=jnp.float32) / math.sqrt(TABLE_NUM * 2)
    bias = jnp.zeros((3,), dtype=jnp.float32)
    affine_W = jax.random.normal(k5, (TABLE_NUM * 2, STYLE_DIM), dtype=jnp.float32) / math.sqrt(STYLE_DIM)
    affine_b = jnp.ones((TABLE_NUM * 2,), dtype=jnp.float32)  # style affine bias init to 1 (StyleGAN2 convention)
    return {"x": x, "coords": coords, "s": s, "weight": weight, "bias": bias,
            "affine_W": affine_W, "affine_b": affine_b}


def _hash_retrieve(tables, coords, res_min, res_max):
    # tables: [B, L, T, 2]; coords: [B, N, 2] in [0,1]
    Bn, L, T, Fd = tables.shape
    growth = math.exp((math.log(res_max) - math.log(res_min)) / max(L - 1, 1))
    res = jnp.floor(res_min * (growth ** jnp.arange(L, dtype=jnp.float32)))  # [L]
    scaled = coords[:, None, :, :] * res[None, :, None, None]  # [B, L, N, 2]
    pos0 = jnp.floor(scaled)
    frac = scaled - pos0  # differentiable bilinear weights
    pos0i = pos0.astype(jnp.int32)
    offs = jnp.array([[0, 0], [1, 0], [0, 1], [1, 1]], dtype=jnp.int32)  # [4, 2]
    corners = pos0i[:, :, :, None, :] + offs[None, None, None, :, :]  # [B, L, N, 4, 2]
    cu = corners.astype(jnp.uint32)
    # instant-ngp style spatial hash: x * 1 xor y * 2654435761, mod table size
    h = (cu[..., 0] * jnp.uint32(1)) ^ (cu[..., 1] * jnp.uint32(2654435761))
    idx = (h % jnp.uint32(T)).astype(jnp.int32)  # [B, L, N, 4]
    bi = jnp.arange(Bn)[:, None, None, None]
    li = jnp.arange(L)[None, :, None, None]
    feats = tables[bi, li, idx]  # gather -> [B, L, N, 4, 2]
    fx = frac[..., 0]
    fy = frac[..., 1]
    w = jnp.stack([(1 - fx) * (1 - fy), fx * (1 - fy), (1 - fx) * fy, fx * fy], axis=-1)  # [B, L, N, 4]
    out = jnp.sum(feats * w[..., None], axis=3)  # [B, L, N, 2]
    out = jnp.transpose(out, (0, 2, 1, 3)).reshape(Bn, out.shape[2], L * Fd)  # [B, N, L*2]
    return out


def reference(x, coords, s, weight, bias, affine_W, affine_b):
    b = x.shape[0]
    tables = x.reshape(b, x.shape[1], x.shape[2] // 2, 2)
    feats = _hash_retrieve(tables, coords, RES_MIN, RES_MAX)  # [B, N, table_num*2]
    # ModulatedLinear (StyleGAN2-style modulated 1x1 with demodulation)
    style = s @ affine_W.T + affine_b  # [B, in]
    w = weight[None, :, :] * style[:, None, :]  # [B, out, in]
    demod = jax.lax.rsqrt(jnp.sum(w * w, axis=-1) + 1e-8)  # [B, out]
    w = w * demod[..., None]
    out = jnp.einsum('bni,boi->bno', feats, w) + bias[None, None, :]  # [B, N, 3]
    out = out.reshape(b, RES_MAX, RES_MAX, 3)
    return jnp.transpose(out, (0, 3, 1, 2))  # [B, 3, res_max, res_max]

if __name__ == "__main__":
    import jax
    _d = setup_inputs()
    print(jax.jit(kernel)(*tuple(_d.values())))

</pallas_src>

<mosaic_0001>
#map = affine_map<(d0, d1) -> (0, 0)>
module attributes {stable_mosaic.version = 14 : i64} {
  func.func @_retrieve_body(%arg0: i32, %arg1: i32, %arg2: memref<8192x1024xf32, #tpu.memory_space<hbm>>, %arg3: memref<8x65536xf32, #tpu.memory_space<hbm>>, %arg4: memref<64x16xf32, #tpu.memory_space<hbm>>, %arg5: memref<128x65536xf32, #tpu.memory_space<hbm>>, %arg6: memref<65536xi32, #tpu.memory_space<vmem>>, %arg7: memref<64x128xf32, #tpu.memory_space<vmem>>, %arg8: memref<64x128xf32, #tpu.memory_space<vmem>>, %arg9: memref<4096xf32, #tpu.memory_space<vmem>>, %arg10: memref<4096xf32, #tpu.memory_space<vmem>>, %arg11: memref<4096xf32, #tpu.memory_space<vmem>>, %arg12: memref<4096xf32, #tpu.memory_space<vmem>>, %arg13: memref<4096xf32, #tpu.memory_space<vmem>>, %arg14: memref<4096xf32, #tpu.memory_space<vmem>>, %arg15: memref<4096xf32, #tpu.memory_space<vmem>>, %arg16: memref<4096xf32, #tpu.memory_space<vmem>>, %arg17: memref<16xf32, #tpu.memory_space<vmem>>, %arg18: memref<!tpu.dma_semaphore, #tpu.memory_space<semaphore_mem>>, %arg19: memref<!tpu.dma_semaphore, #tpu.memory_space<semaphore_mem>>, %arg20: memref<!tpu.dma_semaphore, #tpu.memory_space<semaphore_mem>>) attributes {dimension_semantics = [#tpu.dimension_semantics<core_parallel>, #tpu.dimension_semantics<subcore_parallel>], iteration_bounds = array<i64: 2, 16>, scalar_prefetch = 0 : i64, scratch_operands = 15 : i64, tpu.core_type = #tpu.core_type<sc_vector_subcore>, window_params = [{transform_indices = #map}, {transform_indices = #map}, {transform_indices = #map}, {transform_indices = #map}]} {
    %mul3A = arith.constant 2 : i32
    %mul3A_0 = arith.muli %arg1, %mul3A : i32
    %add3A = arith.addi %mul3A_0, %arg0 : i32
    %iota3A = tpu.iota {dimensions = array<i32: 0>} : vector<16xi32>
    %mul3A_1 = arith.constant 2 : i32
    %mul3A_2 = vector.broadcast %mul3A_1 : i32 to vector<16xi32>
    %mul3A_3 = arith.muli %iota3A, %mul3A_2 : vector<16xi32>
    %mul3A_4 = arith.constant 2 : i32
    %mul3A_5 = arith.muli %add3A, %mul3A_4 : i32
    %add3A_6 = arith.constant 0 : i32
    %add3A_7 = arith.addi %mul3A_5, %add3A_6 : i32
    %jit3A = arith.constant 16 : i32
    %div3A = arith.divsi %add3A_7, %jit3A : i32
    %sign3A = arith.constant 0 : i32
    %sign3A_8 = arith.cmpi sgt, %add3A_7, %sign3A : i32
    %sign3A_9 = arith.extui %sign3A_8 : i1 to i32
    %sign3A_10 = arith.constant 0 : i32
    %sign3A_11 = arith.cmpi slt, %add3A_7, %sign3A_10 : i32
    %sign3A_12 = arith.extui %sign3A_11 : i1 to i32
    %sign3A_13 = arith.subi %sign3A_9, %sign3A_12 : i32
    %sign3A_14 = arith.constant 0 : i32
    %sign3A_15 = arith.cmpi sgt, %jit3A, %sign3A_14 : i32
    %sign3A_16 = arith.extui %sign3A_15 : i1 to i32
    %sign3A_17 = arith.constant 0 : i32
    %sign3A_18 = arith.cmpi slt, %jit3A, %sign3A_17 : i32
    %sign3A_19 = arith.extui %sign3A_18 : i1 to i32
    %sign3A_20 = arith.subi %sign3A_16, %sign3A_19 : i32
    %ne3A = arith.cmpi ne, %sign3A_13, %sign3A_20 : i32
    %rem3A = arith.remsi %add3A_7, %jit3A : i32
    %ne3A_21 = arith.constant 0 : i32
    %ne3A_22 = arith.cmpi ne, %rem3A, %ne3A_21 : i32
    %and3A = arith.andi %ne3A, %ne3A_22 : i1
    %sub3A = arith.constant 1 : i32
    %sub3A_23 = arith.subi %div3A, %sub3A : i32
    %select_n3A = arith.select %and3A, %sub3A_23, %div3A : i32
    %jit3A_24 = arith.constant 16 : i32
    %eq3A = arith.constant 0 : i32
    %eq3A_25 = arith.cmpi eq, %jit3A_24, %eq3A : i32
    %jit3A_26 = arith.constant 1 : i32
    %select_n3A_27 = arith.select %eq3A_25, %jit3A_26, %jit3A_24 : i32
    %rem3A_28 = arith.remsi %add3A_7, %select_n3A_27 : i32
    %ne3A_29 = arith.constant 0 : i32
    %ne3A_30 = arith.cmpi ne, %rem3A_28, %ne3A_29 : i32
    %lt3A = arith.constant 0 : i32
    %lt3A_31 = arith.cmpi slt, %rem3A_28, %lt3A : i32
    %lt3A_32 = arith.constant 0 : i32
    %lt3A_33 = arith.cmpi slt, %select_n3A_27, %lt3A_32 : i32
    %ne3A_34 = arith.xori %lt3A_31, %lt3A_33 : i1
    %and3A_35 = arith.andi %ne3A_34, %ne3A_30 : i1
    %add3A_36 = arith.addi %rem3A_28, %select_n3A_27 : i32
    %select_n3A_37 = arith.select %and3A_35, %add3A_36, %rem3A_28 : i32
    %mul3A_38 = arith.constant 2 : i32
    %mul3A_39 = arith.muli %select_n3A_37, %mul3A_38 : i32
    "tpu.region"() ({
      %run_scoped3A = tpu.sem_alloc : memref<!tpu.dma_semaphore, #tpu.memory_space<semaphore_mem>>
      %dma_start3A_298 = arith.constant 0 : i32
      %dma_start3A_299 = tpu.memref_slice %arg4[%add3A_7, %dma_start3A_298] : memref<64x16xf32, #tpu.memory_space<hbm>> -> memref<1x16xf32, #tpu.memory_space<hbm>>
      %dma_start3A_300 = tpu.memref_squeeze %dma_start3A_299 : memref<1x16xf32, #tpu.memory_space<hbm>> -> memref<16xf32, #tpu.memory_space<hbm>>
      %dma_start3A_301 = arith.constant 0 : i32
      %dma_start3A_302 = tpu.memref_slice %arg4[%add3A_7, %dma_start3A_301] : memref<64x16xf32, #tpu.memory_space<hbm>> -> memref<1x16xf32, #tpu.memory_space<hbm>>
      %dma_start3A_303 = tpu.memref_squeeze %dma_start3A_302 : memref<1x16xf32, #tpu.memory_space<hbm>> -> memref<16xf32, #tpu.memory_space<hbm>>
      tpu.enqueue_dma source(%dma_start3A_303 : memref<16xf32, #tpu.memory_space<hbm>>) target(%arg17 : memref<16xf32, #tpu.memory_space<vmem>>) target_semaphore(%run_scoped3A : memref<!tpu.dma_semaphore, #tpu.memory_space<semaphore_mem>>)
      %dma_wait3A_304 = arith.constant 0 : i32
      %dma_wait3A_305 = tpu.memref_slice %arg4[%add3A_7, %dma_wait3A_304] : memref<64x16xf32, #tpu.memory_space<hbm>> -> memref<1x16xf32, #tpu.memory_space<hbm>>
      %dma_wait3A_306 = tpu.memref_squeeze %dma_wait3A_305 : memref<1x16xf32, #tpu.memory_space<hbm>> -> memref<16xf32, #tpu.memory_space<hbm>>
      %dma_wait3A_307 = arith.constant 0 : i32
      %dma_wait3A_308 = tpu.memref_slice %arg4[%add3A_7, %dma_wait3A_307] : memref<64x16xf32, #tpu.memory_space<hbm>> -> memref<1x16xf32, #tpu.memory_space<hbm>>
      %dma_wait3A_309 = tpu.memref_squeeze %dma_wait3A_308 : memref<1x16xf32, #tpu.memory_space<hbm>> -> memref<16xf32, #tpu.memory_space<hbm>>
      tpu.wait_dma2 semaphore(%run_scoped3A : memref<!tpu.dma_semaphore, #tpu.memory_space<semaphore_mem>>) src(%dma_wait3A_309 : memref<16xf32, #tpu.memory_space<hbm>>) dst(%arg17 : memref<16xf32, #tpu.memory_space<vmem>>)
      tpu.yield
    }) : () -> ()
    %get3A = arith.constant 0 : index
    %get3A_40 = tpu.vector_load %arg17[%get3A] {strides = array<i32>} : memref<16xf32, #tpu.memory_space<vmem>>, vector<16xf32>,
    %jit3A_41 = arith.constant 8 : i32
    %div3A_42 = arith.divsi %add3A_7, %jit3A_41 : i32
    %sign3A_43 = arith.constant 0 : i32
    %sign3A_44 = arith.cmpi sgt, %add3A_7, %sign3A_43 : i32
    %sign3A_45 = arith.extui %sign3A_44 : i1 to i32
    %sign3A_46 = arith.constant 0 : i32
    %sign3A_47 = arith.cmpi slt, %add3A_7, %sign3A_46 : i32
    %sign3A_48 = arith.extui %sign3A_47 : i1 to i32
    %sign3A_49 = arith.subi %sign3A_45, %sign3A_48 : i32
    %sign3A_50 = arith.constant 0 : i32
    %sign3A_51 = arith.cmpi sgt, %jit3A_41, %sign3A_50 : i32
    %sign3A_52 = arith.extui %sign3A_51 : i1 to i32
    %sign3A_53 = arith.constant 0 : i32
    %sign3A_54 = arith.cmpi slt, %jit3A_41, %sign3A_53 : i32
    %sign3A_55 = arith.extui %sign3A_54 : i1 to i32
    %sign3A_56 = arith.subi %sign3A_52, %sign3A_55 : i32
    %ne3A_57 = arith.cmpi ne, %sign3A_49, %sign3A_56 : i32
    %rem3A_58 = arith.remsi %add3A_7, %jit3A_41 : i32
    %ne3A_59 = arith.constant 0 : i32
    %ne3A_60 = arith.cmpi ne, %rem3A_58, %ne3A_59 : i32
    %and3A_61 = arith.andi %ne3A_57, %ne3A_60 : i1
    %sub3A_62 = arith.constant 1 : i32
    %sub3A_63 = arith.subi %div3A_42, %sub3A_62 : i32
    %select_n3A_64 = arith.select %and3A_61, %sub3A_63, %div3A_42 : i32
    %jit3A_65 = arith.constant 8 : i32
    %eq3A_66 = arith.constant 0 : i32
    %eq3A_67 = arith.cmpi eq, %jit3A_65, %eq3A_66 : i32
    %jit3A_68 = arith.constant 1 : i32
    %select_n3A_69 = arith.select %eq3A_67, %jit3A_68, %jit3A_65 : i32
    %rem3A_70 = arith.remsi %add3A_7, %select_n3A_69 : i32
    %ne3A_71 = arith.constant 0 : i32
    %ne3A_72 = arith.cmpi ne, %rem3A_70, %ne3A_71 : i32
    %lt3A_73 = arith.constant 0 : i32
    %lt3A_74 = arith.cmpi slt, %rem3A_70, %lt3A_73 : i32
    %lt3A_75 = arith.constant 0 : i32
    %lt3A_76 = arith.cmpi slt, %select_n3A_69, %lt3A_75 : i32
    %ne3A_77 = arith.xori %lt3A_74, %lt3A_76 : i1
    %and3A_78 = arith.andi %ne3A_77, %ne3A_72 : i1
    %add3A_79 = arith.addi %rem3A_70, %select_n3A_69 : i32
    %select_n3A_80 = arith.select %and3A_78, %add3A_79, %rem3A_70 : i32
    %mul3A_81 = arith.constant 1024 : i32
    %mul3A_82 = arith.muli %select_n3A_64, %mul3A_81 : i32
    %add3A_83 = arith.constant 0 : i32
    %add3A_84 = arith.addi %mul3A_82, %add3A_83 : i32
    %mul3A_85 = arith.constant 128 : i32
    %mul3A_86 = arith.muli %select_n3A_80, %mul3A_85 : i32
    %dma_start3A = tpu.memref_slice %arg2[%add3A_84, %mul3A_86] : memref<8192x1024xf32, #tpu.memory_space<hbm>> -> memref<64x128xf32, #tpu.memory_space<hbm>>
    %dma_start3A_87 = tpu.memref_slice %arg2[%add3A_84, %mul3A_86] : memref<8192x1024xf32, #tpu.memory_space<hbm>> -> memref<64x128xf32, #tpu.memory_space<hbm>>
    tpu.enqueue_dma source(%dma_start3A_87 : memref<64x128xf32, #tpu.memory_space<hbm>>) target(%arg7 : memref<64x128xf32, #tpu.memory_space<vmem>>) target_semaphore(%arg18 : memref<!tpu.dma_semaphore, #tpu.memory_space<semaphore_mem>>)
    %scan3A = arith.constant 0 : i32
    %scan3A_88 = arith.constant 0 : i32
    %scan3A_89 = arith.constant 8 : i32
    %scan3A_90 = arith.addi %scan3A_88, %scan3A_89 : i32
    %scan3A_91 = arith.constant 1 : i32
    scf.for %scan3A_298 = %scan3A_88 to %scan3A_90 step %scan3A_91  : i32 {
      %mul3A_299 = arith.constant 2 : i32
      %mul3A_300 = arith.muli %scan3A_298, %mul3A_299 : i32
      %add3A_301 = arith.constant 0 : i32
      %add3A_302 = arith.addi %mul3A_300, %add3A_301 : i32
      %add3A_303 = arith.constant 1 : i32
      %add3A_304 = arith.addi %add3A_302, %add3A_303 : i32
      %lt3A_305 = arith.constant 16 : i32
      %lt3A_306 = arith.cmpi slt, %add3A_304, %lt3A_305 : i32
      %convert_element_type3A = arith.extui %lt3A_306 : i1 to i32
      %cond3A = arith.constant 0 : i32
      %cond3A_307 = arith.cmpi ne, %convert_element_type3A, %cond3A : i32
      scf.if %cond3A_307 {
        %add3A_336 = arith.constant 1 : i32
        %add3A_337 = arith.addi %add3A_302, %add3A_336 : i32
        %mul3A_338 = arith.constant 1024 : i32
        %mul3A_339 = arith.muli %select_n3A_64, %mul3A_338 : i32
        %mul3A_340 = arith.constant 64 : i32
        %mul3A_341 = arith.muli %add3A_337, %mul3A_340 : i32
        %add3A_342 = arith.addi %mul3A_339, %mul3A_341 : i32
        %mul3A_343 = arith.constant 128 : i32
        %mul3A_344 = arith.muli %select_n3A_80, %mul3A_343 : i32
        %dma_start3A_345 = tpu.memref_slice %arg2[%add3A_342, %mul3A_344] : memref<8192x1024xf32, #tpu.memory_space<hbm>> -> memref<64x128xf32, #tpu.memory_space<hbm>>
        %dma_start3A_346 = tpu.memref_slice %arg2[%add3A_342, %mul3A_344] : memref<8192x1024xf32, #tpu.memory_space<hbm>> -> memref<64x128xf32, #tpu.memory_space<hbm>>
        tpu.enqueue_dma source(%dma_start3A_346 : memref<64x128xf32, #tpu.memory_space<hbm>>) target(%arg8 : memref<64x128xf32, #tpu.memory_space<vmem>>) target_semaphore(%arg18 : memref<!tpu.dma_semaphore, #tpu.memory_space<semaphore_mem>>)
      } else {
      }
      %dma_wait3A_308 = arith.constant 0 : i32
      %dma_wait3A_309 = arith.constant 0 : i32
      %dma_wait3A_310 = tpu.memref_slice %arg2[%dma_wait3A_308, %dma_wait3A_309] : memref<8192x1024xf32, #tpu.memory_space<hbm>> -> memref<64x128xf32, #tpu.memory_space<hbm>>
      %dma_wait3A_311 = arith.constant 0 : i32
      %dma_wait3A_312 = arith.constant 0 : i32
      %dma_wait3A_313 = tpu.memref_slice %arg2[%dma_wait3A_311, %dma_wait3A_312] : memref<8192x1024xf32, #tpu.memory_space<hbm>> -> memref<64x128xf32, #tpu.memory_space<hbm>>
      tpu.wait_dma2 semaphore(%arg18 : memref<!tpu.dma_semaphore, #tpu.memory_space<semaphore_mem>>) src(%dma_wait3A_313 : memref<64x128xf32, #tpu.memory_space<hbm>>) dst(%arg7 : memref<64x128xf32, #tpu.memory_space<vmem>>)
      %parallel_loop3A = arith.constant 0 : i32
      %parallel_loop3A_314 = arith.constant 256 : i32
      %parallel_loop3A_315 = arith.constant 1 : i32
      scf.for %parallel_loop3A_336 = %parallel_loop3A to %parallel_loop3A_314 step %parallel_loop3A_315  : i32 {
        %parallel_loop3A_337 = arith.constant 32 : i32
        %parallel_loop3A_338 = arith.muli %parallel_loop3A_336, %parallel_loop3A_337 : i32
        %parallel_loop3A_339 = vector.broadcast %parallel_loop3A_338 : i32 to vector<16xi32>
        %parallel_loop3A_340 = arith.addi %mul3A_3, %parallel_loop3A_339 : vector<16xi32>
        %parallel_loop3A_341 = arith.constant 1 : i32
        %parallel_loop3A_342 = arith.addi %parallel_loop3A_338, %parallel_loop3A_341 : i32
        %parallel_loop3A_343 = vector.broadcast %parallel_loop3A_342 : i32 to vector<16xi32>
        %parallel_loop3A_344 = arith.addi %mul3A_3, %parallel_loop3A_343 : vector<16xi32>
        %parallel_loop3A_345 = arith.constant 7 : i32
        %parallel_loop3A_346 = vector.broadcast %parallel_loop3A_345 : i32 to vector<16xi32>
        %parallel_loop3A_347 = arith.shrsi %parallel_loop3A_340, %parallel_loop3A_346 : vector<16xi32>
        %parallel_loop3A_348 = arith.constant 127 : i32
        %parallel_loop3A_349 = vector.broadcast %parallel_loop3A_348 : i32 to vector<16xi32>
        %parallel_loop3A_350 = arith.andi %parallel_loop3A_340, %parallel_loop3A_349 : vector<16xi32>
        %parallel_loop3A_351 = tpu.vector_load_idx %arg7[%parallel_loop3A_347, %parallel_loop3A_350] : memref<64x128xf32, #tpu.memory_space<vmem>>[vector<16xi32>, vector<16xi32>], vector<16xf32>,
        %parallel_loop3A_352 = vector.bitcast %parallel_loop3A_351 : vector<16xf32> to vector<16xi32>
        %parallel_loop3A_353 = arith.constant 7 : i32
        %parallel_loop3A_354 = vector.broadcast %parallel_loop3A_353 : i32 to vector<16xi32>
        %parallel_loop3A_355 = arith.shrsi %parallel_loop3A_344, %parallel_loop3A_354 : vector<16xi32>
        %parallel_loop3A_356 = arith.constant 127 : i32
        %parallel_loop3A_357 = vector.broadcast %parallel_loop3A_356 : i32 to vector<16xi32>
        %parallel_loop3A_358 = arith.andi %parallel_loop3A_344, %parallel_loop3A_357 : vector<16xi32>
        %parallel_loop3A_359 = tpu.vector_load_idx %arg7[%parallel_loop3A_355, %parallel_loop3A_358] : memref<64x128xf32, #tpu.memory_space<vmem>>[vector<16xi32>, vector<16xi32>], vector<16xf32>,
        %parallel_loop3A_360 = vector.bitcast %parallel_loop3A_359 : vector<16xf32> to vector<16xi32>
        %parallel_loop3A_361 = arith.constant 32767 : i32
        %parallel_loop3A_362 = vector.broadcast %parallel_loop3A_361 : i32 to vector<16xi32>
        %parallel_loop3A_363 = arith.addi %parallel_loop3A_352, %parallel_loop3A_362 : vector<16xi32>
        %parallel_loop3A_364 = arith.constant 16 : i32
        %parallel_loop3A_365 = vector.broadcast %parallel_loop3A_364 : i32 to vector<16xi32>
        %parallel_loop3A_366 = arith.shrsi %parallel_loop3A_352, %parallel_loop3A_365 : vector<16xi32>
        %parallel_loop3A_367 = arith.constant 1 : i32
        %parallel_loop3A_368 = vector.broadcast %parallel_loop3A_367 : i32 to vector<16xi32>
        %parallel_loop3A_369 = arith.andi %parallel_loop3A_366, %parallel_loop3A_368 : vector<16xi32>
        %parallel_loop3A_370 = arith.addi %parallel_loop3A_363, %parallel_loop3A_369 : vector<16xi32>
        %parallel_loop3A_371 = arith.constant -65536 : i32
        %parallel_loop3A_372 = vector.broadcast %parallel_loop3A_371 : i32 to vector<16xi32>
        %parallel_loop3A_373 = arith.andi %parallel_loop3A_370, %parallel_loop3A_372 : vector<16xi32>
        %parallel_loop3A_374 = arith.constant 16 : i32
        %parallel_loop3A_375 = vector.broadcast %parallel_loop3A_374 : i32 to vector<16xi32>
        %parallel_loop3A_376 = arith.shrui %parallel_loop3A_373, %parallel_loop3A_375 : vector<16xi32>
        %parallel_loop3A_377 = arith.constant 32767 : i32
        %parallel_loop3A_378 = vector.broadcast %parallel_loop3A_377 : i32 to vector<16xi32>
        %parallel_loop3A_379 = arith.addi %parallel_loop3A_360, %parallel_loop3A_378 : vector<16xi32>
        %parallel_loop3A_380 = arith.constant 16 : i32
        %parallel_loop3A_381 = vector.broadcast %parallel_loop3A_380 : i32 to vector<16xi32>
        %parallel_loop3A_382 = arith.shrsi %parallel_loop3A_360, %parallel_loop3A_381 : vector<16xi32>
        %parallel_loop3A_383 = arith.constant 1 : i32
        %parallel_loop3A_384 = vector.broadcast %parallel_loop3A_383 : i32 to vector<16xi32>
        %parallel_loop3A_385 = arith.andi %parallel_loop3A_382, %parallel_loop3A_384 : vector<16xi32>
        %parallel_loop3A_386 = arith.addi %parallel_loop3A_379, %parallel_loop3A_385 : vector<16xi32>
        %parallel_loop3A_387 = arith.constant -65536 : i32
        %parallel_loop3A_388 = vector.broadcast %parallel_loop3A_387 : i32 to vector<16xi32>
        %parallel_loop3A_389 = arith.andi %parallel_loop3A_386, %parallel_loop3A_388 : vector<16xi32>
        %parallel_loop3A_390 = arith.ori %parallel_loop3A_376, %parallel_loop3A_389 : vector<16xi32>
        %parallel_loop3A_391 = arith.constant 4096 : i32
        %parallel_loop3A_392 = arith.muli %add3A_302, %parallel_loop3A_391 : i32
        %parallel_loop3A_393 = arith.constant 16 : i32
        %parallel_loop3A_394 = arith.muli %parallel_loop3A_336, %parallel_loop3A_393 : i32
        %parallel_loop3A_395 = arith.addi %parallel_loop3A_392, %parallel_loop3A_394 : i32
        %parallel_loop3A_396 = arith.index_cast %parallel_loop3A_395 : i32 to index
        %parallel_loop3A_397 = tpu.vector_load %arg6[%parallel_loop3A_396] {strides = array<i32>} : memref<65536xi32, #tpu.memory_space<vmem>>, vector<16xi32>,
        tpu.vector_store %arg6[%parallel_loop3A_396], %parallel_loop3A_390 {strides = array<i32>} : memref<65536xi32, #tpu.memory_space<vmem>>, vector<16xi32>,
      } {sc.loop_unroll_factor = 8 : i64, sc.parallel_access}
      %mul3A_316 = arith.constant 2 : i32
      %mul3A_317 = arith.muli %scan3A_298, %mul3A_316 : i32
      %add3A_318 = arith.constant 1 : i32
      %add3A_319 = arith.addi %mul3A_317, %add3A_318 : i32
      %add3A_320 = arith.constant 1 : i32
      %add3A_321 = arith.addi %add3A_319, %add3A_320 : i32
      %lt3A_322 = arith.constant 16 : i32
      %lt3A_323 = arith.cmpi slt, %add3A_321, %lt3A_322 : i32
      %convert_element_type3A_324 = arith.extui %lt3A_323 : i1 to i32
      %cond3A_325 = arith.constant 0 : i32
      %cond3A_326 = arith.cmpi ne, %convert_element_type3A_324, %cond3A_325 : i32
      scf.if %cond3A_326 {
        %add3A_336 = arith.constant 1 : i32
        %add3A_337 = arith.addi %add3A_319, %add3A_336 : i32
        %mul3A_338 = arith.constant 1024 : i32
        %mul3A_339 = arith.muli %select_n3A_64, %mul3A_338 : i32
        %mul3A_340 = arith.constant 64 : i32
        %mul3A_341 = arith.muli %add3A_337, %mul3A_340 : i32
        %add3A_342 = arith.addi %mul3A_339, %mul3A_341 : i32
        %mul3A_343 = arith.constant 128 : i32
        %mul3A_344 = arith.muli %select_n3A_80, %mul3A_343 : i32
        %dma_start3A_345 = tpu.memref_slice %arg2[%add3A_342, %mul3A_344] : memref<8192x1024xf32, #tpu.memory_space<hbm>> -> memref<64x128xf32, #tpu.memory_space<hbm>>
        %dma_start3A_346 = tpu.memref_slice %arg2[%add3A_342, %mul3A_344] : memref<8192x1024xf32, #tpu.memory_space<hbm>> -> memref<64x128xf32, #tpu.memory_space<hbm>>
        tpu.enqueue_dma source(%dma_start3A_346 : memref<64x128xf32, #tpu.memory_space<hbm>>) target(%arg7 : memref<64x128xf32, #tpu.memory_space<vmem>>) target_semaphore(%arg18 : memref<!tpu.dma_semaphore, #tpu.memory_space<semaphore_mem>>)
      } else {
      }
      %dma_wait3A_327 = arith.constant 0 : i32
      %dma_wait3A_328 = arith.constant 0 : i32
      %dma_wait3A_329 = tpu.memref_slice %arg2[%dma_wait3A_327, %dma_wait3A_328] : memref<8192x1024xf32, #tpu.memory_space<hbm>> -> memref<64x128xf32, #tpu.memory_space<hbm>>
      %dma_wait3A_330 = arith.constant 0 : i32
      %dma_wait3A_331 = arith.constant 0 : i32
      %dma_wait3A_332 = tpu.memref_slice %arg2[%dma_wait3A_330, %dma_wait3A_331] : memref<8192x1024xf32, #tpu.memory_space<hbm>> -> memref<64x128xf32, #tpu.memory_space<hbm>>
      tpu.wait_dma2 semaphore(%arg18 : memref<!tpu.dma_semaphore, #tpu.memory_space<semaphore_mem>>) src(%dma_wait3A_332 : memref<64x128xf32, #tpu.memory_space<hbm>>) dst(%arg8 : memref<64x128xf32, #tpu.memory_space<vmem>>)
      %parallel_loop3A_333 = arith.constant 0 : i32
      %parallel_loop3A_334 = arith.constant 256 : i32
      %parallel_loop3A_335 = arith.constant 1 : i32
      scf.for %parallel_loop3A_336 = %parallel_loop3A_333 to %parallel_loop3A_334 step %parallel_loop3A_335  : i32 {
        %parallel_loop3A_337 = arith.constant 32 : i32
        %parallel_loop3A_338 = arith.muli %parallel_loop3A_336, %parallel_loop3A_337 : i32
        %parallel_loop3A_339 = vector.broadcast %parallel_loop3A_338 : i32 to vector<16xi32>
        %parallel_loop3A_340 = arith.addi %mul3A_3, %parallel_loop3A_339 : vector<16xi32>
        %parallel_loop3A_341 = arith.constant 1 : i32
        %parallel_loop3A_342 = arith.addi %parallel_loop3A_338, %parallel_loop3A_341 : i32
        %parallel_loop3A_343 = vector.broadcast %parallel_loop3A_342 : i32 to vector<16xi32>
        %parallel_loop3A_344 = arith.addi %mul3A_3, %parallel_loop3A_343 : vector<16xi32>
        %parallel_loop3A_345 = arith.constant 7 : i32
        %parallel_loop3A_346 = vector.broadcast %parallel_loop3A_345 : i32 to vector<16xi32>
        %parallel_loop3A_347 = arith.shrsi %parallel_loop3A_340, %parallel_loop3A_346 : vector<16xi32>
        %parallel_loop3A_348 = arith.constant 127 : i32
        %parallel_loop3A_349 = vector.broadcast %parallel_loop3A_348 : i32 to vector<16xi32>
        %parallel_loop3A_350 = arith.andi %parallel_loop3A_340, %parallel_loop3A_349 : vector<16xi32>
        %parallel_loop3A_351 = tpu.vector_load_idx %arg8[%parallel_loop3A_347, %parallel_loop3A_350] : memref<64x128xf32, #tpu.memory_space<vmem>>[vector<16xi32>, vector<16xi32>], vector<16xf32>,
        %parallel_loop3A_352 = vector.bitcast %parallel_loop3A_351 : vector<16xf32> to vector<16xi32>
        %parallel_loop3A_353 = arith.constant 7 : i32
        %parallel_loop3A_354 = vector.broadcast %parallel_loop3A_353 : i32 to vector<16xi32>
        %parallel_loop3A_355 = arith.shrsi %parallel_loop3A_344, %parallel_loop3A_354 : vector<16xi32>
        %parallel_loop3A_356 = arith.constant 127 : i32
        %parallel_loop3A_357 = vector.broadcast %parallel_loop3A_356 : i32 to vector<16xi32>
        %parallel_loop3A_358 = arith.andi %parallel_loop3A_344, %parallel_loop3A_357 : vector<16xi32>
        %parallel_loop3A_359 = tpu.vector_load_idx %arg8[%parallel_loop3A_355, %parallel_loop3A_358] : memref<64x128xf32, #tpu.memory_space<vmem>>[vector<16xi32>, vector<16xi32>], vector<16xf32>,
        %parallel_loop3A_360 = vector.bitcast %parallel_loop3A_359 : vector<16xf32> to vector<16xi32>
        %parallel_loop3A_361 = arith.constant 32767 : i32
        %parallel_loop3A_362 = vector.broadcast %parallel_loop3A_361 : i32 to vector<16xi32>
        %parallel_loop3A_363 = arith.addi %parallel_loop3A_352, %parallel_loop3A_362 : vector<16xi32>
        %parallel_loop3A_364 = arith.constant 16 : i32
        %parallel_loop3A_365 = vector.broadcast %parallel_loop3A_364 : i32 to vector<16xi32>
        %parallel_loop3A_366 = arith.shrsi %parallel_loop3A_352, %parallel_loop3A_365 : vector<16xi32>
        %parallel_loop3A_367 = arith.constant 1 : i32
        %parallel_loop3A_368 = vector.broadcast %parallel_loop3A_367 : i32 to vector<16xi32>
        %parallel_loop3A_369 = arith.andi %parallel_loop3A_366, %parallel_loop3A_368 : vector<16xi32>
        %parallel_loop3A_370 = arith.addi %parallel_loop3A_363, %parallel_loop3A_369 : vector<16xi32>
        %parallel_loop3A_371 = arith.constant -65536 : i32
        %parallel_loop3A_372 = vector.broadcast %parallel_loop3A_371 : i32 to vector<16xi32>
        %parallel_loop3A_373 = arith.andi %parallel_loop3A_370, %parallel_loop3A_372 : vector<16xi32>
        %parallel_loop3A_374 = arith.constant 16 : i32
        %parallel_loop3A_375 = vector.broadcast %parallel_loop3A_374 : i32 to vector<16xi32>
        %parallel_loop3A_376 = arith.shrui %parallel_loop3A_373, %parallel_loop3A_375 : vector<16xi32>
        %parallel_loop3A_377 = arith.constant 32767 : i32
        %parallel_loop3A_378 = vector.broadcast %parallel_loop3A_377 : i32 to vector<16xi32>
        %parallel_loop3A_379 = arith.addi %parallel_loop3A_360, %parallel_loop3A_378 : vector<16xi32>
        %parallel_loop3A_380 = arith.constant 16 : i32
        %parallel_loop3A_381 = vector.broadcast %parallel_loop3A_380 : i32 to vector<16xi32>
        %parallel_loop3A_382 = arith.shrsi %parallel_loop3A_360, %parallel_loop3A_381 : vector<16xi32>
        %parallel_loop3A_383 = arith.constant 1 : i32
        %parallel_loop3A_384 = vector.broadcast %parallel_loop3A_383 : i32 to vector<16xi32>
        %parallel_loop3A_385 = arith.andi %parallel_loop3A_382, %parallel_loop3A_384 : vector<16xi32>
        %parallel_loop3A_386 = arith.addi %parallel_loop3A_379, %parallel_loop3A_385 : vector<16xi32>
        %parallel_loop3A_387 = arith.constant -65536 : i32
        %parallel_loop3A_388 = vector.broadcast %parallel_loop3A_387 : i32 to vector<16xi32>
        %parallel_loop3A_389 = arith.andi %parallel_loop3A_386, %parallel_loop3A_388 : vector<16xi32>
        %parallel_loop3A_390 = arith.ori %parallel_loop3A_376, %parallel_loop3A_389 : vector<16xi32>
        %parallel_loop3A_391 = arith.constant 4096 : i32
        %parallel_loop3A_392 = arith.muli %add3A_319, %parallel_loop3A_391 : i32
        %parallel_loop3A_393 = arith.constant 16 : i32
        %parallel_loop3A_394 = arith.muli %parallel_loop3A_336, %parallel_loop3A_393 : i32
        %parallel_loop3A_395 = arith.addi %parallel_loop3A_392, %parallel_loop3A_394 : i32
        %parallel_loop3A_396 = arith.index_cast %parallel_loop3A_395 : i32 to index
        %parallel_loop3A_397 = tpu.vector_load %arg6[%parallel_loop3A_396] {strides = array<i32>} : memref<65536xi32, #tpu.memory_space<vmem>>, vector<16xi32>,
        tpu.vector_store %arg6[%parallel_loop3A_396], %parallel_loop3A_390 {strides = array<i32>} : memref<65536xi32, #tpu.memory_space<vmem>>, vector<16xi32>,
      } {sc.loop_unroll_factor = 8 : i64, sc.parallel_access}
    }
    %scan3A_92 = arith.constant 8 : i32
    %mul3A_93 = arith.constant 2 : i32
    %mul3A_94 = arith.muli %mul3A_93, %select_n3A : i32
    %dma_start3A_95 = arith.constant 0 : i32
    %dma_start3A_96 = tpu.memref_slice %arg3[%mul3A_94, %dma_start3A_95] : memref<8x65536xf32, #tpu.memory_space<hbm>> -> memref<1x4096xf32, #tpu.memory_space<hbm>>
    %dma_start3A_97 = tpu.memref_squeeze %dma_start3A_96 : memref<1x4096xf32, #tpu.memory_space<hbm>> -> memref<4096xf32, #tpu.memory_space<hbm>>
    %dma_start3A_98 = arith.constant 0 : i32
    %dma_start3A_99 = tpu.memref_slice %arg3[%mul3A_94, %dma_start3A_98] : memref<8x65536xf32, #tpu.memory_space<hbm>> -> memref<1x4096xf32, #tpu.memory_space<hbm>>
    %dma_start3A_100 = tpu.memref_squeeze %dma_start3A_99 : memref<1x4096xf32, #tpu.memory_space<hbm>> -> memref<4096xf32, #tpu.memory_space<hbm>>
    tpu.enqueue_dma source(%dma_start3A_100 : memref<4096xf32, #tpu.memory_space<hbm>>) target(%arg9 : memref<4096xf32, #tpu.memory_space<vmem>>) target_semaphore(%arg19 : memref<!tpu.dma_semaphore, #tpu.memory_space<semaphore_mem>>)
    %mul3A_101 = arith.constant 2 : i32
    %mul3A_102 = arith.muli %mul3A_101, %select_n3A : i32
    %add3A_103 = arith.constant 1 : i32
    %add3A_104 = arith.addi %mul3A_102, %add3A_103 : i32
    %dma_start3A_105 = arith.constant 0 : i32
    %dma_start3A_106 = tpu.memref_slice %arg3[%add3A_104, %dma_start3A_105] : memref<8x65536xf32, #tpu.memory_space<hbm>> -> memref<1x4096xf32, #tpu.memory_space<hbm>>
    %dma_start3A_107 = tpu.memref_squeeze %dma_start3A_106 : memref<1x4096xf32, #tpu.memory_space<hbm>> -> memref<4096xf32, #tpu.memory_space<hbm>>
    %dma_start3A_108 = arith.constant 0 : i32
    %dma_start3A_109 = tpu.memref_slice %arg3[%add3A_104, %dma_start3A_108] : memref<8x65536xf32, #tpu.memory_space<hbm>> -> memref<1x4096xf32, #tpu.memory_space<hbm>>
    %dma_start3A_110 = tpu.memref_squeeze %dma_start3A_109 : memref<1x4096xf32, #tpu.memory_space<hbm>> -> memref<4096xf32, #tpu.memory_space<hbm>>
    tpu.enqueue_dma source(%dma_start3A_110 : memref<4096xf32, #tpu.memory_space<hbm>>) target(%arg11 : memref<4096xf32, #tpu.memory_space<vmem>>) target_semaphore(%arg19 : memref<!tpu.dma_semaphore, #tpu.memory_space<semaphore_mem>>)
    %scan3A_111 = arith.constant 0 : i32
    %scan3A_112 = arith.constant 0 : i32
    %scan3A_113 = arith.constant 8 : i32
    %scan3A_114 = arith.addi %scan3A_112, %scan3A_113 : i32
    %scan3A_115 = arith.constant 1 : i32
    scf.for %scan3A_298 = %scan3A_112 to %scan3A_114 step %scan3A_115  : i32 {
      %mul3A_299 = arith.constant 2 : i32
      %mul3A_300 = arith.muli %scan3A_298, %mul3A_299 : i32
      %add3A_301 = arith.constant 0 : i32
      %add3A_302 = arith.addi %mul3A_300, %add3A_301 : i32
      %mul3A_303 = arith.constant 4096 : i32
      %mul3A_304 = arith.muli %add3A_302, %mul3A_303 : i32
      %add3A_305 = arith.constant 1 : i32
      %add3A_306 = arith.addi %add3A_302, %add3A_305 : i32
      %lt3A_307 = arith.constant 16 : i32
      %lt3A_308 = arith.cmpi slt, %add3A_306, %lt3A_307 : i32
      %convert_element_type3A = arith.extui %lt3A_308 : i1 to i32
      %cond3A = arith.constant 0 : i32
      %cond3A_309 = arith.cmpi ne, %convert_element_type3A, %cond3A : i32
      scf.if %cond3A_309 {
        %add3A_391 = arith.constant 1 : i32
        %add3A_392 = arith.addi %add3A_302, %add3A_391 : i32
        %mul3A_393 = arith.constant 2 : i32
        %mul3A_394 = arith.muli %mul3A_393, %select_n3A : i32
        %mul3A_395 = arith.constant 4096 : i32
        %mul3A_396 = arith.muli %add3A_392, %mul3A_395 : i32
        %dma_start3A_397 = tpu.memref_slice %arg3[%mul3A_394, %mul3A_396] : memref<8x65536xf32, #tpu.memory_space<hbm>> -> memref<1x4096xf32, #tpu.memory_space<hbm>>
        %dma_start3A_398 = tpu.memref_squeeze %dma_start3A_397 : memref<1x4096xf32, #tpu.memory_space<hbm>> -> memref<4096xf32, #tpu.memory_space<hbm>>
        %dma_start3A_399 = tpu.memref_slice %arg3[%mul3A_394, %mul3A_396] : memref<8x65536xf32, #tpu.memory_space<hbm>> -> memref<1x4096xf32, #tpu.memory_space<hbm>>
        %dma_start3A_400 = tpu.memref_squeeze %dma_start3A_399 : memref<1x4096xf32, #tpu.memory_space<hbm>> -> memref<4096xf32, #tpu.memory_space<hbm>>
        tpu.enqueue_dma source(%dma_start3A_400 : memref<4096xf32, #tpu.memory_space<hbm>>) target(%arg10 : memref<4096xf32, #tpu.memory_space<vmem>>) target_semaphore(%arg19 : memref<!tpu.dma_semaphore, #tpu.memory_space<semaphore_mem>>)
        %mul3A_401 = arith.constant 2 : i32
        %mul3A_402 = arith.muli %mul3A_401, %select_n3A : i32
        %add3A_403 = arith.constant 1 : i32
        %add3A_404 = arith.addi %mul3A_402, %add3A_403 : i32
        %mul3A_405 = arith.constant 4096 : i32
        %mul3A_406 = arith.muli %add3A_392, %mul3A_405 : i32
        %dma_start3A_407 = tpu.memref_slice %arg3[%add3A_404, %mul3A_406] : memref<8x65536xf32, #tpu.memory_space<hbm>> -> memref<1x4096xf32, #tpu.memory_space<hbm>>
        %dma_start3A_408 = tpu.memref_squeeze %dma_start3A_407 : memref<1x4096xf32, #tpu.memory_space<hbm>> -> memref<4096xf32, #tpu.memory_space<hbm>>
        %dma_start3A_409 = tpu.memref_slice %arg3[%add3A_404, %mul3A_406] : memref<8x65536xf32, #tpu.memory_space<hbm>> -> memref<1x4096xf32, #tpu.memory_space<hbm>>
        %dma_start3A_410 = tpu.memref_squeeze %dma_start3A_409 : memref<1x4096xf32, #tpu.memory_space<hbm>> -> memref<4096xf32, #tpu.memory_space<hbm>>
        tpu.enqueue_dma source(%dma_start3A_410 : memref<4096xf32, #tpu.memory_space<hbm>>) target(%arg12 : memref<4096xf32, #tpu.memory_space<vmem>>) target_semaphore(%arg19 : memref<!tpu.dma_semaphore, #tpu.memory_space<semaphore_mem>>)
      } else {
      }
      %dma_wait3A_310 = arith.constant 0 : i32
      %dma_wait3A_311 = arith.constant 0 : i32
      %dma_wait3A_312 = tpu.memref_slice %arg3[%dma_wait3A_310, %dma_wait3A_311] : memref<8x65536xf32, #tpu.memory_space<hbm>> -> memref<1x4096xf32, #tpu.memory_space<hbm>>
      %dma_wait3A_313 = tpu.memref_squeeze %dma_wait3A_312 : memref<1x4096xf32, #tpu.memory_space<hbm>> -> memref<4096xf32, #tpu.memory_space<hbm>>
      %dma_wait3A_314 = arith.constant 0 : i32
      %dma_wait3A_315 = tpu.memref_slice %arg3[%dma_wait3A_310, %dma_wait3A_314] : memref<8x65536xf32, #tpu.memory_space<hbm>> -> memref<1x4096xf32, #tpu.memory_space<hbm>>
      %dma_wait3A_316 = tpu.memref_squeeze %dma_wait3A_315 : memref<1x4096xf32, #tpu.memory_space<hbm>> -> memref<4096xf32, #tpu.memory_space<hbm>>
      tpu.wait_dma2 semaphore(%arg19 : memref<!tpu.dma_semaphore, #tpu.memory_space<semaphore_mem>>) src(%dma_wait3A_316 : memref<4096xf32, #tpu.memory_space<hbm>>) dst(%arg9 : memref<4096xf32, #tpu.memory_space<vmem>>)
      %dma_wait3A_317 = arith.constant 0 : i32
      %dma_wait3A_318 = arith.constant 0 : i32
      %dma_wait3A_319 = tpu.memref_slice %arg3[%dma_wait3A_317, %dma_wait3A_318] : memref<8x65536xf32, #tpu.memory_space<hbm>> -> memref<1x4096xf32, #tpu.memory_space<hbm>>
      %dma_wait3A_320 = tpu.memref_squeeze %dma_wait3A_319 : memref<1x4096xf32, #tpu.memory_space<hbm>> -> memref<4096xf32, #tpu.memory_space<hbm>>
      %dma_wait3A_321 = arith.constant 0 : i32
      %dma_wait3A_322 = tpu.memref_slice %arg3[%dma_wait3A_317, %dma_wait3A_321] : memref<8x65536xf32, #tpu.memory_space<hbm>> -> memref<1x4096xf32, #tpu.memory_space<hbm>>
      %dma_wait3A_323 = tpu.memref_squeeze %dma_wait3A_322 : memref<1x4096xf32, #tpu.memory_space<hbm>> -> memref<4096xf32, #tpu.memory_space<hbm>>
      tpu.wait_dma2 semaphore(%arg19 : memref<!tpu.dma_semaphore, #tpu.memory_space<semaphore_mem>>) src(%dma_wait3A_323 : memref<4096xf32, #tpu.memory_space<hbm>>) dst(%arg11 : memref<4096xf32, #tpu.memory_space<vmem>>)
      %ge3A = arith.constant 2 : i32
      %ge3A_324 = arith.cmpi sge, %add3A_302, %ge3A : i32
      %convert_element_type3A_325 = arith.extui %ge3A_324 : i1 to i32
      %cond3A_326 = arith.constant 0 : i32
      %cond3A_327 = arith.cmpi ne, %convert_element_type3A_325, %cond3A_326 : i32
      scf.if %cond3A_327 {
        %dma_wait3A_391 = arith.constant 0 : i32
        %dma_wait3A_392 = arith.constant 0 : i32
        %dma_wait3A_393 = tpu.memref_slice %arg5[%dma_wait3A_391, %dma_wait3A_392] : memref<128x65536xf32, #tpu.memory_space<hbm>> -> memref<1x4096xf32, #tpu.memory_space<hbm>>
        %dma_wait3A_394 = tpu.memref_squeeze %dma_wait3A_393 : memref<1x4096xf32, #tpu.memory_space<hbm>> -> memref<4096xf32, #tpu.memory_space<hbm>>
        %dma_wait3A_395 = arith.constant 0 : i32
        %dma_wait3A_396 = tpu.memref_slice %arg5[%dma_wait3A_391, %dma_wait3A_395] : memref<128x65536xf32, #tpu.memory_space<hbm>> -> memref<1x4096xf32, #tpu.memory_space<hbm>>
        %dma_wait3A_397 = tpu.memref_squeeze %dma_wait3A_396 : memref<1x4096xf32, #tpu.memory_space<hbm>> -> memref<4096xf32, #tpu.memory_space<hbm>>
        tpu.wait_dma2 semaphore(%arg20 : memref<!tpu.dma_semaphore, #tpu.memory_space<semaphore_mem>>) src(%arg13 : memref<4096xf32, #tpu.memory_space<vmem>>) dst(%dma_wait3A_397 : memref<4096xf32, #tpu.memory_space<hbm>>)
        %dma_wait3A_398 = arith.constant 0 : i32
        %dma_wait3A_399 = arith.constant 0 : i32
        %dma_wait3A_400 = tpu.memref_slice %arg5[%dma_wait3A_398, %dma_wait3A_399] : memref<128x65536xf32, #tpu.memory_space<hbm>> -> memref<1x4096xf32, #tpu.memory_space<hbm>>
        %dma_wait3A_401 = tpu.memref_squeeze %dma_wait3A_400 : memref<1x4096xf32, #tpu.memory_space<hbm>> -> memref<4096xf32, #tpu.memory_space<hbm>>
        %dma_wait3A_402 = arith.constant 0 : i32
        %dma_wait3A_403 = tpu.memref_slice %arg5[%dma_wait3A_398, %dma_wait3A_402] : memref<128x65536xf32, #tpu.memory_space<hbm>> -> memref<1x4096xf32, #tpu.memory_space<hbm>>
        %dma_wait3A_404 = tpu.memref_squeeze %dma_wait3A_403 : memref<1x4096xf32, #tpu.memory_space<hbm>> -> memref<4096xf32, #tpu.memory_space<hbm>>
        tpu.wait_dma2 semaphore(%arg20 : memref<!tpu.dma_semaphore, #tpu.memory_space<semaphore_mem>>) src(%arg14 : memref<4096xf32, #tpu.memory_space<vmem>>) dst(%dma_wait3A_404 : memref<4096xf32, #tpu.memory_space<hbm>>)
      } else {
      }
      %parallel_loop3A = arith.constant 0 : i32
      %parallel_loop3A_328 = arith.constant 256 : i32
      %parallel_loop3A_329 = arith.constant 1 : i32
      scf.for %parallel_loop3A_391 = %parallel_loop3A to %parallel_loop3A_328 step %parallel_loop3A_329  : i32 {
        %parallel_loop3A_392 = arith.constant 16 : i32
        %parallel_loop3A_393 = arith.muli %parallel_loop3A_391, %parallel_loop3A_392 : i32
        %parallel_loop3A_394 = arith.index_cast %parallel_loop3A_393 : i32 to index
        %parallel_loop3A_395 = tpu.vector_load %arg9[%parallel_loop3A_394] {strides = array<i32>} : memref<4096xf32, #tpu.memory_space<vmem>>, vector<16xf32>,
        %parallel_loop3A_396 = arith.index_cast %parallel_loop3A_393 : i32 to index
        %parallel_loop3A_397 = tpu.vector_load %arg11[%parallel_loop3A_396] {strides = array<i32>} : memref<4096xf32, #tpu.memory_space<vmem>>, vector<16xf32>,
        %parallel_loop3A_398 = arith.mulf %parallel_loop3A_395, %get3A_40 : vector<16xf32>
        %parallel_loop3A_399 = arith.mulf %parallel_loop3A_397, %get3A_40 : vector<16xf32>
        %parallel_loop3A_400 = arith.fptosi %parallel_loop3A_398 : vector<16xf32> to vector<16xi32>
        %parallel_loop3A_401 = arith.fptosi %parallel_loop3A_399 : vector<16xf32> to vector<16xi32>
        %parallel_loop3A_402 = arith.sitofp %parallel_loop3A_400 : vector<16xi32> to vector<16xf32>
        %parallel_loop3A_403 = arith.subf %parallel_loop3A_398, %parallel_loop3A_402 : vector<16xf32>
        %parallel_loop3A_404 = arith.sitofp %parallel_loop3A_401 : vector<16xi32> to vector<16xf32>
        %parallel_loop3A_405 = arith.subf %parallel_loop3A_399, %parallel_loop3A_404 : vector<16xf32>
        %parallel_loop3A_406 = arith.constant -1640531535 : i32
        %parallel_loop3A_407 = vector.broadcast %parallel_loop3A_406 : i32 to vector<16xi32>
        %parallel_loop3A_408 = arith.muli %parallel_loop3A_401, %parallel_loop3A_407 : vector<16xi32>
        %parallel_loop3A_409 = arith.constant -1640531535 : i32
        %parallel_loop3A_410 = vector.broadcast %parallel_loop3A_409 : i32 to vector<16xi32>
        %parallel_loop3A_411 = arith.addi %parallel_loop3A_408, %parallel_loop3A_410 : vector<16xi32>
        %parallel_loop3A_412 = arith.constant 1 : i32
        %parallel_loop3A_413 = vector.broadcast %parallel_loop3A_412 : i32 to vector<16xi32>
        %parallel_loop3A_414 = arith.addi %parallel_loop3A_400, %parallel_loop3A_413 : vector<16xi32>
        %parallel_loop3A_415 = arith.xori %parallel_loop3A_400, %parallel_loop3A_408 : vector<16xi32>
        %parallel_loop3A_416 = arith.constant 65535 : i32
        %parallel_loop3A_417 = vector.broadcast %parallel_loop3A_416 : i32 to vector<16xi32>
        %parallel_loop3A_418 = arith.andi %parallel_loop3A_415, %parallel_loop3A_417 : vector<16xi32>
        %parallel_loop3A_419 = arith.xori %parallel_loop3A_414, %parallel_loop3A_408 : vector<16xi32>
        %parallel_loop3A_420 = arith.constant 65535 : i32
        %parallel_loop3A_421 = vector.broadcast %parallel_loop3A_420 : i32 to vector<16xi32>
        %parallel_loop3A_422 = arith.andi %parallel_loop3A_419, %parallel_loop3A_421 : vector<16xi32>
        %parallel_loop3A_423 = arith.xori %parallel_loop3A_400, %parallel_loop3A_411 : vector<16xi32>
        %parallel_loop3A_424 = arith.constant 65535 : i32
        %parallel_loop3A_425 = vector.broadcast %parallel_loop3A_424 : i32 to vector<16xi32>
        %parallel_loop3A_426 = arith.andi %parallel_loop3A_423, %parallel_loop3A_425 : vector<16xi32>
        %parallel_loop3A_427 = arith.xori %parallel_loop3A_414, %parallel_loop3A_411 : vector<16xi32>
        %parallel_loop3A_428 = arith.constant 65535 : i32
        %parallel_loop3A_429 = vector.broadcast %parallel_loop3A_428 : i32 to vector<16xi32>
        %parallel_loop3A_430 = arith.andi %parallel_loop3A_427, %parallel_loop3A_429 : vector<16xi32>
        %parallel_loop3A_431 = tpu.vector_load_idx %arg6[%parallel_loop3A_418] : memref<65536xi32, #tpu.memory_space<vmem>>[vector<16xi32>], vector<16xi32>,
        %parallel_loop3A_432 = tpu.vector_load_idx %arg6[%parallel_loop3A_422] : memref<65536xi32, #tpu.memory_space<vmem>>[vector<16xi32>], vector<16xi32>,
        %parallel_loop3A_433 = tpu.vector_load_idx %arg6[%parallel_loop3A_426] : memref<65536xi32, #tpu.memory_space<vmem>>[vector<16xi32>], vector<16xi32>,
        %parallel_loop3A_434 = tpu.vector_load_idx %arg6[%parallel_loop3A_430] : memref<65536xi32, #tpu.memory_space<vmem>>[vector<16xi32>], vector<16xi32>,
        %parallel_loop3A_435 = arith.constant 1.000000e+00 : f32
        %parallel_loop3A_436 = vector.broadcast %parallel_loop3A_435 : f32 to vector<16xf32>
        %parallel_loop3A_437 = arith.subf %parallel_loop3A_436, %parallel_loop3A_403 : vector<16xf32>
        %parallel_loop3A_438 = arith.constant 1.000000e+00 : f32
        %parallel_loop3A_439 = vector.broadcast %parallel_loop3A_438 : f32 to vector<16xf32>
        %parallel_loop3A_440 = arith.subf %parallel_loop3A_439, %parallel_loop3A_405 : vector<16xf32>
        %parallel_loop3A_441 = arith.mulf %parallel_loop3A_437, %parallel_loop3A_440 : vector<16xf32>
        %parallel_loop3A_442 = arith.mulf %parallel_loop3A_403, %parallel_loop3A_440 : vector<16xf32>
        %parallel_loop3A_443 = arith.mulf %parallel_loop3A_437, %parallel_loop3A_405 : vector<16xf32>
        %parallel_loop3A_444 = arith.mulf %parallel_loop3A_403, %parallel_loop3A_405 : vector<16xf32>
        %parallel_loop3A_445 = arith.constant 16 : i32
        %parallel_loop3A_446 = vector.broadcast %parallel_loop3A_445 : i32 to vector<16xi32>
        %parallel_loop3A_447 = arith.shli %parallel_loop3A_431, %parallel_loop3A_446 : vector<16xi32>
        %parallel_loop3A_448 = vector.bitcast %parallel_loop3A_447 : vector<16xi32> to vector<16xf32>
        %parallel_loop3A_449 = arith.mulf %parallel_loop3A_448, %parallel_loop3A_441 : vector<16xf32>
        %parallel_loop3A_450 = arith.constant 16 : i32
        %parallel_loop3A_451 = vector.broadcast %parallel_loop3A_450 : i32 to vector<16xi32>
        %parallel_loop3A_452 = arith.shli %parallel_loop3A_432, %parallel_loop3A_451 : vector<16xi32>
        %parallel_loop3A_453 = vector.bitcast %parallel_loop3A_452 : vector<16xi32> to vector<16xf32>
        %parallel_loop3A_454 = arith.mulf %parallel_loop3A_453, %parallel_loop3A_442 : vector<16xf32>
        %parallel_loop3A_455 = arith.addf %parallel_loop3A_449, %parallel_loop3A_454 : vector<16xf32>
        %parallel_loop3A_456 = arith.constant 16 : i32
        %parallel_loop3A_457 = vector.broadcast %parallel_loop3A_456 : i32 to vector<16xi32>
        %parallel_loop3A_458 = arith.shli %parallel_loop3A_433, %parallel_loop3A_457 : vector<16xi32>
        %parallel_loop3A_459 = vector.bitcast %parallel_loop3A_458 : vector<16xi32> to vector<16xf32>
        %parallel_loop3A_460 = arith.mulf %parallel_loop3A_459, %parallel_loop3A_443 : vector<16xf32>
        %parallel_loop3A_461 = arith.addf %parallel_loop3A_455, %parallel_loop3A_460 : vector<16xf32>
        %parallel_loop3A_462 = arith.constant 16 : i32
        %parallel_loop3A_463 = vector.broadcast %parallel_loop3A_462 : i32 to vector<16xi32>
        %parallel_loop3A_464 = arith.shli %parallel_loop3A_434, %parallel_loop3A_463 : vector<16xi32>
        %parallel_loop3A_465 = vector.bitcast %parallel_loop3A_464 : vector<16xi32> to vector<16xf32>
        %parallel_loop3A_466 = arith.mulf %parallel_loop3A_465, %parallel_loop3A_444 : vector<16xf32>
        %parallel_loop3A_467 = arith.addf %parallel_loop3A_461, %parallel_loop3A_466 : vector<16xf32>
        %parallel_loop3A_468 = arith.constant -65536 : i32
        %parallel_loop3A_469 = vector.broadcast %parallel_loop3A_468 : i32 to vector<16xi32>
        %parallel_loop3A_470 = arith.andi %parallel_loop3A_431, %parallel_loop3A_469 : vector<16xi32>
        %parallel_loop3A_471 = vector.bitcast %parallel_loop3A_470 : vector<16xi32> to vector<16xf32>
        %parallel_loop3A_472 = arith.mulf %parallel_loop3A_471, %parallel_loop3A_441 : vector<16xf32>
        %parallel_loop3A_473 = arith.constant -65536 : i32
        %parallel_loop3A_474 = vector.broadcast %parallel_loop3A_473 : i32 to vector<16xi32>
        %parallel_loop3A_475 = arith.andi %parallel_loop3A_432, %parallel_loop3A_474 : vector<16xi32>
        %parallel_loop3A_476 = vector.bitcast %parallel_loop3A_475 : vector<16xi32> to vector<16xf32>
        %parallel_loop3A_477 = arith.mulf %parallel_loop3A_476, %parallel_loop3A_442 : vector<16xf32>
        %parallel_loop3A_478 = arith.addf %parallel_loop3A_472, %parallel_loop3A_477 : vector<16xf32>
        %parallel_loop3A_479 = arith.constant -65536 : i32
        %parallel_loop3A_480 = vector.broadcast %parallel_loop3A_479 : i32 to vector<16xi32>
        %parallel_loop3A_481 = arith.andi %parallel_loop3A_433, %parallel_loop3A_480 : vector<16xi32>
        %parallel_loop3A_482 = vector.bitcast %parallel_loop3A_481 : vector<16xi32> to vector<16xf32>
        %parallel_loop3A_483 = arith.mulf %parallel_loop3A_482, %parallel_loop3A_443 : vector<16xf32>
        %parallel_loop3A_484 = arith.addf %parallel_loop3A_478, %parallel_loop3A_483 : vector<16xf32>
        %parallel_loop3A_485 = arith.constant -65536 : i32
        %parallel_loop3A_486 = vector.broadcast %parallel_loop3A_485 : i32 to vector<16xi32>
        %parallel_loop3A_487 = arith.andi %parallel_loop3A_434, %parallel_loop3A_486 : vector<16xi32>
        %parallel_loop3A_488 = vector.bitcast %parallel_loop3A_487 : vector<16xi32> to vector<16xf32>
        %parallel_loop3A_489 = arith.mulf %parallel_loop3A_488, %parallel_loop3A_444 : vector<16xf32>
        %parallel_loop3A_490 = arith.addf %parallel_loop3A_484, %parallel_loop3A_489 : vector<16xf32>
        %parallel_loop3A_491 = arith.index_cast %parallel_loop3A_393 : i32 to index
        %parallel_loop3A_492 = tpu.vector_load %arg13[%parallel_loop3A_491] {strides = array<i32>} : memref<4096xf32, #tpu.memory_space<vmem>>, vector<16xf32>,
        tpu.vector_store %arg13[%parallel_loop3A_491], %parallel_loop3A_467 {strides = array<i32>} : memref<4096xf32, #tpu.memory_space<vmem>>, vector<16xf32>,
        %parallel_loop3A_493 = arith.index_cast %parallel_loop3A_393 : i32 to index
        %parallel_loop3A_494 = tpu.vector_load %arg14[%parallel_loop3A_493] {strides = array<i32>} : memref<4096xf32, #tpu.memory_space<vmem>>, vector<16xf32>,
        tpu.vector_store %arg14[%parallel_loop3A_493], %parallel_loop3A_490 {strides = array<i32>} : memref<4096xf32, #tpu.memory_space<vmem>>, vector<16xf32>,
      } {sc.loop_unroll_factor = 8 : i64, sc.parallel_access}
      %mul3A_330 = arith.constant 32 : i32
      %mul3A_331 = arith.muli %select_n3A, %mul3A_330 : i32
      %add3A_332 = arith.addi %mul3A_331, %mul3A_39 : i32
      %dma_start3A_333 = tpu.memref_slice %arg5[%add3A_332, %mul3A_304] : memref<128x65536xf32, #tpu.memory_space<hbm>> -> memref<1x4096xf32, #tpu.memory_space<hbm>>
      %dma_start3A_334 = tpu.memref_squeeze %dma_start3A_333 : memref<1x4096xf32, #tpu.memory_space<hbm>> -> memref<4096xf32, #tpu.memory_space<hbm>>
      %dma_start3A_335 = tpu.memref_slice %arg5[%add3A_332, %mul3A_304] : memref<128x65536xf32, #tpu.memory_space<hbm>> -> memref<1x4096xf32, #tpu.memory_space<hbm>>
      %dma_start3A_336 = tpu.memref_squeeze %dma_start3A_335 : memref<1x4096xf32, #tpu.memory_space<hbm>> -> memref<4096xf32, #tpu.memory_space<hbm>>
      tpu.enqueue_dma source(%arg13 : memref<4096xf32, #tpu.memory_space<vmem>>) target(%dma_start3A_336 : memref<4096xf32, #tpu.memory_space<hbm>>) target_semaphore(%arg20 : memref<!tpu.dma_semaphore, #tpu.memory_space<semaphore_mem>>)
      %add3A_337 = arith.constant 1 : i32
      %add3A_338 = arith.addi %add3A_332, %add3A_337 : i32
      %dma_start3A_339 = tpu.memref_slice %arg5[%add3A_338, %mul3A_304] : memref<128x65536xf32, #tpu.memory_space<hbm>> -> memref<1x4096xf32, #tpu.memory_space<hbm>>
      %dma_start3A_340 = tpu.memref_squeeze %dma_start3A_339 : memref<1x4096xf32, #tpu.memory_space<hbm>> -> memref<4096xf32, #tpu.memory_space<hbm>>
      %dma_start3A_341 = tpu.memref_slice %arg5[%add3A_338, %mul3A_304] : memref<128x65536xf32, #tpu.memory_space<hbm>> -> memref<1x4096xf32, #tpu.memory_space<hbm>>
      %dma_start3A_342 = tpu.memref_squeeze %dma_start3A_341 : memref<1x4096xf32, #tpu.memory_space<hbm>> -> memref<4096xf32, #tpu.memory_space<hbm>>
      tpu.enqueue_dma source(%arg14 : memref<4096xf32, #tpu.memory_space<vmem>>) target(%dma_start3A_342 : memref<4096xf32, #tpu.memory_space<hbm>>) target_semaphore(%arg20 : memref<!tpu.dma_semaphore, #tpu.memory_space<semaphore_mem>>)
      %mul3A_343 = arith.constant 2 : i32
      %mul3A_344 = arith.muli %scan3A_298, %mul3A_343 : i32
      %add3A_345 = arith.constant 1 : i32
      %add3A_346 = arith.addi %mul3A_344, %add3A_345 : i32
      %mul3A_347 = arith.constant 4096 : i32
      %mul3A_348 = arith.muli %add3A_346, %mul3A_347 : i32
      %add3A_349 = arith.constant 1 : i32
      %add3A_350 = arith.addi %add3A_346, %add3A_349 : i32
      %lt3A_351 = arith.constant 16 : i32
      %lt3A_352 = arith.cmpi slt, %add3A_350, %lt3A_351 : i32
      %convert_element_type3A_353 = arith.extui %lt3A_352 : i1 to i32
      %cond3A_354 = arith.constant 0 : i32
      %cond3A_355 = arith.cmpi ne, %convert_element_type3A_353, %cond3A_354 : i32
      scf.if %cond3A_355 {
        %add3A_391 = arith.constant 1 : i32
        %add3A_392 = arith.addi %add3A_346, %add3A_391 : i32
        %mul3A_393 = arith.constant 2 : i32
        %mul3A_394 = arith.muli %mul3A_393, %select_n3A : i32
        %mul3A_395 = arith.constant 4096 : i32
        %mul3A_396 = arith.muli %add3A_392, %mul3A_395 : i32
        %dma_start3A_397 = tpu.memref_slice %arg3[%mul3A_394, %mul3A_396] : memref<8x65536xf32, #tpu.memory_space<hbm>> -> memref<1x4096xf32, #tpu.memory_space<hbm>>
        %dma_start3A_398 = tpu.memref_squeeze %dma_start3A_397 : memref<1x4096xf32, #tpu.memory_space<hbm>> -> memref<4096xf32, #tpu.memory_space<hbm>>
        %dma_start3A_399 = tpu.memref_slice %arg3[%mul3A_394, %mul3A_396] : memref<8x65536xf32, #tpu.memory_space<hbm>> -> memref<1x4096xf32, #tpu.memory_space<hbm>>
        %dma_start3A_400 = tpu.memref_squeeze %dma_start3A_399 : memref<1x4096xf32, #tpu.memory_space<hbm>> -> memref<4096xf32, #tpu.memory_space<hbm>>
        tpu.enqueue_dma source(%dma_start3A_400 : memref<4096xf32, #tpu.memory_space<hbm>>) target(%arg9 : memref<4096xf32, #tpu.memory_space<vmem>>) target_semaphore(%arg19 : memref<!tpu.dma_semaphore, #tpu.memory_space<semaphore_mem>>)
        %mul3A_401 = arith.constant 2 : i32
        %mul3A_402 = arith.muli %mul3A_401, %select_n3A : i32
        %add3A_403 = arith.constant 1 : i32
        %add3A_404 = arith.addi %mul3A_402, %add3A_403 : i32
        %mul3A_405 = arith.constant 4096 : i32
        %mul3A_406 = arith.muli %add3A_392, %mul3A_405 : i32
        %dma_start3A_407 = tpu.memref_slice %arg3[%add3A_404, %mul3A_406] : memref<8x65536xf32, #tpu.memory_space<hbm>> -> memref<1x4096xf32, #tpu.memory_space<hbm>>
        %dma_start3A_408 = tpu.memref_squeeze %dma_start3A_407 : memref<1x4096xf32, #tpu.memory_space<hbm>> -> memref<4096xf32, #tpu.memory_space<hbm>>
        %dma_start3A_409 = tpu.memref_slice %arg3[%add3A_404, %mul3A_406] : memref<8x65536xf32, #tpu.memory_space<hbm>> -> memref<1x4096xf32, #tpu.memory_space<hbm>>
        %dma_start3A_410 = tpu.memref_squeeze %dma_start3A_409 : memref<1x4096xf32, #tpu.memory_space<hbm>> -> memref<4096xf32, #tpu.memory_space<hbm>>
        tpu.enqueue_dma source(%dma_start3A_410 : memref<4096xf32, #tpu.memory_space<hbm>>) target(%arg11 : memref<4096xf32, #tpu.memory_space<vmem>>) target_semaphore(%arg19 : memref<!tpu.dma_semaphore, #tpu.memory_space<semaphore_mem>>)
      } else {
      }
      %dma_wait3A_356 = arith.constant 0 : i32
      %dma_wait3A_357 = arith.constant 0 : i32
      %dma_wait3A_358 = tpu.memref_slice %arg3[%dma_wait3A_356, %dma_wait3A_357] : memref<8x65536xf32, #tpu.memory_space<hbm>> -> memref<1x4096xf32, #tpu.memory_space<hbm>>
      %dma_wait3A_359 = tpu.memref_squeeze %dma_wait3A_358 : memref<1x4096xf32, #tpu.memory_space<hbm>> -> memref<4096xf32, #tpu.memory_space<hbm>>
      %dma_wait3A_360 = arith.constant 0 : i32
      %dma_wait3A_361 = tpu.memref_slice %arg3[%dma_wait3A_356, %dma_wait3A_360] : memref<8x65536xf32, #tpu.memory_space<hbm>> -> memref<1x4096xf32, #tpu.memory_space<hbm>>
      %dma_wait3A_362 = tpu.memref_squeeze %dma_wait3A_361 : memref<1x4096xf32, #tpu.memory_space<hbm>> -> memref<4096xf32, #tpu.memory_space<hbm>>
      tpu.wait_dma2 semaphore(%arg19 : memref<!tpu.dma_semaphore, #tpu.memory_space<semaphore_mem>>) src(%dma_wait3A_362 : memref<4096xf32, #tpu.memory_space<hbm>>) dst(%arg10 : memref<4096xf32, #tpu.memory_space<vmem>>)
      %dma_wait3A_363 = arith.constant 0 : i32
      %dma_wait3A_364 = arith.constant 0 : i32
      %dma_wait3A_365 = tpu.memref_slice %arg3[%dma_wait3A_363, %dma_wait3A_364] : memref<8x65536xf32, #tpu.memory_space<hbm>> -> memref<1x4096xf32, #tpu.memory_space<hbm>>
      %dma_wait3A_366 = tpu.memref_squeeze %dma_wait3A_365 : memref<1x4096xf32, #tpu.memory_space<hbm>> -> memref<4096xf32, #tpu.memory_space<hbm>>
      %dma_wait3A_367 = arith.constant 0 : i32
      %dma_wait3A_368 = tpu.memref_slice %arg3[%dma_wait3A_363, %dma_wait3A_367] : memref<8x65536xf32, #tpu.memory_space<hbm>> -> memref<1x4096xf32, #tpu.memory_space<hbm>>
      %dma_wait3A_369 = tpu.memref_squeeze %dma_wait3A_368 : memref<1x4096xf32, #tpu.memory_space<hbm>> -> memref<4096xf32, #tpu.memory_space<hbm>>
      tpu.wait_dma2 semaphore(%arg19 : memref<!tpu.dma_semaphore, #tpu.memory_space<semaphore_mem>>) src(%dma_wait3A_369 : memref<4096xf32, #tpu.memory_space<hbm>>) dst(%arg12 : memref<4096xf32, #tpu.memory_space<vmem>>)
      %ge3A_370 = arith.constant 2 : i32
      %ge3A_371 = arith.cmpi sge, %add3A_346, %ge3A_370 : i32
      %convert_element_type3A_372 = arith.extui %ge3A_371 : i1 to i32
      %cond3A_373 = arith.constant 0 : i32
      %cond3A_374 = arith.cmpi ne, %convert_element_type3A_372, %cond3A_373 : i32
      scf.if %cond3A_374 {
        %dma_wait3A_391 = arith.constant 0 : i32
        %dma_wait3A_392 = arith.constant 0 : i32
        %dma_wait3A_393 = tpu.memref_slice %arg5[%dma_wait3A_391, %dma_wait3A_392] : memref<128x65536xf32, #tpu.memory_space<hbm>> -> memref<1x4096xf32, #tpu.memory_space<hbm>>
        %dma_wait3A_394 = tpu.memref_squeeze %dma_wait3A_393 : memref<1x4096xf32, #tpu.memory_space<hbm>> -> memref<4096xf32, #tpu.memory_space<hbm>>
        %dma_wait3A_395 = arith.constant 0 : i32
        %dma_wait3A_396 = tpu.memref_slice %arg5[%dma_wait3A_391, %dma_wait3A_395] : memref<128x65536xf32, #tpu.memory_space<hbm>> -> memref<1x4096xf32, #tpu.memory_space<hbm>>
        %dma_wait3A_397 = tpu.memref_squeeze %dma_wait3A_396 : memref<1x4096xf32, #tpu.memory_space<hbm>> -> memref<4096xf32, #tpu.memory_space<hbm>>
        tpu.wait_dma2 semaphore(%arg20 : memref<!tpu.dma_semaphore, #tpu.memory_space<semaphore_mem>>) src(%arg15 : memref<4096xf32, #tpu.memory_space<vmem>>) dst(%dma_wait3A_397 : memref<4096xf32, #tpu.memory_space<hbm>>)
        %dma_wait3A_398 = arith.constant 0 : i32
        %dma_wait3A_399 = arith.constant 0 : i32
        %dma_wait3A_400 = tpu.memref_slice %arg5[%dma_wait3A_398, %dma_wait3A_399] : memref<128x65536xf32, #tpu.memory_space<hbm>> -> memref<1x4096xf32, #tpu.memory_space<hbm>>
        %dma_wait3A_401 = tpu.memref_squeeze %dma_wait3A_400 : memref<1x4096xf32, #tpu.memory_space<hbm>> -> memref<4096xf32, #tpu.memory_space<hbm>>
        %dma_wait3A_402 = arith.constant 0 : i32
        %dma_wait3A_403 = tpu.memref_slice %arg5[%dma_wait3A_398, %dma_wait3A_402] : memref<128x65536xf32, #tpu.memory_space<hbm>> -> memref<1x4096xf32, #tpu.memory_space<hbm>>
        %dma_wait3A_404 = tpu.memref_squeeze %dma_wait3A_403 : memref<1x4096xf32, #tpu.memory_space<hbm>> -> memref<4096xf32, #tpu.memory_space<hbm>>
        tpu.wait_dma2 semaphore(%arg20 : memref<!tpu.dma_semaphore, #tpu.memory_space<semaphore_mem>>) src(%arg16 : memref<4096xf32, #tpu.memory_space<vmem>>) dst(%dma_wait3A_404 : memref<4096xf32, #tpu.memory_space<hbm>>)
      } else {
      }
      %parallel_loop3A_375 = arith.constant 0 : i32
      %parallel_loop3A_376 = arith.constant 256 : i32
      %parallel_loop3A_377 = arith.constant 1 : i32
      scf.for %parallel_loop3A_391 = %parallel_loop3A_375 to %parallel_loop3A_376 step %parallel_loop3A_377  : i32 {
        %parallel_loop3A_392 = arith.constant 16 : i32
        %parallel_loop3A_393 = arith.muli %parallel_loop3A_391, %parallel_loop3A_392 : i32
        %parallel_loop3A_394 = arith.index_cast %parallel_loop3A_393 : i32 to index
        %parallel_loop3A_395 = tpu.vector_load %arg10[%parallel_loop3A_394] {strides = array<i32>} : memref<4096xf32, #tpu.memory_space<vmem>>, vector<16xf32>,
        %parallel_loop3A_396 = arith.index_cast %parallel_loop3A_393 : i32 to index
        %parallel_loop3A_397 = tpu.vector_load %arg12[%parallel_loop3A_396] {strides = array<i32>} : memref<4096xf32, #tpu.memory_space<vmem>>, vector<16xf32>,
        %parallel_loop3A_398 = arith.mulf %parallel_loop3A_395, %get3A_40 : vector<16xf32>
        %parallel_loop3A_399 = arith.mulf %parallel_loop3A_397, %get3A_40 : vector<16xf32>
        %parallel_loop3A_400 = arith.fptosi %parallel_loop3A_398 : vector<16xf32> to vector<16xi32>
        %parallel_loop3A_401 = arith.fptosi %parallel_loop3A_399 : vector<16xf32> to vector<16xi32>
        %parallel_loop3A_402 = arith.sitofp %parallel_loop3A_400 : vector<16xi32> to vector<16xf32>
        %parallel_loop3A_403 = arith.subf %parallel_loop3A_398, %parallel_loop3A_402 : vector<16xf32>
        %parallel_loop3A_404 = arith.sitofp %parallel_loop3A_401 : vector<16xi32> to vector<16xf32>
        %parallel_loop3A_405 = arith.subf %parallel_loop3A_399, %parallel_loop3A_404 : vector<16xf32>
        %parallel_loop3A_406 = arith.constant -1640531535 : i32
        %parallel_loop3A_407 = vector.broadcast %parallel_loop3A_406 : i32 to vector<16xi32>
        %parallel_loop3A_408 = arith.muli %parallel_loop3A_401, %parallel_loop3A_407 : vector<16xi32>
        %parallel_loop3A_409 = arith.constant -1640531535 : i32
        %parallel_loop3A_410 = vector.broadcast %parallel_loop3A_409 : i32 to vector<16xi32>
        %parallel_loop3A_411 = arith.addi %parallel_loop3A_408, %parallel_loop3A_410 : vector<16xi32>
        %parallel_loop3A_412 = arith.constant 1 : i32
        %parallel_loop3A_413 = vector.broadcast %parallel_loop3A_412 : i32 to vector<16xi32>
        %parallel_loop3A_414 = arith.addi %parallel_loop3A_400, %parallel_loop3A_413 : vector<16xi32>
        %parallel_loop3A_415 = arith.xori %parallel_loop3A_400, %parallel_loop3A_408 : vector<16xi32>
        %parallel_loop3A_416 = arith.constant 65535 : i32
        %parallel_loop3A_417 = vector.broadcast %parallel_loop3A_416 : i32 to vector<16xi32>
        %parallel_loop3A_418 = arith.andi %parallel_loop3A_415, %parallel_loop3A_417 : vector<16xi32>
        %parallel_loop3A_419 = arith.xori %parallel_loop3A_414, %parallel_loop3A_408 : vector<16xi32>
        %parallel_loop3A_420 = arith.constant 65535 : i32
        %parallel_loop3A_421 = vector.broadcast %parallel_loop3A_420 : i32 to vector<16xi32>
        %parallel_loop3A_422 = arith.andi %parallel_loop3A_419, %parallel_loop3A_421 : vector<16xi32>
        %parallel_loop3A_423 = arith.xori %parallel_loop3A_400, %parallel_loop3A_411 : vector<16xi32>
        %parallel_loop3A_424 = arith.constant 65535 : i32
        %parallel_loop3A_425 = vector.broadcast %parallel_loop3A_424 : i32 to vector<16xi32>
        %parallel_loop3A_426 = arith.andi %parallel_loop3A_423, %parallel_loop3A_425 : vector<16xi32>
        %parallel_loop3A_427 = arith.xori %parallel_loop3A_414, %parallel_loop3A_411 : vector<16xi32>
        %parallel_loop3A_428 = arith.constant 65535 : i32
        %parallel_loop3A_429 = vector.broadcast %parallel_loop3A_428 : i32 to vector<16xi32>
        %parallel_loop3A_430 = arith.andi %parallel_loop3A_427, %parallel_loop3A_429 : vector<16xi32>
        %parallel_loop3A_431 = tpu.vector_load_idx %arg6[%parallel_loop3A_418] : memref<65536xi32, #tpu.memory_space<vmem>>[vector<16xi32>], vector<16xi32>,
        %parallel_loop3A_432 = tpu.vector_load_idx %arg6[%parallel_loop3A_422] : memref<65536xi32, #tpu.memory_space<vmem>>[vector<16xi32>], vector<16xi32>,
        %parallel_loop3A_433 = tpu.vector_load_idx %arg6[%parallel_loop3A_426] : memref<65536xi32, #tpu.memory_space<vmem>>[vector<16xi32>], vector<16xi32>,
        %parallel_loop3A_434 = tpu.vector_load_idx %arg6[%parallel_loop3A_430] : memref<65536xi32, #tpu.memory_space<vmem>>[vector<16xi32>], vector<16xi32>,
        %parallel_loop3A_435 = arith.constant 1.000000e+00 : f32
        %parallel_loop3A_436 = vector.broadcast %parallel_loop3A_435 : f32 to vector<16xf32>
        %parallel_loop3A_437 = arith.subf %parallel_loop3A_436, %parallel_loop3A_403 : vector<16xf32>
        %parallel_loop3A_438 = arith.constant 1.000000e+00 : f32
        %parallel_loop3A_439 = vector.broadcast %parallel_loop3A_438 : f32 to vector<16xf32>
        %parallel_loop3A_440 = arith.subf %parallel_loop3A_439, %parallel_loop3A_405 : vector<16xf32>
        %parallel_loop3A_441 = arith.mulf %parallel_loop3A_437, %parallel_loop3A_440 : vector<16xf32>
        %parallel_loop3A_442 = arith.mulf %parallel_loop3A_403, %parallel_loop3A_440 : vector<16xf32>
        %parallel_loop3A_443 = arith.mulf %parallel_loop3A_437, %parallel_loop3A_405 : vector<16xf32>
        %parallel_loop3A_444 = arith.mulf %parallel_loop3A_403, %parallel_loop3A_405 : vector<16xf32>
        %parallel_loop3A_445 = arith.constant 16 : i32
        %parallel_loop3A_446 = vector.broadcast %parallel_loop3A_445 : i32 to vector<16xi32>
        %parallel_loop3A_447 = arith.shli %parallel_loop3A_431, %parallel_loop3A_446 : vector<16xi32>
        %parallel_loop3A_448 = vector.bitcast %parallel_loop3A_447 : vector<16xi32> to vector<16xf32>
        %parallel_loop3A_449 = arith.mulf %parallel_loop3A_448, %parallel_loop3A_441 : vector<16xf32>
        %parallel_loop3A_450 = arith.constant 16 : i32
        %parallel_loop3A_451 = vector.broadcast %parallel_loop3A_450 : i32 to vector<16xi32>
        %parallel_loop3A_452 = arith.shli %parallel_loop3A_432, %parallel_loop3A_451 : vector<16xi32>
        %parallel_loop3A_453 = vector.bitcast %parallel_loop3A_452 : vector<16xi32> to vector<16xf32>
        %parallel_loop3A_454 = arith.mulf %parallel_loop3A_453, %parallel_loop3A_442 : vector<16xf32>
        %parallel_loop3A_455 = arith.addf %parallel_loop3A_449, %parallel_loop3A_454 : vector<16xf32>
        %parallel_loop3A_456 = arith.constant 16 : i32
        %parallel_loop3A_457 = vector.broadcast %parallel_loop3A_456 : i32 to vector<16xi32>
        %parallel_loop3A_458 = arith.shli %parallel_loop3A_433, %parallel_loop3A_457 : vector<16xi32>
        %parallel_loop3A_459 = vector.bitcast %parallel_loop3A_458 : vector<16xi32> to vector<16xf32>
        %parallel_loop3A_460 = arith.mulf %parallel_loop3A_459, %parallel_loop3A_443 : vector<16xf32>
        %parallel_loop3A_461 = arith.addf %parallel_loop3A_455, %parallel_loop3A_460 : vector<16xf32>
        %parallel_loop3A_462 = arith.constant 16 : i32
        %parallel_loop3A_463 = vector.broadcast %parallel_loop3A_462 : i32 to vector<16xi32>
        %parallel_loop3A_464 = arith.shli %parallel_loop3A_434, %parallel_loop3A_463 : vector<16xi32>
        %parallel_loop3A_465 = vector.bitcast %parallel_loop3A_464 : vector<16xi32> to vector<16xf32>
        %parallel_loop3A_466 = arith.mulf %parallel_loop3A_465, %parallel_loop3A_444 : vector<16xf32>
        %parallel_loop3A_467 = arith.addf %parallel_loop3A_461, %parallel_loop3A_466 : vector<16xf32>
        %parallel_loop3A_468 = arith.constant -65536 : i32
        %parallel_loop3A_469 = vector.broadcast %parallel_loop3A_468 : i32 to vector<16xi32>
        %parallel_loop3A_470 = arith.andi %parallel_loop3A_431, %parallel_loop3A_469 : vector<16xi32>
        %parallel_loop3A_471 = vector.bitcast %parallel_loop3A_470 : vector<16xi32> to vector<16xf32>
        %parallel_loop3A_472 = arith.mulf %parallel_loop3A_471, %parallel_loop3A_441 : vector<16xf32>
        %parallel_loop3A_473 = arith.constant -65536 : i32
        %parallel_loop3A_474 = vector.broadcast %parallel_loop3A_473 : i32 to vector<16xi32>
        %parallel_loop3A_475 = arith.andi %parallel_loop3A_432, %parallel_loop3A_474 : vector<16xi32>
        %parallel_loop3A_476 = vector.bitcast %parallel_loop3A_475 : vector<16xi32> to vector<16xf32>
        %parallel_loop3A_477 = arith.mulf %parallel_loop3A_476, %parallel_loop3A_442 : vector<16xf32>
        %parallel_loop3A_478 = arith.addf %parallel_loop3A_472, %parallel_loop3A_477 : vector<16xf32>
        %parallel_loop3A_479 = arith.constant -65536 : i32
        %parallel_loop3A_480 = vector.broadcast %parallel_loop3A_479 : i32 to vector<16xi32>
        %parallel_loop3A_481 = arith.andi %parallel_loop3A_433, %parallel_loop3A_480 : vector<16xi32>
        %parallel_loop3A_482 = vector.bitcast %parallel_loop3A_481 : vector<16xi32> to vector<16xf32>
        %parallel_loop3A_483 = arith.mulf %parallel_loop3A_482, %parallel_loop3A_443 : vector<16xf32>
        %parallel_loop3A_484 = arith.addf %parallel_loop3A_478, %parallel_loop3A_483 : vector<16xf32>
        %parallel_loop3A_485 = arith.constant -65536 : i32
        %parallel_loop3A_486 = vector.broadcast %parallel_loop3A_485 : i32 to vector<16xi32>
        %parallel_loop3A_487 = arith.andi %parallel_loop3A_434, %parallel_loop3A_486 : vector<16xi32>
        %parallel_loop3A_488 = vector.bitcast %parallel_loop3A_487 : vector<16xi32> to vector<16xf32>
        %parallel_loop3A_489 = arith.mulf %parallel_loop3A_488, %parallel_loop3A_444 : vector<16xf32>
        %parallel_loop3A_490 = arith.addf %parallel_loop3A_484, %parallel_loop3A_489 : vector<16xf32>
        %parallel_loop3A_491 = arith.index_cast %parallel_loop3A_393 : i32 to index
        %parallel_loop3A_492 = tpu.vector_load %arg15[%parallel_loop3A_491] {strides = array<i32>} : memref<4096xf32, #tpu.memory_space<vmem>>, vector<16xf32>,
        tpu.vector_store %arg15[%parallel_loop3A_491], %parallel_loop3A_467 {strides = array<i32>} : memref<4096xf32, #tpu.memory_space<vmem>>, vector<16xf32>,
        %parallel_loop3A_493 = arith.index_cast %parallel_loop3A_393 : i32 to index
        %parallel_loop3A_494 = tpu.vector_load %arg16[%parallel_loop3A_493] {strides = array<i32>} : memref<4096xf32, #tpu.memory_space<vmem>>, vector<16xf32>,
        tpu.vector_store %arg16[%parallel_loop3A_493], %parallel_loop3A_490 {strides = array<i32>} : memref<4096xf32, #tpu.memory_space<vmem>>, vector<16xf32>,
      } {sc.loop_unroll_factor = 8 : i64, sc.parallel_access}
      %mul3A_378 = arith.constant 32 : i32
      %mul3A_379 = arith.muli %select_n3A, %mul3A_378 : i32
      %add3A_380 = arith.addi %mul3A_379, %mul3A_39 : i32
      %dma_start3A_381 = tpu.memref_slice %arg5[%add3A_380, %mul3A_348] : memref<128x65536xf32, #tpu.memory_space<hbm>> -> memref<1x4096xf32, #tpu.memory_space<hbm>>
      %dma_start3A_382 = tpu.memref_squeeze %dma_start3A_381 : memref<1x4096xf32, #tpu.memory_space<hbm>> -> memref<4096xf32, #tpu.memory_space<hbm>>
      %dma_start3A_383 = tpu.memref_slice %arg5[%add3A_380, %mul3A_348] : memref<128x65536xf32, #tpu.memory_space<hbm>> -> memref<1x4096xf32, #tpu.memory_space<hbm>>
      %dma_start3A_384 = tpu.memref_squeeze %dma_start3A_383 : memref<1x4096xf32, #tpu.memory_space<hbm>> -> memref<4096xf32, #tpu.memory_space<hbm>>
      tpu.enqueue_dma source(%arg15 : memref<4096xf32, #tpu.memory_space<vmem>>) target(%dma_start3A_384 : memref<4096xf32, #tpu.memory_space<hbm>>) target_semaphore(%arg20 : memref<!tpu.dma_semaphore, #tpu.memory_space<semaphore_mem>>)
      %add3A_385 = arith.constant 1 : i32
      %add3A_386 = arith.addi %add3A_380, %add3A_385 : i32
      %dma_start3A_387 = tpu.memref_slice %arg5[%add3A_386, %mul3A_348] : memref<128x65536xf32, #tpu.memory_space<hbm>> -> memref<1x4096xf32, #tpu.memory_space<hbm>>
      %dma_start3A_388 = tpu.memref_squeeze %dma_start3A_387 : memref<1x4096xf32, #tpu.memory_space<hbm>> -> memref<4096xf32, #tpu.memory_space<hbm>>
      %dma_start3A_389 = tpu.memref_slice %arg5[%add3A_386, %mul3A_348] : memref<128x65536xf32, #tpu.memory_space<hbm>> -> memref<1x4096xf32, #tpu.memory_space<hbm>>
      %dma_start3A_390 = tpu.memref_squeeze %dma_start3A_389 : memref<1x4096xf32, #tpu.memory_space<hbm>> -> memref<4096xf32, #tpu.memory_space<hbm>>
      tpu.enqueue_dma source(%arg16 : memref<4096xf32, #tpu.memory_space<vmem>>) target(%dma_start3A_390 : memref<4096xf32, #tpu.memory_space<hbm>>) target_semaphore(%arg20 : memref<!tpu.dma_semaphore, #tpu.memory_space<semaphore_mem>>)
    }
    %scan3A_116 = arith.constant 8 : i32
    %dma_wait3A = arith.constant 0 : i32
    %dma_wait3A_117 = arith.constant 0 : i32
    %dma_wait3A_118 = tpu.memref_slice %arg5[%dma_wait3A, %dma_wait3A_117] : memref<128x65536xf32, #tpu.memory_space<hbm>> -> memref<1x4096xf32, #tpu.memory_space<hbm>>
    %dma_wait3A_119 = tpu.memref_squeeze %dma_wait3A_118 : memref<1x4096xf32, #tpu.memory_space<hbm>> -> memref<4096xf32, #tpu.memory_space<hbm>>
    %dma_wait3A_120 = arith.constant 0 : i32
    %dma_wait3A_121 = tpu.memref_slice %arg5[%dma_wait3A, %dma_wait3A_120] : memref<128x65536xf32, #tpu.memory_space<hbm>> -> memref<1x4096xf32, #tpu.memory_space<hbm>>
    %dma_wait3A_122 = tpu.memref_squeeze %dma_wait3A_121 : memref<1x4096xf32, #tpu.memory_space<hbm>> -> memref<4096xf32, #tpu.memory_space<hbm>>
    tpu.wait_dma2 semaphore(%arg20 : memref<!tpu.dma_semaphore, #tpu.memory_space<semaphore_mem>>) src(%arg13 : memref<4096xf32, #tpu.memory_space<vmem>>) dst(%dma_wait3A_122 : memref<4096xf32, #tpu.memory_space<hbm>>)
    %dma_wait3A_123 = arith.constant 0 : i32
    %dma_wait3A_124 = arith.constant 0 : i32
    %dma_wait3A_125 = tpu.memref_slice %arg5[%dma_wait3A_123, %dma_wait3A_124] : memref<128x65536xf32, #tpu.memory_space<hbm>> -> memref<1x4096xf32, #tpu.memory_space<hbm>>
    %dma_wait3A_126 = tpu.memref_squeeze %dma_wait3A_125 : memref<1x4096xf32, #tpu.memory_space<hbm>> -> memref<4096xf32, #tpu.memory_space<hbm>>
    %dma_wait3A_127 = arith.constant 0 : i32
    %dma_wait3A_128 = tpu.memref_slice %arg5[%dma_wait3A_123, %dma_wait3A_127] : memref<128x65536xf32, #tpu.memory_space<hbm>> -> memref<1x4096xf32, #tpu.memory_space<hbm>>
    %dma_wait3A_129 = tpu.memref_squeeze %dma_wait3A_128 : memref<1x4096xf32, #tpu.memory_space<hbm>> -> memref<4096xf32, #tpu.memory_space<hbm>>
    tpu.wait_dma2 semaphore(%arg20 : memref<!tpu.dma_semaphore, #tpu.memory_space<semaphore_mem>>) src(%arg14 : memref<4096xf32, #tpu.memory_space<vmem>>) dst(%dma_wait3A_129 : memref<4096xf32, #tpu.memory_space<hbm>>)
    %dma_wait3A_130 = arith.constant 0 : i32
    %dma_wait3A_131 = arith.constant 0 : i32
    %dma_wait3A_132 = tpu.memref_slice %arg5[%dma_wait3A_130, %dma_wait3A_131] : memref<128x65536xf32, #tpu.memory_space<hbm>> -> memref<1x4096xf32, #tpu.memory_space<hbm>>
    %dma_wait3A_133 = tpu.memref_squeeze %dma_wait3A_132 : memref<1x4096xf32, #tpu.memory_space<hbm>> -> memref<4096xf32, #tpu.memory_space<hbm>>
    %dma_wait3A_134 = arith.constant 0 : i32
    %dma_wait3A_135 = tpu.memref_slice %arg5[%dma_wait3A_130, %dma_wait3A_134] : memref<128x65536xf32, #tpu.memory_space<hbm>> -> memref<1x4096xf32, #tpu.memory_space<hbm>>
    %dma_wait3A_136 = tpu.memref_squeeze %dma_wait3A_135 : memref<1x4096xf32, #tpu.memory_space<hbm>> -> memref<4096xf32, #tpu.memory_space<hbm>>
    tpu.wait_dma2 semaphore(%arg20 : memref<!tpu.dma_semaphore, #tpu.memory_space<semaphore_mem>>) src(%arg15 : memref<4096xf32, #tpu.memory_space<vmem>>) dst(%dma_wait3A_136 : memref<4096xf32, #tpu.memory_space<hbm>>)
    %dma_wait3A_137 = arith.constant 0 : i32
    %dma_wait3A_138 = arith.constant 0 : i32
    %dma_wait3A_139 = tpu.memref_slice %arg5[%dma_wait3A_137, %dma_wait3A_138] : memref<128x65536xf32, #tpu.memory_space<hbm>> -> memref<1x4096xf32, #tpu.memory_space<hbm>>
    %dma_wait3A_140 = tpu.memref_squeeze %dma_wait3A_139 : memref<1x4096xf32, #tpu.memory_space<hbm>> -> memref<4096xf32, #tpu.memory_space<hbm>>
    %dma_wait3A_141 = arith.constant 0 : i32
    %dma_wait3A_142 = tpu.memref_slice %arg5[%dma_wait3A_137, %dma_wait3A_141] : memref<128x65536xf32, #tpu.memory_space<hbm>> -> memref<1x4096xf32, #tpu.memory_space<hbm>>
    %dma_wait3A_143 = tpu.memref_squeeze %dma_wait3A_142 : memref<1x4096xf32, #tpu.memory_space<hbm>> -> memref<4096xf32, #tpu.memory_space<hbm>>
    tpu.wait_dma2 semaphore(%arg20 : memref<!tpu.dma_semaphore, #tpu.memory_space<semaphore_mem>>) src(%arg16 : memref<4096xf32, #tpu.memory_space<vmem>>) dst(%dma_wait3A_143 : memref<4096xf32, #tpu.memory_space<hbm>>)
    %mul3A_144 = arith.constant 2 : i32
    %mul3A_145 = arith.muli %add3A, %mul3A_144 : i32
    %add3A_146 = arith.constant 1 : i32
    %add3A_147 = arith.addi %mul3A_145, %add3A_146 : i32
    %jit3A_148 = arith.constant 16 : i32
    %div3A_149 = arith.divsi %add3A_147, %jit3A_148 : i32
    %sign3A_150 = arith.constant 0 : i32
    %sign3A_151 = arith.cmpi sgt, %add3A_147, %sign3A_150 : i32
    %sign3A_152 = arith.extui %sign3A_151 : i1 to i32
    %sign3A_153 = arith.constant 0 : i32
    %sign3A_154 = arith.cmpi slt, %add3A_147, %sign3A_153 : i32
    %sign3A_155 = arith.extui %sign3A_154 : i1 to i32
    %sign3A_156 = arith.subi %sign3A_152, %sign3A_155 : i32
    %sign3A_157 = arith.constant 0 : i32
    %sign3A_158 = arith.cmpi sgt, %jit3A_148, %sign3A_157 : i32
    %sign3A_159 = arith.extui %sign3A_158 : i1 to i32
    %sign3A_160 = arith.constant 0 : i32
    %sign3A_161 = arith.cmpi slt, %jit3A_148, %sign3A_160 : i32
    %sign3A_162 = arith.extui %sign3A_161 : i1 to i32
    %sign3A_163 = arith.subi %sign3A_159, %sign3A_162 : i32
    %ne3A_164 = arith.cmpi ne, %sign3A_156, %sign3A_163 : i32
    %rem3A_165 = arith.remsi %add3A_147, %jit3A_148 : i32
    %ne3A_166 = arith.constant 0 : i32
    %ne3A_167 = arith.cmpi ne, %rem3A_165, %ne3A_166 : i32
    %and3A_168 = arith.andi %ne3A_164, %ne3A_167 : i1
    %sub3A_169 = arith.constant 1 : i32
    %sub3A_170 = arith.subi %div3A_149, %sub3A_169 : i32
    %select_n3A_171 = arith.select %and3A_168, %sub3A_170, %div3A_149 : i32
    %jit3A_172 = arith.constant 16 : i32
    %eq3A_173 = arith.constant 0 : i32
    %eq3A_174 = arith.cmpi eq, %jit3A_172, %eq3A_173 : i32
    %jit3A_175 = arith.constant 1 : i32
    %select_n3A_176 = arith.select %eq3A_174, %jit3A_175, %jit3A_172 : i32
    %rem3A_177 = arith.remsi %add3A_147, %select_n3A_176 : i32
    %ne3A_178 = arith.constant 0 : i32
    %ne3A_179 = arith.cmpi ne, %rem3A_177, %ne3A_178 : i32
    %lt3A_180 = arith.constant 0 : i32
    %lt3A_181 = arith.cmpi slt, %rem3A_177, %lt3A_180 : i32
    %lt3A_182 = arith.constant 0 : i32
    %lt3A_183 = arith.cmpi slt, %select_n3A_176, %lt3A_182 : i32
    %ne3A_184 = arith.xori %lt3A_181, %lt3A_183 : i1
    %and3A_185 = arith.andi %ne3A_184, %ne3A_179 : i1
    %add3A_186 = arith.addi %rem3A_177, %select_n3A_176 : i32
    %select_n3A_187 = arith.select %and3A_185, %add3A_186, %rem3A_177 : i32
    %mul3A_188 = arith.constant 2 : i32
    %mul3A_189 = arith.muli %select_n3A_187, %mul3A_188 : i32
    "tpu.region"() ({
      %run_scoped3A = tpu.sem_alloc : memref<!tpu.dma_semaphore, #tpu.memory_space<semaphore_mem>>
      %dma_start3A_298 = arith.constant 0 : i32
      %dma_start3A_299 = tpu.memref_slice %arg4[%add3A_147, %dma_start3A_298] : memref<64x16xf32, #tpu.memory_space<hbm>> -> memref<1x16xf32, #tpu.memory_space<hbm>>
      %dma_start3A_300 = tpu.memref_squeeze %dma_start3A_299 : memref<1x16xf32, #tpu.memory_space<hbm>> -> memref<16xf32, #tpu.memory_space<hbm>>
      %dma_start3A_301 = arith.constant 0 : i32
      %dma_start3A_302 = tpu.memref_slice %arg4[%add3A_147, %dma_start3A_301] : memref<64x16xf32, #tpu.memory_space<hbm>> -> memref<1x16xf32, #tpu.memory_space<hbm>>
      %dma_start3A_303 = tpu.memref_squeeze %dma_start3A_302 : memref<1x16xf32, #tpu.memory_space<hbm>> -> memref<16xf32, #tpu.memory_space<hbm>>
      tpu.enqueue_dma source(%dma_start3A_303 : memref<16xf32, #tpu.memory_space<hbm>>) target(%arg17 : memref<16xf32, #tpu.memory_space<vmem>>) target_semaphore(%run_scoped3A : memref<!tpu.dma_semaphore, #tpu.memory_space<semaphore_mem>>)
      %dma_wait3A_304 = arith.constant 0 : i32
      %dma_wait3A_305 = tpu.memref_slice %arg4[%add3A_147, %dma_wait3A_304] : memref<64x16xf32, #tpu.memory_space<hbm>> -> memref<1x16xf32, #tpu.memory_space<hbm>>
      %dma_wait3A_306 = tpu.memref_squeeze %dma_wait3A_305 : memref<1x16xf32, #tpu.memory_space<hbm>> -> memref<16xf32, #tpu.memory_space<hbm>>
      %dma_wait3A_307 = arith.constant 0 : i32
      %dma_wait3A_308 = tpu.memref_slice %arg4[%add3A_147, %dma_wait3A_307] : memref<64x16xf32, #tpu.memory_space<hbm>> -> memref<1x16xf32, #tpu.memory_space<hbm>>
      %dma_wait3A_309 = tpu.memref_squeeze %dma_wait3A_308 : memref<1x16xf32, #tpu.memory_space<hbm>> -> memref<16xf32, #tpu.memory_space<hbm>>
      tpu.wait_dma2 semaphore(%run_scoped3A : memref<!tpu.dma_semaphore, #tpu.memory_space<semaphore_mem>>) src(%dma_wait3A_309 : memref<16xf32, #tpu.memory_space<hbm>>) dst(%arg17 : memref<16xf32, #tpu.memory_space<vmem>>)
      tpu.yield
    }) : () -> ()
    %get3A_190 = arith.constant 0 : index
    %get3A_191 = tpu.vector_load %arg17[%get3A_190] {strides = array<i32>} : memref<16xf32, #tpu.memory_space<vmem>>, vector<16xf32>,
    %jit3A_192 = arith.constant 8 : i32
    %div3A_193 = arith.divsi %add3A_147, %jit3A_192 : i32
    %sign3A_194 = arith.constant 0 : i32
    %sign3A_195 = arith.cmpi sgt, %add3A_147, %sign3A_194 : i32
    %sign3A_196 = arith.extui %sign3A_195 : i1 to i32
    %sign3A_197 = arith.constant 0 : i32
    %sign3A_198 = arith.cmpi slt, %add3A_147, %sign3A_197 : i32
    %sign3A_199 = arith.extui %sign3A_198 : i1 to i32
    %sign3A_200 = arith.subi %sign3A_196, %sign3A_199 : i32
    %sign3A_201 = arith.constant 0 : i32
    %sign3A_202 = arith.cmpi sgt, %jit3A_192, %sign3A_201 : i32
    %sign3A_203 = arith.extui %sign3A_202 : i1 to i32
    %sign3A_204 = arith.constant 0 : i32
    %sign3A_205 = arith.cmpi slt, %jit3A_192, %sign3A_204 : i32
    %sign3A_206 = arith.extui %sign3A_205 : i1 to i32
    %sign3A_207 = arith.subi %sign3A_203, %sign3A_206 : i32
    %ne3A_208 = arith.cmpi ne, %sign3A_200, %sign3A_207 : i32
    %rem3A_209 = arith.remsi %add3A_147, %jit3A_192 : i32
    %ne3A_210 = arith.constant 0 : i32
    %ne3A_211 = arith.cmpi ne, %rem3A_209, %ne3A_210 : i32
    %and3A_212 = arith.andi %ne3A_208, %ne3A_211 : i1
    %sub3A_213 = arith.constant 1 : i32
    %sub3A_214 = arith.subi %div3A_193, %sub3A_213 : i32
    %select_n3A_215 = arith.select %and3A_212, %sub3A_214, %div3A_193 : i32
    %jit3A_216 = arith.constant 8 : i32
    %eq3A_217 = arith.constant 0 : i32
    %eq3A_218 = arith.cmpi eq, %jit3A_216, %eq3A_217 : i32
    %jit3A_219 = arith.constant 1 : i32
    %select_n3A_220 = arith.select %eq3A_218, %jit3A_219, %jit3A_216 : i32
    %rem3A_221 = arith.remsi %add3A_147, %select_n3A_220 : i32
    %ne3A_222 = arith.constant 0 : i32
    %ne3A_223 = arith.cmpi ne, %rem3A_221, %ne3A_222 : i32
    %lt3A_224 = arith.constant 0 : i32
    %lt3A_225 = arith.cmpi slt, %rem3A_221, %lt3A_224 : i32
    %lt3A_226 = arith.constant 0 : i32
    %lt3A_227 = arith.cmpi slt, %select_n3A_220, %lt3A_226 : i32
    %ne3A_228 = arith.xori %lt3A_225, %lt3A_227 : i1
    %and3A_229 = arith.andi %ne3A_228, %ne3A_223 : i1
    %add3A_230 = arith.addi %rem3A_221, %select_n3A_220 : i32
    %select_n3A_231 = arith.select %and3A_229, %add3A_230, %rem3A_221 : i32
    %mul3A_232 = arith.constant 1024 : i32
    %mul3A_233 = arith.muli %select_n3A_215, %mul3A_232 : i32
    %add3A_234 = arith.constant 0 : i32
    %add3A_235 = arith.addi %mul3A_233, %add3A_234 : i32
    %mul3A_236 = arith.constant 128 : i32
    %mul3A_237 = arith.muli %select_n3A_231, %mul3A_236 : i32
    %dma_start3A_238 = tpu.memref_slice %arg2[%add3A_235, %mul3A_237] : memref<8192x1024xf32, #tpu.memory_space<hbm>> -> memref<64x128xf32, #tpu.memory_space<hbm>>
    %dma_start3A_239 = tpu.memref_slice %arg2[%add3A_235, %mul3A_237] : memref<8192x1024xf32, #tpu.memory_space<hbm>> -> memref<64x128xf32, #tpu.memory_space<hbm>>
    tpu.enqueue_dma source(%dma_start3A_239 : memref<64x128xf32, #tpu.memory_space<hbm>>) target(%arg7 : memref<64x128xf32, #tpu.memory_space<vmem>>) target_semaphore(%arg18 : memref<!tpu.dma_semaphore, #tpu.memory_space<semaphore_mem>>)
    %scan3A_240 = arith.constant 0 : i32
    %scan3A_241 = arith.constant 0 : i32
    %scan3A_242 = arith.constant 8 : i32
    %scan3A_243 = arith.addi %scan3A_241, %scan3A_242 : i32
    %scan3A_244 = arith.constant 1 : i32
    scf.for %scan3A_298 = %scan3A_241 to %scan3A_243 step %scan3A_244  : i32 {
      %mul3A_299 = arith.constant 2 : i32
      %mul3A_300 = arith.muli %scan3A_298, %mul3A_299 : i32
      %add3A_301 = arith.constant 0 : i32
      %add3A_302 = arith.addi %mul3A_300, %add3A_301 : i32
      %add3A_303 = arith.constant 1 : i32
      %add3A_304 = arith.addi %add3A_302, %add3A_303 : i32
      %lt3A_305 = arith.constant 16 : i32
      %lt3A_306 = arith.cmpi slt, %add3A_304, %lt3A_305 : i32
      %convert_element_type3A = arith.extui %lt3A_306 : i1 to i32
      %cond3A = arith.constant 0 : i32
      %cond3A_307 = arith.cmpi ne, %convert_element_type3A, %cond3A : i32
      scf.if %cond3A_307 {
        %add3A_336 = arith.constant 1 : i32
        %add3A_337 = arith.addi %add3A_302, %add3A_336 : i32
        %mul3A_338 = arith.constant 1024 : i32
        %mul3A_339 = arith.muli %select_n3A_215, %mul3A_338 : i32
        %mul3A_340 = arith.constant 64 : i32
        %mul3A_341 = arith.muli %add3A_337, %mul3A_340 : i32
        %add3A_342 = arith.addi %mul3A_339, %mul3A_341 : i32
        %mul3A_343 = arith.constant 128 : i32
        %mul3A_344 = arith.muli %select_n3A_231, %mul3A_343 : i32
        %dma_start3A_345 = tpu.memref_slice %arg2[%add3A_342, %mul3A_344] : memref<8192x1024xf32, #tpu.memory_space<hbm>> -> memref<64x128xf32, #tpu.memory_space<hbm>>
        %dma_start3A_346 = tpu.memref_slice %arg2[%add3A_342, %mul3A_344] : memref<8192x1024xf32, #tpu.memory_space<hbm>> -> memref<64x128xf32, #tpu.memory_space<hbm>>
        tpu.enqueue_dma source(%dma_start3A_346 : memref<64x128xf32, #tpu.memory_space<hbm>>) target(%arg8 : memref<64x128xf32, #tpu.memory_space<vmem>>) target_semaphore(%arg18 : memref<!tpu.dma_semaphore, #tpu.memory_space<semaphore_mem>>)
      } else {
      }
      %dma_wait3A_308 = arith.constant 0 : i32
      %dma_wait3A_309 = arith.constant 0 : i32
      %dma_wait3A_310 = tpu.memref_slice %arg2[%dma_wait3A_308, %dma_wait3A_309] : memref<8192x1024xf32, #tpu.memory_space<hbm>> -> memref<64x128xf32, #tpu.memory_space<hbm>>
      %dma_wait3A_311 = arith.constant 0 : i32
      %dma_wait3A_312 = arith.constant 0 : i32
      %dma_wait3A_313 = tpu.memref_slice %arg2[%dma_wait3A_311, %dma_wait3A_312] : memref<8192x1024xf32, #tpu.memory_space<hbm>> -> memref<64x128xf32, #tpu.memory_space<hbm>>
      tpu.wait_dma2 semaphore(%arg18 : memref<!tpu.dma_semaphore, #tpu.memory_space<semaphore_mem>>) src(%dma_wait3A_313 : memref<64x128xf32, #tpu.memory_space<hbm>>) dst(%arg7 : memref<64x128xf32, #tpu.memory_space<vmem>>)
      %parallel_loop3A = arith.constant 0 : i32
      %parallel_loop3A_314 = arith.constant 256 : i32
      %parallel_loop3A_315 = arith.constant 1 : i32
      scf.for %parallel_loop3A_336 = %parallel_loop3A to %parallel_loop3A_314 step %parallel_loop3A_315  : i32 {
        %parallel_loop3A_337 = arith.constant 32 : i32
        %parallel_loop3A_338 = arith.muli %parallel_loop3A_336, %parallel_loop3A_337 : i32
        %parallel_loop3A_339 = vector.broadcast %parallel_loop3A_338 : i32 to vector<16xi32>
        %parallel_loop3A_340 = arith.addi %mul3A_3, %parallel_loop3A_339 : vector<16xi32>
        %parallel_loop3A_341 = arith.constant 1 : i32
        %parallel_loop3A_342 = arith.addi %parallel_loop3A_338, %parallel_loop3A_341 : i32
        %parallel_loop3A_343 = vector.broadcast %parallel_loop3A_342 : i32 to vector<16xi32>
        %parallel_loop3A_344 = arith.addi %mul3A_3, %parallel_loop3A_343 : vector<16xi32>
        %parallel_loop3A_345 = arith.constant 7 : i32
        %parallel_loop3A_346 = vector.broadcast %parallel_loop3A_345 : i32 to vector<16xi32>
        %parallel_loop3A_347 = arith.shrsi %parallel_loop3A_340, %parallel_loop3A_346 : vector<16xi32>
        %parallel_loop3A_348 = arith.constant 127 : i32
        %parallel_loop3A_349 = vector.broadcast %parallel_loop3A_348 : i32 to vector<16xi32>
        %parallel_loop3A_350 = arith.andi %parallel_loop3A_340, %parallel_loop3A_349 : vector<16xi32>
        %parallel_loop3A_351 = tpu.vector_load_idx %arg7[%parallel_loop3A_347, %parallel_loop3A_350] : memref<64x128xf32, #tpu.memory_space<vmem>>[vector<16xi32>, vector<16xi32>], vector<16xf32>,
        %parallel_loop3A_352 = vector.bitcast %parallel_loop3A_351 : vector<16xf32> to vector<16xi32>
        %parallel_loop3A_353 = arith.constant 7 : i32
        %parallel_loop3A_354 = vector.broadcast %parallel_loop3A_353 : i32 to vector<16xi32>
        %parallel_loop3A_355 = arith.shrsi %parallel_loop3A_344, %parallel_loop3A_354 : vector<16xi32>
        %parallel_loop3A_356 = arith.constant 127 : i32
        %parallel_loop3A_357 = vector.broadcast %parallel_loop3A_356 : i32 to vector<16xi32>
        %parallel_loop3A_358 = arith.andi %parallel_loop3A_344, %parallel_loop3A_357 : vector<16xi32>
        %parallel_loop3A_359 = tpu.vector_load_idx %arg7[%parallel_loop3A_355, %parallel_loop3A_358] : memref<64x128xf32, #tpu.memory_space<vmem>>[vector<16xi32>, vector<16xi32>], vector<16xf32>,
        %parallel_loop3A_360 = vector.bitcast %parallel_loop3A_359 : vector<16xf32> to vector<16xi32>
        %parallel_loop3A_361 = arith.constant 32767 : i32
        %parallel_loop3A_362 = vector.broadcast %parallel_loop3A_361 : i32 to vector<16xi32>
        %parallel_loop3A_363 = arith.addi %parallel_loop3A_352, %parallel_loop3A_362 : vector<16xi32>
        %parallel_loop3A_364 = arith.constant 16 : i32
        %parallel_loop3A_365 = vector.broadcast %parallel_loop3A_364 : i32 to vector<16xi32>
        %parallel_loop3A_366 = arith.shrsi %parallel_loop3A_352, %parallel_loop3A_365 : vector<16xi32>
        %parallel_loop3A_367 = arith.constant 1 : i32
        %parallel_loop3A_368 = vector.broadcast %parallel_loop3A_367 : i32 to vector<16xi32>
        %parallel_loop3A_369 = arith.andi %parallel_loop3A_366, %parallel_loop3A_368 : vector<16xi32>
        %parallel_loop3A_370 = arith.addi %parallel_loop3A_363, %parallel_loop3A_369 : vector<16xi32>
        %parallel_loop3A_371 = arith.constant -65536 : i32
        %parallel_loop3A_372 = vector.broadcast %parallel_loop3A_371 : i32 to vector<16xi32>
        %parallel_loop3A_373 = arith.andi %parallel_loop3A_370, %parallel_loop3A_372 : vector<16xi32>
        %parallel_loop3A_374 = arith.constant 16 : i32
        %parallel_loop3A_375 = vector.broadcast %parallel_loop3A_374 : i32 to vector<16xi32>
        %parallel_loop3A_376 = arith.shrui %parallel_loop3A_373, %parallel_loop3A_375 : vector<16xi32>
        %parallel_loop3A_377 = arith.constant 32767 : i32
        %parallel_loop3A_378 = vector.broadcast %parallel_loop3A_377 : i32 to vector<16xi32>
        %parallel_loop3A_379 = arith.addi %parallel_loop3A_360, %parallel_loop3A_378 : vector<16xi32>
        %parallel_loop3A_380 = arith.constant 16 : i32
        %parallel_loop3A_381 = vector.broadcast %parallel_loop3A_380 : i32 to vector<16xi32>
        %parallel_loop3A_382 = arith.shrsi %parallel_loop3A_360, %parallel_loop3A_381 : vector<16xi32>
        %parallel_loop3A_383 = arith.constant 1 : i32
        %parallel_loop3A_384 = vector.broadcast %parallel_loop3A_383 : i32 to vector<16xi32>
        %parallel_loop3A_385 = arith.andi %parallel_loop3A_382, %parallel_loop3A_384 : vector<16xi32>
        %parallel_loop3A_386 = arith.addi %parallel_loop3A_379, %parallel_loop3A_385 : vector<16xi32>
        %parallel_loop3A_387 = arith.constant -65536 : i32
        %parallel_loop3A_388 = vector.broadcast %parallel_loop3A_387 : i32 to vector<16xi32>
        %parallel_loop3A_389 = arith.andi %parallel_loop3A_386, %parallel_loop3A_388 : vector<16xi32>
        %parallel_loop3A_390 = arith.ori %parallel_loop3A_376, %parallel_loop3A_389 : vector<16xi32>
        %parallel_loop3A_391 = arith.constant 4096 : i32
        %parallel_loop3A_392 = arith.muli %add3A_302, %parallel_loop3A_391 : i32
        %parallel_loop3A_393 = arith.constant 16 : i32
        %parallel_loop3A_394 = arith.muli %parallel_loop3A_336, %parallel_loop3A_393 : i32
        %parallel_loop3A_395 = arith.addi %parallel_loop3A_392, %parallel_loop3A_394 : i32
        %parallel_loop3A_396 = arith.index_cast %parallel_loop3A_395 : i32 to index
        %parallel_loop3A_397 = tpu.vector_load %arg6[%parallel_loop3A_396] {strides = array<i32>} : memref<65536xi32, #tpu.memory_space<vmem>>, vector<16xi32>,
        tpu.vector_store %arg6[%parallel_loop3A_396], %parallel_loop3A_390 {strides = array<i32>} : memref<65536xi32, #tpu.memory_space<vmem>>, vector<16xi32>,
      } {sc.loop_unroll_factor = 8 : i64, sc.parallel_access}
      %mul3A_316 = arith.constant 2 : i32
      %mul3A_317 = arith.muli %scan3A_298, %mul3A_316 : i32
      %add3A_318 = arith.constant 1 : i32
      %add3A_319 = arith.addi %mul3A_317, %add3A_318 : i32
      %add3A_320 = arith.constant 1 : i32
      %add3A_321 = arith.addi %add3A_319, %add3A_320 : i32
      %lt3A_322 = arith.constant 16 : i32
      %lt3A_323 = arith.cmpi slt, %add3A_321, %lt3A_322 : i32
      %convert_element_type3A_324 = arith.extui %lt3A_323 : i1 to i32
      %cond3A_325 = arith.constant 0 : i32
      %cond3A_326 = arith.cmpi ne, %convert_element_type3A_324, %cond3A_325 : i32
      scf.if %cond3A_326 {
        %add3A_336 = arith.constant 1 : i32
        %add3A_337 = arith.addi %add3A_319, %add3A_336 : i32
        %mul3A_338 = arith.constant 1024 : i32
        %mul3A_339 = arith.muli %select_n3A_215, %mul3A_338 : i32
        %mul3A_340 = arith.constant 64 : i32
        %mul3A_341 = arith.muli %add3A_337, %mul3A_340 : i32
        %add3A_342 = arith.addi %mul3A_339, %mul3A_341 : i32
        %mul3A_343 = arith.constant 128 : i32
        %mul3A_344 = arith.muli %select_n3A_231, %mul3A_343 : i32
        %dma_start3A_345 = tpu.memref_slice %arg2[%add3A_342, %mul3A_344] : memref<8192x1024xf32, #tpu.memory_space<hbm>> -> memref<64x128xf32, #tpu.memory_space<hbm>>
        %dma_start3A_346 = tpu.memref_slice %arg2[%add3A_342, %mul3A_344] : memref<8192x1024xf32, #tpu.memory_space<hbm>> -> memref<64x128xf32, #tpu.memory_space<hbm>>
        tpu.enqueue_dma source(%dma_start3A_346 : memref<64x128xf32, #tpu.memory_space<hbm>>) target(%arg7 : memref<64x128xf32, #tpu.memory_space<vmem>>) target_semaphore(%arg18 : memref<!tpu.dma_semaphore, #tpu.memory_space<semaphore_mem>>)
      } else {
      }
      %dma_wait3A_327 = arith.constant 0 : i32
      %dma_wait3A_328 = arith.constant 0 : i32
      %dma_wait3A_329 = tpu.memref_slice %arg2[%dma_wait3A_327, %dma_wait3A_328] : memref<8192x1024xf32, #tpu.memory_space<hbm>> -> memref<64x128xf32, #tpu.memory_space<hbm>>
      %dma_wait3A_330 = arith.constant 0 : i32
      %dma_wait3A_331 = arith.constant 0 : i32
      %dma_wait3A_332 = tpu.memref_slice %arg2[%dma_wait3A_330, %dma_wait3A_331] : memref<8192x1024xf32, #tpu.memory_space<hbm>> -> memref<64x128xf32, #tpu.memory_space<hbm>>
      tpu.wait_dma2 semaphore(%arg18 : memref<!tpu.dma_semaphore, #tpu.memory_space<semaphore_mem>>) src(%dma_wait3A_332 : memref<64x128xf32, #tpu.memory_space<hbm>>) dst(%arg8 : memref<64x128xf32, #tpu.memory_space<vmem>>)
      %parallel_loop3A_333 = arith.constant 0 : i32
      %parallel_loop3A_334 = arith.constant 256 : i32
      %parallel_loop3A_335 = arith.constant 1 : i32
      scf.for %parallel_loop3A_336 = %parallel_loop3A_333 to %parallel_loop3A_334 step %parallel_loop3A_335  : i32 {
        %parallel_loop3A_337 = arith.constant 32 : i32
        %parallel_loop3A_338 = arith.muli %parallel_loop3A_336, %parallel_loop3A_337 : i32
        %parallel_loop3A_339 = vector.broadcast %parallel_loop3A_338 : i32 to vector<16xi32>
        %parallel_loop3A_340 = arith.addi %mul3A_3, %parallel_loop3A_339 : vector<16xi32>
        %parallel_loop3A_341 = arith.constant 1 : i32
        %parallel_loop3A_342 = arith.addi %parallel_loop3A_338, %parallel_loop3A_341 : i32
        %parallel_loop3A_343 = vector.broadcast %parallel_loop3A_342 : i32 to vector<16xi32>
        %parallel_loop3A_344 = arith.addi %mul3A_3, %parallel_loop3A_343 : vector<16xi32>
        %parallel_loop3A_345 = arith.constant 7 : i32
        %parallel_loop3A_346 = vector.broadcast %parallel_loop3A_345 : i32 to vector<16xi32>
        %parallel_loop3A_347 = arith.shrsi %parallel_loop3A_340, %parallel_loop3A_346 : vector<16xi32>
        %parallel_loop3A_348 = arith.constant 127 : i32
        %parallel_loop3A_349 = vector.broadcast %parallel_loop3A_348 : i32 to vector<16xi32>
        %parallel_loop3A_350 = arith.andi %parallel_loop3A_340, %parallel_loop3A_349 : vector<16xi32>
        %parallel_loop3A_351 = tpu.vector_load_idx %arg8[%parallel_loop3A_347, %parallel_loop3A_350] : memref<64x128xf32, #tpu.memory_space<vmem>>[vector<16xi32>, vector<16xi32>], vector<16xf32>,
        %parallel_loop3A_352 = vector.bitcast %parallel_loop3A_351 : vector<16xf32> to vector<16xi32>
        %parallel_loop3A_353 = arith.constant 7 : i32
        %parallel_loop3A_354 = vector.broadcast %parallel_loop3A_353 : i32 to vector<16xi32>
        %parallel_loop3A_355 = arith.shrsi %parallel_loop3A_344, %parallel_loop3A_354 : vector<16xi32>
        %parallel_loop3A_356 = arith.constant 127 : i32
        %parallel_loop3A_357 = vector.broadcast %parallel_loop3A_356 : i32 to vector<16xi32>
        %parallel_loop3A_358 = arith.andi %parallel_loop3A_344, %parallel_loop3A_357 : vector<16xi32>
        %parallel_loop3A_359 = tpu.vector_load_idx %arg8[%parallel_loop3A_355, %parallel_loop3A_358] : memref<64x128xf32, #tpu.memory_space<vmem>>[vector<16xi32>, vector<16xi32>], vector<16xf32>,
        %parallel_loop3A_360 = vector.bitcast %parallel_loop3A_359 : vector<16xf32> to vector<16xi32>
        %parallel_loop3A_361 = arith.constant 32767 : i32
        %parallel_loop3A_362 = vector.broadcast %parallel_loop3A_361 : i32 to vector<16xi32>
        %parallel_loop3A_363 = arith.addi %parallel_loop3A_352, %parallel_loop3A_362 : vector<16xi32>
        %parallel_loop3A_364 = arith.constant 16 : i32
        %parallel_loop3A_365 = vector.broadcast %parallel_loop3A_364 : i32 to vector<16xi32>
        %parallel_loop3A_366 = arith.shrsi %parallel_loop3A_352, %parallel_loop3A_365 : vector<16xi32>
        %parallel_loop3A_367 = arith.constant 1 : i32
        %parallel_loop3A_368 = vector.broadcast %parallel_loop3A_367 : i32 to vector<16xi32>
        %parallel_loop3A_369 = arith.andi %parallel_loop3A_366, %parallel_loop3A_368 : vector<16xi32>
        %parallel_loop3A_370 = arith.addi %parallel_loop3A_363, %parallel_loop3A_369 : vector<16xi32>
        %parallel_loop3A_371 = arith.constant -65536 : i32
        %parallel_loop3A_372 = vector.broadcast %parallel_loop3A_371 : i32 to vector<16xi32>
        %parallel_loop3A_373 = arith.andi %parallel_loop3A_370, %parallel_loop3A_372 : vector<16xi32>
        %parallel_loop3A_374 = arith.constant 16 : i32
        %parallel_loop3A_375 = vector.broadcast %parallel_loop3A_374 : i32 to vector<16xi32>
        %parallel_loop3A_376 = arith.shrui %parallel_loop3A_373, %parallel_loop3A_375 : vector<16xi32>
        %parallel_loop3A_377 = arith.constant 32767 : i32
        %parallel_loop3A_378 = vector.broadcast %parallel_loop3A_377 : i32 to vector<16xi32>
        %parallel_loop3A_379 = arith.addi %parallel_loop3A_360, %parallel_loop3A_378 : vector<16xi32>
        %parallel_loop3A_380 = arith.constant 16 : i32
        %parallel_loop3A_381 = vector.broadcast %parallel_loop3A_380 : i32 to vector<16xi32>
        %parallel_loop3A_382 = arith.shrsi %parallel_loop3A_360, %parallel_loop3A_381 : vector<16xi32>
        %parallel_loop3A_383 = arith.constant 1 : i32
        %parallel_loop3A_384 = vector.broadcast %parallel_loop3A_383 : i32 to vector<16xi32>
        %parallel_loop3A_385 = arith.andi %parallel_loop3A_382, %parallel_loop3A_384 : vector<16xi32>
        %parallel_loop3A_386 = arith.addi %parallel_loop3A_379, %parallel_loop3A_385 : vector<16xi32>
        %parallel_loop3A_387 = arith.constant -65536 : i32
        %parallel_loop3A_388 = vector.broadcast %parallel_loop3A_387 : i32 to vector<16xi32>
        %parallel_loop3A_389 = arith.andi %parallel_loop3A_386, %parallel_loop3A_388 : vector<16xi32>
        %parallel_loop3A_390 = arith.ori %parallel_loop3A_376, %parallel_loop3A_389 : vector<16xi32>
        %parallel_loop3A_391 = arith.constant 4096 : i32
        %parallel_loop3A_392 = arith.muli %add3A_319, %parallel_loop3A_391 : i32
        %parallel_loop3A_393 = arith.constant 16 : i32
        %parallel_loop3A_394 = arith.muli %parallel_loop3A_336, %parallel_loop3A_393 : i32
        %parallel_loop3A_395 = arith.addi %parallel_loop3A_392, %parallel_loop3A_394 : i32
        %parallel_loop3A_396 = arith.index_cast %parallel_loop3A_395 : i32 to index
        %parallel_loop3A_397 = tpu.vector_load %arg6[%parallel_loop3A_396] {strides = array<i32>} : memref<65536xi32, #tpu.memory_space<vmem>>, vector<16xi32>,
        tpu.vector_store %arg6[%parallel_loop3A_396], %parallel_loop3A_390 {strides = array<i32>} : memref<65536xi32, #tpu.memory_space<vmem>>, vector<16xi32>,
      } {sc.loop_unroll_factor = 8 : i64, sc.parallel_access}
    }
    %scan3A_245 = arith.constant 8 : i32
    %mul3A_246 = arith.constant 2 : i32
    %mul3A_247 = arith.muli %mul3A_246, %select_n3A_171 : i32
    %dma_start3A_248 = arith.constant 0 : i32
    %dma_start3A_249 = tpu.memref_slice %arg3[%mul3A_247, %dma_start3A_248] : memref<8x65536xf32, #tpu.memory_space<hbm>> -> memref<1x4096xf32, #tpu.memory_space<hbm>>
    %dma_start3A_250 = tpu.memref_squeeze %dma_start3A_249 : memref<1x4096xf32, #tpu.memory_space<hbm>> -> memref<4096xf32, #tpu.memory_space<hbm>>
    %dma_start3A_251 = arith.constant 0 : i32
    %dma_start3A_252 = tpu.memref_slice %arg3[%mul3A_247, %dma_start3A_251] : memref<8x65536xf32, #tpu.memory_space<hbm>> -> memref<1x4096xf32, #tpu.memory_space<hbm>>
    %dma_start3A_253 = tpu.memref_squeeze %dma_start3A_252 : memref<1x4096xf32, #tpu.memory_space<hbm>> -> memref<4096xf32, #tpu.memory_space<hbm>>
    tpu.enqueue_dma source(%dma_start3A_253 : memref<4096xf32, #tpu.memory_space<hbm>>) target(%arg9 : memref<4096xf32, #tpu.memory_space<vmem>>) target_semaphore(%arg19 : memref<!tpu.dma_semaphore, #tpu.memory_space<semaphore_mem>>)
    %mul3A_254 = arith.constant 2 : i32
    %mul3A_255 = arith.muli %mul3A_254, %select_n3A_171 : i32
    %add3A_256 = arith.constant 1 : i32
    %add3A_257 = arith.addi %mul3A_255, %add3A_256 : i32
    %dma_start3A_258 = arith.constant 0 : i32
    %dma_start3A_259 = tpu.memref_slice %arg3[%add3A_257, %dma_start3A_258] : memref<8x65536xf32, #tpu.memory_space<hbm>> -> memref<1x4096xf32, #tpu.memory_space<hbm>>
    %dma_start3A_260 = tpu.memref_squeeze %dma_start3A_259 : memref<1x4096xf32, #tpu.memory_space<hbm>> -> memref<4096xf32, #tpu.memory_space<hbm>>
    %dma_start3A_261 = arith.constant 0 : i32
    %dma_start3A_262 = tpu.memref_slice %arg3[%add3A_257, %dma_start3A_261] : memref<8x65536xf32, #tpu.memory_space<hbm>> -> memref<1x4096xf32, #tpu.memory_space<hbm>>
    %dma_start3A_263 = tpu.memref_squeeze %dma_start3A_262 : memref<1x4096xf32, #tpu.memory_space<hbm>> -> memref<4096xf32, #tpu.memory_space<hbm>>
    tpu.enqueue_dma source(%dma_start3A_263 : memref<4096xf32, #tpu.memory_space<hbm>>) target(%arg11 : memref<4096xf32, #tpu.memory_space<vmem>>) target_semaphore(%arg19 : memref<!tpu.dma_semaphore, #tpu.memory_space<semaphore_mem>>)
    %scan3A_264 = arith.constant 0 : i32
    %scan3A_265 = arith.constant 0 : i32
    %scan3A_266 = arith.constant 8 : i32
    %scan3A_267 = arith.addi %scan3A_265, %scan3A_266 : i32
    %scan3A_268 = arith.constant 1 : i32
    scf.for %scan3A_298 = %scan3A_265 to %scan3A_267 step %scan3A_268  : i32 {
      %mul3A_299 = arith.constant 2 : i32
      %mul3A_300 = arith.muli %scan3A_298, %mul3A_299 : i32
      %add3A_301 = arith.constant 0 : i32
      %add3A_302 = arith.addi %mul3A_300, %add3A_301 : i32
      %mul3A_303 = arith.constant 4096 : i32
      %mul3A_304 = arith.muli %add3A_302, %mul3A_303 : i32
      %add3A_305 = arith.constant 1 : i32
      %add3A_306 = arith.addi %add3A_302, %add3A_305 : i32
      %lt3A_307 = arith.constant 16 : i32
      %lt3A_308 = arith.cmpi slt, %add3A_306, %lt3A_307 : i32
      %convert_element_type3A = arith.extui %lt3A_308 : i1 to i32
      %cond3A = arith.constant 0 : i32
      %cond3A_309 = arith.cmpi ne, %convert_element_type3A, %cond3A : i32
      scf.if %cond3A_309 {
        %add3A_391 = arith.constant 1 : i32
        %add3A_392 = arith.addi %add3A_302, %add3A_391 : i32
        %mul3A_393 = arith.constant 2 : i32
        %mul3A_394 = arith.muli %mul3A_393, %select_n3A_171 : i32
        %mul3A_395 = arith.constant 4096 : i32
        %mul3A_396 = arith.muli %add3A_392, %mul3A_395 : i32
        %dma_start3A_397 = tpu.memref_slice %arg3[%mul3A_394, %mul3A_396] : memref<8x65536xf32, #tpu.memory_space<hbm>> -> memref<1x4096xf32, #tpu.memory_space<hbm>>
        %dma_start3A_398 = tpu.memref_squeeze %dma_start3A_397 : memref<1x4096xf32, #tpu.memory_space<hbm>> -> memref<4096xf32, #tpu.memory_space<hbm>>
        %dma_start3A_399 = tpu.memref_slice %arg3[%mul3A_394, %mul3A_396] : memref<8x65536xf32, #tpu.memory_space<hbm>> -> memref<1x4096xf32, #tpu.memory_space<hbm>>
        %dma_start3A_400 = tpu.memref_squeeze %dma_start3A_399 : memref<1x4096xf32, #tpu.memory_space<hbm>> -> memref<4096xf32, #tpu.memory_space<hbm>>
        tpu.enqueue_dma source(%dma_start3A_400 : memref<4096xf32, #tpu.memory_space<hbm>>) target(%arg10 : memref<4096xf32, #tpu.memory_space<vmem>>) target_semaphore(%arg19 : memref<!tpu.dma_semaphore, #tpu.memory_space<semaphore_mem>>)
        %mul3A_401 = arith.constant 2 : i32
        %mul3A_402 = arith.muli %mul3A_401, %select_n3A_171 : i32
        %add3A_403 = arith.constant 1 : i32
        %add3A_404 = arith.addi %mul3A_402, %add3A_403 : i32
        %mul3A_405 = arith.constant 4096 : i32
        %mul3A_406 = arith.muli %add3A_392, %mul3A_405 : i32
        %dma_start3A_407 = tpu.memref_slice %arg3[%add3A_404, %mul3A_406] : memref<8x65536xf32, #tpu.memory_space<hbm>> -> memref<1x4096xf32, #tpu.memory_space<hbm>>
        %dma_start3A_408 = tpu.memref_squeeze %dma_start3A_407 : memref<1x4096xf32, #tpu.memory_space<hbm>> -> memref<4096xf32, #tpu.memory_space<hbm>>
        %dma_start3A_409 = tpu.memref_slice %arg3[%add3A_404, %mul3A_406] : memref<8x65536xf32, #tpu.memory_space<hbm>> -> memref<1x4096xf32, #tpu.memory_space<hbm>>
        %dma_start3A_410 = tpu.memref_squeeze %dma_start3A_409 : memref<1x4096xf32, #tpu.memory_space<hbm>> -> memref<4096xf32, #tpu.memory_space<hbm>>
        tpu.enqueue_dma source(%dma_start3A_410 : memref<4096xf32, #tpu.memory_space<hbm>>) target(%arg12 : memref<4096xf32, #tpu.memory_space<vmem>>) target_semaphore(%arg19 : memref<!tpu.dma_semaphore, #tpu.memory_space<semaphore_mem>>)
      } else {
      }
      %dma_wait3A_310 = arith.constant 0 : i32
      %dma_wait3A_311 = arith.constant 0 : i32
      %dma_wait3A_312 = tpu.memref_slice %arg3[%dma_wait3A_310, %dma_wait3A_311] : memref<8x65536xf32, #tpu.memory_space<hbm>> -> memref<1x4096xf32, #tpu.memory_space<hbm>>
      %dma_wait3A_313 = tpu.memref_squeeze %dma_wait3A_312 : memref<1x4096xf32, #tpu.memory_space<hbm>> -> memref<4096xf32, #tpu.memory_space<hbm>>
      %dma_wait3A_314 = arith.constant 0 : i32
      %dma_wait3A_315 = tpu.memref_slice %arg3[%dma_wait3A_310, %dma_wait3A_314] : memref<8x65536xf32, #tpu.memory_space<hbm>> -> memref<1x4096xf32, #tpu.memory_space<hbm>>
      %dma_wait3A_316 = tpu.memref_squeeze %dma_wait3A_315 : memref<1x4096xf32, #tpu.memory_space<hbm>> -> memref<4096xf32, #tpu.memory_space<hbm>>
      tpu.wait_dma2 semaphore(%arg19 : memref<!tpu.dma_semaphore, #tpu.memory_space<semaphore_mem>>) src(%dma_wait3A_316 : memref<4096xf32, #tpu.memory_space<hbm>>) dst(%arg9 : memref<4096xf32, #tpu.memory_space<vmem>>)
      %dma_wait3A_317 = arith.constant 0 : i32
      %dma_wait3A_318 = arith.constant 0 : i32
      %dma_wait3A_319 = tpu.memref_slice %arg3[%dma_wait3A_317, %dma_wait3A_318] : memref<8x65536xf32, #tpu.memory_space<hbm>> -> memref<1x4096xf32, #tpu.memory_space<hbm>>
      %dma_wait3A_320 = tpu.memref_squeeze %dma_wait3A_319 : memref<1x4096xf32, #tpu.memory_space<hbm>> -> memref<4096xf32, #tpu.memory_space<hbm>>
      %dma_wait3A_321 = arith.constant 0 : i32
      %dma_wait3A_322 = tpu.memref_slice %arg3[%dma_wait3A_317, %dma_wait3A_321] : memref<8x65536xf32, #tpu.memory_space<hbm>> -> memref<1x4096xf32, #tpu.memory_space<hbm>>
      %dma_wait3A_323 = tpu.memref_squeeze %dma_wait3A_322 : memref<1x4096xf32, #tpu.memory_space<hbm>> -> memref<4096xf32, #tpu.memory_space<hbm>>
      tpu.wait_dma2 semaphore(%arg19 : memref<!tpu.dma_semaphore, #tpu.memory_space<semaphore_mem>>) src(%dma_wait3A_323 : memref<4096xf32, #tpu.memory_space<hbm>>) dst(%arg11 : memref<4096xf32, #tpu.memory_space<vmem>>)
      %ge3A = arith.constant 2 : i32
      %ge3A_324 = arith.cmpi sge, %add3A_302, %ge3A : i32
      %convert_element_type3A_325 = arith.extui %ge3A_324 : i1 to i32
      %cond3A_326 = arith.constant 0 : i32
      %cond3A_327 = arith.cmpi ne, %convert_element_type3A_325, %cond3A_326 : i32
      scf.if %cond3A_327 {
        %dma_wait3A_391 = arith.constant 0 : i32
        %dma_wait3A_392 = arith.constant 0 : i32
        %dma_wait3A_393 = tpu.memref_slice %arg5[%dma_wait3A_391, %dma_wait3A_392] : memref<128x65536xf32, #tpu.memory_space<hbm>> -> memref<1x4096xf32, #tpu.memory_space<hbm>>
        %dma_wait3A_394 = tpu.memref_squeeze %dma_wait3A_393 : memref<1x4096xf32, #tpu.memory_space<hbm>> -> memref<4096xf32, #tpu.memory_space<hbm>>
        %dma_wait3A_395 = arith.constant 0 : i32
        %dma_wait3A_396 = tpu.memref_slice %arg5[%dma_wait3A_391, %dma_wait3A_395] : memref<128x65536xf32, #tpu.memory_space<hbm>> -> memref<1x4096xf32, #tpu.memory_space<hbm>>
        %dma_wait3A_397 = tpu.memref_squeeze %dma_wait3A_396 : memref<1x4096xf32, #tpu.memory_space<hbm>> -> memref<4096xf32, #tpu.memory_space<hbm>>
        tpu.wait_dma2 semaphore(%arg20 : memref<!tpu.dma_semaphore, #tpu.memory_space<semaphore_mem>>) src(%arg13 : memref<4096xf32, #tpu.memory_space<vmem>>) dst(%dma_wait3A_397 : memref<4096xf32, #tpu.memory_space<hbm>>)
        %dma_wait3A_398 = arith.constant 0 : i32
        %dma_wait3A_399 = arith.constant 0 : i32
        %dma_wait3A_400 = tpu.memref_slice %arg5[%dma_wait3A_398, %dma_wait3A_399] : memref<128x65536xf32, #tpu.memory_space<hbm>> -> memref<1x4096xf32, #tpu.memory_space<hbm>>
        %dma_wait3A_401 = tpu.memref_squeeze %dma_wait3A_400 : memref<1x4096xf32, #tpu.memory_space<hbm>> -> memref<4096xf32, #tpu.memory_space<hbm>>
        %dma_wait3A_402 = arith.constant 0 : i32
        %dma_wait3A_403 = tpu.memref_slice %arg5[%dma_wait3A_398, %dma_wait3A_402] : memref<128x65536xf32, #tpu.memory_space<hbm>> -> memref<1x4096xf32, #tpu.memory_space<hbm>>
        %dma_wait3A_404 = tpu.memref_squeeze %dma_wait3A_403 : memref<1x4096xf32, #tpu.memory_space<hbm>> -> memref<4096xf32, #tpu.memory_space<hbm>>
        tpu.wait_dma2 semaphore(%arg20 : memref<!tpu.dma_semaphore, #tpu.memory_space<semaphore_mem>>) src(%arg14 : memref<4096xf32, #tpu.memory_space<vmem>>) dst(%dma_wait3A_404 : memref<4096xf32, #tpu.memory_space<hbm>>)
      } else {
      }
      %parallel_loop3A = arith.constant 0 : i32
      %parallel_loop3A_328 = arith.constant 256 : i32
      %parallel_loop3A_329 = arith.constant 1 : i32
      scf.for %parallel_loop3A_391 = %parallel_loop3A to %parallel_loop3A_328 step %parallel_loop3A_329  : i32 {
        %parallel_loop3A_392 = arith.constant 16 : i32
        %parallel_loop3A_393 = arith.muli %parallel_loop3A_391, %parallel_loop3A_392 : i32
        %parallel_loop3A_394 = arith.index_cast %parallel_loop3A_393 : i32 to index
        %parallel_loop3A_395 = tpu.vector_load %arg9[%parallel_loop3A_394] {strides = array<i32>} : memref<4096xf32, #tpu.memory_space<vmem>>, vector<16xf32>,
        %parallel_loop3A_396 = arith.index_cast %parallel_loop3A_393 : i32 to index
        %parallel_loop3A_397 = tpu.vector_load %arg11[%parallel_loop3A_396] {strides = array<i32>} : memref<4096xf32, #tpu.memory_space<vmem>>, vector<16xf32>,
        %parallel_loop3A_398 = arith.mulf %parallel_loop3A_395, %get3A_191 : vector<16xf32>
        %parallel_loop3A_399 = arith.mulf %parallel_loop3A_397, %get3A_191 : vector<16xf32>
        %parallel_loop3A_400 = arith.fptosi %parallel_loop3A_398 : vector<16xf32> to vector<16xi32>
        %parallel_loop3A_401 = arith.fptosi %parallel_loop3A_399 : vector<16xf32> to vector<16xi32>
        %parallel_loop3A_402 = arith.sitofp %parallel_loop3A_400 : vector<16xi32> to vector<16xf32>
        %parallel_loop3A_403 = arith.subf %parallel_loop3A_398, %parallel_loop3A_402 : vector<16xf32>
        %parallel_loop3A_404 = arith.sitofp %parallel_loop3A_401 : vector<16xi32> to vector<16xf32>
        %parallel_loop3A_405 = arith.subf %parallel_loop3A_399, %parallel_loop3A_404 : vector<16xf32>
        %parallel_loop3A_406 = arith.constant -1640531535 : i32
        %parallel_loop3A_407 = vector.broadcast %parallel_loop3A_406 : i32 to vector<16xi32>
        %parallel_loop3A_408 = arith.muli %parallel_loop3A_401, %parallel_loop3A_407 : vector<16xi32>
        %parallel_loop3A_409 = arith.constant -1640531535 : i32
        %parallel_loop3A_410 = vector.broadcast %parallel_loop3A_409 : i32 to vector<16xi32>
        %parallel_loop3A_411 = arith.addi %parallel_loop3A_408, %parallel_loop3A_410 : vector<16xi32>
        %parallel_loop3A_412 = arith.constant 1 : i32
        %parallel_loop3A_413 = vector.broadcast %parallel_loop3A_412 : i32 to vector<16xi32>
        %parallel_loop3A_414 = arith.addi %parallel_loop3A_400, %parallel_loop3A_413 : vector<16xi32>
        %parallel_loop3A_415 = arith.xori %parallel_loop3A_400, %parallel_loop3A_408 : vector<16xi32>
        %parallel_loop3A_416 = arith.constant 65535 : i32
        %parallel_loop3A_417 = vector.broadcast %parallel_loop3A_416 : i32 to vector<16xi32>
        %parallel_loop3A_418 = arith.andi %parallel_loop3A_415, %parallel_loop3A_417 : vector<16xi32>
        %parallel_loop3A_419 = arith.xori %parallel_loop3A_414, %parallel_loop3A_408 : vector<16xi32>
        %parallel_loop3A_420 = arith.constant 65535 : i32
        %parallel_loop3A_421 = vector.broadcast %parallel_loop3A_420 : i32 to vector<16xi32>
        %parallel_loop3A_422 = arith.andi %parallel_loop3A_419, %parallel_loop3A_421 : vector<16xi32>
        %parallel_loop3A_423 = arith.xori %parallel_loop3A_400, %parallel_loop3A_411 : vector<16xi32>
        %parallel_loop3A_424 = arith.constant 65535 : i32
        %parallel_loop3A_425 = vector.broadcast %parallel_loop3A_424 : i32 to vector<16xi32>
        %parallel_loop3A_426 = arith.andi %parallel_loop3A_423, %parallel_loop3A_425 : vector<16xi32>
        %parallel_loop3A_427 = arith.xori %parallel_loop3A_414, %parallel_loop3A_411 : vector<16xi32>
        %parallel_loop3A_428 = arith.constant 65535 : i32
        %parallel_loop3A_429 = vector.broadcast %parallel_loop3A_428 : i32 to vector<16xi32>
        %parallel_loop3A_430 = arith.andi %parallel_loop3A_427, %parallel_loop3A_429 : vector<16xi32>
        %parallel_loop3A_431 = tpu.vector_load_idx %arg6[%parallel_loop3A_418] : memref<65536xi32, #tpu.memory_space<vmem>>[vector<16xi32>], vector<16xi32>,
        %parallel_loop3A_432 = tpu.vector_load_idx %arg6[%parallel_loop3A_422] : memref<65536xi32, #tpu.memory_space<vmem>>[vector<16xi32>], vector<16xi32>,
        %parallel_loop3A_433 = tpu.vector_load_idx %arg6[%parallel_loop3A_426] : memref<65536xi32, #tpu.memory_space<vmem>>[vector<16xi32>], vector<16xi32>,
        %parallel_loop3A_434 = tpu.vector_load_idx %arg6[%parallel_loop3A_430] : memref<65536xi32, #tpu.memory_space<vmem>>[vector<16xi32>], vector<16xi32>,
        %parallel_loop3A_435 = arith.constant 1.000000e+00 : f32
        %parallel_loop3A_436 = vector.broadcast %parallel_loop3A_435 : f32 to vector<16xf32>
        %parallel_loop3A_437 = arith.subf %parallel_loop3A_436, %parallel_loop3A_403 : vector<16xf32>
        %parallel_loop3A_438 = arith.constant 1.000000e+00 : f32
        %parallel_loop3A_439 = vector.broadcast %parallel_loop3A_438 : f32 to vector<16xf32>
        %parallel_loop3A_440 = arith.subf %parallel_loop3A_439, %parallel_loop3A_405 : vector<16xf32>
        %parallel_loop3A_441 = arith.mulf %parallel_loop3A_437, %parallel_loop3A_440 : vector<16xf32>
        %parallel_loop3A_442 = arith.mulf %parallel_loop3A_403, %parallel_loop3A_440 : vector<16xf32>
        %parallel_loop3A_443 = arith.mulf %parallel_loop3A_437, %parallel_loop3A_405 : vector<16xf32>
        %parallel_loop3A_444 = arith.mulf %parallel_loop3A_403, %parallel_loop3A_405 : vector<16xf32>
        %parallel_loop3A_445 = arith.constant 16 : i32
        %parallel_loop3A_446 = vector.broadcast %parallel_loop3A_445 : i32 to vector<16xi32>
        %parallel_loop3A_447 = arith.shli %parallel_loop3A_431, %parallel_loop3A_446 : vector<16xi32>
        %parallel_loop3A_448 = vector.bitcast %parallel_loop3A_447 : vector<16xi32> to vector<16xf32>
        %parallel_loop3A_449 = arith.mulf %parallel_loop3A_448, %parallel_loop3A_441 : vector<16xf32>
        %parallel_loop3A_450 = arith.constant 16 : i32
        %parallel_loop3A_451 = vector.broadcast %parallel_loop3A_450 : i32 to vector<16xi32>
        %parallel_loop3A_452 = arith.shli %parallel_loop3A_432, %parallel_loop3A_451 : vector<16xi32>
        %parallel_loop3A_453 = vector.bitcast %parallel_loop3A_452 : vector<16xi32> to vector<16xf32>
        %parallel_loop3A_454 = arith.mulf %parallel_loop3A_453, %parallel_loop3A_442 : vector<16xf32>
        %parallel_loop3A_455 = arith.addf %parallel_loop3A_449, %parallel_loop3A_454 : vector<16xf32>
        %parallel_loop3A_456 = arith.constant 16 : i32
        %parallel_loop3A_457 = vector.broadcast %parallel_loop3A_456 : i32 to vector<16xi32>
        %parallel_loop3A_458 = arith.shli %parallel_loop3A_433, %parallel_loop3A_457 : vector<16xi32>
        %parallel_loop3A_459 = vector.bitcast %parallel_loop3A_458 : vector<16xi32> to vector<16xf32>
        %parallel_loop3A_460 = arith.mulf %parallel_loop3A_459, %parallel_loop3A_443 : vector<16xf32>
        %parallel_loop3A_461 = arith.addf %parallel_loop3A_455, %parallel_loop3A_460 : vector<16xf32>
        %parallel_loop3A_462 = arith.constant 16 : i32
        %parallel_loop3A_463 = vector.broadcast %parallel_loop3A_462 : i32 to vector<16xi32>
        %parallel_loop3A_464 = arith.shli %parallel_loop3A_434, %parallel_loop3A_463 : vector<16xi32>
        %parallel_loop3A_465 = vector.bitcast %parallel_loop3A_464 : vector<16xi32> to vector<16xf32>
        %parallel_loop3A_466 = arith.mulf %parallel_loop3A_465, %parallel_loop3A_444 : vector<16xf32>
        %parallel_loop3A_467 = arith.addf %parallel_loop3A_461, %parallel_loop3A_466 : vector<16xf32>
        %parallel_loop3A_468 = arith.constant -65536 : i32
        %parallel_loop3A_469 = vector.broadcast %parallel_loop3A_468 : i32 to vector<16xi32>
        %parallel_loop3A_470 = arith.andi %parallel_loop3A_431, %parallel_loop3A_469 : vector<16xi32>
        %parallel_loop3A_471 = vector.bitcast %parallel_loop3A_470 : vector<16xi32> to vector<16xf32>
        %parallel_loop3A_472 = arith.mulf %parallel_loop3A_471, %parallel_loop3A_441 : vector<16xf32>
        %parallel_loop3A_473 = arith.constant -65536 : i32
        %parallel_loop3A_474 = vector.broadcast %parallel_loop3A_473 : i32 to vector<16xi32>
        %parallel_loop3A_475 = arith.andi %parallel_loop3A_432, %parallel_loop3A_474 : vector<16xi32>
        %parallel_loop3A_476 = vector.bitcast %parallel_loop3A_475 : vector<16xi32> to vector<16xf32>
        %parallel_loop3A_477 = arith.mulf %parallel_loop3A_476, %parallel_loop3A_442 : vector<16xf32>
        %parallel_loop3A_478 = arith.addf %parallel_loop3A_472, %parallel_loop3A_477 : vector<16xf32>
        %parallel_loop3A_479 = arith.constant -65536 : i32
        %parallel_loop3A_480 = vector.broadcast %parallel_loop3A_479 : i32 to vector<16xi32>
        %parallel_loop3A_481 = arith.andi %parallel_loop3A_433, %parallel_loop3A_480 : vector<16xi32>
        %parallel_loop3A_482 = vector.bitcast %parallel_loop3A_481 : vector<16xi32> to vector<16xf32>
        %parallel_loop3A_483 = arith.mulf %parallel_loop3A_482, %parallel_loop3A_443 : vector<16xf32>
        %parallel_loop3A_484 = arith.addf %parallel_loop3A_478, %parallel_loop3A_483 : vector<16xf32>
        %parallel_loop3A_485 = arith.constant -65536 : i32
        %parallel_loop3A_486 = vector.broadcast %parallel_loop3A_485 : i32 to vector<16xi32>
        %parallel_loop3A_487 = arith.andi %parallel_loop3A_434, %parallel_loop3A_486 : vector<16xi32>
        %parallel_loop3A_488 = vector.bitcast %parallel_loop3A_487 : vector<16xi32> to vector<16xf32>
        %parallel_loop3A_489 = arith.mulf %parallel_loop3A_488, %parallel_loop3A_444 : vector<16xf32>
        %parallel_loop3A_490 = arith.addf %parallel_loop3A_484, %parallel_loop3A_489 : vector<16xf32>
        %parallel_loop3A_491 = arith.index_cast %parallel_loop3A_393 : i32 to index
        %parallel_loop3A_492 = tpu.vector_load %arg13[%parallel_loop3A_491] {strides = array<i32>} : memref<4096xf32, #tpu.memory_space<vmem>>, vector<16xf32>,
        tpu.vector_store %arg13[%parallel_loop3A_491], %parallel_loop3A_467 {strides = array<i32>} : memref<4096xf32, #tpu.memory_space<vmem>>, vector<16xf32>,
        %parallel_loop3A_493 = arith.index_cast %parallel_loop3A_393 : i32 to index
        %parallel_loop3A_494 = tpu.vector_load %arg14[%parallel_loop3A_493] {strides = array<i32>} : memref<4096xf32, #tpu.memory_space<vmem>>, vector<16xf32>,
        tpu.vector_store %arg14[%parallel_loop3A_493], %parallel_loop3A_490 {strides = array<i32>} : memref<4096xf32, #tpu.memory_space<vmem>>, vector<16xf32>,
      } {sc.loop_unroll_factor = 8 : i64, sc.parallel_access}
      %mul3A_330 = arith.constant 32 : i32
      %mul3A_331 = arith.muli %select_n3A_171, %mul3A_330 : i32
      %add3A_332 = arith.addi %mul3A_331, %mul3A_189 : i32
      %dma_start3A_333 = tpu.memref_slice %arg5[%add3A_332, %mul3A_304] : memref<128x65536xf32, #tpu.memory_space<hbm>> -> memref<1x4096xf32, #tpu.memory_space<hbm>>
      %dma_start3A_334 = tpu.memref_squeeze %dma_start3A_333 : memref<1x4096xf32, #tpu.memory_space<hbm>> -> memref<4096xf32, #tpu.memory_space<hbm>>
      %dma_start3A_335 = tpu.memref_slice %arg5[%add3A_332, %mul3A_304] : memref<128x65536xf32, #tpu.memory_space<hbm>> -> memref<1x4096xf32, #tpu.memory_space<hbm>>
      %dma_start3A_336 = tpu.memref_squeeze %dma_start3A_335 : memref<1x4096xf32, #tpu.memory_space<hbm>> -> memref<4096xf32, #tpu.memory_space<hbm>>
      tpu.enqueue_dma source(%arg13 : memref<4096xf32, #tpu.memory_space<vmem>>) target(%dma_start3A_336 : memref<4096xf32, #tpu.memory_space<hbm>>) target_semaphore(%arg20 : memref<!tpu.dma_semaphore, #tpu.memory_space<semaphore_mem>>)
      %add3A_337 = arith.constant 1 : i32
      %add3A_338 = arith.addi %add3A_332, %add3A_337 : i32
      %dma_start3A_339 = tpu.memref_slice %arg5[%add3A_338, %mul3A_304] : memref<128x65536xf32, #tpu.memory_space<hbm>> -> memref<1x4096xf32, #tpu.memory_space<hbm>>
      %dma_start3A_340 = tpu.memref_squeeze %dma_start3A_339 : memref<1x4096xf32, #tpu.memory_space<hbm>> -> memref<4096xf32, #tpu.memory_space<hbm>>
      %dma_start3A_341 = tpu.memref_slice %arg5[%add3A_338, %mul3A_304] : memref<128x65536xf32, #tpu.memory_space<hbm>> -> memref<1x4096xf32, #tpu.memory_space<hbm>>
      %dma_start3A_342 = tpu.memref_squeeze %dma_start3A_341 : memref<1x4096xf32, #tpu.memory_space<hbm>> -> memref<4096xf32, #tpu.memory_space<hbm>>
      tpu.enqueue_dma source(%arg14 : memref<4096xf32, #tpu.memory_space<vmem>>) target(%dma_start3A_342 : memref<4096xf32, #tpu.memory_space<hbm>>) target_semaphore(%arg20 : memref<!tpu.dma_semaphore, #tpu.memory_space<semaphore_mem>>)
      %mul3A_343 = arith.constant 2 : i32
      %mul3A_344 = arith.muli %scan3A_298, %mul3A_343 : i32
      %add3A_345 = arith.constant 1 : i32
      %add3A_346 = arith.addi %mul3A_344, %add3A_345 : i32
      %mul3A_347 = arith.constant 4096 : i32
      %mul3A_348 = arith.muli %add3A_346, %mul3A_347 : i32
      %add3A_349 = arith.constant 1 : i32
      %add3A_350 = arith.addi %add3A_346, %add3A_349 : i32
      %lt3A_351 = arith.constant 16 : i32
      %lt3A_352 = arith.cmpi slt, %add3A_350, %lt3A_351 : i32
      %convert_element_type3A_353 = arith.extui %lt3A_352 : i1 to i32
      %cond3A_354 = arith.constant 0 : i32
      %cond3A_355 = arith.cmpi ne, %convert_element_type3A_353, %cond3A_354 : i32
      scf.if %cond3A_355 {
        %add3A_391 = arith.constant 1 : i32
        %add3A_392 = arith.addi %add3A_346, %add3A_391 : i32
        %mul3A_393 = arith.constant 2 : i32
        %mul3A_394 = arith.muli %mul3A_393, %select_n3A_171 : i32
        %mul3A_395 = arith.constant 4096 : i32
        %mul3A_396 = arith.muli %add3A_392, %mul3A_395 : i32
        %dma_start3A_397 = tpu.memref_slice %arg3[%mul3A_394, %mul3A_396] : memref<8x65536xf32, #tpu.memory_space<hbm>> -> memref<1x4096xf32, #tpu.memory_space<hbm>>
        %dma_start3A_398 = tpu.memref_squeeze %dma_start3A_397 : memref<1x4096xf32, #tpu.memory_space<hbm>> -> memref<4096xf32, #tpu.memory_space<hbm>>
        %dma_start3A_399 = tpu.memref_slice %arg3[%mul3A_394, %mul3A_396] : memref<8x65536xf32, #tpu.memory_space<hbm>> -> memref<1x4096xf32, #tpu.memory_space<hbm>>
        %dma_start3A_400 = tpu.memref_squeeze %dma_start3A_399 : memref<1x4096xf32, #tpu.memory_space<hbm>> -> memref<4096xf32, #tpu.memory_space<hbm>>
        tpu.enqueue_dma source(%dma_start3A_400 : memref<4096xf32, #tpu.memory_space<hbm>>) target(%arg9 : memref<4096xf32, #tpu.memory_space<vmem>>) target_semaphore(%arg19 : memref<!tpu.dma_semaphore, #tpu.memory_space<semaphore_mem>>)
        %mul3A_401 = arith.constant 2 : i32
        %mul3A_402 = arith.muli %mul3A_401, %select_n3A_171 : i32
        %add3A_403 = arith.constant 1 : i32
        %add3A_404 = arith.addi %mul3A_402, %add3A_403 : i32
        %mul3A_405 = arith.constant 4096 : i32
        %mul3A_406 = arith.muli %add3A_392, %mul3A_405 : i32
        %dma_start3A_407 = tpu.memref_slice %arg3[%add3A_404, %mul3A_406] : memref<8x65536xf32, #tpu.memory_space<hbm>> -> memref<1x4096xf32, #tpu.memory_space<hbm>>
        %dma_start3A_408 = tpu.memref_squeeze %dma_start3A_407 : memref<1x4096xf32, #tpu.memory_space<hbm>> -> memref<4096xf32, #tpu.memory_space<hbm>>
        %dma_start3A_409 = tpu.memref_slice %arg3[%add3A_404, %mul3A_406] : memref<8x65536xf32, #tpu.memory_space<hbm>> -> memref<1x4096xf32, #tpu.memory_space<hbm>>
        %dma_start3A_410 = tpu.memref_squeeze %dma_start3A_409 : memref<1x4096xf32, #tpu.memory_space<hbm>> -> memref<4096xf32, #tpu.memory_space<hbm>>
        tpu.enqueue_dma source(%dma_start3A_410 : memref<4096xf32, #tpu.memory_space<hbm>>) target(%arg11 : memref<4096xf32, #tpu.memory_space<vmem>>) target_semaphore(%arg19 : memref<!tpu.dma_semaphore, #tpu.memory_space<semaphore_mem>>)
      } else {
      }
      %dma_wait3A_356 = arith.constant 0 : i32
      %dma_wait3A_357 = arith.constant 0 : i32
      %dma_wait3A_358 = tpu.memref_slice %arg3[%dma_wait3A_356, %dma_wait3A_357] : memref<8x65536xf32, #tpu.memory_space<hbm>> -> memref<1x4096xf32, #tpu.memory_space<hbm>>
      %dma_wait3A_359 = tpu.memref_squeeze %dma_wait3A_358 : memref<1x4096xf32, #tpu.memory_space<hbm>> -> memref<4096xf32, #tpu.memory_space<hbm>>
      %dma_wait3A_360 = arith.constant 0 : i32
      %dma_wait3A_361 = tpu.memref_slice %arg3[%dma_wait3A_356, %dma_wait3A_360] : memref<8x65536xf32, #tpu.memory_space<hbm>> -> memref<1x4096xf32, #tpu.memory_space<hbm>>
      %dma_wait3A_362 = tpu.memref_squeeze %dma_wait3A_361 : memref<1x4096xf32, #tpu.memory_space<hbm>> -> memref<4096xf32, #tpu.memory_space<hbm>>
      tpu.wait_dma2 semaphore(%arg19 : memref<!tpu.dma_semaphore, #tpu.memory_space<semaphore_mem>>) src(%dma_wait3A_362 : memref<4096xf32, #tpu.memory_space<hbm>>) dst(%arg10 : memref<4096xf32, #tpu.memory_space<vmem>>)
      %dma_wait3A_363 = arith.constant 0 : i32
      %dma_wait3A_364 = arith.constant 0 : i32
      %dma_wait3A_365 = tpu.memref_slice %arg3[%dma_wait3A_363, %dma_wait3A_364] : memref<8x65536xf32, #tpu.memory_space<hbm>> -> memref<1x4096xf32, #tpu.memory_space<hbm>>
      %dma_wait3A_366 = tpu.memref_squeeze %dma_wait3A_365 : memref<1x4096xf32, #tpu.memory_space<hbm>> -> memref<4096xf32, #tpu.memory_space<hbm>>
      %dma_wait3A_367 = arith.constant 0 : i32
      %dma_wait3A_368 = tpu.memref_slice %arg3[%dma_wait3A_363, %dma_wait3A_367] : memref<8x65536xf32, #tpu.memory_space<hbm>> -> memref<1x4096xf32, #tpu.memory_space<hbm>>
      %dma_wait3A_369 = tpu.memref_squeeze %dma_wait3A_368 : memref<1x4096xf32, #tpu.memory_space<hbm>> -> memref<4096xf32, #tpu.memory_space<hbm>>
      tpu.wait_dma2 semaphore(%arg19 : memref<!tpu.dma_semaphore, #tpu.memory_space<semaphore_mem>>) src(%dma_wait3A_369 : memref<4096xf32, #tpu.memory_space<hbm>>) dst(%arg12 : memref<4096xf32, #tpu.memory_space<vmem>>)
      %ge3A_370 = arith.constant 2 : i32
      %ge3A_371 = arith.cmpi sge, %add3A_346, %ge3A_370 : i32
      %convert_element_type3A_372 = arith.extui %ge3A_371 : i1 to i32
      %cond3A_373 = arith.constant 0 : i32
      %cond3A_374 = arith.cmpi ne, %convert_element_type3A_372, %cond3A_373 : i32
      scf.if %cond3A_374 {
        %dma_wait3A_391 = arith.constant 0 : i32
        %dma_wait3A_392 = arith.constant 0 : i32
        %dma_wait3A_393 = tpu.memref_slice %arg5[%dma_wait3A_391, %dma_wait3A_392] : memref<128x65536xf32, #tpu.memory_space<hbm>> -> memref<1x4096xf32, #tpu.memory_space<hbm>>
        %dma_wait3A_394 = tpu.memref_squeeze %dma_wait3A_393 : memref<1x4096xf32, #tpu.memory_space<hbm>> -> memref<4096xf32, #tpu.memory_space<hbm>>
        %dma_wait3A_395 = arith.constant 0 : i32
        %dma_wait3A_396 = tpu.memref_slice %arg5[%dma_wait3A_391, %dma_wait3A_395] : memref<128x65536xf32, #tpu.memory_space<hbm>> -> memref<1x4096xf32, #tpu.memory_space<hbm>>
        %dma_wait3A_397 = tpu.memref_squeeze %dma_wait3A_396 : memref<1x4096xf32, #tpu.memory_space<hbm>> -> memref<4096xf32, #tpu.memory_space<hbm>>
        tpu.wait_dma2 semaphore(%arg20 : memref<!tpu.dma_semaphore, #tpu.memory_space<semaphore_mem>>) src(%arg15 : memref<4096xf32, #tpu.memory_space<vmem>>) dst(%dma_wait3A_397 : memref<4096xf32, #tpu.memory_space<hbm>>)
        %dma_wait3A_398 = arith.constant 0 : i32
        %dma_wait3A_399 = arith.constant 0 : i32
        %dma_wait3A_400 = tpu.memref_slice %arg5[%dma_wait3A_398, %dma_wait3A_399] : memref<128x65536xf32, #tpu.memory_space<hbm>> -> memref<1x4096xf32, #tpu.memory_space<hbm>>
        %dma_wait3A_401 = tpu.memref_squeeze %dma_wait3A_400 : memref<1x4096xf32, #tpu.memory_space<hbm>> -> memref<4096xf32, #tpu.memory_space<hbm>>
        %dma_wait3A_402 = arith.constant 0 : i32
        %dma_wait3A_403 = tpu.memref_slice %arg5[%dma_wait3A_398, %dma_wait3A_402] : memref<128x65536xf32, #tpu.memory_space<hbm>> -> memref<1x4096xf32, #tpu.memory_space<hbm>>
        %dma_wait3A_404 = tpu.memref_squeeze %dma_wait3A_403 : memref<1x4096xf32, #tpu.memory_space<hbm>> -> memref<4096xf32, #tpu.memory_space<hbm>>
        tpu.wait_dma2 semaphore(%arg20 : memref<!tpu.dma_semaphore, #tpu.memory_space<semaphore_mem>>) src(%arg16 : memref<4096xf32, #tpu.memory_space<vmem>>) dst(%dma_wait3A_404 : memref<4096xf32, #tpu.memory_space<hbm>>)
      } else {
      }
      %parallel_loop3A_375 = arith.constant 0 : i32
      %parallel_loop3A_376 = arith.constant 256 : i32
      %parallel_loop3A_377 = arith.constant 1 : i32
      scf.for %parallel_loop3A_391 = %parallel_loop3A_375 to %parallel_loop3A_376 step %parallel_loop3A_377  : i32 {
        %parallel_loop3A_392 = arith.constant 16 : i32
        %parallel_loop3A_393 = arith.muli %parallel_loop3A_391, %parallel_loop3A_392 : i32
        %parallel_loop3A_394 = arith.index_cast %parallel_loop3A_393 : i32 to index
        %parallel_loop3A_395 = tpu.vector_load %arg10[%parallel_loop3A_394] {strides = array<i32>} : memref<4096xf32, #tpu.memory_space<vmem>>, vector<16xf32>,
        %parallel_loop3A_396 = arith.index_cast %parallel_loop3A_393 : i32 to index
        %parallel_loop3A_397 = tpu.vector_load %arg12[%parallel_loop3A_396] {strides = array<i32>} : memref<4096xf32, #tpu.memory_space<vmem>>, vector<16xf32>,
        %parallel_loop3A_398 = arith.mulf %parallel_loop3A_395, %get3A_191 : vector<16xf32>
        %parallel_loop3A_399 = arith.mulf %parallel_loop3A_397, %get3A_191 : vector<16xf32>
        %parallel_loop3A_400 = arith.fptosi %parallel_loop3A_398 : vector<16xf32> to vector<16xi32>
        %parallel_loop3A_401 = arith.fptosi %parallel_loop3A_399 : vector<16xf32> to vector<16xi32>
        %parallel_loop3A_402 = arith.sitofp %parallel_loop3A_400 : vector<16xi32> to vector<16xf32>
        %parallel_loop3A_403 = arith.subf %parallel_loop3A_398, %parallel_loop3A_402 : vector<16xf32>
        %parallel_loop3A_404 = arith.sitofp %parallel_loop3A_401 : vector<16xi32> to vector<16xf32>
        %parallel_loop3A_405 = arith.subf %parallel_loop3A_399, %parallel_loop3A_404 : vector<16xf32>
        %parallel_loop3A_406 = arith.constant -1640531535 : i32
        %parallel_loop3A_407 = vector.broadcast %parallel_loop3A_406 : i32 to vector<16xi32>
        %parallel_loop3A_408 = arith.muli %parallel_loop3A_401, %parallel_loop3A_407 : vector<16xi32>
        %parallel_loop3A_409 = arith.constant -1640531535 : i32
        %parallel_loop3A_410 = vector.broadcast %parallel_loop3A_409 : i32 to vector<16xi32>
        %parallel_loop3A_411 = arith.addi %parallel_loop3A_408, %parallel_loop3A_410 : vector<16xi32>
        %parallel_loop3A_412 = arith.constant 1 : i32
        %parallel_loop3A_413 = vector.broadcast %parallel_loop3A_412 : i32 to vector<16xi32>
        %parallel_loop3A_414 = arith.addi %parallel_loop3A_400, %parallel_loop3A_413 : vector<16xi32>
        %parallel_loop3A_415 = arith.xori %parallel_loop3A_400, %parallel_loop3A_408 : vector<16xi32>
        %parallel_loop3A_416 = arith.constant 65535 : i32
        %parallel_loop3A_417 = vector.broadcast %parallel_loop3A_416 : i32 to vector<16xi32>
        %parallel_loop3A_418 = arith.andi %parallel_loop3A_415, %parallel_loop3A_417 : vector<16xi32>
        %parallel_loop3A_419 = arith.xori %parallel_loop3A_414, %parallel_loop3A_408 : vector<16xi32>
        %parallel_loop3A_420 = arith.constant 65535 : i32
        %parallel_loop3A_421 = vector.broadcast %parallel_loop3A_420 : i32 to vector<16xi32>
        %parallel_loop3A_422 = arith.andi %parallel_loop3A_419, %parallel_loop3A_421 : vector<16xi32>
        %parallel_loop3A_423 = arith.xori %parallel_loop3A_400, %parallel_loop3A_411 : vector<16xi32>
        %parallel_loop3A_424 = arith.constant 65535 : i32
        %parallel_loop3A_425 = vector.broadcast %parallel_loop3A_424 : i32 to vector<16xi32>
        %parallel_loop3A_426 = arith.andi %parallel_loop3A_423, %parallel_loop3A_425 : vector<16xi32>
        %parallel_loop3A_427 = arith.xori %parallel_loop3A_414, %parallel_loop3A_411 : vector<16xi32>
        %parallel_loop3A_428 = arith.constant 65535 : i32
        %parallel_loop3A_429 = vector.broadcast %parallel_loop3A_428 : i32 to vector<16xi32>
        %parallel_loop3A_430 = arith.andi %parallel_loop3A_427, %parallel_loop3A_429 : vector<16xi32>
        %parallel_loop3A_431 = tpu.vector_load_idx %arg6[%parallel_loop3A_418] : memref<65536xi32, #tpu.memory_space<vmem>>[vector<16xi32>], vector<16xi32>,
        %parallel_loop3A_432 = tpu.vector_load_idx %arg6[%parallel_loop3A_422] : memref<65536xi32, #tpu.memory_space<vmem>>[vector<16xi32>], vector<16xi32>,
        %parallel_loop3A_433 = tpu.vector_load_idx %arg6[%parallel_loop3A_426] : memref<65536xi32, #tpu.memory_space<vmem>>[vector<16xi32>], vector<16xi32>,
        %parallel_loop3A_434 = tpu.vector_load_idx %arg6[%parallel_loop3A_430] : memref<65536xi32, #tpu.memory_space<vmem>>[vector<16xi32>], vector<16xi32>,
        %parallel_loop3A_435 = arith.constant 1.000000e+00 : f32
        %parallel_loop3A_436 = vector.broadcast %parallel_loop3A_435 : f32 to vector<16xf32>
        %parallel_loop3A_437 = arith.subf %parallel_loop3A_436, %parallel_loop3A_403 : vector<16xf32>
        %parallel_loop3A_438 = arith.constant 1.000000e+00 : f32
        %parallel_loop3A_439 = vector.broadcast %parallel_loop3A_438 : f32 to vector<16xf32>
        %parallel_loop3A_440 = arith.subf %parallel_loop3A_439, %parallel_loop3A_405 : vector<16xf32>
        %parallel_loop3A_441 = arith.mulf %parallel_loop3A_437, %parallel_loop3A_440 : vector<16xf32>
        %parallel_loop3A_442 = arith.mulf %parallel_loop3A_403, %parallel_loop3A_440 : vector<16xf32>
        %parallel_loop3A_443 = arith.mulf %parallel_loop3A_437, %parallel_loop3A_405 : vector<16xf32>
        %parallel_loop3A_444 = arith.mulf %parallel_loop3A_403, %parallel_loop3A_405 : vector<16xf32>
        %parallel_loop3A_445 = arith.constant 16 : i32
        %parallel_loop3A_446 = vector.broadcast %parallel_loop3A_445 : i32 to vector<16xi32>
        %parallel_loop3A_447 = arith.shli %parallel_loop3A_431, %parallel_loop3A_446 : vector<16xi32>
        %parallel_loop3A_448 = vector.bitcast %parallel_loop3A_447 : vector<16xi32> to vector<16xf32>
        %parallel_loop3A_449 = arith.mulf %parallel_loop3A_448, %parallel_loop3A_441 : vector<16xf32>
        %parallel_loop3A_450 = arith.constant 16 : i32
        %parallel_loop3A_451 = vector.broadcast %parallel_loop3A_450 : i32 to vector<16xi32>
        %parallel_loop3A_452 = arith.shli %parallel_loop3A_432, %parallel_loop3A_451 : vector<16xi32>
        %parallel_loop3A_453 = vector.bitcast %parallel_loop3A_452 : vector<16xi32> to vector<16xf32>
        %parallel_loop3A_454 = arith.mulf %parallel_loop3A_453, %parallel_loop3A_442 : vector<16xf32>
        %parallel_loop3A_455 = arith.addf %parallel_loop3A_449, %parallel_loop3A_454 : vector<16xf32>
        %parallel_loop3A_456 = arith.constant 16 : i32
        %parallel_loop3A_457 = vector.broadcast %parallel_loop3A_456 : i32 to vector<16xi32>
        %parallel_loop3A_458 = arith.shli %parallel_loop3A_433, %parallel_loop3A_457 : vector<16xi32>
        %parallel_loop3A_459 = vector.bitcast %parallel_loop3A_458 : vector<16xi32> to vector<16xf32>
        %parallel_loop3A_460 = arith.mulf %parallel_loop3A_459, %parallel_loop3A_443 : vector<16xf32>
        %parallel_loop3A_461 = arith.addf %parallel_loop3A_455, %parallel_loop3A_460 : vector<16xf32>
        %parallel_loop3A_462 = arith.constant 16 : i32
        %parallel_loop3A_463 = vector.broadcast %parallel_loop3A_462 : i32 to vector<16xi32>
        %parallel_loop3A_464 = arith.shli %parallel_loop3A_434, %parallel_loop3A_463 : vector<16xi32>
        %parallel_loop3A_465 = vector.bitcast %parallel_loop3A_464 : vector<16xi32> to vector<16xf32>
        %parallel_loop3A_466 = arith.mulf %parallel_loop3A_465, %parallel_loop3A_444 : vector<16xf32>
        %parallel_loop3A_467 = arith.addf %parallel_loop3A_461, %parallel_loop3A_466 : vector<16xf32>
        %parallel_loop3A_468 = arith.constant -65536 : i32
        %parallel_loop3A_469 = vector.broadcast %parallel_loop3A_468 : i32 to vector<16xi32>
        %parallel_loop3A_470 = arith.andi %parallel_loop3A_431, %parallel_loop3A_469 : vector<16xi32>
        %parallel_loop3A_471 = vector.bitcast %parallel_loop3A_470 : vector<16xi32> to vector<16xf32>
        %parallel_loop3A_472 = arith.mulf %parallel_loop3A_471, %parallel_loop3A_441 : vector<16xf32>
        %parallel_loop3A_473 = arith.constant -65536 : i32
        %parallel_loop3A_474 = vector.broadcast %parallel_loop3A_473 : i32 to vector<16xi32>
        %parallel_loop3A_475 = arith.andi %parallel_loop3A_432, %parallel_loop3A_474 : vector<16xi32>
        %parallel_loop3A_476 = vector.bitcast %parallel_loop3A_475 : vector<16xi32> to vector<16xf32>
        %parallel_loop3A_477 = arith.mulf %parallel_loop3A_476, %parallel_loop3A_442 : vector<16xf32>
        %parallel_loop3A_478 = arith.addf %parallel_loop3A_472, %parallel_loop3A_477 : vector<16xf32>
        %parallel_loop3A_479 = arith.constant -65536 : i32
        %parallel_loop3A_480 = vector.broadcast %parallel_loop3A_479 : i32 to vector<16xi32>
        %parallel_loop3A_481 = arith.andi %parallel_loop3A_433, %parallel_loop3A_480 : vector<16xi32>
        %parallel_loop3A_482 = vector.bitcast %parallel_loop3A_481 : vector<16xi32> to vector<16xf32>
        %parallel_loop3A_483 = arith.mulf %parallel_loop3A_482, %parallel_loop3A_443 : vector<16xf32>
        %parallel_loop3A_484 = arith.addf %parallel_loop3A_478, %parallel_loop3A_483 : vector<16xf32>
        %parallel_loop3A_485 = arith.constant -65536 : i32
        %parallel_loop3A_486 = vector.broadcast %parallel_loop3A_485 : i32 to vector<16xi32>
        %parallel_loop3A_487 = arith.andi %parallel_loop3A_434, %parallel_loop3A_486 : vector<16xi32>
        %parallel_loop3A_488 = vector.bitcast %parallel_loop3A_487 : vector<16xi32> to vector<16xf32>
        %parallel_loop3A_489 = arith.mulf %parallel_loop3A_488, %parallel_loop3A_444 : vector<16xf32>
        %parallel_loop3A_490 = arith.addf %parallel_loop3A_484, %parallel_loop3A_489 : vector<16xf32>
        %parallel_loop3A_491 = arith.index_cast %parallel_loop3A_393 : i32 to index
        %parallel_loop3A_492 = tpu.vector_load %arg15[%parallel_loop3A_491] {strides = array<i32>} : memref<4096xf32, #tpu.memory_space<vmem>>, vector<16xf32>,
        tpu.vector_store %arg15[%parallel_loop3A_491], %parallel_loop3A_467 {strides = array<i32>} : memref<4096xf32, #tpu.memory_space<vmem>>, vector<16xf32>,
        %parallel_loop3A_493 = arith.index_cast %parallel_loop3A_393 : i32 to index
        %parallel_loop3A_494 = tpu.vector_load %arg16[%parallel_loop3A_493] {strides = array<i32>} : memref<4096xf32, #tpu.memory_space<vmem>>, vector<16xf32>,
        tpu.vector_store %arg16[%parallel_loop3A_493], %parallel_loop3A_490 {strides = array<i32>} : memref<4096xf32, #tpu.memory_space<vmem>>, vector<16xf32>,
      } {sc.loop_unroll_factor = 8 : i64, sc.parallel_access}
      %mul3A_378 = arith.constant 32 : i32
      %mul3A_379 = arith.muli %select_n3A_171, %mul3A_378 : i32
      %add3A_380 = arith.addi %mul3A_379, %mul3A_189 : i32
      %dma_start3A_381 = tpu.memref_slice %arg5[%add3A_380, %mul3A_348] : memref<128x65536xf32, #tpu.memory_space<hbm>> -> memref<1x4096xf32, #tpu.memory_space<hbm>>
      %dma_start3A_382 = tpu.memref_squeeze %dma_start3A_381 : memref<1x4096xf32, #tpu.memory_space<hbm>> -> memref<4096xf32, #tpu.memory_space<hbm>>
      %dma_start3A_383 = tpu.memref_slice %arg5[%add3A_380, %mul3A_348] : memref<128x65536xf32, #tpu.memory_space<hbm>> -> memref<1x4096xf32, #tpu.memory_space<hbm>>
      %dma_start3A_384 = tpu.memref_squeeze %dma_start3A_383 : memref<1x4096xf32, #tpu.memory_space<hbm>> -> memref<4096xf32, #tpu.memory_space<hbm>>
      tpu.enqueue_dma source(%arg15 : memref<4096xf32, #tpu.memory_space<vmem>>) target(%dma_start3A_384 : memref<4096xf32, #tpu.memory_space<hbm>>) target_semaphore(%arg20 : memref<!tpu.dma_semaphore, #tpu.memory_space<semaphore_mem>>)
      %add3A_385 = arith.constant 1 : i32
      %add3A_386 = arith.addi %add3A_380, %add3A_385 : i32
      %dma_start3A_387 = tpu.memref_slice %arg5[%add3A_386, %mul3A_348] : memref<128x65536xf32, #tpu.memory_space<hbm>> -> memref<1x4096xf32, #tpu.memory_space<hbm>>
      %dma_start3A_388 = tpu.memref_squeeze %dma_start3A_387 : memref<1x4096xf32, #tpu.memory_space<hbm>> -> memref<4096xf32, #tpu.memory_space<hbm>>
      %dma_start3A_389 = tpu.memref_slice %arg5[%add3A_386, %mul3A_348] : memref<128x65536xf32, #tpu.memory_space<hbm>> -> memref<1x4096xf32, #tpu.memory_space<hbm>>
      %dma_start3A_390 = tpu.memref_squeeze %dma_start3A_389 : memref<1x4096xf32, #tpu.memory_space<hbm>> -> memref<4096xf32, #tpu.memory_space<hbm>>
      tpu.enqueue_dma source(%arg16 : memref<4096xf32, #tpu.memory_space<vmem>>) target(%dma_start3A_390 : memref<4096xf32, #tpu.memory_space<hbm>>) target_semaphore(%arg20 : memref<!tpu.dma_semaphore, #tpu.memory_space<semaphore_mem>>)
    }
    %scan3A_269 = arith.constant 8 : i32
    %dma_wait3A_270 = arith.constant 0 : i32
    %dma_wait3A_271 = arith.constant 0 : i32
    %dma_wait3A_272 = tpu.memref_slice %arg5[%dma_wait3A_270, %dma_wait3A_271] : memref<128x65536xf32, #tpu.memory_space<hbm>> -> memref<1x4096xf32, #tpu.memory_space<hbm>>
    %dma_wait3A_273 = tpu.memref_squeeze %dma_wait3A_272 : memref<1x4096xf32, #tpu.memory_space<hbm>> -> memref<4096xf32, #tpu.memory_space<hbm>>
    %dma_wait3A_274 = arith.constant 0 : i32
    %dma_wait3A_275 = tpu.memref_slice %arg5[%dma_wait3A_270, %dma_wait3A_274] : memref<128x65536xf32, #tpu.memory_space<hbm>> -> memref<1x4096xf32, #tpu.memory_space<hbm>>
    %dma_wait3A_276 = tpu.memref_squeeze %dma_wait3A_275 : memref<1x4096xf32, #tpu.memory_space<hbm>> -> memref<4096xf32, #tpu.memory_space<hbm>>
    tpu.wait_dma2 semaphore(%arg20 : memref<!tpu.dma_semaphore, #tpu.memory_space<semaphore_mem>>) src(%arg13 : memref<4096xf32, #tpu.memory_space<vmem>>) dst(%dma_wait3A_276 : memref<4096xf32, #tpu.memory_space<hbm>>)
    %dma_wait3A_277 = arith.constant 0 : i32
    %dma_wait3A_278 = arith.constant 0 : i32
    %dma_wait3A_279 = tpu.memref_slice %arg5[%dma_wait3A_277, %dma_wait3A_278] : memref<128x65536xf32, #tpu.memory_space<hbm>> -> memref<1x4096xf32, #tpu.memory_space<hbm>>
    %dma_wait3A_280 = tpu.memref_squeeze %dma_wait3A_279 : memref<1x4096xf32, #tpu.memory_space<hbm>> -> memref<4096xf32, #tpu.memory_space<hbm>>
    %dma_wait3A_281 = arith.constant 0 : i32
    %dma_wait3A_282 = tpu.memref_slice %arg5[%dma_wait3A_277, %dma_wait3A_281] : memref<128x65536xf32, #tpu.memory_space<hbm>> -> memref<1x4096xf32, #tpu.memory_space<hbm>>
    %dma_wait3A_283 = tpu.memref_squeeze %dma_wait3A_282 : memref<1x4096xf32, #tpu.memory_space<hbm>> -> memref<4096xf32, #tpu.memory_space<hbm>>
    tpu.wait_dma2 semaphore(%arg20 : memref<!tpu.dma_semaphore, #tpu.memory_space<semaphore_mem>>) src(%arg14 : memref<4096xf32, #tpu.memory_space<vmem>>) dst(%dma_wait3A_283 : memref<4096xf32, #tpu.memory_space<hbm>>)
    %dma_wait3A_284 = arith.constant 0 : i32
    %dma_wait3A_285 = arith.constant 0 : i32
    %dma_wait3A_286 = tpu.memref_slice %arg5[%dma_wait3A_284, %dma_wait3A_285] : memref<128x65536xf32, #tpu.memory_space<hbm>> -> memref<1x4096xf32, #tpu.memory_space<hbm>>
    %dma_wait3A_287 = tpu.memref_squeeze %dma_wait3A_286 : memref<1x4096xf32, #tpu.memory_space<hbm>> -> memref<4096xf32, #tpu.memory_space<hbm>>
    %dma_wait3A_288 = arith.constant 0 : i32
    %dma_wait3A_289 = tpu.memref_slice %arg5[%dma_wait3A_284, %dma_wait3A_288] : memref<128x65536xf32, #tpu.memory_space<hbm>> -> memref<1x4096xf32, #tpu.memory_space<hbm>>
    %dma_wait3A_290 = tpu.memref_squeeze %dma_wait3A_289 : memref<1x4096xf32, #tpu.memory_space<hbm>> -> memref<4096xf32, #tpu.memory_space<hbm>>
    tpu.wait_dma2 semaphore(%arg20 : memref<!tpu.dma_semaphore, #tpu.memory_space<semaphore_mem>>) src(%arg15 : memref<4096xf32, #tpu.memory_space<vmem>>) dst(%dma_wait3A_290 : memref<4096xf32, #tpu.memory_space<hbm>>)
    %dma_wait3A_291 = arith.constant 0 : i32
    %dma_wait3A_292 = arith.constant 0 : i32
    %dma_wait3A_293 = tpu.memref_slice %arg5[%dma_wait3A_291, %dma_wait3A_292] : memref<128x65536xf32, #tpu.memory_space<hbm>> -> memref<1x4096xf32, #tpu.memory_space<hbm>>
    %dma_wait3A_294 = tpu.memref_squeeze %dma_wait3A_293 : memref<1x4096xf32, #tpu.memory_space<hbm>> -> memref<4096xf32, #tpu.memory_space<hbm>>
    %dma_wait3A_295 = arith.constant 0 : i32
    %dma_wait3A_296 = tpu.memref_slice %arg5[%dma_wait3A_291, %dma_wait3A_295] : memref<128x65536xf32, #tpu.memory_space<hbm>> -> memref<1x4096xf32, #tpu.memory_space<hbm>>
    %dma_wait3A_297 = tpu.memref_squeeze %dma_wait3A_296 : memref<1x4096xf32, #tpu.memory_space<hbm>> -> memref<4096xf32, #tpu.memory_space<hbm>>
    tpu.wait_dma2 semaphore(%arg20 : memref<!tpu.dma_semaphore, #tpu.memory_space<semaphore_mem>>) src(%arg16 : memref<4096xf32, #tpu.memory_space<vmem>>) dst(%dma_wait3A_297 : memref<4096xf32, #tpu.memory_space<hbm>>)
    return
  }
}

module attributes {stable_mosaic.version = 14 : i64} {
  func.func @_wmod_body(%arg0: memref<4x512xf32, #tpu.memory_space<vmem>>, %arg1: memref<3x32xf32, #tpu.memory_space<vmem>>, %arg2: memref<32x512xf32, #tpu.memory_space<vmem>>, %arg3: memref<1x32xf32, #tpu.memory_space<vmem>>, %arg4: memref<4x3x32xf32, #tpu.memory_space<vmem>>) attributes {dimension_semantics = [], scalar_prefetch = 0 : i64, scratch_operands = 0 : i64, tpu.core_type = #tpu.core_type<tc>} {
    %get3A = arith.constant 0 : index
    %get3A_0 = arith.constant 0 : index
    %get3A_1 = vector.load %arg0[%get3A, %get3A_0] : memref<4x512xf32, #tpu.memory_space<vmem>>, vector<4x512xf32>
    %get3A_2 = arith.constant 0 : index
    %get3A_3 = arith.constant 0 : index
    %get3A_4 = vector.load %arg2[%get3A_2, %get3A_3] : memref<32x512xf32, #tpu.memory_space<vmem>>, vector<32x512xf32>
    %dot_general3A = arith.constant dense<0.000000e+00> : vector<4x32xf32>
    %dot_general3A_5 = tpu.matmul %get3A_1, %get3A_4, %dot_general3A {dimension_numbers = #tpu.dot_dimension_numbers<[1], [1], [0], [0], [0, 0, 1, 0], [], []>, transpose_lhs_hint = false} : vector<4x512xf32>, vector<32x512xf32>, vector<4x32xf32> -> vector<4x32xf32>
    %get3A_6 = arith.constant 0 : index
    %get3A_7 = arith.constant 0 : index
    %get3A_8 = vector.load %arg3[%get3A_6, %get3A_7] : memref<1x32xf32, #tpu.memory_space<vmem>>, vector<1x32xf32>
    %add3A = vector.broadcast %get3A_8 : vector<1x32xf32> to vector<4x32xf32>
    %add3A_9 = arith.addf %dot_general3A_5, %add3A : vector<4x32xf32>
    %get3A_10 = arith.constant 0 : index
    %get3A_11 = arith.constant 0 : index
    %get3A_12 = vector.load %arg1[%get3A_10, %get3A_11] : memref<3x32xf32, #tpu.memory_space<vmem>>, vector<3x32xf32>
    %broadcast_in_dim3A = vector.shape_cast %get3A_12 : vector<3x32xf32> to vector<1x3x32xf32>
    %broadcast_in_dim3A_13 = vector.shape_cast %add3A_9 : vector<4x32xf32> to vector<4x1x32xf32>
    %mul3A = vector.broadcast %broadcast_in_dim3A : vector<1x3x32xf32> to vector<4x3x32xf32>
    %mul3A_14 = vector.broadcast %broadcast_in_dim3A_13 : vector<4x1x32xf32> to vector<4x3x32xf32>
    %mul3A_15 = arith.mulf %mul3A, %mul3A_14 : vector<4x3x32xf32>
    %mul3A_16 = arith.mulf %mul3A_15, %mul3A_15 : vector<4x3x32xf32>
    %reduce_sum3A = arith.constant dense<0.000000e+00> : vector<4x3xf32>
    %reduce_sum3A_17 = vector.multi_reduction <add>, %mul3A_16, %reduce_sum3A [2] : vector<4x3x32xf32> to vector<4x3xf32>
    %add3A_18 = arith.constant 9.99999993E-9 : f32
    %add3A_19 = vector.broadcast %add3A_18 : f32 to vector<4x3xf32>
    %add3A_20 = arith.addf %reduce_sum3A_17, %add3A_19 : vector<4x3xf32>
    %rsqrt3A = math.rsqrt %add3A_20 : vector<4x3xf32>
    %broadcast_in_dim3A_21 = vector.shape_cast %rsqrt3A : vector<4x3xf32> to vector<4x3x1xf32>
    %mul3A_22 = vector.broadcast %broadcast_in_dim3A_21 : vector<4x3x1xf32> to vector<4x3x32xf32>
    %mul3A_23 = arith.mulf %mul3A_15, %mul3A_22 : vector<4x3x32xf32>
    %swap3A = arith.constant 0 : index
    %swap3A_24 = arith.constant 0 : index
    %swap3A_25 = arith.constant 0 : index
    %swap3A_26 = vector.load %arg4[%swap3A, %swap3A_24, %swap3A_25] : memref<4x3x32xf32, #tpu.memory_space<vmem>>, vector<4x3x32xf32>
    tpu.vector_store %arg4[%swap3A, %swap3A_24, %swap3A_25], %mul3A_23 {strides = array<i32>} : memref<4x3x32xf32, #tpu.memory_space<vmem>>, vector<4x3x32xf32>,
    return
  }
}

module attributes {stable_mosaic.version = 14 : i64} {
  func.func @_modlin_body(%arg0: i32, %arg1: i32, %arg2: memref<1x32x256x128xf32, #tpu.memory_space<vmem>>, %arg3: memref<4x3x32xf32, #tpu.memory_space<vmem>>, %arg4: memref<3x1xf32, #tpu.memory_space<vmem>>, %arg5: memref<1x3x256x128xf32, #tpu.memory_space<vmem>>) attributes {dimension_semantics = [#tpu.dimension_semantics<arbitrary>, #tpu.dimension_semantics<arbitrary>], iteration_bounds = array<i64: 4, 2>, scalar_prefetch = 0 : i64, scratch_operands = 0 : i64, tpu.core_type = #tpu.core_type<tc>, window_params = [{transform_indices = @transform_0, window_bounds = array<i64: 1, 32, 256, 128>}, {pipeline_mode = #tpu.pipeline_mode<synchronous>, transform_indices = @transform_1, window_bounds = array<i64: 4, 3, 32>}, {pipeline_mode = #tpu.pipeline_mode<synchronous>, transform_indices = @transform_2, window_bounds = array<i64: 3, 1>}, {transform_indices = @transform_3, window_bounds = array<i64: 1, 3, 256, 128>}]} {
    %get3A = arith.constant 0 : index
    %get3A_0 = arith.constant 0 : index
    %get3A_1 = arith.constant 0 : index
    %get3A_2 = vector.load %arg3[%get3A, %get3A_0, %get3A_1] : memref<4x3x32xf32, #tpu.memory_space<vmem>>, vector<4x3x32xf32>
    %iota3A = tpu.iota {dimensions = array<i32: 0>} : vector<4x1x1xi32>
    %eq3A = vector.broadcast %arg0 : i32 to vector<4x1x1xi32>
    %eq3A_3 = arith.cmpi eq, %iota3A, %eq3A : vector<4x1x1xi32>
    %jit3A = arith.constant 0.000000e+00 : f32
    %broadcast_in_dim3A = vector.shape_cast %eq3A_3 : vector<4x1x1xi1> to vector<4x1x1xi1>
    %broadcast_in_dim3A_4 = vector.broadcast %broadcast_in_dim3A : vector<4x1x1xi1> to vector<4x3x32xi1>
    %broadcast_in_dim3A_5 = vector.broadcast %jit3A : f32 to vector<4x3x32xf32>
    %select_n3A = arith.select %broadcast_in_dim3A_4, %get3A_2, %broadcast_in_dim3A_5 : vector<4x3x32xi1>, vector<4x3x32xf32>
    %reduce_sum3A = arith.constant dense<0.000000e+00> : vector<3x32xf32>
    %reduce_sum3A_6 = vector.multi_reduction <add>, %select_n3A, %reduce_sum3A [0] : vector<4x3x32xf32> to vector<3x32xf32>
    %get3A_7 = arith.constant 0 : index
    %get3A_8 = arith.constant 0 : index
    %get3A_9 = arith.constant 0 : index
    %get3A_10 = arith.constant 0 : index
    %get3A_11 = vector.load %arg2[%get3A_7, %get3A_8, %get3A_9, %get3A_10] : memref<1x32x256x128xf32, #tpu.memory_space<vmem>>, vector<1x32x256x128xf32>
    %squeeze3A = vector.shape_cast %get3A_11 : vector<1x32x256x128xf32> to vector<32x256x128xf32>
    %get3A_12 = arith.constant 0 : index
    %get3A_13 = arith.constant 0 : index
    %get3A_14 = vector.load %arg4[%get3A_12, %get3A_13] : memref<3x1xf32, #tpu.memory_space<vmem>>, vector<3x1xf32>
    %broadcast_in_dim3A_15 = vector.shape_cast %get3A_14 : vector<3x1xf32> to vector<3x1x1xf32>
    %broadcast_in_dim3A_16 = vector.shape_cast %broadcast_in_dim3A_15 : vector<3x1x1xf32> to vector<3x1x1xf32>
    %broadcast_in_dim3A_17 = vector.broadcast %broadcast_in_dim3A_16 : vector<3x1x1xf32> to vector<3x256x128xf32>
    %broadcast_in_dim3A_18 = arith.constant 0.000000e+00 : f32
    %broadcast_in_dim3A_19 = vector.broadcast %broadcast_in_dim3A_18 : f32 to vector<3x256x128xf32>
    %broadcast_in_dim3A_20 = arith.constant 0.000000e+00 : f32
    %broadcast_in_dim3A_21 = vector.broadcast %broadcast_in_dim3A_20 : f32 to vector<3x256x128xf32>
    %broadcast_in_dim3A_22 = arith.constant 0.000000e+00 : f32
    %broadcast_in_dim3A_23 = vector.broadcast %broadcast_in_dim3A_22 : f32 to vector<3x256x128xf32>
    %slice3A = vector.extract_strided_slice %reduce_sum3A_6 {offsets = [0, 0], sizes = [3, 1], strides = [1, 1]} : vector<3x32xf32> to vector<3x1xf32>
    %squeeze3A_24 = vector.shape_cast %slice3A : vector<3x1xf32> to vector<3xf32>
    %broadcast_in_dim3A_25 = vector.shape_cast %squeeze3A_24 : vector<3xf32> to vector<3x1x1xf32>
    %slice3A_26 = vector.extract_strided_slice %squeeze3A {offsets = [0, 0, 0], sizes = [1, 256, 128], strides = [1, 1, 1]} : vector<32x256x128xf32> to vector<1x256x128xf32>
    %squeeze3A_27 = vector.shape_cast %slice3A_26 : vector<1x256x128xf32> to vector<256x128xf32>
    %broadcast_in_dim3A_28 = vector.shape_cast %squeeze3A_27 : vector<256x128xf32> to vector<1x256x128xf32>
    %mul3A = vector.broadcast %broadcast_in_dim3A_25 : vector<3x1x1xf32> to vector<3x256x128xf32>
    %mul3A_29 = vector.broadcast %broadcast_in_dim3A_28 : vector<1x256x128xf32> to vector<3x256x128xf32>
    %mul3A_30 = arith.mulf %mul3A, %mul3A_29 : vector<3x256x128xf32>
    %add3A = arith.addf %broadcast_in_dim3A_17, %mul3A_30 : vector<3x256x128xf32>
    %slice3A_31 = vector.extract_strided_slice %reduce_sum3A_6 {offsets = [0, 1], sizes = [3, 1], strides = [1, 1]} : vector<3x32xf32> to vector<3x1xf32>
    %squeeze3A_32 = vector.shape_cast %slice3A_31 : vector<3x1xf32> to vector<3xf32>
    %broadcast_in_dim3A_33 = vector.shape_cast %squeeze3A_32 : vector<3xf32> to vector<3x1x1xf32>
    %slice3A_34 = vector.extract_strided_slice %squeeze3A {offsets = [1, 0, 0], sizes = [1, 256, 128], strides = [1, 1, 1]} : vector<32x256x128xf32> to vector<1x256x128xf32>
    %squeeze3A_35 = vector.shape_cast %slice3A_34 : vector<1x256x128xf32> to vector<256x128xf32>
    %broadcast_in_dim3A_36 = vector.shape_cast %squeeze3A_35 : vector<256x128xf32> to vector<1x256x128xf32>
    %mul3A_37 = vector.broadcast %broadcast_in_dim3A_33 : vector<3x1x1xf32> to vector<3x256x128xf32>
    %mul3A_38 = vector.broadcast %broadcast_in_dim3A_36 : vector<1x256x128xf32> to vector<3x256x128xf32>
    %mul3A_39 = arith.mulf %mul3A_37, %mul3A_38 : vector<3x256x128xf32>
    %add3A_40 = arith.addf %broadcast_in_dim3A_19, %mul3A_39 : vector<3x256x128xf32>
    %slice3A_41 = vector.extract_strided_slice %reduce_sum3A_6 {offsets = [0, 2], sizes = [3, 1], strides = [1, 1]} : vector<3x32xf32> to vector<3x1xf32>
    %squeeze3A_42 = vector.shape_cast %slice3A_41 : vector<3x1xf32> to vector<3xf32>
    %broadcast_in_dim3A_43 = vector.shape_cast %squeeze3A_42 : vector<3xf32> to vector<3x1x1xf32>
    %slice3A_44 = vector.extract_strided_slice %squeeze3A {offsets = [2, 0, 0], sizes = [1, 256, 128], strides = [1, 1, 1]} : vector<32x256x128xf32> to vector<1x256x128xf32>
    %squeeze3A_45 = vector.shape_cast %slice3A_44 : vector<1x256x128xf32> to vector<256x128xf32>
    %broadcast_in_dim3A_46 = vector.shape_cast %squeeze3A_45 : vector<256x128xf32> to vector<1x256x128xf32>
    %mul3A_47 = vector.broadcast %broadcast_in_dim3A_43 : vector<3x1x1xf32> to vector<3x256x128xf32>
    %mul3A_48 = vector.broadcast %broadcast_in_dim3A_46 : vector<1x256x128xf32> to vector<3x256x128xf32>
    %mul3A_49 = arith.mulf %mul3A_47, %mul3A_48 : vector<3x256x128xf32>
    %add3A_50 = arith.addf %broadcast_in_dim3A_21, %mul3A_49 : vector<3x256x128xf32>
    %slice3A_51 = vector.extract_strided_slice %reduce_sum3A_6 {offsets = [0, 3], sizes = [3, 1], strides = [1, 1]} : vector<3x32xf32> to vector<3x1xf32>
    %squeeze3A_52 = vector.shape_cast %slice3A_51 : vector<3x1xf32> to vector<3xf32>
    %broadcast_in_dim3A_53 = vector.shape_cast %squeeze3A_52 : vector<3xf32> to vector<3x1x1xf32>
    %slice3A_54 = vector.extract_strided_slice %squeeze3A {offsets = [3, 0, 0], sizes = [1, 256, 128], strides = [1, 1, 1]} : vector<32x256x128xf32> to vector<1x256x128xf32>
    %squeeze3A_55 = vector.shape_cast %slice3A_54 : vector<1x256x128xf32> to vector<256x128xf32>
    %broadcast_in_dim3A_56 = vector.shape_cast %squeeze3A_55 : vector<256x128xf32> to vector<1x256x128xf32>
    %mul3A_57 = vector.broadcast %broadcast_in_dim3A_53 : vector<3x1x1xf32> to vector<3x256x128xf32>
    %mul3A_58 = vector.broadcast %broadcast_in_dim3A_56 : vector<1x256x128xf32> to vector<3x256x128xf32>
    %mul3A_59 = arith.mulf %mul3A_57, %mul3A_58 : vector<3x256x128xf32>
    %add3A_60 = arith.addf %broadcast_in_dim3A_23, %mul3A_59 : vector<3x256x128xf32>
    %slice3A_61 = vector.extract_strided_slice %reduce_sum3A_6 {offsets = [0, 4], sizes = [3, 1], strides = [1, 1]} : vector<3x32xf32> to vector<3x1xf32>
    %squeeze3A_62 = vector.shape_cast %slice3A_61 : vector<3x1xf32> to vector<3xf32>
    %broadcast_in_dim3A_63 = vector.shape_cast %squeeze3A_62 : vector<3xf32> to vector<3x1x1xf32>
    %slice3A_64 = vector.extract_strided_slice %squeeze3A {offsets = [4, 0, 0], sizes = [1, 256, 128], strides = [1, 1, 1]} : vector<32x256x128xf32> to vector<1x256x128xf32>
    %squeeze3A_65 = vector.shape_cast %slice3A_64 : vector<1x256x128xf32> to vector<256x128xf32>
    %broadcast_in_dim3A_66 = vector.shape_cast %squeeze3A_65 : vector<256x128xf32> to vector<1x256x128xf32>
    %mul3A_67 = vector.broadcast %broadcast_in_dim3A_63 : vector<3x1x1xf32> to vector<3x256x128xf32>
    %mul3A_68 = vector.broadcast %broadcast_in_dim3A_66 : vector<1x256x128xf32> to vector<3x256x128xf32>
    %mul3A_69 = arith.mulf %mul3A_67, %mul3A_68 : vector<3x256x128xf32>
    %add3A_70 = arith.addf %add3A, %mul3A_69 : vector<3x256x128xf32>
    %slice3A_71 = vector.extract_strided_slice %reduce_sum3A_6 {offsets = [0, 5], sizes = [3, 1], strides = [1, 1]} : vector<3x32xf32> to vector<3x1xf32>
    %squeeze3A_72 = vector.shape_cast %slice3A_71 : vector<3x1xf32> to vector<3xf32>
    %broadcast_in_dim3A_73 = vector.shape_cast %squeeze3A_72 : vector<3xf32> to vector<3x1x1xf32>
    %slice3A_74 = vector.extract_strided_slice %squeeze3A {offsets = [5, 0, 0], sizes = [1, 256, 128], strides = [1, 1, 1]} : vector<32x256x128xf32> to vector<1x256x128xf32>
    %squeeze3A_75 = vector.shape_cast %slice3A_74 : vector<1x256x128xf32> to vector<256x128xf32>
    %broadcast_in_dim3A_76 = vector.shape_cast %squeeze3A_75 : vector<256x128xf32> to vector<1x256x128xf32>
    %mul3A_77 = vector.broadcast %broadcast_in_dim3A_73 : vector<3x1x1xf32> to vector<3x256x128xf32>
    %mul3A_78 = vector.broadcast %broadcast_in_dim3A_76 : vector<1x256x128xf32> to vector<3x256x128xf32>
    %mul3A_79 = arith.mulf %mul3A_77, %mul3A_78 : vector<3x256x128xf32>
    %add3A_80 = arith.addf %add3A_40, %mul3A_79 : vector<3x256x128xf32>
    %slice3A_81 = vector.extract_strided_slice %reduce_sum3A_6 {offsets = [0, 6], sizes = [3, 1], strides = [1, 1]} : vector<3x32xf32> to vector<3x1xf32>
    %squeeze3A_82 = vector.shape_cast %slice3A_81 : vector<3x1xf32> to vector<3xf32>
    %broadcast_in_dim3A_83 = vector.shape_cast %squeeze3A_82 : vector<3xf32> to vector<3x1x1xf32>
    %slice3A_84 = vector.extract_strided_slice %squeeze3A {offsets = [6, 0, 0], sizes = [1, 256, 128], strides = [1, 1, 1]} : vector<32x256x128xf32> to vector<1x256x128xf32>
    %squeeze3A_85 = vector.shape_cast %slice3A_84 : vector<1x256x128xf32> to vector<256x128xf32>
    %broadcast_in_dim3A_86 = vector.shape_cast %squeeze3A_85 : vector<256x128xf32> to vector<1x256x128xf32>
    %mul3A_87 = vector.broadcast %broadcast_in_dim3A_83 : vector<3x1x1xf32> to vector<3x256x128xf32>
    %mul3A_88 = vector.broadcast %broadcast_in_dim3A_86 : vector<1x256x128xf32> to vector<3x256x128xf32>
    %mul3A_89 = arith.mulf %mul3A_87, %mul3A_88 : vector<3x256x128xf32>
    %add3A_90 = arith.addf %add3A_50, %mul3A_89 : vector<3x256x128xf32>
    %slice3A_91 = vector.extract_strided_slice %reduce_sum3A_6 {offsets = [0, 7], sizes = [3, 1], strides = [1, 1]} : vector<3x32xf32> to vector<3x1xf32>
    %squeeze3A_92 = vector.shape_cast %slice3A_91 : vector<3x1xf32> to vector<3xf32>
    %broadcast_in_dim3A_93 = vector.shape_cast %squeeze3A_92 : vector<3xf32> to vector<3x1x1xf32>
    %slice3A_94 = vector.extract_strided_slice %squeeze3A {offsets = [7, 0, 0], sizes = [1, 256, 128], strides = [1, 1, 1]} : vector<32x256x128xf32> to vector<1x256x128xf32>
    %squeeze3A_95 = vector.shape_cast %slice3A_94 : vector<1x256x128xf32> to vector<256x128xf32>
    %broadcast_in_dim3A_96 = vector.shape_cast %squeeze3A_95 : vector<256x128xf32> to vector<1x256x128xf32>
    %mul3A_97 = vector.broadcast %broadcast_in_dim3A_93 : vector<3x1x1xf32> to vector<3x256x128xf32>
    %mul3A_98 = vector.broadcast %broadcast_in_dim3A_96 : vector<1x256x128xf32> to vector<3x256x128xf32>
    %mul3A_99 = arith.mulf %mul3A_97, %mul3A_98 : vector<3x256x128xf32>
    %add3A_100 = arith.addf %add3A_60, %mul3A_99 : vector<3x256x128xf32>
    %slice3A_101 = vector.extract_strided_slice %reduce_sum3A_6 {offsets = [0, 8], sizes = [3, 1], strides = [1, 1]} : vector<3x32xf32> to vector<3x1xf32>
    %squeeze3A_102 = vector.shape_cast %slice3A_101 : vector<3x1xf32> to vector<3xf32>
    %broadcast_in_dim3A_103 = vector.shape_cast %squeeze3A_102 : vector<3xf32> to vector<3x1x1xf32>
    %slice3A_104 = vector.extract_strided_slice %squeeze3A {offsets = [8, 0, 0], sizes = [1, 256, 128], strides = [1, 1, 1]} : vector<32x256x128xf32> to vector<1x256x128xf32>
    %squeeze3A_105 = vector.shape_cast %slice3A_104 : vector<1x256x128xf32> to vector<256x128xf32>
    %broadcast_in_dim3A_106 = vector.shape_cast %squeeze3A_105 : vector<256x128xf32> to vector<1x256x128xf32>
    %mul3A_107 = vector.broadcast %broadcast_in_dim3A_103 : vector<3x1x1xf32> to vector<3x256x128xf32>
    %mul3A_108 = vector.broadcast %broadcast_in_dim3A_106 : vector<1x256x128xf32> to vector<3x256x128xf32>
    %mul3A_109 = arith.mulf %mul3A_107, %mul3A_108 : vector<3x256x128xf32>
    %add3A_110 = arith.addf %add3A_70, %mul3A_109 : vector<3x256x128xf32>
    %slice3A_111 = vector.extract_strided_slice %reduce_sum3A_6 {offsets = [0, 9], sizes = [3, 1], strides = [1, 1]} : vector<3x32xf32> to vector<3x1xf32>
    %squeeze3A_112 = vector.shape_cast %slice3A_111 : vector<3x1xf32> to vector<3xf32>
    %broadcast_in_dim3A_113 = vector.shape_cast %squeeze3A_112 : vector<3xf32> to vector<3x1x1xf32>
    %slice3A_114 = vector.extract_strided_slice %squeeze3A {offsets = [9, 0, 0], sizes = [1, 256, 128], strides = [1, 1, 1]} : vector<32x256x128xf32> to vector<1x256x128xf32>
    %squeeze3A_115 = vector.shape_cast %slice3A_114 : vector<1x256x128xf32> to vector<256x128xf32>
    %broadcast_in_dim3A_116 = vector.shape_cast %squeeze3A_115 : vector<256x128xf32> to vector<1x256x128xf32>
    %mul3A_117 = vector.broadcast %broadcast_in_dim3A_113 : vector<3x1x1xf32> to vector<3x256x128xf32>
    %mul3A_118 = vector.broadcast %broadcast_in_dim3A_116 : vector<1x256x128xf32> to vector<3x256x128xf32>
    %mul3A_119 = arith.mulf %mul3A_117, %mul3A_118 : vector<3x256x128xf32>
    %add3A_120 = arith.addf %add3A_80, %mul3A_119 : vector<3x256x128xf32>
    %slice3A_121 = vector.extract_strided_slice %reduce_sum3A_6 {offsets = [0, 10], sizes = [3, 1], strides = [1, 1]} : vector<3x32xf32> to vector<3x1xf32>
    %squeeze3A_122 = vector.shape_cast %slice3A_121 : vector<3x1xf32> to vector<3xf32>
    %broadcast_in_dim3A_123 = vector.shape_cast %squeeze3A_122 : vector<3xf32> to vector<3x1x1xf32>
    %slice3A_124 = vector.extract_strided_slice %squeeze3A {offsets = [10, 0, 0], sizes = [1, 256, 128], strides = [1, 1, 1]} : vector<32x256x128xf32> to vector<1x256x128xf32>
    %squeeze3A_125 = vector.shape_cast %slice3A_124 : vector<1x256x128xf32> to vector<256x128xf32>
    %broadcast_in_dim3A_126 = vector.shape_cast %squeeze3A_125 : vector<256x128xf32> to vector<1x256x128xf32>
    %mul3A_127 = vector.broadcast %broadcast_in_dim3A_123 : vector<3x1x1xf32> to vector<3x256x128xf32>
    %mul3A_128 = vector.broadcast %broadcast_in_dim3A_126 : vector<1x256x128xf32> to vector<3x256x128xf32>
    %mul3A_129 = arith.mulf %mul3A_127, %mul3A_128 : vector<3x256x128xf32>
    %add3A_130 = arith.addf %add3A_90, %mul3A_129 : vector<3x256x128xf32>
    %slice3A_131 = vector.extract_strided_slice %reduce_sum3A_6 {offsets = [0, 11], sizes = [3, 1], strides = [1, 1]} : vector<3x32xf32> to vector<3x1xf32>
    %squeeze3A_132 = vector.shape_cast %slice3A_131 : vector<3x1xf32> to vector<3xf32>
    %broadcast_in_dim3A_133 = vector.shape_cast %squeeze3A_132 : vector<3xf32> to vector<3x1x1xf32>
    %slice3A_134 = vector.extract_strided_slice %squeeze3A {offsets = [11, 0, 0], sizes = [1, 256, 128], strides = [1, 1, 1]} : vector<32x256x128xf32> to vector<1x256x128xf32>
    %squeeze3A_135 = vector.shape_cast %slice3A_134 : vector<1x256x128xf32> to vector<256x128xf32>
    %broadcast_in_dim3A_136 = vector.shape_cast %squeeze3A_135 : vector<256x128xf32> to vector<1x256x128xf32>
    %mul3A_137 = vector.broadcast %broadcast_in_dim3A_133 : vector<3x1x1xf32> to vector<3x256x128xf32>
    %mul3A_138 = vector.broadcast %broadcast_in_dim3A_136 : vector<1x256x128xf32> to vector<3x256x128xf32>
    %mul3A_139 = arith.mulf %mul3A_137, %mul3A_138 : vector<3x256x128xf32>
    %add3A_140 = arith.addf %add3A_100, %mul3A_139 : vector<3x256x128xf32>
    %slice3A_141 = vector.extract_strided_slice %reduce_sum3A_6 {offsets = [0, 12], sizes = [3, 1], strides = [1, 1]} : vector<3x32xf32> to vector<3x1xf32>
    %squeeze3A_142 = vector.shape_cast %slice3A_141 : vector<3x1xf32> to vector<3xf32>
    %broadcast_in_dim3A_143 = vector.shape_cast %squeeze3A_142 : vector<3xf32> to vector<3x1x1xf32>
    %slice3A_144 = vector.extract_strided_slice %squeeze3A {offsets = [12, 0, 0], sizes = [1, 256, 128], strides = [1, 1, 1]} : vector<32x256x128xf32> to vector<1x256x128xf32>
    %squeeze3A_145 = vector.shape_cast %slice3A_144 : vector<1x256x128xf32> to vector<256x128xf32>
    %broadcast_in_dim3A_146 = vector.shape_cast %squeeze3A_145 : vector<256x128xf32> to vector<1x256x128xf32>
    %mul3A_147 = vector.broadcast %broadcast_in_dim3A_143 : vector<3x1x1xf32> to vector<3x256x128xf32>
    %mul3A_148 = vector.broadcast %broadcast_in_dim3A_146 : vector<1x256x128xf32> to vector<3x256x128xf32>
    %mul3A_149 = arith.mulf %mul3A_147, %mul3A_148 : vector<3x256x128xf32>
    %add3A_150 = arith.addf %add3A_110, %mul3A_149 : vector<3x256x128xf32>
    %slice3A_151 = vector.extract_strided_slice %reduce_sum3A_6 {offsets = [0, 13], sizes = [3, 1], strides = [1, 1]} : vector<3x32xf32> to vector<3x1xf32>
    %squeeze3A_152 = vector.shape_cast %slice3A_151 : vector<3x1xf32> to vector<3xf32>
    %broadcast_in_dim3A_153 = vector.shape_cast %squeeze3A_152 : vector<3xf32> to vector<3x1x1xf32>
    %slice3A_154 = vector.extract_strided_slice %squeeze3A {offsets = [13, 0, 0], sizes = [1, 256, 128], strides = [1, 1, 1]} : vector<32x256x128xf32> to vector<1x256x128xf32>
    %squeeze3A_155 = vector.shape_cast %slice3A_154 : vector<1x256x128xf32> to vector<256x128xf32>
    %broadcast_in_dim3A_156 = vector.shape_cast %squeeze3A_155 : vector<256x128xf32> to vector<1x256x128xf32>
    %mul3A_157 = vector.broadcast %broadcast_in_dim3A_153 : vector<3x1x1xf32> to vector<3x256x128xf32>
    %mul3A_158 = vector.broadcast %broadcast_in_dim3A_156 : vector<1x256x128xf32> to vector<3x256x128xf32>
    %mul3A_159 = arith.mulf %mul3A_157, %mul3A_158 : vector<3x256x128xf32>
    %add3A_160 = arith.addf %add3A_120, %mul3A_159 : vector<3x256x128xf32>
    %slice3A_161 = vector.extract_strided_slice %reduce_sum3A_6 {offsets = [0, 14], sizes = [3, 1], strides = [1, 1]} : vector<3x32xf32> to vector<3x1xf32>
    %squeeze3A_162 = vector.shape_cast %slice3A_161 : vector<3x1xf32> to vector<3xf32>
    %broadcast_in_dim3A_163 = vector.shape_cast %squeeze3A_162 : vector<3xf32> to vector<3x1x1xf32>
    %slice3A_164 = vector.extract_strided_slice %squeeze3A {offsets = [14, 0, 0], sizes = [1, 256, 128], strides = [1, 1, 1]} : vector<32x256x128xf32> to vector<1x256x128xf32>
    %squeeze3A_165 = vector.shape_cast %slice3A_164 : vector<1x256x128xf32> to vector<256x128xf32>
    %broadcast_in_dim3A_166 = vector.shape_cast %squeeze3A_165 : vector<256x128xf32> to vector<1x256x128xf32>
    %mul3A_167 = vector.broadcast %broadcast_in_dim3A_163 : vector<3x1x1xf32> to vector<3x256x128xf32>
    %mul3A_168 = vector.broadcast %broadcast_in_dim3A_166 : vector<1x256x128xf32> to vector<3x256x128xf32>
    %mul3A_169 = arith.mulf %mul3A_167, %mul3A_168 : vector<3x256x128xf32>
    %add3A_170 = arith.addf %add3A_130, %mul3A_169 : vector<3x256x128xf32>
    %slice3A_171 = vector.extract_strided_slice %reduce_sum3A_6 {offsets = [0, 15], sizes = [3, 1], strides = [1, 1]} : vector<3x32xf32> to vector<3x1xf32>
    %squeeze3A_172 = vector.shape_cast %slice3A_171 : vector<3x1xf32> to vector<3xf32>
    %broadcast_in_dim3A_173 = vector.shape_cast %squeeze3A_172 : vector<3xf32> to vector<3x1x1xf32>
    %slice3A_174 = vector.extract_strided_slice %squeeze3A {offsets = [15, 0, 0], sizes = [1, 256, 128], strides = [1, 1, 1]} : vector<32x256x128xf32> to vector<1x256x128xf32>
    %squeeze3A_175 = vector.shape_cast %slice3A_174 : vector<1x256x128xf32> to vector<256x128xf32>
    %broadcast_in_dim3A_176 = vector.shape_cast %squeeze3A_175 : vector<256x128xf32> to vector<1x256x128xf32>
    %mul3A_177 = vector.broadcast %broadcast_in_dim3A_173 : vector<3x1x1xf32> to vector<3x256x128xf32>
    %mul3A_178 = vector.broadcast %broadcast_in_dim3A_176 : vector<1x256x128xf32> to vector<3x256x128xf32>
    %mul3A_179 = arith.mulf %mul3A_177, %mul3A_178 : vector<3x256x128xf32>
    %add3A_180 = arith.addf %add3A_140, %mul3A_179 : vector<3x256x128xf32>
    %slice3A_181 = vector.extract_strided_slice %reduce_sum3A_6 {offsets = [0, 16], sizes = [3, 1], strides = [1, 1]} : vector<3x32xf32> to vector<3x1xf32>
    %squeeze3A_182 = vector.shape_cast %slice3A_181 : vector<3x1xf32> to vector<3xf32>
    %broadcast_in_dim3A_183 = vector.shape_cast %squeeze3A_182 : vector<3xf32> to vector<3x1x1xf32>
    %slice3A_184 = vector.extract_strided_slice %squeeze3A {offsets = [16, 0, 0], sizes = [1, 256, 128], strides = [1, 1, 1]} : vector<32x256x128xf32> to vector<1x256x128xf32>
    %squeeze3A_185 = vector.shape_cast %slice3A_184 : vector<1x256x128xf32> to vector<256x128xf32>
    %broadcast_in_dim3A_186 = vector.shape_cast %squeeze3A_185 : vector<256x128xf32> to vector<1x256x128xf32>
    %mul3A_187 = vector.broadcast %broadcast_in_dim3A_183 : vector<3x1x1xf32> to vector<3x256x128xf32>
    %mul3A_188 = vector.broadcast %broadcast_in_dim3A_186 : vector<1x256x128xf32> to vector<3x256x128xf32>
    %mul3A_189 = arith.mulf %mul3A_187, %mul3A_188 : vector<3x256x128xf32>
    %add3A_190 = arith.addf %add3A_150, %mul3A_189 : vector<3x256x128xf32>
    %slice3A_191 = vector.extract_strided_slice %reduce_sum3A_6 {offsets = [0, 17], sizes = [3, 1], strides = [1, 1]} : vector<3x32xf32> to vector<3x1xf32>
    %squeeze3A_192 = vector.shape_cast %slice3A_191 : vector<3x1xf32> to vector<3xf32>
    %broadcast_in_dim3A_193 = vector.shape_cast %squeeze3A_192 : vector<3xf32> to vector<3x1x1xf32>
    %slice3A_194 = vector.extract_strided_slice %squeeze3A {offsets = [17, 0, 0], sizes = [1, 256, 128], strides = [1, 1, 1]} : vector<32x256x128xf32> to vector<1x256x128xf32>
    %squeeze3A_195 = vector.shape_cast %slice3A_194 : vector<1x256x128xf32> to vector<256x128xf32>
    %broadcast_in_dim3A_196 = vector.shape_cast %squeeze3A_195 : vector<256x128xf32> to vector<1x256x128xf32>
    %mul3A_197 = vector.broadcast %broadcast_in_dim3A_193 : vector<3x1x1xf32> to vector<3x256x128xf32>
    %mul3A_198 = vector.broadcast %broadcast_in_dim3A_196 : vector<1x256x128xf32> to vector<3x256x128xf32>
    %mul3A_199 = arith.mulf %mul3A_197, %mul3A_198 : vector<3x256x128xf32>
    %add3A_200 = arith.addf %add3A_160, %mul3A_199 : vector<3x256x128xf32>
    %slice3A_201 = vector.extract_strided_slice %reduce_sum3A_6 {offsets = [0, 18], sizes = [3, 1], strides = [1, 1]} : vector<3x32xf32> to vector<3x1xf32>
    %squeeze3A_202 = vector.shape_cast %slice3A_201 : vector<3x1xf32> to vector<3xf32>
    %broadcast_in_dim3A_203 = vector.shape_cast %squeeze3A_202 : vector<3xf32> to vector<3x1x1xf32>
    %slice3A_204 = vector.extract_strided_slice %squeeze3A {offsets = [18, 0, 0], sizes = [1, 256, 128], strides = [1, 1, 1]} : vector<32x256x128xf32> to vector<1x256x128xf32>
    %squeeze3A_205 = vector.shape_cast %slice3A_204 : vector<1x256x128xf32> to vector<256x128xf32>
    %broadcast_in_dim3A_206 = vector.shape_cast %squeeze3A_205 : vector<256x128xf32> to vector<1x256x128xf32>
    %mul3A_207 = vector.broadcast %broadcast_in_dim3A_203 : vector<3x1x1xf32> to vector<3x256x128xf32>
    %mul3A_208 = vector.broadcast %broadcast_in_dim3A_206 : vector<1x256x128xf32> to vector<3x256x128xf32>
    %mul3A_209 = arith.mulf %mul3A_207, %mul3A_208 : vector<3x256x128xf32>
    %add3A_210 = arith.addf %add3A_170, %mul3A_209 : vector<3x256x128xf32>
    %slice3A_211 = vector.extract_strided_slice %reduce_sum3A_6 {offsets = [0, 19], sizes = [3, 1], strides = [1, 1]} : vector<3x32xf32> to vector<3x1xf32>
    %squeeze3A_212 = vector.shape_cast %slice3A_211 : vector<3x1xf32> to vector<3xf32>
    %broadcast_in_dim3A_213 = vector.shape_cast %squeeze3A_212 : vector<3xf32> to vector<3x1x1xf32>
    %slice3A_214 = vector.extract_strided_slice %squeeze3A {offsets = [19, 0, 0], sizes = [1, 256, 128], strides = [1, 1, 1]} : vector<32x256x128xf32> to vector<1x256x128xf32>
    %squeeze3A_215 = vector.shape_cast %slice3A_214 : vector<1x256x128xf32> to vector<256x128xf32>
    %broadcast_in_dim3A_216 = vector.shape_cast %squeeze3A_215 : vector<256x128xf32> to vector<1x256x128xf32>
    %mul3A_217 = vector.broadcast %broadcast_in_dim3A_213 : vector<3x1x1xf32> to vector<3x256x128xf32>
    %mul3A_218 = vector.broadcast %broadcast_in_dim3A_216 : vector<1x256x128xf32> to vector<3x256x128xf32>
    %mul3A_219 = arith.mulf %mul3A_217, %mul3A_218 : vector<3x256x128xf32>
    %add3A_220 = arith.addf %add3A_180, %mul3A_219 : vector<3x256x128xf32>
    %slice3A_221 = vector.extract_strided_slice %reduce_sum3A_6 {offsets = [0, 20], sizes = [3, 1], strides = [1, 1]} : vector<3x32xf32> to vector<3x1xf32>
    %squeeze3A_222 = vector.shape_cast %slice3A_221 : vector<3x1xf32> to vector<3xf32>
    %broadcast_in_dim3A_223 = vector.shape_cast %squeeze3A_222 : vector<3xf32> to vector<3x1x1xf32>
    %slice3A_224 = vector.extract_strided_slice %squeeze3A {offsets = [20, 0, 0], sizes = [1, 256, 128], strides = [1, 1, 1]} : vector<32x256x128xf32> to vector<1x256x128xf32>
    %squeeze3A_225 = vector.shape_cast %slice3A_224 : vector<1x256x128xf32> to vector<256x128xf32>
    %broadcast_in_dim3A_226 = vector.shape_cast %squeeze3A_225 : vector<256x128xf32> to vector<1x256x128xf32>
    %mul3A_227 = vector.broadcast %broadcast_in_dim3A_223 : vector<3x1x1xf32> to vector<3x256x128xf32>
    %mul3A_228 = vector.broadcast %broadcast_in_dim3A_226 : vector<1x256x128xf32> to vector<3x256x128xf32>
    %mul3A_229 = arith.mulf %mul3A_227, %mul3A_228 : vector<3x256x128xf32>
    %add3A_230 = arith.addf %add3A_190, %mul3A_229 : vector<3x256x128xf32>
    %slice3A_231 = vector.extract_strided_slice %reduce_sum3A_6 {offsets = [0, 21], sizes = [3, 1], strides = [1, 1]} : vector<3x32xf32> to vector<3x1xf32>
    %squeeze3A_232 = vector.shape_cast %slice3A_231 : vector<3x1xf32> to vector<3xf32>
    %broadcast_in_dim3A_233 = vector.shape_cast %squeeze3A_232 : vector<3xf32> to vector<3x1x1xf32>
    %slice3A_234 = vector.extract_strided_slice %squeeze3A {offsets = [21, 0, 0], sizes = [1, 256, 128], strides = [1, 1, 1]} : vector<32x256x128xf32> to vector<1x256x128xf32>
    %squeeze3A_235 = vector.shape_cast %slice3A_234 : vector<1x256x128xf32> to vector<256x128xf32>
    %broadcast_in_dim3A_236 = vector.shape_cast %squeeze3A_235 : vector<256x128xf32> to vector<1x256x128xf32>
    %mul3A_237 = vector.broadcast %broadcast_in_dim3A_233 : vector<3x1x1xf32> to vector<3x256x128xf32>
    %mul3A_238 = vector.broadcast %broadcast_in_dim3A_236 : vector<1x256x128xf32> to vector<3x256x128xf32>
    %mul3A_239 = arith.mulf %mul3A_237, %mul3A_238 : vector<3x256x128xf32>
    %add3A_240 = arith.addf %add3A_200, %mul3A_239 : vector<3x256x128xf32>
    %slice3A_241 = vector.extract_strided_slice %reduce_sum3A_6 {offsets = [0, 22], sizes = [3, 1], strides = [1, 1]} : vector<3x32xf32> to vector<3x1xf32>
    %squeeze3A_242 = vector.shape_cast %slice3A_241 : vector<3x1xf32> to vector<3xf32>
    %broadcast_in_dim3A_243 = vector.shape_cast %squeeze3A_242 : vector<3xf32> to vector<3x1x1xf32>
    %slice3A_244 = vector.extract_strided_slice %squeeze3A {offsets = [22, 0, 0], sizes = [1, 256, 128], strides = [1, 1, 1]} : vector<32x256x128xf32> to vector<1x256x128xf32>
    %squeeze3A_245 = vector.shape_cast %slice3A_244 : vector<1x256x128xf32> to vector<256x128xf32>
    %broadcast_in_dim3A_246 = vector.shape_cast %squeeze3A_245 : vector<256x128xf32> to vector<1x256x128xf32>
    %mul3A_247 = vector.broadcast %broadcast_in_dim3A_243 : vector<3x1x1xf32> to vector<3x256x128xf32>
    %mul3A_248 = vector.broadcast %broadcast_in_dim3A_246 : vector<1x256x128xf32> to vector<3x256x128xf32>
    %mul3A_249 = arith.mulf %mul3A_247, %mul3A_248 : vector<3x256x128xf32>
    %add3A_250 = arith.addf %add3A_210, %mul3A_249 : vector<3x256x128xf32>
    %slice3A_251 = vector.extract_strided_slice %reduce_sum3A_6 {offsets = [0, 23], sizes = [3, 1], strides = [1, 1]} : vector<3x32xf32> to vector<3x1xf32>
    %squeeze3A_252 = vector.shape_cast %slice3A_251 : vector<3x1xf32> to vector<3xf32>
    %broadcast_in_dim3A_253 = vector.shape_cast %squeeze3A_252 : vector<3xf32> to vector<3x1x1xf32>
    %slice3A_254 = vector.extract_strided_slice %squeeze3A {offsets = [23, 0, 0], sizes = [1, 256, 128], strides = [1, 1, 1]} : vector<32x256x128xf32> to vector<1x256x128xf32>
    %squeeze3A_255 = vector.shape_cast %slice3A_254 : vector<1x256x128xf32> to vector<256x128xf32>
    %broadcast_in_dim3A_256 = vector.shape_cast %squeeze3A_255 : vector<256x128xf32> to vector<1x256x128xf32>
    %mul3A_257 = vector.broadcast %broadcast_in_dim3A_253 : vector<3x1x1xf32> to vector<3x256x128xf32>
    %mul3A_258 = vector.broadcast %broadcast_in_dim3A_256 : vector<1x256x128xf32> to vector<3x256x128xf32>
    %mul3A_259 = arith.mulf %mul3A_257, %mul3A_258 : vector<3x256x128xf32>
    %add3A_260 = arith.addf %add3A_220, %mul3A_259 : vector<3x256x128xf32>
    %slice3A_261 = vector.extract_strided_slice %reduce_sum3A_6 {offsets = [0, 24], sizes = [3, 1], strides = [1, 1]} : vector<3x32xf32> to vector<3x1xf32>
    %squeeze3A_262 = vector.shape_cast %slice3A_261 : vector<3x1xf32> to vector<3xf32>
    %broadcast_in_dim3A_263 = vector.shape_cast %squeeze3A_262 : vector<3xf32> to vector<3x1x1xf32>
    %slice3A_264 = vector.extract_strided_slice %squeeze3A {offsets = [24, 0, 0], sizes = [1, 256, 128], strides = [1, 1, 1]} : vector<32x256x128xf32> to vector<1x256x128xf32>
    %squeeze3A_265 = vector.shape_cast %slice3A_264 : vector<1x256x128xf32> to vector<256x128xf32>
    %broadcast_in_dim3A_266 = vector.shape_cast %squeeze3A_265 : vector<256x128xf32> to vector<1x256x128xf32>
    %mul3A_267 = vector.broadcast %broadcast_in_dim3A_263 : vector<3x1x1xf32> to vector<3x256x128xf32>
    %mul3A_268 = vector.broadcast %broadcast_in_dim3A_266 : vector<1x256x128xf32> to vector<3x256x128xf32>
    %mul3A_269 = arith.mulf %mul3A_267, %mul3A_268 : vector<3x256x128xf32>
    %add3A_270 = arith.addf %add3A_230, %mul3A_269 : vector<3x256x128xf32>
    %slice3A_271 = vector.extract_strided_slice %reduce_sum3A_6 {offsets = [0, 25], sizes = [3, 1], strides = [1, 1]} : vector<3x32xf32> to vector<3x1xf32>
    %squeeze3A_272 = vector.shape_cast %slice3A_271 : vector<3x1xf32> to vector<3xf32>
    %broadcast_in_dim3A_273 = vector.shape_cast %squeeze3A_272 : vector<3xf32> to vector<3x1x1xf32>
    %slice3A_274 = vector.extract_strided_slice %squeeze3A {offsets = [25, 0, 0], sizes = [1, 256, 128], strides = [1, 1, 1]} : vector<32x256x128xf32> to vector<1x256x128xf32>
    %squeeze3A_275 = vector.shape_cast %slice3A_274 : vector<1x256x128xf32> to vector<256x128xf32>
    %broadcast_in_dim3A_276 = vector.shape_cast %squeeze3A_275 : vector<256x128xf32> to vector<1x256x128xf32>
    %mul3A_277 = vector.broadcast %broadcast_in_dim3A_273 : vector<3x1x1xf32> to vector<3x256x128xf32>
    %mul3A_278 = vector.broadcast %broadcast_in_dim3A_276 : vector<1x256x128xf32> to vector<3x256x128xf32>
    %mul3A_279 = arith.mulf %mul3A_277, %mul3A_278 : vector<3x256x128xf32>
    %add3A_280 = arith.addf %add3A_240, %mul3A_279 : vector<3x256x128xf32>
    %slice3A_281 = vector.extract_strided_slice %reduce_sum3A_6 {offsets = [0, 26], sizes = [3, 1], strides = [1, 1]} : vector<3x32xf32> to vector<3x1xf32>
    %squeeze3A_282 = vector.shape_cast %slice3A_281 : vector<3x1xf32> to vector<3xf32>
    %broadcast_in_dim3A_283 = vector.shape_cast %squeeze3A_282 : vector<3xf32> to vector<3x1x1xf32>
    %slice3A_284 = vector.extract_strided_slice %squeeze3A {offsets = [26, 0, 0], sizes = [1, 256, 128], strides = [1, 1, 1]} : vector<32x256x128xf32> to vector<1x256x128xf32>
    %squeeze3A_285 = vector.shape_cast %slice3A_284 : vector<1x256x128xf32> to vector<256x128xf32>
    %broadcast_in_dim3A_286 = vector.shape_cast %squeeze3A_285 : vector<256x128xf32> to vector<1x256x128xf32>
    %mul3A_287 = vector.broadcast %broadcast_in_dim3A_283 : vector<3x1x1xf32> to vector<3x256x128xf32>
    %mul3A_288 = vector.broadcast %broadcast_in_dim3A_286 : vector<1x256x128xf32> to vector<3x256x128xf32>
    %mul3A_289 = arith.mulf %mul3A_287, %mul3A_288 : vector<3x256x128xf32>
    %add3A_290 = arith.addf %add3A_250, %mul3A_289 : vector<3x256x128xf32>
    %slice3A_291 = vector.extract_strided_slice %reduce_sum3A_6 {offsets = [0, 27], sizes = [3, 1], strides = [1, 1]} : vector<3x32xf32> to vector<3x1xf32>
    %squeeze3A_292 = vector.shape_cast %slice3A_291 : vector<3x1xf32> to vector<3xf32>
    %broadcast_in_dim3A_293 = vector.shape_cast %squeeze3A_292 : vector<3xf32> to vector<3x1x1xf32>
    %slice3A_294 = vector.extract_strided_slice %squeeze3A {offsets = [27, 0, 0], sizes = [1, 256, 128], strides = [1, 1, 1]} : vector<32x256x128xf32> to vector<1x256x128xf32>
    %squeeze3A_295 = vector.shape_cast %slice3A_294 : vector<1x256x128xf32> to vector<256x128xf32>
    %broadcast_in_dim3A_296 = vector.shape_cast %squeeze3A_295 : vector<256x128xf32> to vector<1x256x128xf32>
    %mul3A_297 = vector.broadcast %broadcast_in_dim3A_293 : vector<3x1x1xf32> to vector<3x256x128xf32>
    %mul3A_298 = vector.broadcast %broadcast_in_dim3A_296 : vector<1x256x128xf32> to vector<3x256x128xf32>
    %mul3A_299 = arith.mulf %mul3A_297, %mul3A_298 : vector<3x256x128xf32>
    %add3A_300 = arith.addf %add3A_260, %mul3A_299 : vector<3x256x128xf32>
    %slice3A_301 = vector.extract_strided_slice %reduce_sum3A_6 {offsets = [0, 28], sizes = [3, 1], strides = [1, 1]} : vector<3x32xf32> to vector<3x1xf32>
    %squeeze3A_302 = vector.shape_cast %slice3A_301 : vector<3x1xf32> to vector<3xf32>
    %broadcast_in_dim3A_303 = vector.shape_cast %squeeze3A_302 : vector<3xf32> to vector<3x1x1xf32>
    %slice3A_304 = vector.extract_strided_slice %squeeze3A {offsets = [28, 0, 0], sizes = [1, 256, 128], strides = [1, 1, 1]} : vector<32x256x128xf32> to vector<1x256x128xf32>
    %squeeze3A_305 = vector.shape_cast %slice3A_304 : vector<1x256x128xf32> to vector<256x128xf32>
    %broadcast_in_dim3A_306 = vector.shape_cast %squeeze3A_305 : vector<256x128xf32> to vector<1x256x128xf32>
    %mul3A_307 = vector.broadcast %broadcast_in_dim3A_303 : vector<3x1x1xf32> to vector<3x256x128xf32>
    %mul3A_308 = vector.broadcast %broadcast_in_dim3A_306 : vector<1x256x128xf32> to vector<3x256x128xf32>
    %mul3A_309 = arith.mulf %mul3A_307, %mul3A_308 : vector<3x256x128xf32>
    %add3A_310 = arith.addf %add3A_270, %mul3A_309 : vector<3x256x128xf32>
    %slice3A_311 = vector.extract_strided_slice %reduce_sum3A_6 {offsets = [0, 29], sizes = [3, 1], strides = [1, 1]} : vector<3x32xf32> to vector<3x1xf32>
    %squeeze3A_312 = vector.shape_cast %slice3A_311 : vector<3x1xf32> to vector<3xf32>
    %broadcast_in_dim3A_313 = vector.shape_cast %squeeze3A_312 : vector<3xf32> to vector<3x1x1xf32>
    %slice3A_314 = vector.extract_strided_slice %squeeze3A {offsets = [29, 0, 0], sizes = [1, 256, 128], strides = [1, 1, 1]} : vector<32x256x128xf32> to vector<1x256x128xf32>
    %squeeze3A_315 = vector.shape_cast %slice3A_314 : vector<1x256x128xf32> to vector<256x128xf32>
    %broadcast_in_dim3A_316 = vector.shape_cast %squeeze3A_315 : vector<256x128xf32> to vector<1x256x128xf32>
    %mul3A_317 = vector.broadcast %broadcast_in_dim3A_313 : vector<3x1x1xf32> to vector<3x256x128xf32>
    %mul3A_318 = vector.broadcast %broadcast_in_dim3A_316 : vector<1x256x128xf32> to vector<3x256x128xf32>
    %mul3A_319 = arith.mulf %mul3A_317, %mul3A_318 : vector<3x256x128xf32>
    %add3A_320 = arith.addf %add3A_280, %mul3A_319 : vector<3x256x128xf32>
    %slice3A_321 = vector.extract_strided_slice %reduce_sum3A_6 {offsets = [0, 30], sizes = [3, 1], strides = [1, 1]} : vector<3x32xf32> to vector<3x1xf32>
    %squeeze3A_322 = vector.shape_cast %slice3A_321 : vector<3x1xf32> to vector<3xf32>
    %broadcast_in_dim3A_323 = vector.shape_cast %squeeze3A_322 : vector<3xf32> to vector<3x1x1xf32>
    %slice3A_324 = vector.extract_strided_slice %squeeze3A {offsets = [30, 0, 0], sizes = [1, 256, 128], strides = [1, 1, 1]} : vector<32x256x128xf32> to vector<1x256x128xf32>
    %squeeze3A_325 = vector.shape_cast %slice3A_324 : vector<1x256x128xf32> to vector<256x128xf32>
    %broadcast_in_dim3A_326 = vector.shape_cast %squeeze3A_325 : vector<256x128xf32> to vector<1x256x128xf32>
    %mul3A_327 = vector.broadcast %broadcast_in_dim3A_323 : vector<3x1x1xf32> to vector<3x256x128xf32>
    %mul3A_328 = vector.broadcast %broadcast_in_dim3A_326 : vector<1x256x128xf32> to vector<3x256x128xf32>
    %mul3A_329 = arith.mulf %mul3A_327, %mul3A_328 : vector<3x256x128xf32>
    %add3A_330 = arith.addf %add3A_290, %mul3A_329 : vector<3x256x128xf32>
    %slice3A_331 = vector.extract_strided_slice %reduce_sum3A_6 {offsets = [0, 31], sizes = [3, 1], strides = [1, 1]} : vector<3x32xf32> to vector<3x1xf32>
    %squeeze3A_332 = vector.shape_cast %slice3A_331 : vector<3x1xf32> to vector<3xf32>
    %broadcast_in_dim3A_333 = vector.shape_cast %squeeze3A_332 : vector<3xf32> to vector<3x1x1xf32>
    %slice3A_334 = vector.extract_strided_slice %squeeze3A {offsets = [31, 0, 0], sizes = [1, 256, 128], strides = [1, 1, 1]} : vector<32x256x128xf32> to vector<1x256x128xf32>
    %squeeze3A_335 = vector.shape_cast %slice3A_334 : vector<1x256x128xf32> to vector<256x128xf32>
    %broadcast_in_dim3A_336 = vector.shape_cast %squeeze3A_335 : vector<256x128xf32> to vector<1x256x128xf32>
    %mul3A_337 = vector.broadcast %broadcast_in_dim3A_333 : vector<3x1x1xf32> to vector<3x256x128xf32>
    %mul3A_338 = vector.broadcast %broadcast_in_dim3A_336 : vector<1x256x128xf32> to vector<3x256x128xf32>
    %mul3A_339 = arith.mulf %mul3A_337, %mul3A_338 : vector<3x256x128xf32>
    %add3A_340 = arith.addf %add3A_300, %mul3A_339 : vector<3x256x128xf32>
    %add3A_341 = arith.addf %add3A_310, %add3A_320 : vector<3x256x128xf32>
    %add3A_342 = arith.addf %add3A_330, %add3A_340 : vector<3x256x128xf32>
    %add3A_343 = arith.addf %add3A_341, %add3A_342 : vector<3x256x128xf32>
    %broadcast_in_dim3A_344 = vector.shape_cast %add3A_343 : vector<3x256x128xf32> to vector<1x3x256x128xf32>
    %swap3A = arith.constant 0 : index
    %swap3A_345 = arith.constant 0 : index
    %swap3A_346 = arith.constant 0 : index
    %swap3A_347 = arith.constant 0 : index
    %swap3A_348 = vector.load %arg5[%swap3A, %swap3A_345, %swap3A_346, %swap3A_347] : memref<1x3x256x128xf32, #tpu.memory_space<vmem>>, vector<1x3x256x128xf32>
    tpu.vector_store %arg5[%swap3A, %swap3A_345, %swap3A_346, %swap3A_347], %broadcast_in_dim3A_344 {strides = array<i32>} : memref<1x3x256x128xf32, #tpu.memory_space<vmem>>, vector<1x3x256x128xf32>,
    return
  }
  func.func @transform_0(%arg0: i32, %arg1: i32) -> (i32, i32, i32, i32) {
    %c0_i32 = arith.constant 0 : i32
    %c0_i32_0 = arith.constant 0 : i32
    %c0_i32_1 = arith.constant 0 : i32
    return %arg0, %c0_i32, %arg1, %c0_i32_0 : i32, i32, i32, i32
  }
  func.func @transform_1(%arg0: i32, %arg1: i32) -> (i32, i32, i32) {
    %c0_i32 = arith.constant 0 : i32
    %c0_i32_0 = arith.constant 0 : i32
    %c0_i32_1 = arith.constant 0 : i32
    %c0_i32_2 = arith.constant 0 : i32
    return %c0_i32, %c0_i32_0, %c0_i32_1 : i32, i32, i32
  }
  func.func @transform_2(%arg0: i32, %arg1: i32) -> (i32, i32) {
    %c0_i32 = arith.constant 0 : i32
    %c0_i32_0 = arith.constant 0 : i32
    %c0_i32_1 = arith.constant 0 : i32
    return %c0_i32, %c0_i32_0 : i32, i32
  }
  func.func @transform_3(%arg0: i32, %arg1: i32) -> (i32, i32, i32, i32) {
    %c0_i32 = arith.constant 0 : i32
    %c0_i32_0 = arith.constant 0 : i32
    %c0_i32_1 = arith.constant 0 : i32
    return %arg0, %c0_i32, %arg1, %c0_i32_0 : i32, i32, i32, i32
  }
}

</mosaic_0001>

<sc_bundles>
// kernel: kernel.5.cloned.1.call-start
scs
__scs_entry_jumppad:
0x0: {  	(pc) =	sbr.rel $0x88, $3  }
0x1: {  	(tag) =	ssettag $0x0;
	lr =	simm.s32 $0x1  }
0x2: {  	[smem:$0x3F9A] =	sst lr;
	_ =	strace $0xD0000000  }
0x3: {  	_ = 	snop  }
0x4: {  	_ = 	snop  }
0x5: {  	_ = 	snop  }
0x6: {  	_ = 	snop  }
0x7: {  	_ = 	snop  }
__scs_overlays_trampoline_lowered:
0x8: {  	[smem:$0x3FA9] =	sst s0  }
0x9: {  	[smem:$0x3FAA] =	sst s1  }
0xa: {  	[smem:$0x3FAB] =	sst s2  }
0xb: {  	[smem:$0x3FAC] =	sst s3  }
0xc: {  	[smem:$0x3FAD] =	sst s4  }
0xd: {  	[smem:$0x3FAE] =	sst s5  }
0xe: {  	[smem:$0x3FAF] =	sst s6  }
0xf: {  	[smem:$0x3FB0] =	sst s7  }
0x10: {  	[smem:$0x3FB1] =	sst s8  }
0x11: {  	[smem:$0x3FB2] =	sst s9;
	s0 =	simm.s32 @!p0 $0x0  }
0x12: {  	s1 =	sld [smem:$0x3F98];
	s0 =	simm.s32 @p0 $0x1  }
0x13: {  	[smem:$0x3FB3] =	sst s0;
	s0 =	simm.s32 @!p1 $0x0  }
0x14: {  	s2 =	sld [smem:$0x3F97];
	s0 =	simm.s32 @p1 $0x1  }
0x15: {  	[smem:$0x3FB4] =	sst s0;
	s0 =	simm.s32 @!p2 $0x0  }
0x16: {  	s3 =	sld [smem:$0x3FDB];
	s0 =	simm.s32 @p2 $0x1  }
0x17: {  	s4 =	simm.s32 $0x1BF5;
	[smem:$0x3FB6] =	sst s0  }
0x18: {  	s0 =	sld [smem:$0x3F99];
	_ =	swait.ge [sflag:s4], $0x0  }
0x19: {  	s7 =	sld [smem:$0x3F9A]  }
0x1a: {  	s8 =	sadd.s32 $0xFFFFE003, lr  }
0x1b: {  	s9 =	sadd.s32 $0xFFFFFEF7, lr;
	s5 =	simm.s32 $0xFFFFFFFF;
	p2 =	slt.u32 s8, $0xFFFFF086  }
0x1c: {  	p1 =	slt.u32 s9, $0xF7A;
	s5 =	simm.s32 @!p2 $0x0  }
0x1d: {  	s5 =	simm.s32 @p1 $0x1;
	p0 =	seq.s32 s7, s2  }
0x1e: {  	s7 =	smul.u32 @!p0 $0xF7A, s2;
	p2 =	seq.s32 @!p0 s5, $0x0  }
0x1f: {  	s9 =	smul.u32 $0xF7A, s1;
	s8 =	simm.s32 @!p0 $0x1BF5;
	p2 =	por !p2, p0  }
0x20: {  	[sflag:s8] =	ssyncset.s32 @!p0 $0xFFFFF086;
	s6 =	sadd.s32 @!p0 s3, s7;
	s7 =	simm.s32 @!p0 $0x108  }
0x21: {  	s3 =	sadd.s32 s3, s9;
	s6 =	sadd.s32 @!p0 $0x88, s6;
	s7 =	simm.s32 @p2 $0x1082  }
0x22: {  	[simem:s7], [sflag:s8] =	dma.local @!p0 [hbm:s6], $0xF7A  }
0x23: {  	s9 =	sor.u32 $0xD0000000, s2;
	s6 =	simm.s32 $0x108;
	_ =	swait.ge @!p0 [sflag:s8], $0x0  }
0x24: {  	s3 =	sadd.s32 $0x88, s3;
	s6 =	simm.s32 @!p1 $0x1082;
	[sflag:s4] =	ssyncset.s32 $0xFFFFF086  }
0x25: {  	[simem:s6], [sflag:s4] =	dma.local [hbm:s3], $0xF7A  }
0x26: {  	[smem:$0x3F9A] =	sst s1;
	(tag) =	ssettag s2;
	_ =	strace s9  }
0x27: {  	s1 =	sld [smem:$0x3FAA]  }
0x28: {  	s2 =	sld [smem:$0x3FAB]  }
0x29: {  	s4 =	sld [smem:$0x3FAD]  }
0x2a: {  	p0 =	seq.s32 s5, $0x0;
	s5 =	sld [smem:$0x3FAE]  }
0x2b: {  	s6 =	sld [smem:$0x3FAF]  }
0x2c: {  	s7 =	sld [smem:$0x3FB0]  }
0x2d: {  	s3 =	simm.s32 $0x108;
	s8 =	sld [smem:$0x3FB1]  }
0x2e: {  	s3 =	simm.s32 @!p0 $0x1082;
	s9 =	sld [smem:$0x3FB2]  }
0x2f: {  	lr =	sadd.s32 s0, s3;
	s0 =	sld [smem:$0x3FA9]  }
0x30: {  	s3 =	sld [smem:$0x3FAC]  }
0x31: {  	[smem:$0x3FB5] =	sst s10  }
0x32: {  	s10 =	sld [smem:$0x3FB3];
	_ =	sdelay $0x3  }
0x33: {  	p0 =	seq.s32 s10, $0x1;
	s10 =	sld [smem:$0x3FB5];
	_ =	sdelay $0x3  }
0x34: {  	[smem:$0x3FB5] =	sst s10  }
0x35: {  	s10 =	sld [smem:$0x3FB4];
	_ =	sdelay $0x3  }
0x36: {  	p1 =	seq.s32 s10, $0x1;
	s10 =	sld [smem:$0x3FB5];
	_ =	sdelay $0x3  }
0x37: {  	[smem:$0x3FB5] =	sst s10  }
0x38: {  	s10 =	sld [smem:$0x3FB6]  }
0x39: {  	_ = 	snop;
	(pc) =	sbr.ind lr, $3  }
0x3a: {  	_ = 	snop  }
0x3b: {  	_ = 	snop  }
0x3c: {  	p2 =	seq.s32 s10, $0x1;
	s10 =	sld [smem:$0x3FB5]  }
0x3d: {  	_ =	shalt  }
0x3e: {  	_ =	shalt  }
0x3f: {  	_ =	shalt  }
0x40: {  	_ =	shalt  }
0x41: {  	_ =	shalt  }
0x42: {  	_ =	shalt  }
0x43: {  	_ =	shalt  }
0x44: {  	_ =	shalt  }
0x45: {  	_ =	shalt  }
0x46: {  	_ =	shalt  }
0x47: {  	_ =	shalt  }
0x48: {  	_ =	shalt  }
0x49: {  	_ =	shalt  }
0x4a: {  	_ =	shalt  }
0x4b: {  	_ =	shalt  }
0x4c: {  	_ =	shalt  }
0x4d: {  	_ =	shalt  }
0x4e: {  	_ =	shalt  }
0x4f: {  	_ =	shalt  }
0x50: {  	_ =	shalt  }
0x51: {  	_ =	shalt  }
0x52: {  	_ =	shalt  }
0x53: {  	_ =	shalt  }
0x54: {  	_ =	shalt  }
0x55: {  	_ =	shalt  }
0x56: {  	_ =	shalt  }
0x57: {  	_ =	shalt  }
0x58: {  	_ =	shalt  }
0x59: {  	_ =	shalt  }
0x5a: {  	_ =	shalt  }
0x5b: {  	_ =	shalt  }
0x5c: {  	_ =	shalt  }
0x5d: {  	_ =	shalt  }
0x5e: {  	_ =	shalt  }
0x5f: {  	_ =	shalt  }
0x60: {  	_ =	shalt  }
0x61: {  	_ =	shalt  }
0x62: {  	_ =	shalt  }
0x63: {  	_ =	shalt  }
0x64: {  	_ =	shalt  }
0x65: {  	_ =	shalt  }
0x66: {  	_ =	shalt  }
0x67: {  	_ =	shalt  }
0x68: {  	_ =	shalt  }
0x69: {  	_ =	shalt  }
0x6a: {  	_ =	shalt  }
0x6b: {  	_ =	shalt  }
0x6c: {  	_ =	shalt  }
0x6d: {  	_ =	shalt  }
0x6e: {  	_ =	shalt  }
0x6f: {  	_ =	shalt  }
0x70: {  	_ =	shalt  }
0x71: {  	_ =	shalt  }
0x72: {  	_ =	shalt  }
0x73: {  	_ =	shalt  }
0x74: {  	_ =	shalt  }
0x75: {  	_ =	shalt  }
0x76: {  	_ =	shalt  }
0x77: {  	_ =	shalt  }
0x78: {  	_ =	shalt  }
0x79: {  	_ =	shalt  }
0x7a: {  	_ =	shalt  }
0x7b: {  	_ =	shalt  }
0x7c: {  	_ =	shalt  }
0x7d: {  	_ =	shalt  }
0x7e: {  	_ =	shalt  }
0x7f: {  	_ =	shalt  }
0x80: {  	_ =	shalt  }
0x81: {  	_ =	shalt  }
0x82: {  	_ =	shalt  }
0x83: {  	_ =	shalt  }
0x84: {  	_ =	shalt  }
0x85: {  	_ =	shalt  }
0x86: {  	_ =	shalt  }
0x87: {  	_ =	shalt  }
.Lfunc_end0:
.L_simem_size_0:
called_computation_lowered:
.L_overlay_start_0:
0x88: {  	s2 =	sld [smem:$0x3FD9]  }
0x89: {  	s3 =	sld [smem:$0x3FFE];
	_ =	sdelay $0x1  }
0x8a: {  	s1 =	srdreg.scid  }
0x8b: {  	s0 =	sand.u32 $0x1, s1  }
0x8c: {  	s17 =	sshll.u32 s0, $0xA;
	s2 =	sadd.s32 s3, s2  }
0x8d: {  	s2 =	sadd.s32 s2, s17  }
0x8e: {  	[smem:$0x3FC1] =	sst s2  }
0x8f: {  	_ = 	snop  }
0x90: {  	s2 =	sld [smem:$0x3FC9]  }
0x91: {  	s18 =	sld [smem:$0x3FD0];
	(tm) =	ssettm $0x1  }
0x92: {  	s4 =	sld [smem:$0x3FFB];
	_ =	sdelay $0x3  }
0x93: {  	_ =	strace s4  }
0x94: {  	s4 =	sld [smem:$0x3FFC];
	_ =	sdelay $0x3  }
0x95: {  	_ =	strace s4  }
0x96: {  	s4 =	sld [smem:$0x3FFD];
	_ =	sdelay $0x3  }
0x97: {  	_ =	strace s4  }
0x98: {  	_ =	strace $0x8FFFFFFF  }
0x99: {  	s19 =	sld [smem:$0x3FDB];
	_ =	sdelay $0x1  }
0x9a: {  	s5 =	simm.s32 $_scs_section_size  }
0x9b: {  	s6 =	simm.s32 $_size__tile_overlayer_lowered;
	s7 =	simm.s32 $_tile_overlayer_lowered  }
0x9c: {  	s22 =	simm.s32 $0x1BFF;
	s21 =	sshll.u32 s7, $0x1;
	s4 =	sadd.s32 s5, s19  }
0x9d: {  	s8 =	simm.s32 $0x0;
	s20 =	sshll.u32 s6, $0x1;
	s6 =	sadd.s32 s21, s4  }
0x9e: {  	[timem:s8], [sflag:s22] =	dma.local [hbm:s6], s20  }
0x9f: {  	_ =	swait.ge [sflag:s22], s20  }
0xa0: {  	s5 =	ssub.s32 $0x0, s20;
	[sflag:s22] =	ssyncset.done $0x0  }
0xa1: {  	[sflag:s22] =	ssyncadd.s32 s5;
	_ =	sdelay $0x1  }
0xa2: {  	s23 =	simm.s32 $0x1B8B  }
0xa3: {  	_ =	swait.ge [sflag:s23], $0x1  }
0xa4: {  	[sflag:s23] =	ssyncset.done $0x0  }
0xa5: {  	s25 =	simm.s32 $0x1B8E;
	s24 =	sld [smem:$0x3FFE];
	[sflag:s23] =	ssyncadd.s32 $0xFFFFFFFF  }
0xa6: {  	s26 =	simm.s32 $execute0_lowered;
	[smem:$0x3FD2] =	sst s25  }
0xa7: {  	s6 =	sshll.u32 s26, $0x1;
	_ =	strace $0x80000046;
	[dreg:$0x1] =	wrdreg $0xFFFFFFFF  }
0xa8: {  	s28 =	simm.s32 $_size_execute0_lowered;
	s4 =	sadd.s32 s4, s6;
	[dreg:$0x0] =	wrdreg $0x0  }
0xa9: {  	s6 =	sshll.u32 s28, $0x1;
	[dreg:$0x2] =	wrdreg s4  }
0xaa: {  	[dreg:$0x3] =	wrdreg s6  }
0xab: {  	[dreg:$0x4] =	wrdreg $0xC0  }
0xac: {  	_ =	task [dreg:s8], $0x5FFFF  }
0xad: {  	[dreg:$0x1] =	wrdreg $0xFFFFFFFF  }
0xae: {  	[dreg:$0x0] =	wrdreg $0x60  }
0xaf: {  	[dreg:$0x2] =	wrdreg s2  }
0xb0: {  	[dreg:$0x3] =	wrdreg s18  }
0xb1: {  	[dreg:$0x4] =	wrdreg s24  }
0xb2: {  	[dreg:$0x5] =	wrdreg $0x9  }
0xb3: {  	_ =	task.clear_ibuf [dreg:s8], $0x6FFFF;
	_ =	strace $0x90000046  }
0xb4: {  	s29 =	simm.s32 $0x9;
	_ =	strace $0x80000048  }
0xb5: {  	_ =	swait.ge [sflag:s29], $0x1  }
0xb6: {  	[sflag:s29] =	ssyncadd.s32 $0xFFFFFFFF  }
0xb7: {  	_ =	strace $0x90000048  }
0xb8: {  	_ =	sfence  }
0xb9: {  	s30 =	sld [smem:$0x0];
	_ =	sdelay $0x2  }
0xba: {  	s31 =	sshll.u32 s1, $0xD;
	s1 =	sshrl.u32 s1, $0x2  }
0xbb: {  	s3 =	sand.u32 $0x4000, s31;
	s1 =	sadd.s32 s1, s30  }
0xbc: {  	s0 =	sor.u32 s3, s0;
	s1 =	sshll.u32 s1, $0x11  }
0xbd: {  	s0 =	sor.u32 s1, s0  }
0xbe: {  	s0 =	sadd.s32 $0x8F2B, s0  }
0xbf: {  	[sflag:s0] =	ssyncadd.remote.s32 $0x1  }
0xc0: {  	_ =	sfence.sel $0xFFFF  }
0xc1: {  	[dreg:$0x0] =	wrdreg $0xFFFFFFFF;
	(pc) =	sbr.abs _section_cstart, $3  }
0xc2: {  	[dreg:$0x1] =	wrdreg $0xFFFFFFFF  }
0xc3: {  	_ =	task.clear_ibuf [dreg:s8], $0x2FFFF;
	_ =	strace $0x9FFFFFFF  }
0xc4: {  	(tm) =	ssettm $0x7FFFFFFF  }
0xc5: {  	_ =	shalt  }
tec
execute0_lowered:
.L_overlay_start_1:
0x0: {  	(tag) =	ssettag $0x1  }
0x1: {  	s1 =	rddreg [dreg:$0x0]  }
0x2: {  	s2 =	rddreg [dreg:$0x1]  }
0x3: {  	s0 =	rddreg [dreg:$0x2]  }
0x4: {  	s3 =	srdreg.scid;
	s4 =	simm.s32 $0x0;
	s10 =	stileid.u32  }
0x5: {  	s28 =	simm.s32 $0x10000;
	s29 =	simm.s32 $0x12000;
	s30 =	simm.s32 $0x1  }
0x6: {  	s31 =	simm.s32 $0x2;
	s3 =	sand.u32 $0x1, s3;
	[smem:$0x7FF] =	sst s4  }
0x7: {  	s5 =	sshll.u32 s10, $0x2;
	s7 =	sadd.s32 $0xE00, s0;
	s8 =	sshll.u32 s10, $0x13  }
0x8: {  	s10 =	sshrl.u32 s10, $0x2;
	s6 =	sshll.u32 s3, $0x1;
	_ =	strace $0x80000047  }
0x9: {  	s3 =	ssub.s32 $0x2, s3;
	s17 =	sshll.u32 s10, $0xE;
	s6 =	sor.u32 s6, s5  }
0xa: {  	s5 =	sadd.s32 $0x1000, s0;
	s11 =	sshrl.u32 s3, $0x1;
	s9 =	sshll.u32 s6, $0x7  }
0xb: {  	s16 =	ssub.s32 s3, s11;
	s12 =	sshll.u32 s6, $0x1;
	s3 =	sadd.s32 s2, s17  }
0xc: {  	s19 =	sshll.u32 s6, $0x11;
	s6 =	sor.u32 $0x1, s6;
	s17 =	simm.s32 $0x1B000  }
0xd: {  	s9 =	sor.u32 s8, s9;
	s13 =	sadd.s32 s7, s12;
	[dreg:$0x7] =	wrdreg s3  }
0xe: {  	s22 =	sshll.u32 s6, $0x11;
	s26 =	smax.u32 s16, $0x1;
	s11 =	sand.u32 $0x700300, s9  }
0xf: {  	[dreg:$0x4] =	wrdreg s13;
	s9 =	sshll.u32 s10, $0x11;
	s10 =	sshll.u32 s10, $0x15  }
0x10: {  	s13 =	sshll.u32 s6, $0x7;
	s6 =	sshll.u32 s6, $0x1;
	[dreg:$0xc] =	wrdreg s26  }
0x11: {  	s26 =	simm.s32 $0x400;
	s14 =	sshrl.u32 s11, $0x3;
	s0 =	smov.u32 s11  }
0x12: {  	v0 =	vlaneseq.u32;
	v1 =	vimm.s32 $0x0;
	vm0 =	vcmask $0x300;
	s11 =	sor.u32 $0x20000, s11;
	s12 =	sor.u32 $0x10000, s9;
	s20 =	sor.u32 s8, s13  }
0x13: {  	v0 =	vmul.u32 $0x2, v0;
	v1 =	vsel vm0, $0x7, v1;
	s6 =	sadd.s32 s7, s6;
	s8 =	simm.s32 $0x1A000;
	[dreg:$0x6] =	wrdreg s11  }
0x14: {  	[tilespmem:$0x1FFA0] =	vst v1;
	s15 =	sadd.s32 s1, s14;
	s18 =	sshrl.u32 s12, $0x3;
	[dreg:$0x9] =	wrdreg s6  }
0x15: {  	v2 =	vor.u32 $0x1, v0;
	[tilespmem:$0x1FF90] =	vst v0;
	s11 =	sand.u32 $0x1C0000, s19;
	s21 =	sand.u32 $0x700380, s20;
	[dreg:$0x5] =	wrdreg s15  }
0x16: {  	v3 =	vor.u32 $0x20, v0;
	[tilespmem:$0x1FFB0] =	vst v2;
	s3 =	sadd.s32 s2, s18;
	s14 =	sor.u32 s10, s11;
	s23 =	sshrl.u32 s21, $0x3  }
0x17: {  	v4 =	vor.u32 $0x40, v0;
	[tilespmem:$0x1FFC0] =	vst v3;
	s7 =	smov.u32 s21;
	s25 =	sor.u32 $0x20000, s21;
	[dreg:$0x8] =	wrdreg s3  }
0x18: {  	v5 =	vor.u32 $0x60, v0;
	[tilespmem:$0x1FFD0] =	vst v4;
	s15 =	sor.u32 $0x10000, s14;
	s3 =	sand.u32 $0x1E0000, s22;
	s24 =	sadd.s32 s1, s23  }
0x19: {  	v6 =	vor.u32 $0x61, v0;
	[tilespmem:$0x1FFE0] =	vst v5;
	[dreg:$0xb] =	wrdreg s25;
	s25 =	simm.s32 $0x80;
	s19 =	sor.u32 s10, s3  }
0x1a: {  	[tilespmem:$0x1FFF0] =	vst v6;
	[dreg:$0xa] =	wrdreg s24;
	s10 =	simm.s32 $0x0;
	s21 =	sor.u32 $0x10000, s19  }
.LBB2_1:
0x1b: {  	[dreg:$0xd] =	wrdreg s10  }
0x1c: {  	s3 =	rddreg [dreg:$0x4];
	s6 =	simm.s32 $0x1C000;
	s23 =	simm.s32 $0x4  }
0x1d: {  	[tilespmem:s6], [sflag:$0x4] =	stream.linear.gather [hbm4b:s3+s4], $0x10, $0x38;
	[tilespmem:$0x1C010] =	vst v63  }
0x1e: {  	_ =	swait.ge [sflag:s23], $0x10  }
0x1f: {  	s11 =	simm.s32 $0x40;
	s13 =	simm.s32 $0x1070;
	[sflag:s23] =	ssyncset.done $0x0  }
0x20: {  	s22 =	simm.s32 $0x0;
	s24 =	rddreg [dreg:$0x5];
	[sflag:s23] =	ssyncadd.s32 $0xFFFFFFF0  }
0x21: {  	v7 =	vld [tilespmem:$0x1C000];
	[tilespmem:s28], [sflag:$0x1] =	stream.strided.gather [hbm4b:s24+s25], $0x2000, s26, s25, $0x38  }
.LBB2_2:
0x22: {  	s6 =	simm.s32 $0xE0  }
0x23: {  	s10 =	simm.s32 $0xC0;
	s18 =	sshll.u32 s22, $0x11;
	s20 =	simm.s32 $0x20  }
0x24: {  	s23 =	simm.s32 $0x0;
	s24 =	simm.s32 $0x80;
	v8 =	vmov s6;
	v9 =	vmov s10;
	s16 =	sadd.s32 s18, s0  }
0x25: {  	s3 =	simm.s32 $0xA0;
	v10 =	vmov s20;
	s18 =	simm.s32 $0x40;
	v13 =	vmov s23;
	v14 =	vmov s24;
	s6 =	sadd.s32 $0x10000, s16  }
0x26: {  	s20 =	simm.s32 $0x60;
	v15 =	vmov s3;
	v8 =	vshrl.u32 v8, $0x7;
	v9 =	vshrl.u32 v9, $0x7;
	s16 =	simm.s32 $0xC1;
	s6 =	sshrl.u32 s6, $0x3  }
0x27: {  	v11 =	vmov s18;
	v12 =	vmov s20;
	s18 =	simm.s32 $0x21;
	s20 =	simm.s32 $0x41;
	v16 =	vor.u32 s16, v0;
	s6 =	sadd.s32 s1, s6  }
0x28: {  	v13 =	vshrl.u32 v13, $0x7;
	v9 =	vshll.u32 v9, v1;
	v17 =	vor.u32 s18, v0;
	[tilespmem:s29], [sflag:$0x1] =	stream.strided.gather [hbm4b:s6+s25], $0x2000, s26, s25, $0x38;
	[tilespmem:$0x1C010] =	vst v63  }
0x29: {  	s23 =	simm.s32 $0x81;
	v10 =	vshrl.u32 v10, $0x7;
	v20 =	vor.u32 s20, v0;
	v9 =	vbroadcast v9, $0x0;
	_ =	swait.ge [sflag:s30], $0x2000  }
0x2a: {  	v14 =	vshrl.u32 v14, $0x7;
	v24 =	vor.u32 s23, v0;
	v13 =	vshll.u32 v13, v1;
	[sflag:s30] =	ssyncset.done $0x0  }
0x2b: {  	s24 =	simm.s32 $0xA1;
	v15 =	vshrl.u32 v15, $0x7;
	v13 =	vbroadcast v13, $0x0;
	v9 =	vor.u32 v4, v9;
	[sflag:s30] =	ssyncadd.s32 $0xFFFFE000  }
0x2c: {  	v53 =	vor.u32 s24, v0;
	v11 =	vshrl.u32 v11, $0x7;
	v12 =	vshrl.u32 v12, $0x7;
	v16 =	vld.idx.msk [tilespmem:v16+s28+$0x0], $0xffff  }
0x2d: {  	v10 =	vshll.u32 v10, v1;
	v14 =	vshll.u32 v14, v1;
	v18 =	vor.u32 v0, v13;
	v17 =	vld.idx.msk [tilespmem:v17+s28+$0x0], $0xffff  }
0x2e: {  	v15 =	vshll.u32 v15, v1;
	v8 =	vshll.u32 v8, v1;
	v11 =	vshll.u32 v11, v1;
	v20 =	vld.idx.msk [tilespmem:v20+s28+$0x0], $0xffff  }
0x2f: {  	v12 =	vshll.u32 v12, v1;
	v10 =	vbroadcast v10, $0x0;
	v14 =	vbroadcast v14, $0x0;
	v55 =	vld.idx.msk [tilespmem:v24+s28+$0x0], $0xffff  }
0x30: {  	v15 =	vbroadcast v15, $0x0;
	v11 =	vbroadcast v11, $0x0;
	v13 =	vor.u32 v2, v13;
	v9 =	vld.idx.msk [tilespmem:v9+s28+$0x0], $0xffff  }
0x31: {  	v8 =	vbroadcast v8, $0x0;
	v12 =	vbroadcast v12, $0x0;
	v10 =	vor.u32 v3, v10  }
0x32: {  	v14 =	vor.u32 v0, v14;
	v15 =	vor.u32 v3, v15;
	v11 =	vor.u32 v4, v11;
	v18 =	vld.idx.msk [tilespmem:v18+s28+$0x0], $0xffff  }
0x33: {  	v21 =	vor.u32 v5, v8;
	v8 =	vor.u32 v6, v8;
	v19 =	vor.u32 v5, v12  }
0x34: {  	v12 =	vor.u32 v6, v12;
	v23 =	vshrl.u32 v16, $0x10;
	v54 =	vshrl.u32 v17, $0x10  }
0x35: {  	v13 =	vld.idx.msk [tilespmem:v13+s28+$0x0], $0xffff;
	v56 =	vshrl.u32 v20, $0x10;
	v58 =	vshrl.u32 v55, $0x10;
	v22 =	vshrl.u32 v9, $0x10  }
0x36: {  	v10 =	vld.idx.msk [tilespmem:v10+s28+$0x0], $0xffff;
	v23 =	vand.u32 $0x1, v23;
	v57 =	vand.u32 $0x1, v56;
	v22 =	vand.u32 $0x1, v22  }
0x37: {  	v11 =	vld.idx.msk [tilespmem:v11+s28+$0x0], $0xffff;
	v16 =	vadd.s32 v23, v16;
	v25 =	vshrl.u32 v18, $0x10;
	v9 =	vadd.s32 v22, v9  }
0x38: {  	v23 =	vand.u32 $0x1, v54;
	v16 =	vadd.s32 $0x7FFF, v16;
	v22 =	vld.idx.msk [tilespmem:v53+s28+$0x0], $0xffff;
	v9 =	vadd.s32 $0x7FFF, v9  }
0x39: {  	v19 =	vld.idx.msk [tilespmem:v19+s28+$0x0], $0xffff;
	v17 =	vadd.s32 v23, v17;
	v16 =	vand.u32 $0xFFFF0000, v16;
	v9 =	vshrl.u32 v9, $0x10  }
0x3a: {  	v12 =	vld.idx.msk [tilespmem:v12+s28+$0x0], $0xffff;
	v17 =	vadd.s32 $0x7FFF, v17;
	v26 =	vor.u32 v9, v16;
	v16 =	vshrl.u32 v13, $0x10  }
0x3b: {  	v17 =	vand.u32 $0xFFFF0000, v17;
	v9 =	vld.idx.msk [tilespmem:v14+s28+$0x0], $0xffff;
	v14 =	vand.u32 $0x1, v25;
	v16 =	vand.u32 $0x1, v16  }
0x3c: {  	v14 =	vadd.s32 v14, v18;
	v18 =	vshrl.u32 v10, $0x10;
	v13 =	vadd.s32 v16, v13  }
0x3d: {  	v16 =	vand.u32 $0x1, v18;
	v18 =	vshrl.u32 v11, $0x10;
	v59 =	vshrl.u32 v22, $0x10  }
0x3e: {  	v14 =	vadd.s32 $0x7FFF, v14;
	v10 =	vadd.s32 v16, v10;
	v16 =	vand.u32 $0x1, v18  }
0x3f: {  	v15 =	vld.idx.msk [tilespmem:v15+s28+$0x0], $0xffff;
	v18 =	vshrl.u32 v19, $0x10;
	v13 =	vadd.s32 $0x7FFF, v13;
	v62 =	vshrl.u32 v14, $0x10  }
0x40: {  	v11 =	vadd.s32 v16, v11;
	v16 =	vand.u32 $0x1, v18;
	v18 =	vshrl.u32 v12, $0x10  }
0x41: {  	v21 =	vld.idx.msk [tilespmem:v21+s28+$0x0], $0xffff;
	v10 =	vadd.s32 $0x7FFF, v10;
	v13 =	vand.u32 $0xFFFF0000, v13;
	v16 =	vadd.s32 v16, v19  }
0x42: {  	v8 =	vld.idx.msk [tilespmem:v8+s28+$0x0], $0xffff;
	v18 =	vand.u32 $0x1, v18;
	v19 =	vshrl.u32 v9, $0x10;
	v11 =	vadd.s32 $0x7FFF, v11  }
0x43: {  	v63 =	vshrl.u32 v10, $0x10;
	v12 =	vadd.s32 v18, v12;
	v18 =	vand.u32 $0x1, v19  }
0x44: {  	v19 =	vshrl.u32 v15, $0x10;
	v16 =	vadd.s32 $0x7FFF, v16;
	v14 =	vshrl.u32 v11, $0x10  }
0x45: {  	v17 =	vor.u32 v63, v17;
	v9 =	vadd.s32 v18, v9;
	v18 =	vand.u32 $0x1, v19  }
0x46: {  	v19 =	vshrl.u32 v21, $0x10;
	v12 =	vadd.s32 $0x7FFF, v12;
	v15 =	vadd.s32 v18, v15  }
0x47: {  	v18 =	vand.u32 $0x1, v19;
	v19 =	vshrl.u32 v8, $0x10;
	v9 =	vadd.s32 $0x7FFF, v9  }
0x48: {  	v18 =	vadd.s32 v18, v21;
	v19 =	vand.u32 $0x1, v19;
	v21 =	vand.u32 $0x1, v59  }
0x49: {  	v60 =	vadd.s32 $0x7FFF, v15;
	v15 =	vshrl.u32 v16, $0x10;
	v16 =	vand.u32 $0xFFFF0000, v12  }
0x4a: {  	v11 =	vshrl.u32 v9, $0x10;
	v8 =	vadd.s32 v19, v8;
	v19 =	vadd.s32 v57, v20  }
0x4b: {  	v20 =	vand.u32 $0x1, v58;
	v21 =	vadd.s32 v21, v22;
	v18 =	vadd.s32 $0x7FFF, v18  }
0x4c: {  	v10 =	vshrl.u32 v60, $0x10;
	v20 =	vadd.s32 v20, v55;
	v19 =	vadd.s32 $0x7FFF, v19  }
0x4d: {  	v61 =	vadd.s32 $0x7FFF, v8;
	v21 =	vadd.s32 $0x7FFF, v21;
	v8 =	vshrl.u32 v18, $0x10  }
0x4e: {  	v20 =	vadd.s32 $0x7FFF, v20;
	v9 =	vand.u32 $0xFFFF0000, v61;
	v18 =	vand.u32 $0xFFFF0000, v19  }
0x4f: {  	s10 =	simm.s32 $0x0;
	s18 =	simm.s32 $0x1E0;
	s6 =	smov.u32 s11;
	[tilespmem:s11+$0x20] =	vst v26;
	v19 =	vor.u32 v62, v13;
	v13 =	vand.u32 $0xFFFF0000, v21;
	v12 =	vand.u32 $0xFFFF0000, v20  }
.LBB2_3:
0x50: {  	s20 =	sadd.s32 $0xFFFFFF40, s18;
	s24 =	sadd.s32 $0xFFFFFFE0, s18;
	v20 =	vmov s18;
	s10 =	sadd.s32 $0x8, s10;
	[tilespmem:s6+$0xFFFFFFC0] =	vst v19;
	v14 =	vor.u32 v14, v18;
	v15 =	vor.u32 v15, v16  }
0x51: {  	s16 =	sadd.s32 $0xFFFFFF80, s18;
	v16 =	vmov s20;
	s20 =	sadd.s32 $0xFFFFFF60, s18;
	v18 =	vmov s24;
	v19 =	vshrl.u32 v20, $0x7;
	p0 =	slt.u32 s10, $0xF8;
	[tilespmem:s6+$0xFFFFFFD0] =	vst v17  }
0x52: {  	s24 =	sadd.s32 $0xFFFFFF20, s18;
	v20 =	vmov s16;
	s16 =	sadd.s32 $0xFFFFFFA0, s18;
	v17 =	vmov s20;
	s20 =	sadd.s32 $0xFFFFFFC0, s18;
	v18 =	vshrl.u32 v18, $0x7;
	[tilespmem:s6+$0xFFFFFFE0] =	vst v14  }
0x53: {  	s3 =	sadd.s32 $0xFFFFFF61, s18;
	v14 =	vmov s24;
	s24 =	sadd.s32 $0xFFFFFF41, s18;
	v21 =	vmov s16;
	s16 =	sadd.s32 $0xFFFFFFA1, s18;
	v18 =	vshll.u32 v18, v1;
	[tilespmem:s6+$0xFFFFFFF0] =	vst v15  }
0x54: {  	s23 =	sadd.s32 $0xFFFFFFE1, s18;
	v14 =	vshrl.u32 v14, $0x7;
	v15 =	vmov s20;
	s20 =	sadd.s32 $0xFFFFFFC1, s18;
	v18 =	vbroadcast v18, $0x0  }
0x55: {  	v22 =	vor.u32 s23, v0;
	v16 =	vshrl.u32 v16, $0x7;
	v17 =	vshrl.u32 v17, $0x7  }
0x56: {  	v20 =	vshrl.u32 v20, $0x7;
	v21 =	vshrl.u32 v21, $0x7;
	v18 =	vor.u32 v4, v18  }
0x57: {  	v16 =	vshll.u32 v16, v1;
	v14 =	vshll.u32 v14, v1;
	v15 =	vshrl.u32 v15, $0x7  }
0x58: {  	v20 =	vshll.u32 v20, v1;
	v17 =	vshll.u32 v17, v1;
	v21 =	vshll.u32 v21, v1  }
0x59: {  	v19 =	vshll.u32 v19, v1;
	v14 =	vbroadcast v14, $0x0;
	v15 =	vshll.u32 v15, v1  }
0x5a: {  	v23 =	vor.u32 s24, v0;
	v16 =	vbroadcast v16, $0x0;
	v17 =	vbroadcast v17, $0x0;
	v22 =	vld.idx.msk [tilespmem:v22+s28+$0x0], $0xffff  }
0x5b: {  	v20 =	vbroadcast v20, $0x0;
	v21 =	vbroadcast v21, $0x0;
	v24 =	vor.u32 v0, v14;
	v18 =	vld.idx.msk [tilespmem:v18+s28+$0x0], $0xffff  }
0x5c: {  	v19 =	vbroadcast v19, $0x0;
	v15 =	vbroadcast v15, $0x0;
	v14 =	vor.u32 v2, v14  }
0x5d: {  	v16 =	vor.u32 v3, v16;
	v25 =	vor.u32 v5, v20;
	v17 =	vor.u32 v4, v17  }
0x5e: {  	v20 =	vor.u32 v6, v20;
	v21 =	vor.u32 v0, v21;
	v15 =	vor.u32 v3, v15  }
0x5f: {  	v26 =	vor.u32 s3, v0;
	v27 =	vor.u32 v5, v19;
	v19 =	vor.u32 v6, v19;
	v23 =	vld.idx.msk [tilespmem:v23+s28+$0x0], $0xffff  }
0x60: {  	v11 =	vor.u32 v11, v12;
	v28 =	vor.u32 s16, v0;
	v29 =	vor.u32 s20, v0;
	v24 =	vld.idx.msk [tilespmem:v24+s28+$0x0], $0xffff  }
0x61: {  	v10 =	vor.u32 v10, v13;
	v30 =	vshrl.u32 v22, $0x10;
	v12 =	vld.idx.msk [tilespmem:v14+s28+$0x0], $0xffff;
	v14 =	vshrl.u32 v18, $0x10;
	[tilespmem:s6+$0x0] =	vst v11  }
0x62: {  	v8 =	vor.u32 v8, v9;
	v11 =	vld.idx.msk [tilespmem:v16+s28+$0x0], $0xffff;
	v13 =	vand.u32 $0x1, v14;
	v14 =	vand.u32 $0x1, v30;
	[tilespmem:s6+$0x10] =	vst v10  }
0x63: {  	v9 =	vld.idx.msk [tilespmem:v17+s28+$0x0], $0xffff;
	v10 =	vadd.s32 v13, v18;
	v13 =	vadd.s32 v14, v22;
	[tilespmem:s6+$0x30] =	vst v8  }
0x64: {  	v8 =	vld.idx.msk [tilespmem:v25+s28+$0x0], $0xffff;
	v10 =	vadd.s32 $0x7FFF, v10;
	v13 =	vadd.s32 $0x7FFF, v13  }
0x65: {  	v14 =	vshrl.u32 v23, $0x10;
	v16 =	vld.idx.msk [tilespmem:v20+s28+$0x0], $0xffff;
	v10 =	vshrl.u32 v10, $0x10;
	v13 =	vand.u32 $0xFFFF0000, v13  }
0x66: {  	s6 =	sadd.s32 $0x80, s6;
	v17 =	vshrl.u32 v24, $0x10;
	v14 =	vand.u32 $0x1, v14;
	v18 =	vld.idx.msk [tilespmem:v21+s28+$0x0], $0xffff;
	v10 =	vor.u32 v10, v13  }
0x67: {  	v13 =	vand.u32 $0x1, v17;
	v17 =	vshrl.u32 v12, $0x10;
	v14 =	vadd.s32 v14, v23;
	v15 =	vld.idx.msk [tilespmem:v15+s28+$0x0], $0xffff;
	[tilespmem:s6+$0x20] =	vst v10  }
0x68: {  	v10 =	vadd.s32 v13, v24;
	v13 =	vand.u32 $0x1, v17;
	v17 =	vshrl.u32 v11, $0x10;
	v20 =	vld.idx.msk [tilespmem:v27+s28+$0x0], $0xffff  }
0x69: {  	v12 =	vadd.s32 v13, v12;
	v13 =	vand.u32 $0x1, v17;
	v17 =	vshrl.u32 v9, $0x10;
	v19 =	vld.idx.msk [tilespmem:v19+s28+$0x0], $0xffff  }
0x6a: {  	v11 =	vadd.s32 v13, v11;
	v17 =	vand.u32 $0x1, v17;
	v21 =	vshrl.u32 v8, $0x10;
	v13 =	vld.idx.msk [tilespmem:v26+s28+$0x0], $0xffff  }
0x6b: {  	v9 =	vadd.s32 v17, v9;
	v17 =	vand.u32 $0x1, v21;
	v21 =	vshrl.u32 v16, $0x10;
	v22 =	vld.idx.msk [tilespmem:v28+s28+$0x0], $0xffff  }
0x6c: {  	v8 =	vadd.s32 v17, v8;
	v17 =	vand.u32 $0x1, v21;
	v21 =	vshrl.u32 v18, $0x10;
	v23 =	vld.idx.msk [tilespmem:v29+s28+$0x0], $0xffff  }
0x6d: {  	v16 =	vadd.s32 v17, v16;
	v17 =	vand.u32 $0x1, v21;
	v21 =	vshrl.u32 v15, $0x10  }
0x6e: {  	v17 =	vadd.s32 v17, v18;
	v18 =	vand.u32 $0x1, v21;
	v21 =	vshrl.u32 v20, $0x10  }
0x6f: {  	v15 =	vadd.s32 v18, v15;
	v18 =	vand.u32 $0x1, v21;
	v21 =	vshrl.u32 v19, $0x10  }
0x70: {  	v24 =	vshrl.u32 v13, $0x10;
	v18 =	vadd.s32 v18, v20;
	v20 =	vand.u32 $0x1, v21  }
0x71: {  	v21 =	vand.u32 $0x1, v24;
	v24 =	vshrl.u32 v22, $0x10;
	v19 =	vadd.s32 v20, v19  }
0x72: {  	v13 =	vadd.s32 v21, v13;
	v20 =	vand.u32 $0x1, v24;
	v21 =	vshrl.u32 v23, $0x10  }
0x73: {  	v10 =	vadd.s32 $0x7FFF, v10;
	v20 =	vadd.s32 v20, v22;
	v21 =	vand.u32 $0x1, v21  }
0x74: {  	v12 =	vadd.s32 $0x7FFF, v12;
	v11 =	vadd.s32 $0x7FFF, v11;
	v21 =	vadd.s32 v21, v23  }
0x75: {  	v9 =	vadd.s32 $0x7FFF, v9;
	v8 =	vadd.s32 $0x7FFF, v8;
	v16 =	vadd.s32 $0x7FFF, v16  }
0x76: {  	v17 =	vadd.s32 $0x7FFF, v17;
	v18 =	vadd.s32 $0x7FFF, v18;
	v22 =	vadd.s32 $0x7FFF, v15  }
0x77: {  	v19 =	vadd.s32 $0x7FFF, v19;
	v13 =	vadd.s32 $0x7FFF, v13;
	v23 =	vadd.s32 $0x7FFF, v14  }
0x78: {  	v24 =	vshrl.u32 v10, $0x10;
	v20 =	vadd.s32 $0x7FFF, v20;
	v21 =	vadd.s32 $0x7FFF, v21  }
.Ltmp0:
0x79: {  	v25 =	vand.u32 $0xFFFF0000, v12;
	v26 =	vshrl.u32 v11, $0x10;
	v14 =	vshrl.u32 v9, $0x10;
	(pc) =	sbr.rel @p0 .LBB2_3-.Ltmp0, $4  }
0x7a: {  	v16 =	vand.u32 $0xFFFF0000, v16;
	v11 =	vshrl.u32 v17, $0x10;
	v15 =	vshrl.u32 v8, $0x10  }
0x7b: {  	v8 =	vshrl.u32 v18, $0x10;
	v10 =	vshrl.u32 v22, $0x10;
	v9 =	vand.u32 $0xFFFF0000, v19  }
0x7c: {  	v18 =	vand.u32 $0xFFFF0000, v13;
	v17 =	vand.u32 $0xFFFF0000, v23;
	v12 =	vand.u32 $0xFFFF0000, v20  }
0x7d: {  	s18 =	sadd.s32 $0x100, s18;
	v19 =	vor.u32 v24, v25;
	v17 =	vor.u32 v26, v17;
	v13 =	vand.u32 $0xFFFF0000, v21  }
0x7e: {  	[tilespmem:s6+$0xFFFFFFC0] =	vst v19  }
0x7f: {  	v14 =	vor.u32 v14, v18;
	[tilespmem:s6+$0xFFFFFFD0] =	vst v17;
	p0 =	seq.s32 s22, $0x7  }
0x80: {  	v15 =	vor.u32 v15, v16;
	v11 =	vor.u32 v11, v12;
	v10 =	vor.u32 v10, v13;
	s3 =	simm.s32 $0xE0;
	s10 =	simm.s32 $0xC0;
	s18 =	simm.s32 $0x20;
	[tilespmem:s6+$0xFFFFFFE0] =	vst v14  }
0x81: {  	v8 =	vor.u32 v8, v9;
	s20 =	simm.s32 $0x40;
	s23 =	simm.s32 $0x60;
	s24 =	simm.s32 $0x0;
	v9 =	vmov s3;
	v12 =	vmov s10;
	[tilespmem:s6+$0xFFFFFFF0] =	vst v15  }
0x82: {  	s16 =	sshll.u32 @!p0 s22, $0x11;
	v13 =	vmov s18;
	v14 =	vmov s23;
	s23 =	simm.s32 $0xA0;
	s3 =	rddreg [dreg:$0x6];
	v9 =	vshrl.u32 v9, $0x7;
	[tilespmem:s6+$0x0] =	vst v11  }
0x83: {  	s18 =	simm.s32 @!p0 $0x400;
	v12 =	vshrl.u32 v12, $0x7;
	v11 =	vmov s20;
	s20 =	simm.s32 $0x80;
	[tilespmem:s6+$0x10] =	vst v10;
	v10 =	vmov s24;
	s3 =	sadd.s32 @!p0 s16, s3  }
0x84: {  	s24 =	simm.s32 $0xC1;
	[tilespmem:s6+$0x30] =	vst v8;
	s6 =	simm.s32 @!p0 $0x80;
	v12 =	vshll.u32 v12, v1;
	v15 =	vmov s20;
	v8 =	vshrl.u32 v10, $0x7;
	s3 =	sshrl.u32 @!p0 s3, $0x3  }
0x85: {  	s20 =	simm.s32 @!p0 $0x10000;
	v10 =	vmov s23;
	v16 =	vor.u32 s24, v0;
	s23 =	simm.s32 $0x81;
	v12 =	vbroadcast v12, $0x0;
	s3 =	sadd.s32 @!p0 s1, s3  }
0x86: {  	v13 =	vshrl.u32 v13, $0x7;
	v8 =	vshll.u32 v8, v1;
	v24 =	vor.u32 s23, v0;
	[tilespmem:s20], [sflag:$0x1] =	stream.strided.gather @!p0 [hbm4b:s3+s6], $0x2000, s18, s6, $0x38;
	[tilespmem:$0x1C010] =	vst v63  }
0x87: {  	v14 =	vshrl.u32 v14, $0x7;
	v8 =	vbroadcast v8, $0x0;
	v12 =	vor.u32 v4, v12;
	s18 =	simm.s32 $0x21;
	_ =	swait.ge [sflag:s30], $0x2000  }
0x88: {  	v11 =	vshrl.u32 v11, $0x7;
	v13 =	vshll.u32 v13, v1;
	v17 =	vor.u32 s18, v0;
	[sflag:s30] =	ssyncset.done $0x0  }
0x89: {  	v14 =	vshll.u32 v14, v1;
	v9 =	vshll.u32 v9, v1;
	s20 =	simm.s32 $0x41;
	v18 =	vor.u32 v0, v8;
	[sflag:s30] =	ssyncadd.s32 $0xFFFFE000  }
0x8a: {  	v15 =	vshrl.u32 v15, $0x7;
	v10 =	vshrl.u32 v10, $0x7;
	v20 =	vor.u32 s20, v0;
	v16 =	vld.idx.msk [tilespmem:v16+s29+$0x0], $0xffff  }
0x8b: {  	s24 =	simm.s32 $0xA1;
	v11 =	vshll.u32 v11, v1;
	v13 =	vbroadcast v13, $0x0;
	v14 =	vbroadcast v14, $0x0;
	v56 =	vld.idx.msk [tilespmem:v24+s29+$0x0], $0xffff  }
0x8c: {  	v9 =	vbroadcast v9, $0x0;
	v54 =	vor.u32 s24, v0;
	v15 =	vshll.u32 v15, v1;
	v12 =	vld.idx.msk [tilespmem:v12+s29+$0x0], $0xffff  }
0x8d: {  	v10 =	vshll.u32 v10, v1;
	v11 =	vbroadcast v11, $0x0;
	v8 =	vor.u32 v2, v8;
	v17 =	vld.idx.msk [tilespmem:v17+s29+$0x0], $0xffff  }
0x8e: {  	v15 =	vbroadcast v15, $0x0;
	v10 =	vbroadcast v10, $0x0;
	v13 =	vor.u32 v3, v13;
	v18 =	vld.idx.msk [tilespmem:v18+s29+$0x0], $0xffff  }
0x8f: {  	v19 =	vor.u32 v5, v14;
	v14 =	vor.u32 v6, v14;
	v11 =	vor.u32 v4, v11;
	v20 =	vld.idx.msk [tilespmem:v20+s29+$0x0], $0xffff  }
0x90: {  	v21 =	vor.u32 v5, v9;
	v9 =	vor.u32 v6, v9;
	v15 =	vor.u32 v0, v15  }
0x91: {  	v10 =	vor.u32 v3, v10;
	v23 =	vshrl.u32 v16, $0x10;
	v22 =	vshrl.u32 v12, $0x10  }
0x92: {  	v8 =	vld.idx.msk [tilespmem:v8+s29+$0x0], $0xffff;
	v59 =	vshrl.u32 v56, $0x10;
	v23 =	vand.u32 $0x1, v23;
	v22 =	vand.u32 $0x1, v22  }
0x93: {  	v13 =	vld.idx.msk [tilespmem:v13+s29+$0x0], $0xffff;
	v16 =	vadd.s32 v23, v16;
	v55 =	vshrl.u32 v17, $0x10;
	v25 =	vshrl.u32 v18, $0x10  }
0x94: {  	v11 =	vld.idx.msk [tilespmem:v11+s29+$0x0], $0xffff;
	v57 =	vshrl.u32 v20, $0x10;
	v12 =	vadd.s32 v22, v12;
	v16 =	vadd.s32 $0x7FFF, v16  }
0x95: {  	v23 =	vand.u32 $0x1, v55;
	v22 =	vld.idx.msk [tilespmem:v54+s29+$0x0], $0xffff;
	v58 =	vand.u32 $0x1, v57;
	v12 =	vadd.s32 $0x7FFF, v12  }
0x96: {  	v19 =	vld.idx.msk [tilespmem:v19+s29+$0x0], $0xffff;
	v16 =	vand.u32 $0xFFFF0000, v16;
	v17 =	vadd.s32 v23, v17;
	v12 =	vshrl.u32 v12, $0x10  }
0x97: {  	v14 =	vld.idx.msk [tilespmem:v14+s29+$0x0], $0xffff;
	v17 =	vadd.s32 $0x7FFF, v17;
	v26 =	vor.u32 v12, v16;
	v16 =	vshrl.u32 v8, $0x10  }
0x98: {  	v12 =	vld.idx.msk [tilespmem:v15+s29+$0x0], $0xffff;
	v15 =	vand.u32 $0x1, v25;
	v17 =	vand.u32 $0xFFFF0000, v17;
	v16 =	vand.u32 $0x1, v16  }
0x99: {  	v15 =	vadd.s32 v15, v18;
	v18 =	vshrl.u32 v13, $0x10;
	v8 =	vadd.s32 v16, v8  }
0x9a: {  	v16 =	vand.u32 $0x1, v18;
	v18 =	vshrl.u32 v11, $0x10;
	v60 =	vshrl.u32 v22, $0x10  }
0x9b: {  	v15 =	vadd.s32 $0x7FFF, v15;
	v13 =	vadd.s32 v16, v13;
	v16 =	vand.u32 $0x1, v18  }
0x9c: {  	v10 =	vld.idx.msk [tilespmem:v10+s29+$0x0], $0xffff;
	v18 =	vshrl.u32 v19, $0x10;
	v8 =	vadd.s32 $0x7FFF, v8;
	v62 =	vshrl.u32 v15, $0x10  }
0x9d: {  	v21 =	vld.idx.msk [tilespmem:v21+s29+$0x0], $0xffff;
	v11 =	vadd.s32 v16, v11;
	v16 =	vand.u32 $0x1, v18;
	v18 =	vshrl.u32 v14, $0x10  }
0x9e: {  	v13 =	vadd.s32 $0x7FFF, v13;
	v63 =	vand.u32 $0xFFFF0000, v8;
	v16 =	vadd.s32 v16, v19  }
0x9f: {  	v9 =	vld.idx.msk [tilespmem:v9+s29+$0x0], $0xffff;
	v18 =	vand.u32 $0x1, v18;
	v19 =	vshrl.u32 v12, $0x10;
	v11 =	vadd.s32 $0x7FFF, v11  }
0xa0: {  	v13 =	vshrl.u32 v13, $0x10;
	v14 =	vadd.s32 v18, v14;
	v18 =	vand.u32 $0x1, v19  }
0xa1: {  	v19 =	vshrl.u32 v10, $0x10;
	v16 =	vadd.s32 $0x7FFF, v16;
	v17 =	vor.u32 v13, v17  }
0xa2: {  	v12 =	vadd.s32 v18, v12;
	v18 =	vand.u32 $0x1, v19;
	v19 =	vshrl.u32 v21, $0x10  }
0xa3: {  	v61 =	vadd.s32 $0x7FFF, v14;
	v14 =	vshrl.u32 v11, $0x10;
	v15 =	vshrl.u32 v16, $0x10  }
0xa4: {  	v10 =	vadd.s32 v18, v10;
	v18 =	vand.u32 $0x1, v19;
	v19 =	vshrl.u32 v9, $0x10  }
0xa5: {  	v12 =	vadd.s32 $0x7FFF, v12;
	v16 =	vand.u32 $0xFFFF0000, v61;
	v18 =	vadd.s32 v18, v21  }
0xa6: {  	v19 =	vand.u32 $0x1, v19;
	v21 =	vand.u32 $0x1, v60;
	v10 =	vadd.s32 $0x7FFF, v10  }
0xa7: {  	v11 =	vshrl.u32 v12, $0x10;
	v9 =	vadd.s32 v19, v9;
	v19 =	vadd.s32 v58, v20  }
0xa8: {  	v20 =	vand.u32 $0x1, v59;
	v21 =	vadd.s32 v21, v22;
	v18 =	vadd.s32 $0x7FFF, v18  }
0xa9: {  	v10 =	vshrl.u32 v10, $0x10;
	v20 =	vadd.s32 v20, v56;
	v19 =	vadd.s32 $0x7FFF, v19  }
0xaa: {  	v9 =	vadd.s32 $0x7FFF, v9;
	v21 =	vadd.s32 $0x7FFF, v21;
	v8 =	vshrl.u32 v18, $0x10  }
0xab: {  	v20 =	vadd.s32 $0x7FFF, v20;
	v9 =	vand.u32 $0xFFFF0000, v9;
	v18 =	vand.u32 $0xFFFF0000, v19  }
0xac: {  	s10 =	simm.s32 $0x0;
	s6 =	smov.u32 s13;
	s18 =	simm.s32 $0x1E0;
	[tilespmem:s13+$0xFFFFFFF0] =	vst v26;
	v19 =	vor.u32 v62, v63;
	v13 =	vand.u32 $0xFFFF0000, v21;
	v12 =	vand.u32 $0xFFFF0000, v20  }
.LBB2_5:
0xad: {  	s3 =	sadd.s32 $0xFFFFFF40, s18;
	s16 =	sadd.s32 $0xFFFFFFE0, s18;
	v20 =	vmov s18;
	s10 =	sadd.s32 $0x8, s10;
	[tilespmem:s6+$0xFFFFFF90] =	vst v19;
	v14 =	vor.u32 v14, v18;
	v15 =	vor.u32 v15, v16  }
0xae: {  	s20 =	sadd.s32 $0xFFFFFF80, s18;
	v16 =	vmov s3;
	s3 =	sadd.s32 $0xFFFFFF60, s18;
	v18 =	vmov s16;
	v19 =	vshrl.u32 v20, $0x7;
	p0 =	slt.u32 s10, $0xF8;
	[tilespmem:s6+$0xFFFFFFA0] =	vst v17  }
0xaf: {  	s16 =	sadd.s32 $0xFFFFFF20, s18;
	v20 =	vmov s20;
	s20 =	sadd.s32 $0xFFFFFFC0, s18;
	v17 =	vmov s3;
	s3 =	sadd.s32 $0xFFFFFFA0, s18;
	v18 =	vshrl.u32 v18, $0x7;
	[tilespmem:s6+$0xFFFFFFB0] =	vst v14  }
0xb0: {  	s23 =	sadd.s32 $0xFFFFFF61, s18;
	v14 =	vmov s16;
	s16 =	sadd.s32 $0xFFFFFF41, s18;
	v21 =	vmov s3;
	s3 =	sadd.s32 $0xFFFFFFA1, s18;
	v18 =	vshll.u32 v18, v1;
	[tilespmem:s6+$0xFFFFFFC0] =	vst v15  }
0xb1: {  	s24 =	sadd.s32 $0xFFFFFFE1, s18;
	v14 =	vshrl.u32 v14, $0x7;
	v15 =	vmov s20;
	s20 =	sadd.s32 $0xFFFFFFC1, s18;
	v18 =	vbroadcast v18, $0x0  }
0xb2: {  	v22 =	vor.u32 s24, v0;
	v16 =	vshrl.u32 v16, $0x7;
	v17 =	vshrl.u32 v17, $0x7  }
0xb3: {  	v20 =	vshrl.u32 v20, $0x7;
	v21 =	vshrl.u32 v21, $0x7;
	v18 =	vor.u32 v4, v18  }
0xb4: {  	v16 =	vshll.u32 v16, v1;
	v14 =	vshll.u32 v14, v1;
	v15 =	vshrl.u32 v15, $0x7  }
0xb5: {  	v20 =	vshll.u32 v20, v1;
	v17 =	vshll.u32 v17, v1;
	v21 =	vshll.u32 v21, v1  }
0xb6: {  	v19 =	vshll.u32 v19, v1;
	v14 =	vbroadcast v14, $0x0;
	v15 =	vshll.u32 v15, v1  }
0xb7: {  	v23 =	vor.u32 s16, v0;
	v16 =	vbroadcast v16, $0x0;
	v17 =	vbroadcast v17, $0x0;
	v22 =	vld.idx.msk [tilespmem:v22+s29+$0x0], $0xffff  }
0xb8: {  	v20 =	vbroadcast v20, $0x0;
	v21 =	vbroadcast v21, $0x0;
	v24 =	vor.u32 v0, v14;
	v18 =	vld.idx.msk [tilespmem:v18+s29+$0x0], $0xffff  }
0xb9: {  	v19 =	vbroadcast v19, $0x0;
	v15 =	vbroadcast v15, $0x0;
	v14 =	vor.u32 v2, v14  }
0xba: {  	v16 =	vor.u32 v3, v16;
	v25 =	vor.u32 v5, v20;
	v17 =	vor.u32 v4, v17  }
0xbb: {  	v20 =	vor.u32 v6, v20;
	v21 =	vor.u32 v0, v21;
	v15 =	vor.u32 v3, v15  }
0xbc: {  	v26 =	vor.u32 s23, v0;
	v27 =	vor.u32 v5, v19;
	v19 =	vor.u32 v6, v19;
	v23 =	vld.idx.msk [tilespmem:v23+s29+$0x0], $0xffff  }
0xbd: {  	v11 =	vor.u32 v11, v12;
	v28 =	vor.u32 s3, v0;
	v29 =	vor.u32 s20, v0;
	v24 =	vld.idx.msk [tilespmem:v24+s29+$0x0], $0xffff  }
0xbe: {  	v10 =	vor.u32 v10, v13;
	v30 =	vshrl.u32 v22, $0x10;
	v12 =	vld.idx.msk [tilespmem:v14+s29+$0x0], $0xffff;
	v14 =	vshrl.u32 v18, $0x10;
	[tilespmem:s6+$0xFFFFFFD0] =	vst v11  }
0xbf: {  	v8 =	vor.u32 v8, v9;
	v11 =	vld.idx.msk [tilespmem:v16+s29+$0x0], $0xffff;
	v13 =	vand.u32 $0x1, v14;
	v14 =	vand.u32 $0x1, v30;
	[tilespmem:s6+$0xFFFFFFE0] =	vst v10  }
0xc0: {  	v9 =	vld.idx.msk [tilespmem:v17+s29+$0x0], $0xffff;
	v10 =	vadd.s32 v13, v18;
	v13 =	vadd.s32 v14, v22;
	[tilespmem:s6+$0x0] =	vst v8  }
0xc1: {  	v8 =	vld.idx.msk [tilespmem:v25+s29+$0x0], $0xffff;
	v10 =	vadd.s32 $0x7FFF, v10;
	v13 =	vadd.s32 $0x7FFF, v13  }
0xc2: {  	v14 =	vshrl.u32 v23, $0x10;
	v16 =	vld.idx.msk [tilespmem:v20+s29+$0x0], $0xffff;
	v10 =	vshrl.u32 v10, $0x10;
	v13 =	vand.u32 $0xFFFF0000, v13  }
0xc3: {  	s6 =	sadd.s32 $0x80, s6;
	v17 =	vshrl.u32 v24, $0x10;
	v14 =	vand.u32 $0x1, v14;
	v18 =	vld.idx.msk [tilespmem:v21+s29+$0x0], $0xffff;
	v10 =	vor.u32 v10, v13  }
0xc4: {  	v13 =	vand.u32 $0x1, v17;
	v17 =	vshrl.u32 v12, $0x10;
	v14 =	vadd.s32 v14, v23;
	v15 =	vld.idx.msk [tilespmem:v15+s29+$0x0], $0xffff;
	[tilespmem:s6+$0xFFFFFFF0] =	vst v10  }
0xc5: {  	v10 =	vadd.s32 v13, v24;
	v13 =	vand.u32 $0x1, v17;
	v17 =	vshrl.u32 v11, $0x10;
	v20 =	vld.idx.msk [tilespmem:v27+s29+$0x0], $0xffff  }
0xc6: {  	v12 =	vadd.s32 v13, v12;
	v13 =	vand.u32 $0x1, v17;
	v17 =	vshrl.u32 v9, $0x10;
	v19 =	vld.idx.msk [tilespmem:v19+s29+$0x0], $0xffff  }
0xc7: {  	v11 =	vadd.s32 v13, v11;
	v17 =	vand.u32 $0x1, v17;
	v21 =	vshrl.u32 v8, $0x10;
	v13 =	vld.idx.msk [tilespmem:v26+s29+$0x0], $0xffff  }
0xc8: {  	v9 =	vadd.s32 v17, v9;
	v17 =	vand.u32 $0x1, v21;
	v21 =	vshrl.u32 v16, $0x10;
	v22 =	vld.idx.msk [tilespmem:v28+s29+$0x0], $0xffff  }
0xc9: {  	v8 =	vadd.s32 v17, v8;
	v17 =	vand.u32 $0x1, v21;
	v21 =	vshrl.u32 v18, $0x10;
	v23 =	vld.idx.msk [tilespmem:v29+s29+$0x0], $0xffff  }
0xca: {  	v16 =	vadd.s32 v17, v16;
	v17 =	vand.u32 $0x1, v21;
	v21 =	vshrl.u32 v15, $0x10  }
0xcb: {  	v17 =	vadd.s32 v17, v18;
	v18 =	vand.u32 $0x1, v21;
	v21 =	vshrl.u32 v20, $0x10  }
0xcc: {  	v15 =	vadd.s32 v18, v15;
	v18 =	vand.u32 $0x1, v21;
	v21 =	vshrl.u32 v19, $0x10  }
0xcd: {  	v24 =	vshrl.u32 v13, $0x10;
	v18 =	vadd.s32 v18, v20;
	v20 =	vand.u32 $0x1, v21  }
0xce: {  	v21 =	vand.u32 $0x1, v24;
	v24 =	vshrl.u32 v22, $0x10;
	v19 =	vadd.s32 v20, v19  }
0xcf: {  	v13 =	vadd.s32 v21, v13;
	v20 =	vand.u32 $0x1, v24;
	v21 =	vshrl.u32 v23, $0x10  }
0xd0: {  	v10 =	vadd.s32 $0x7FFF, v10;
	v20 =	vadd.s32 v20, v22;
	v21 =	vand.u32 $0x1, v21  }
0xd1: {  	v12 =	vadd.s32 $0x7FFF, v12;
	v11 =	vadd.s32 $0x7FFF, v11;
	v21 =	vadd.s32 v21, v23  }
0xd2: {  	v9 =	vadd.s32 $0x7FFF, v9;
	v8 =	vadd.s32 $0x7FFF, v8;
	v16 =	vadd.s32 $0x7FFF, v16  }
0xd3: {  	v17 =	vadd.s32 $0x7FFF, v17;
	v18 =	vadd.s32 $0x7FFF, v18;
	v22 =	vadd.s32 $0x7FFF, v15  }
0xd4: {  	v19 =	vadd.s32 $0x7FFF, v19;
	v13 =	vadd.s32 $0x7FFF, v13;
	v23 =	vadd.s32 $0x7FFF, v14  }
0xd5: {  	v24 =	vshrl.u32 v10, $0x10;
	v20 =	vadd.s32 $0x7FFF, v20;
	v21 =	vadd.s32 $0x7FFF, v21  }
.Ltmp1:
0xd6: {  	v25 =	vand.u32 $0xFFFF0000, v12;
	v26 =	vshrl.u32 v11, $0x10;
	v14 =	vshrl.u32 v9, $0x10;
	(pc) =	sbr.rel @p0 .LBB2_5-.Ltmp1, $4  }
0xd7: {  	v16 =	vand.u32 $0xFFFF0000, v16;
	v11 =	vshrl.u32 v17, $0x10;
	v15 =	vshrl.u32 v8, $0x10  }
0xd8: {  	v8 =	vshrl.u32 v18, $0x10;
	v10 =	vshrl.u32 v22, $0x10;
	v9 =	vand.u32 $0xFFFF0000, v19  }
0xd9: {  	v18 =	vand.u32 $0xFFFF0000, v13;
	v17 =	vand.u32 $0xFFFF0000, v23;
	v12 =	vand.u32 $0xFFFF0000, v20  }
0xda: {  	s18 =	sadd.s32 $0x100, s18;
	v19 =	vor.u32 v24, v25;
	v17 =	vor.u32 v26, v17;
	v13 =	vand.u32 $0xFFFF0000, v21  }
0xdb: {  	[tilespmem:s6+$0xFFFFFF90] =	vst v19;
	s22 =	sadd.s32 $0x1, s22  }
0xdc: {  	v14 =	vor.u32 v14, v18;
	[tilespmem:s6+$0xFFFFFFA0] =	vst v17;
	p0 =	sne.s32 s22, $0x8  }
.Ltmp2:
0xdd: {  	v15 =	vor.u32 v15, v16;
	[tilespmem:s6+$0xFFFFFFB0] =	vst v14;
	(pc) =	sbr.rel @p0 .LBB2_2-.Ltmp2, $4  }
0xde: {  	v11 =	vor.u32 v11, v12;
	[tilespmem:s6+$0xFFFFFFC0] =	vst v15  }
0xdf: {  	v10 =	vor.u32 v10, v13;
	[tilespmem:s6+$0xFFFFFFD0] =	vst v11  }
0xe0: {  	v8 =	vor.u32 v8, v9;
	[tilespmem:s6+$0xFFFFFFE0] =	vst v10  }
0xe1: {  	s11 =	sadd.s32 $0x2000, s11;
	s13 =	sadd.s32 $0x2000, s13;
	[tilespmem:s6+$0x0] =	vst v8  }
0xe2: {  	s11 =	simm.s32 $0x0;
	s3 =	rddreg [dreg:$0x7];
	s6 =	simm.s32 $0x14000  }
0xe3: {  	[tilespmem:s6], [sflag:$0x2] =	stream.linear.gather [hbm4b:s3+s11], $0x1000, $0x38;
	[tilespmem:$0x1C010] =	vst v63  }
0xe4: {  	s23 =	rddreg [dreg:$0x8];
	s24 =	simm.s32 $0x16000  }
0xe5: {  	[tilespmem:s24], [sflag:$0x2] =	stream.linear.gather [hbm4b:s23+s11], $0x1000, $0x38;
	[tilespmem:$0x1C010] =	vst v63  }
0xe6: {  	[tilespmem:$0x1FF80] =	vst v7;
	s23 =	simm.s32 $0x15000  }
.LBB2_8:
0xe7: {  	s24 =	sshll.u32 s11, $0xD  }
0xe8: {  	s13 =	sor.u32 $0x1000, s24  }
0xe9: {  	s3 =	sor.u32 s9, s13  }
0xea: {  	s3 =	sshrl.u32 s3, $0x3  }
0xeb: {  	s18 =	sor.u32 s12, s13;
	s3 =	sadd.s32 s2, s3  }
0xec: {  	[tilespmem:s23], [sflag:$0x2] =	stream.linear.gather [hbm4b:s3+s4], $0x1000, $0x38;
	[tilespmem:$0x1C010] =	vst v63  }
0xed: {  	s3 =	sshrl.u32 s18, $0x3  }
0xee: {  	s6 =	simm.s32 $0x17000;
	s3 =	sadd.s32 s2, s3  }
0xef: {  	[tilespmem:s6], [sflag:$0x2] =	stream.linear.gather [hbm4b:s3+s4], $0x1000, $0x38;
	[tilespmem:$0x1C010] =	vst v63  }
0xf0: {  	_ =	swait.ge [sflag:s31], $0x1000  }
0xf1: {  	[sflag:s31] =	ssyncset.done $0x0  }
0xf2: {  	[sflag:s31] =	ssyncadd.s32 $0xFFFFF000  }
0xf3: {  	_ =	swait.ge [sflag:s31], $0x1000  }
0xf4: {  	p0 =	seq.s32 s11, $0x0;
	[sflag:s31] =	ssyncset.done $0x0  }
0xf5: {  	s3 =	simm.s32 @!p0 $0x3;
	[sflag:s31] =	ssyncadd.s32 $0xFFFFF000  }
0xf6: {  	_ =	swait.ge @!p0 [sflag:s3], $0x1000  }
0xf7: {  	[sflag:s3] =	ssyncset.done @!p0 $0x0  }
0xf8: {  	[sflag:s3] =	ssyncadd.s32 @!p0 $0xFFFFF000  }
0xf9: {  	_ =	swait.ge @!p0 [sflag:s3], $0x1000  }
0xfa: {  	[sflag:s3] =	ssyncset.done @!p0 $0x0  }
0xfb: {  	s20 =	simm.s32 $0x16040;
	[sflag:s3] =	ssyncadd.s32 @!p0 $0xFFFFF000  }
0xfc: {  	v8 =	vld [tilespmem:s20+$0x30]  }
0xfd: {  	s22 =	simm.s32 $0x14040;
	v9 =	vld [tilespmem:s20+$0xFFFFFFC0]  }
0xfe: {  	v10 =	vld [tilespmem:s22+$0x30]  }
0xff: {  	v12 =	vld [tilespmem:s20+$0xFFFFFFD0]  }
0x100: {  	v14 =	vld [tilespmem:s20+$0xFFFFFFE0]  }
0x101: {  	v16 =	vld [tilespmem:s20+$0xFFFFFFF0]  }
0x102: {  	v18 =	vld [tilespmem:s20+$0x10]  }
0x103: {  	v20 =	vld [tilespmem:s22+$0xFFFFFFD0]  }
0x104: {  	v21 =	vld [tilespmem:s22+$0xFFFFFFE0]  }
0x105: {  	v28 =	vld [tilespmem:s22+$0x10];
	v8 =	vmul.f32 v8, v7  }
0x106: {  	v4 =	vmul.f32 v9, v7;
	v10 =	vmul.f32 v10, v7  }
0x107: {  	v5 =	vmul.f32 v12, v7;
	v6 =	vmul.f32 v14, v7  }
0x108: {  	v0 =	vmul.f32 v16, v7;
	v2 =	vmul.f32 v18, v7  }
0x109: {  	v12 =	vld [tilespmem:s20+$0x20];
	v23 =	vmul.f32 v20, v7;
	v21 =	vmul.f32 v21, v7  }
0x10a: {  	v9 =	vld [tilespmem:s20+$0x0];
	v22 =	vmul.f32 v28, v7;
	v15 =	vtrunc.f32 v8  }
0x10b: {  	v14 =	vtrunc.f32 v10;
	v25 =	vtrunc.f32 v4  }
0x10c: {  	v34 =	vtrunc.f32 v5;
	v35 =	vtrunc.f32 v6  }
0x10d: {  	v28 =	vtrunc.f32 v0;
	v24 =	vcvt.f32.s32 v15  }
0x10e: {  	v26 =	vld [tilespmem:s22+$0xFFFFFFF0];
	v14 =	vcvt.f32.s32 v14;
	v3 =	vmul.f32 v12, v7  }
0x10f: {  	v63 =	vtrunc.f32 v22;
	v16 =	vmul.u32 $0x9E3779B1, v24;
	v1 =	vmul.f32 v9, v7;
	v9 =	vld [tilespmem:s22+$0x0]  }
0x110: {  	v34 =	vcvt.f32.s32 v34;
	v27 =	vadd.s32 $0x1, v14;
	v24 =	vcvt.s32.f32 v24;
	[tilespmem:$0x1FED0] =	vst v3  }
0x111: {  	v18 =	vxor.u32 v14, v16;
	v29 =	vxor.u32 v27, v16;
	v32 =	vadd.s32 $0x9E3779B1, v16;
	v31 =	vld [tilespmem:s22+$0x20]  }
0x112: {  	v8 =	vsub.f32 v8, v24;
	v24 =	vtrunc.f32 v2;
	v29 =	vand.u32 $0xFFFF, v29;
	v33 =	vld [tilespmem:s22+$0xFFFFFFC0]  }
0x113: {  	v30 =	vand.u32 $0xFFFF, v18;
	v20 =	vxor.u32 v14, v32;
	v18 =	vmul.f32 v26, v7  }
0x114: {  	v11 =	vcvt.f32.s32 v24;
	v36 =	vand.u32 $0xFFFF, v20;
	v20 =	vmul.f32 v9, v7  }
0x115: {  	v9 =	vcvt.s32.f32 v14;
	v61 =	vtrunc.f32 v18  }
0x116: {  	v45 =	vmul.u32 $0x9E3779B1, v11;
	v11 =	vcvt.s32.f32 v11;
	v62 =	vtrunc.f32 v20  }
0x117: {  	v9 =	vsub.f32 v10, v9;
	v19 =	vmul.f32 v31, v7;
	v10 =	vld.idx.msk [tilespmem:v29+s4+$0x0], $0xffff;
	v29 =	vmul.f32 v33, v7  }
0x118: {  	v14 =	vxor.u32 v27, v32;
	v27 =	vld.idx.msk [tilespmem:v30+s4+$0x0], $0xffff;
	v30 =	vtrunc.f32 v1;
	v31 =	vtrunc.f32 v3  }
0x119: {  	v46 =	vcvt.f32.s32 v62;
	v55 =	vsub.f32 $1.000000000e+00, v9;
	v56 =	vld.idx.msk [tilespmem:v36+s4+$0x0], $0xffff;
	v36 =	vcvt.f32.s32 v25  }
0x11a: {  	v25 =	vsub.f32 $1.000000000e+00, v8;
	v31 =	vcvt.f32.s32 v31;
	v24 =	vtrunc.f32 v29  }
0x11b: {  	v16 =	vcvt.s32.f32 v46;
	v37 =	vmul.f32 v8, v55  }
0x11c: {  	v14 =	vand.u32 $0xFFFF, v14;
	v8 =	vmul.f32 v8, v9;
	v32 =	vmul.f32 v25, v55  }
0x11d: {  	v51 =	vadd.s32 $0x1, v46;
	v9 =	vmul.f32 v25, v9;
	v41 =	vcvt.f32.s32 v24  }
0x11e: {  	v38 =	vmul.u32 $0x9E3779B1, v36;
	v24 =	vtrunc.f32 v19;
	v36 =	vcvt.s32.f32 v36  }
0x11f: {  	v26 =	vmovc v0;
	v24 =	vcvt.f32.s32 v24;
	v25 =	vshll.u32 v27, $0x10;
	v39 =	vshll.u32 v10, $0x10  }
0x120: {  	v0 =	vmovc v1;
	v1 =	vmovc v2;
	v27 =	vand.u32 $0xFFFF0000, v27;
	v10 =	vand.u32 $0xFFFF0000, v10;
	v47 =	vadd.s32 $0x1, v41  }
0x121: {  	v14 =	vld.idx.msk [tilespmem:v14+s4+$0x0], $0xffff;
	v2 =	vxor.u32 v41, v38;
	v25 =	vmul.f32 v25, v32;
	v39 =	vmul.f32 v39, v9  }
0x122: {  	v40 =	vshll.u32 v56, $0x10;
	v27 =	vmul.f32 v27, v32;
	v9 =	vmul.f32 v10, v9  }
0x123: {  	v57 =	vand.u32 $0xFFFF0000, v56;
	v32 =	vcvt.f32.s32 v35;
	v35 =	vcvt.f32.s32 v61  }
0x124: {  	v3 =	vadd.s32 $0x1, v24;
	v53 =	vxor.u32 v47, v38;
	v38 =	vadd.s32 $0x9E3779B1, v38  }
0x125: {  	v53 =	vand.u32 $0xFFFF, v53;
	v10 =	vadd.f32 v39, v25;
	v25 =	vmul.f32 v40, v37  }
0x126: {  	v58 =	vshll.u32 v14, $0x10;
	v9 =	vadd.f32 v9, v27;
	v27 =	vmul.f32 v57, v37  }
0x127: {  	v14 =	vand.u32 $0xFFFF0000, v14;
	v33 =	vmul.u32 $0x9E3779B1, v32;
	v40 =	vcvt.f32.s32 v63  }
0x128: {  	v50 =	vadd.s32 $0x1, v35;
	v39 =	vand.u32 $0xFFFF, v2;
	v32 =	vcvt.s32.f32 v32  }
0x129: {  	v15 =	vcvt.s32.f32 v35;
	v10 =	vadd.f32 v10, v25;
	v25 =	vmul.f32 v58, v8  }
0x12a: {  	v27 =	vadd.f32 v9, v27;
	v8 =	vmul.f32 v14, v8;
	v14 =	vcvt.f32.s32 v28  }
0x12b: {  	v28 =	vcvt.f32.s32 v30;
	v30 =	vtrunc.f32 v21;
	v52 =	vadd.s32 $0x1, v40  }
0x12c: {  	v62 =	vxor.u32 v40, v45;
	v17 =	vcvt.s32.f32 v40;
	v44 =	vcvt.f32.s32 v30  }
0x12d: {  	v30 =	vmul.u32 $0x9E3779B1, v31;
	v63 =	vxor.u32 v52, v45;
	v31 =	vcvt.s32.f32 v31  }
0x12e: {  	v62 =	vand.u32 $0xFFFF, v62;
	v45 =	vadd.s32 $0x9E3779B1, v45;
	v59 =	vadd.f32 v10, v25  }
0x12f: {  	v60 =	vadd.f32 v27, v8;
	v25 =	vtrunc.f32 v23;
	v27 =	vmul.u32 $0x9E3779B1, v34  }
0x130: {  	v37 =	vmul.u32 $0x9E3779B1, v14;
	v8 =	vcvt.s32.f32 v41;
	v34 =	vcvt.s32.f32 v34  }
0x131: {  	v42 =	vmul.u32 $0x9E3779B1, v28;
	v14 =	vcvt.s32.f32 v14;
	v28 =	vcvt.s32.f32 v28  }
0x132: {  	v43 =	vcvt.f32.s32 v25;
	v49 =	vadd.s32 $0x1, v44;
	v56 =	vxor.u32 v44, v33  }
0x133: {  	v9 =	vxor.u32 v24, v30;
	v10 =	vxor.u32 v3, v30;
	v13 =	vcvt.s32.f32 v44  }
0x134: {  	[tilespmem:$0x1FF60] =	vst v59;
	v57 =	vxor.u32 v49, v33;
	v58 =	vxor.u32 v35, v37;
	v59 =	vxor.u32 v50, v37  }
0x135: {  	[tilespmem:$0x1FF70] =	vst v60;
	v60 =	vxor.u32 v46, v42;
	v61 =	vxor.u32 v51, v42;
	v56 =	vand.u32 $0xFFFF, v56  }
0x136: {  	v2 =	vsub.f32 v29, v8;
	v29 =	vcvt.s32.f32 v24;
	v8 =	vand.u32 $0xFFFF, v9  }
0x137: {  	v33 =	vadd.s32 $0x9E3779B1, v33;
	v37 =	vadd.s32 $0x9E3779B1, v37;
	v9 =	vxor.u32 v41, v38  }
0x138: {  	v41 =	vsub.f32 v5, v34;
	v34 =	vsub.f32 v20, v16;
	v48 =	vadd.s32 $0x1, v43  }
0x139: {  	v54 =	vxor.u32 v43, v27;
	v12 =	vcvt.s32.f32 v43;
	v57 =	vand.u32 $0xFFFF, v57  }
0x13a: {  	v58 =	vand.u32 $0xFFFF, v58;
	v59 =	vand.u32 $0xFFFF, v59;
	v60 =	vand.u32 $0xFFFF, v60  }
0x13b: {  	v61 =	vand.u32 $0xFFFF, v61;
	[tilespmem:$0x1FEE0] =	vst v8;
	v8 =	vand.u32 $0xFFFF, v10;
	v5 =	vxor.u32 v50, v37  }
0x13c: {  	v55 =	vxor.u32 v48, v27;
	v54 =	vand.u32 $0xFFFF, v54;
	v27 =	vadd.s32 $0x9E3779B1, v27  }
0x13d: {  	[tilespmem:$0x1FEF0] =	vst v8;
	v8 =	vadd.s32 $0x9E3779B1, v42;
	v42 =	vsub.f32 v21, v13;
	v21 =	vsub.f32 v22, v17  }
0x13e: {  	v22 =	vsub.f32 v1, v11;
	v25 =	vsub.f32 $1.000000000e+00, v34;
	v10 =	vxor.u32 v43, v27  }
0x13f: {  	v43 =	vsub.f32 v23, v12;
	[tilespmem:$0x1FF00] =	vst v10;
	v10 =	vxor.u32 v44, v33;
	v44 =	vsub.f32 v4, v36  }
0x140: {  	v55 =	vand.u32 $0xFFFF, v55;
	v36 =	vsub.f32 v6, v32;
	v32 =	vsub.f32 v26, v14  }
0x141: {  	v26 =	vsub.f32 v0, v28;
	v28 =	vsub.f32 v19, v29;
	v29 =	vxor.u32 v47, v38;
	v47 =	vld [tilespmem:$0x1FED0]  }
0x142: {  	v4 =	vxor.u32 v35, v37;
	v35 =	vsub.f32 v18, v15;
	v19 =	vsub.f32 $1.000000000e+00, v2;
	[tilespmem:$0x1FF10] =	vst v10  }
0x143: {  	v38 =	vsub.f32 $1.000000000e+00, v42;
	v6 =	vxor.u32 v51, v8;
	[tilespmem:$0x1FF20] =	vst v4;
	v4 =	vxor.u32 v46, v8  }
0x144: {  	v20 =	vsub.f32 $1.000000000e+00, v43;
	[tilespmem:$0x1FF30] =	vst v4;
	v4 =	vxor.u32 v40, v45;
	v16 =	vsub.f32 $1.000000000e+00, v44  }
0x145: {  	v46 =	vsub.f32 $1.000000000e+00, v41;
	v40 =	vand.u32 $0xFFFF, v9;
	v8 =	vsub.f32 $1.000000000e+00, v36;
	[tilespmem:$0x1FF40] =	vst v4  }
0x146: {  	v39 =	vld.idx.msk [tilespmem:v39+s4+$0x0], $0xffff;
	v0 =	vmul.f32 v16, v19;
	v16 =	vmul.f32 v16, v2;
	v23 =	vsub.f32 v47, v31  }
0x147: {  	v37 =	vsub.f32 $1.000000000e+00, v35;
	v31 =	vxor.u32 v48, v27;
	v47 =	vld.idx.msk [tilespmem:v53+s4+$0x0], $0xffff;
	[tilespmem:$0x1FF50] =	vst v6;
	v6 =	vxor.u32 v52, v45  }
0x148: {  	v45 =	vsub.f32 $1.000000000e+00, v32;
	v52 =	vmul.f32 v46, v20;
	v46 =	vmul.f32 v46, v43;
	v50 =	vld.idx.msk [tilespmem:v54+s4+$0x0], $0xffff  }
0x149: {  	v48 =	vsub.f32 $1.000000000e+00, v26;
	v53 =	vld.idx.msk [tilespmem:v55+s4+$0x0], $0xffff;
	v55 =	vmul.f32 v8, v38;
	v8 =	vmul.f32 v8, v42  }
0x14a: {  	v4 =	vxor.u32 v49, v33;
	v56 =	vld.idx.msk [tilespmem:v56+s4+$0x0], $0xffff;
	v10 =	vmul.f32 v45, v37;
	v45 =	vmul.f32 v45, v35  }
0x14b: {  	v57 =	vld.idx.msk [tilespmem:v57+s4+$0x0], $0xffff;
	v11 =	vmul.f32 v48, v25;
	v1 =	vshll.u32 v39, $0x10;
	v39 =	vand.u32 $0xFFFF0000, v39  }
0x14c: {  	v9 =	vshll.u32 v47, $0x10;
	v47 =	vand.u32 $0xFFFF0000, v47;
	v54 =	vmul.f32 v1, v0  }
0x14d: {  	v49 =	vld.idx.msk [tilespmem:v58+s4+$0x0], $0xffff;
	v39 =	vmul.f32 v39, v0;
	v0 =	vshll.u32 v50, $0x10;
	v18 =	vmul.f32 v47, v16  }
0x14e: {  	v59 =	vld.idx.msk [tilespmem:v59+s4+$0x0], $0xffff;
	v1 =	vshll.u32 v53, $0x10;
	v53 =	vand.u32 $0xFFFF0000, v53;
	v58 =	vmul.f32 v0, v52  }
0x14f: {  	v50 =	vand.u32 $0xFFFF0000, v50;
	v47 =	vmul.f32 v1, v46;
	v46 =	vmul.f32 v53, v46;
	v53 =	vld.idx.msk [tilespmem:v60+s4+$0x0], $0xffff  }
0x150: {  	v50 =	vmul.f32 v50, v52;
	v0 =	vshll.u32 v56, $0x10;
	v1 =	vshll.u32 v57, $0x10  }
0x151: {  	v56 =	vand.u32 $0xFFFF0000, v56;
	v57 =	vand.u32 $0xFFFF0000, v57;
	v52 =	vmul.f32 v0, v55  }
0x152: {  	v55 =	vmul.f32 v56, v55;
	v0 =	vshll.u32 v49, $0x10;
	v60 =	vmul.f32 v1, v8  }
0x153: {  	v14 =	vmul.f32 v57, v8;
	v1 =	vshll.u32 v59, $0x10;
	v59 =	vand.u32 $0xFFFF0000, v59  }
0x154: {  	v57 =	vld.idx.msk [tilespmem:v62+s4+$0x0], $0xffff;
	v56 =	vmul.f32 v0, v10;
	v62 =	vmul.f32 v1, v45;
	v0 =	vshll.u32 v53, $0x10  }
0x155: {  	v45 =	vmul.f32 v59, v45;
	v59 =	vmul.f32 v0, v11;
	v0 =	vld [tilespmem:$0x1FEE0]  }
0x156: {  	v63 =	vand.u32 $0xFFFF, v63  }
0x157: {  	v61 =	vld.idx.msk [tilespmem:v61+s4+$0x0], $0xffff  }
0x158: {  	v51 =	vsub.f32 $1.000000000e+00, v22  }
0x159: {  	v33 =	vsub.f32 $1.000000000e+00, v21;
	v48 =	vmul.f32 v48, v34;
	v49 =	vand.u32 $0xFFFF0000, v49  }
0x15a: {  	v17 =	vmul.f32 v9, v16;
	v16 =	vmul.f32 v49, v10;
	v53 =	vand.u32 $0xFFFF0000, v53  }
0x15b: {  	v63 =	vld.idx.msk [tilespmem:v63+s4+$0x0], $0xffff;
	v49 =	vmul.f32 v51, v33;
	v15 =	vmul.f32 v53, v11  }
0x15c: {  	v53 =	vshll.u32 v61, $0x10;
	v61 =	vand.u32 $0xFFFF0000, v61;
	v1 =	vshll.u32 v57, $0x10  }
0x15d: {  	v57 =	vand.u32 $0xFFFF0000, v57;
	v53 =	vmul.f32 v53, v48;
	v48 =	vmul.f32 v61, v48;
	v10 =	vld.idx.msk [tilespmem:v0+s4+$0x0], $0xffff  }
0x15e: {  	v61 =	vmul.f32 v1, v49;
	v49 =	vmul.f32 v57, v49;
	v57 =	vld [tilespmem:$0x1FEF0]  }
0x15f: {  	v13 =	vsub.f32 $1.000000000e+00, v28;
	v9 =	vsub.f32 $1.000000000e+00, v23;
	v51 =	vmul.f32 v51, v21  }
0x160: {  	v8 =	vshll.u32 v63, $0x10;
	v63 =	vand.u32 $0xFFFF0000, v63  }
0x161: {  	v17 =	vadd.f32 v17, v54;
	v54 =	vld [tilespmem:$0x1FF10];
	v12 =	vmul.f32 v8, v51;
	v8 =	vmul.f32 v9, v13  }
0x162: {  	v51 =	vmul.f32 v63, v51;
	v0 =	vld [tilespmem:$0x1FF00];
	v63 =	vshll.u32 v10, $0x10;
	v10 =	vand.u32 $0xFFFF0000, v10  }
0x163: {  	v63 =	vmul.f32 v63, v8;
	v8 =	vmul.f32 v10, v8;
	v10 =	vld.idx.msk [tilespmem:v40+s4+$0x0], $0xffff  }
0x164: {  	v30 =	vadd.s32 $0x9E3779B1, v30;
	v40 =	vadd.f32 v47, v58;
	v58 =	vld [tilespmem:$0x1FF20]  }
0x165: {  	v24 =	vxor.u32 v24, v30  }
0x166: {  	v24 =	vand.u32 $0xFFFF, v24;
	v29 =	vand.u32 $0xFFFF, v29;
	v57 =	vld.idx.msk [tilespmem:v57+s4+$0x0], $0xffff  }
0x167: {  	v19 =	vmul.f32 v44, v19;
	v27 =	vxor.u32 v3, v30;
	v11 =	vand.u32 $0xFFFF, v0  }
0x168: {  	v20 =	vmul.f32 v41, v20;
	v47 =	vadd.f32 v60, v52;
	v52 =	vadd.f32 v62, v56;
	v56 =	vld [tilespmem:$0x1FF30]  }
0x169: {  	v18 =	vadd.f32 v18, v39;
	v39 =	vand.u32 $0xFFFF, v54;
	v60 =	vand.u32 $0xFFFF, v58;
	v58 =	vld [tilespmem:$0x1FF40]  }
0x16a: {  	v31 =	vand.u32 $0xFFFF, v31;
	v37 =	vmul.f32 v32, v37;
	v9 =	vmul.f32 v9, v28  }
0x16b: {  	v46 =	vadd.f32 v46, v50;
	v30 =	vshll.u32 v57, $0x10;
	v57 =	vand.u32 $0xFFFF0000, v57  }
0x16c: {  	v45 =	vadd.f32 v45, v16;
	v30 =	vmul.f32 v30, v9;
	v9 =	vmul.f32 v57, v9;
	v11 =	vld.idx.msk [tilespmem:v11+s4+$0x0], $0xffff  }
0x16d: {  	v62 =	vshll.u32 v10, $0x10;
	v57 =	vand.u32 $0xFFFF, v56;
	v10 =	vand.u32 $0xFFFF0000, v10  }
0x16e: {  	v16 =	vld.idx.msk [tilespmem:v39+s4+$0x0], $0xffff;
	v54 =	vmul.f32 v62, v19;
	v19 =	vmul.f32 v10, v19;
	v10 =	vand.u32 $0xFFFF, v58  }
0x16f: {  	v25 =	vmul.f32 v26, v25;
	v15 =	vadd.f32 v48, v15;
	v49 =	vadd.f32 v51, v49  }
0x170: {  	v13 =	vmul.f32 v23, v13;
	v39 =	vadd.f32 v53, v59;
	v53 =	vadd.f32 v12, v61;
	v50 =	vld.idx.msk [tilespmem:v60+s4+$0x0], $0xffff  }
0x171: {  	v12 =	vmul.f32 v36, v38;
	v60 =	vshll.u32 v11, $0x10;
	v11 =	vand.u32 $0xFFFF0000, v11  }
0x172: {  	v51 =	vadd.f32 v30, v63;
	v48 =	vmul.f32 v60, v20;
	v20 =	vmul.f32 v11, v20;
	v11 =	vld.idx.msk [tilespmem:v57+s4+$0x0], $0xffff  }
0x173: {  	v30 =	vshll.u32 v16, $0x10;
	v16 =	vand.u32 $0xFFFF0000, v16;
	v63 =	vmul.f32 v36, v42;
	v10 =	vld.idx.msk [tilespmem:v10+s4+$0x0], $0xffff  }
0x174: {  	v14 =	vadd.f32 v14, v55;
	v38 =	vmul.f32 v30, v12;
	v55 =	vmul.f32 v16, v12  }
0x175: {  	v12 =	vld.idx.msk [tilespmem:v24+s4+$0x0], $0xffff;
	v62 =	vmul.f32 v41, v43;
	v16 =	vshll.u32 v50, $0x10;
	v24 =	vand.u32 $0xFFFF0000, v50  }
0x176: {  	v30 =	vadd.f32 v9, v8;
	v61 =	vmul.f32 v16, v37;
	v37 =	vmul.f32 v24, v37  }
0x177: {  	v16 =	vshll.u32 v11, $0x10;
	v11 =	vand.u32 $0xFFFF0000, v11;
	v24 =	vmul.f32 v22, v33  }
0x178: {  	v57 =	vmul.f32 v11, v25;
	v11 =	vshll.u32 v10, $0x10;
	v10 =	vand.u32 $0xFFFF0000, v10  }
0x179: {  	v43 =	vld [tilespmem:$0x1FF50];
	v58 =	vmul.f32 v11, v24;
	v59 =	vmul.f32 v10, v24;
	v24 =	vand.u32 $0xFFFF, v4  }
0x17a: {  	v9 =	vld.idx.msk [tilespmem:v29+s4+$0x0], $0xffff;
	v56 =	vmul.f32 v16, v25;
	v16 =	vmul.f32 v32, v35;
	v10 =	vshll.u32 v12, $0x10  }
0x17b: {  	v31 =	vld.idx.msk [tilespmem:v31+s4+$0x0], $0xffff;
	v11 =	vand.u32 $0xFFFF0000, v12;
	v12 =	vmul.f32 v26, v34;
	v26 =	vadd.f32 v17, v54  }
0x17c: {  	v17 =	vand.u32 $0xFFFF, v6;
	v8 =	vmul.f32 v10, v13;
	v25 =	vmul.f32 v11, v13  }
0x17d: {  	v42 =	vand.u32 $0xFFFF, v5;
	v13 =	vmul.f32 v44, v2;
	v11 =	vmul.f32 v22, v21  }
0x17e: {  	v44 =	vand.u32 $0xFFFF, v43;
	v10 =	vmul.f32 v23, v28;
	v28 =	vand.u32 $0xFFFF, v27;
	v60 =	vld.idx.msk [tilespmem:v24+s4+$0x0], $0xffff  }
0x17f: {  	v27 =	vadd.f32 v18, v19;
	v18 =	vshll.u32 v9, $0x10;
	v23 =	vadd.f32 v40, v48  }
0x180: {  	v21 =	vadd.f32 v14, v55;
	v14 =	vshll.u32 v31, $0x10;
	v32 =	vmul.f32 v18, v13  }
0x181: {  	v24 =	vadd.f32 v46, v20;
	v20 =	vadd.f32 v52, v61;
	v61 =	vld.idx.msk [tilespmem:v17+s4+$0x0], $0xffff;
	v17 =	vand.u32 $0xFFFF0000, v31  }
0x182: {  	v18 =	vadd.f32 v45, v37;
	v37 =	vmul.f32 v14, v62;
	v33 =	vmul.f32 v17, v62  }
0x183: {  	v62 =	vld.idx.msk [tilespmem:v28+s4+$0x0], $0xffff;
	v17 =	vadd.f32 v15, v57;
	v15 =	vshll.u32 v60, $0x10;
	v28 =	vand.u32 $0xFFFF0000, v60  }
0x184: {  	v19 =	vadd.f32 v39, v56;
	v40 =	vmul.f32 v15, v63;
	v39 =	vmul.f32 v28, v63;
	v63 =	vld [tilespmem:$0x1FF60];
	_ =	sdelay $0x1  }
0x185: {  	v9 =	vand.u32 $0xFFFF0000, v9  }
0x186: {  	v29 =	vmul.f32 v9, v13;
	v9 =	vld.idx.msk [tilespmem:v42+s4+$0x0], $0xffff  }
0x187: {  	s18 =	simm.s32 $0x18040;
	v13 =	vld.idx.msk [tilespmem:v44+s4+$0x0], $0xffff  }
0x188: {  	[tilespmem:s18+$0x30] =	vst v63  }
0x189: {  	v0 =	vld [tilespmem:$0x1FF70];
	_ =	sdelay $0x1  }
0x18a: {  	v22 =	vadd.f32 v47, v38;
	v14 =	vadd.f32 v53, v58;
	v36 =	vshll.u32 v9, $0x10  }
0x18b: {  	v38 =	vand.u32 $0xFFFF0000, v9;
	v31 =	vshll.u32 v61, $0x10;
	v34 =	vshll.u32 v13, $0x10  }
0x18c: {  	s10 =	simm.s32 $0x19040;
	v35 =	vand.u32 $0xFFFF0000, v13;
	v15 =	vadd.f32 v49, v59;
	v28 =	vand.u32 $0xFFFF0000, v61  }
0x18d: {  	s6 =	simm.s32 $0x0;
	s20 =	simm.s32 $0x160C0;
	v13 =	vadd.f32 v51, v8;
	v9 =	vshll.u32 v62, $0x10;
	v8 =	vand.u32 $0xFFFF0000, v62;
	[tilespmem:s10+$0x30] =	vst v0  }
.LBB2_9:
0x18e: {  	v41 =	vld [tilespmem:s20+$0x30]  }
0x18f: {  	v25 =	vadd.f32 v30, v25;
	v30 =	vld [tilespmem:s20+$0xFFFFFFC0];
	s22 =	sadd.s32 $0x80, s22  }
0x190: {  	v26 =	vadd.f32 v26, v32;
	v42 =	vld [tilespmem:s22+$0x30];
	v27 =	vadd.f32 v27, v29  }
0x191: {  	v29 =	vmul.f32 v31, v11;
	v11 =	vmul.f32 v28, v11;
	v28 =	vld [tilespmem:s20+$0xFFFFFFD0];
	v23 =	vadd.f32 v23, v37  }
0x192: {  	v31 =	vmul.f32 v8, v10;
	v22 =	vadd.f32 v22, v40;
	[tilespmem:s18+$0xFFFFFFC0] =	vst v26;
	v26 =	vmul.f32 v9, v10;
	v10 =	vld [tilespmem:s20+$0xFFFFFFE0]  }
0x193: {  	v36 =	vmul.f32 v36, v16;
	v16 =	vmul.f32 v38, v16;
	v9 =	vadd.f32 v24, v33;
	v24 =	vld [tilespmem:s20+$0xFFFFFFF0];
	[tilespmem:s18+$0xFFFFFFD0] =	vst v23  }
0x194: {  	v38 =	vmul.f32 v34, v12;
	v12 =	vmul.f32 v35, v12;
	v21 =	vadd.f32 v21, v39;
	v23 =	vld [tilespmem:s20+$0x0];
	[tilespmem:s18+$0xFFFFFFE0] =	vst v22  }
0x195: {  	v20 =	vadd.f32 v20, v36;
	v22 =	vld [tilespmem:s20+$0x20];
	[tilespmem:s10+$0xFFFFFFC0] =	vst v27;
	v27 =	vmul.f32 v41, v7;
	v0 =	vmul.f32 v30, v7  }
0x196: {  	v16 =	vadd.f32 v18, v16;
	v30 =	vmul.f32 v42, v7;
	v1 =	vmul.f32 v28, v7  }
0x197: {  	v18 =	vadd.f32 v19, v38;
	v19 =	vld [tilespmem:s20+$0x10];
	[tilespmem:s10+$0xFFFFFFE0] =	vst v21;
	v43 =	vtrunc.f32 v27;
	v44 =	vtrunc.f32 v0  }
0x198: {  	v17 =	vadd.f32 v17, v12;
	[tilespmem:s18+$0xFFFFFFF0] =	vst v20;
	v28 =	vcvt.f32.s32 v43;
	v12 =	vmul.f32 v10, v7  }
0x199: {  	v21 =	vadd.f32 v14, v29;
	[tilespmem:s10+$0xFFFFFFF0] =	vst v16;
	v14 =	vtrunc.f32 v30;
	v10 =	vmul.f32 v24, v7  }
0x19a: {  	v11 =	vadd.f32 v15, v11;
	[tilespmem:s10+$0xFFFFFFD0] =	vst v9;
	v45 =	vld [tilespmem:s22+$0xFFFFFFF0];
	v8 =	vmul.f32 v23, v7;
	v9 =	vmul.f32 v22, v7  }
0x19b: {  	v25 =	vadd.f32 v25, v31;
	v48 =	vtrunc.f32 v1;
	v33 =	vcvt.f32.s32 v44  }
0x19c: {  	v29 =	vld [tilespmem:s22+$0xFFFFFFD0];
	v23 =	vadd.f32 v13, v26;
	v24 =	vcvt.f32.s32 v14;
	v14 =	vmul.f32 v19, v7  }
0x19d: {  	[tilespmem:s18+$0x0] =	vst v18;
	v20 =	vld [tilespmem:s22+$0xFFFFFFE0];
	v37 =	vcvt.f32.s32 v48;
	v32 =	vmul.u32 $0x9E3779B1, v28;
	v50 =	vtrunc.f32 v10  }
0x19e: {  	v26 =	vld [tilespmem:s22+$0x0];
	[tilespmem:s10+$0x0] =	vst v17;
	v51 =	vtrunc.f32 v9;
	v3 =	vcvt.s32.f32 v33;
	v46 =	vadd.s32 $0x1, v24  }
0x19f: {  	v15 =	vmovc v0;
	v17 =	vld [tilespmem:s22+$0x10];
	[tilespmem:s18+$0x10] =	vst v21;
	v19 =	vmul.f32 v45, v7;
	v5 =	vcvt.s32.f32 v37;
	v16 =	vxor.u32 v24, v32  }
0x1a0: {  	[tilespmem:s10+$0x10] =	vst v11;
	v11 =	vld [tilespmem:s22+$0xFFFFFFC0];
	v18 =	vxor.u32 v46, v32;
	v32 =	vadd.s32 $0x9E3779B1, v32;
	v3 =	vsub.f32 v15, v3  }
0x1a1: {  	v22 =	vand.u32 $0xFFFF, v16;
	v16 =	vmul.f32 v29, v7;
	v47 =	vand.u32 $0xFFFF, v18  }
0x1a2: {  	v29 =	vld [tilespmem:s22+$0x20];
	v18 =	vmul.f32 v20, v7;
	v20 =	vxor.u32 v24, v32;
	[tilespmem:s18+$0x20] =	vst v23;
	v23 =	vtrunc.f32 v12  }
0x1a3: {  	v21 =	vmul.f32 v26, v7;
	v24 =	vcvt.s32.f32 v24;
	v26 =	vxor.u32 v46, v32  }
0x1a4: {  	v32 =	vcvt.f32.s32 v51;
	v49 =	vand.u32 $0xFFFF, v20;
	v20 =	vmul.f32 v17, v7  }
0x1a5: {  	v17 =	vcvt.s32.f32 v28;
	v26 =	vand.u32 $0xFFFF, v26;
	v11 =	vmul.f32 v11, v7  }
0x1a6: {  	v23 =	vcvt.f32.s32 v23;
	v24 =	vsub.f32 v30, v24;
	v30 =	vtrunc.f32 v8  }
0x1a7: {  	v17 =	vsub.f32 v27, v17;
	v27 =	vtrunc.f32 v14;
	v30 =	vcvt.f32.s32 v30;
	v28 =	vld.idx.msk [tilespmem:v22+s4+$0x0], $0xffff  }
0x1a8: {  	v46 =	vmul.u32 $0x9E3779B1, v32;
	v61 =	vtrunc.f32 v20;
	v22 =	vmul.f32 v29, v7;
	v29 =	vld.idx.msk [tilespmem:v47+s4+$0x0], $0xffff  }
0x1a9: {  	v52 =	vsub.f32 $1.000000000e+00, v24;
	v48 =	vcvt.f32.s32 v61;
	v53 =	vsub.f32 $1.000000000e+00, v17  }
0x1aa: {  	v55 =	vmul.f32 v17, v24;
	v40 =	vmul.u32 $0x9E3779B1, v30;
	v30 =	vcvt.s32.f32 v30;
	v34 =	vld.idx.msk [tilespmem:v49+s4+$0x0], $0xffff  }
0x1ab: {  	v13 =	vmovc v1;
	v35 =	vmul.u32 $0x9E3779B1, v23;
	v26 =	vld.idx.msk [tilespmem:v26+s4+$0x0], $0xffff;
	v54 =	vmul.f32 v17, v52;
	v1 =	vcvt.s32.f32 v48  }
0x1ac: {  	v17 =	vmul.u32 $0x9E3779B1, v33;
	v31 =	vmul.f32 v53, v52;
	v24 =	vmul.f32 v53, v24  }
0x1ad: {  	v8 =	vsub.f32 v8, v30;
	v56 =	vshll.u32 v28, $0x10;
	v57 =	vshll.u32 v29, $0x10  }
0x1ae: {  	[tilespmem:s10+$0x20] =	vst v25;
	v28 =	vand.u32 $0xFFFF0000, v28;
	v29 =	vand.u32 $0xFFFF0000, v29;
	v25 =	vmul.f32 v56, v31  }
0x1af: {  	v58 =	vmul.f32 v57, v24;
	v59 =	vshll.u32 v34, $0x10;
	v28 =	vmul.f32 v28, v31  }
0x1b0: {  	v24 =	vmul.f32 v29, v24;
	v31 =	vand.u32 $0xFFFF0000, v34;
	v60 =	vshll.u32 v26, $0x10  }
0x1b1: {  	v26 =	vand.u32 $0xFFFF0000, v26;
	v29 =	vmul.f32 v59, v54;
	v25 =	vadd.f32 v58, v25  }
0x1b2: {  	v24 =	vadd.f32 v24, v28;
	v28 =	vmul.f32 v31, v54;
	v31 =	vcvt.f32.s32 v50  }
0x1b3: {  	v26 =	vmul.f32 v26, v55;
	v25 =	vadd.f32 v25, v29;
	v29 =	vmul.f32 v60, v55  }
0x1b4: {  	v24 =	vadd.f32 v24, v28;
	v28 =	vtrunc.f32 v19;
	v38 =	vmul.u32 $0x9E3779B1, v31  }
0x1b5: {  	v31 =	vcvt.s32.f32 v31;
	v44 =	vcvt.f32.s32 v28;
	v25 =	vadd.f32 v25, v29  }
0x1b6: {  	v29 =	vcvt.f32.s32 v27;
	v24 =	vadd.f32 v24, v26;
	v26 =	vtrunc.f32 v11  }
0x1b7: {  	v1 =	vsub.f32 v20, v1;
	v27 =	vtrunc.f32 v16;
	v39 =	vcvt.f32.s32 v26  }
0x1b8: {  	v34 =	vmul.u32 $0x9E3779B1, v37;
	v26 =	vtrunc.f32 v22;
	v41 =	vcvt.f32.s32 v27  }
0x1b9: {  	s18 =	sadd.s32 $0x80, s18;
	v28 =	vadd.s32 $0x1, v44;
	v56 =	vxor.u32 v44, v38;
	v0 =	vcvt.s32.f32 v44  }
0x1ba: {  	[tilespmem:s18+$0x30] =	vst v25;
	v25 =	vtrunc.f32 v18;
	v43 =	vmul.u32 $0x9E3779B1, v29;
	v49 =	vcvt.f32.s32 v26  }
0x1bb: {  	s10 =	sadd.s32 $0x80, s10;
	v57 =	vxor.u32 v28, v38;
	v29 =	vcvt.s32.f32 v29;
	v56 =	vand.u32 $0xFFFF, v56  }
0x1bc: {  	v38 =	vadd.s32 $0x9E3779B1, v38;
	[tilespmem:s10+$0x30] =	vst v24;
	v24 =	vtrunc.f32 v21;
	v42 =	vcvt.f32.s32 v25  }
0x1bd: {  	v47 =	vadd.s32 $0x1, v39;
	v50 =	vadd.s32 $0x1, v41;
	v25 =	vadd.s32 $0x1, v48  }
0x1be: {  	v26 =	vxor.u32 v39, v17;
	v52 =	vxor.u32 v41, v34;
	v62 =	vcvt.s32.f32 v39  }
0x1bf: {  	v4 =	vcvt.s32.f32 v41;
	v57 =	vand.u32 $0xFFFF, v57;
	v44 =	vxor.u32 v44, v38  }
0x1c0: {  	v19 =	vsub.f32 v19, v0;
	v28 =	vxor.u32 v28, v38;
	v38 =	vsub.f32 $1.000000000e+00, v1  }
0x1c1: {  	v45 =	vcvt.f32.s32 v24;
	v27 =	vadd.s32 $0x1, v49;
	v36 =	vxor.u32 v47, v17  }
0x1c2: {  	v53 =	vxor.u32 v50, v34;
	v60 =	vxor.u32 v48, v43;
	v61 =	vxor.u32 v25, v43  }
0x1c3: {  	v63 =	vxor.u32 v49, v46;
	v26 =	vand.u32 $0xFFFF, v26;
	v7 =	vcvt.s32.f32 v49  }
0x1c4: {  	v17 =	vadd.s32 $0x9E3779B1, v17;
	v34 =	vadd.s32 $0x9E3779B1, v34;
	v51 =	vadd.s32 $0x1, v42  }
0x1c5: {  	v54 =	vxor.u32 v42, v35;
	v2 =	vxor.u32 v27, v46;
	v33 =	vand.u32 $0xFFFF, v36  }
0x1c6: {  	v6 =	vcvt.s32.f32 v42;
	v36 =	vand.u32 $0xFFFF, v52;
	v52 =	vcvt.s32.f32 v23  }
0x1c7: {  	v37 =	vand.u32 $0xFFFF, v53;
	v61 =	vand.u32 $0xFFFF, v61;
	v63 =	vand.u32 $0xFFFF, v63  }
0x1c8: {  	v39 =	vxor.u32 v39, v17;
	v41 =	vxor.u32 v41, v34;
	v46 =	vadd.s32 $0x9E3779B1, v46  }
0x1c9: {  	v11 =	vsub.f32 v11, v62;
	v4 =	vsub.f32 v16, v4;
	v24 =	vadd.s32 $0x1, v45  }
0x1ca: {  	v55 =	vxor.u32 v51, v35;
	v58 =	vxor.u32 v45, v40;
	v53 =	vcvt.s32.f32 v45  }
0x1cb: {  	v54 =	vand.u32 $0xFFFF, v54;
	v2 =	vand.u32 $0xFFFF, v2;
	v55 =	vand.u32 $0xFFFF, v55  }
0x1cc: {  	v35 =	vadd.s32 $0x9E3779B1, v35;
	v49 =	vxor.u32 v49, v46;
	v39 =	vand.u32 $0xFFFF, v39;
	v23 =	vld.idx.msk [tilespmem:v26+s4+$0x0], $0xffff  }
0x1cd: {  	v27 =	vxor.u32 v27, v46;
	v59 =	vxor.u32 v24, v40;
	v58 =	vand.u32 $0xFFFF, v58;
	v26 =	vld.idx.msk [tilespmem:v33+s4+$0x0], $0xffff  }
0x1ce: {  	v40 =	vadd.s32 $0x9E3779B1, v40;
	v12 =	vsub.f32 v12, v52;
	v33 =	vcvt.s32.f32 v32;
	v32 =	vld.idx.msk [tilespmem:v36+s4+$0x0], $0xffff  }
0x1cf: {  	v52 =	vsub.f32 v10, v31;
	v31 =	vand.u32 $0xFFFF, v44;
	v36 =	vand.u32 $0xFFFF, v60;
	v60 =	vld.idx.msk [tilespmem:v37+s4+$0x0], $0xffff  }
0x1d0: {  	v42 =	vxor.u32 v42, v35;
	v6 =	vsub.f32 v18, v6;
	v59 =	vand.u32 $0xFFFF, v59;
	v37 =	vld.idx.msk [tilespmem:v55+s4+$0x0], $0xffff  }
0x1d1: {  	v62 =	vand.u32 $0xFFFF, v42;
	v24 =	vxor.u32 v24, v40;
	v55 =	vadd.s32 $0x9E3779B1, v43;
	v43 =	vld.idx.msk [tilespmem:v57+s4+$0x0], $0xffff  }
0x1d2: {  	v10 =	vsub.f32 v21, v53;
	v0 =	vand.u32 $0xFFFF, v24;
	v57 =	vxor.u32 v45, v40;
	v45 =	vld.idx.msk [tilespmem:v58+s4+$0x0], $0xffff  }
0x1d3: {  	v58 =	vsub.f32 v13, v5;
	v5 =	vand.u32 $0xFFFF, v41;
	v13 =	vld.idx.msk [tilespmem:v61+s4+$0x0], $0xffff;
	v61 =	vxor.u32 v51, v35  }
0x1d4: {  	v44 =	vld.idx.msk [tilespmem:v31+s4+$0x0], $0xffff;
	v31 =	vsub.f32 $1.000000000e+00, v6;
	v35 =	vsub.f32 $1.000000000e+00, v10;
	v48 =	vxor.u32 v48, v55  }
0x1d5: {  	v30 =	vand.u32 $0xFFFF, v57;
	v57 =	vsub.f32 v14, v29;
	v14 =	vsub.f32 v22, v7  }
0x1d6: {  	v16 =	vld.idx.msk [tilespmem:v2+s4+$0x0], $0xffff;
	v7 =	vxor.u32 v47, v17;
	v17 =	vand.u32 $0xFFFF, v49;
	v22 =	vxor.u32 v50, v34  }
0x1d7: {  	v41 =	vld.idx.msk [tilespmem:v63+s4+$0x0], $0xffff;
	v25 =	vxor.u32 v25, v55;
	v29 =	vsub.f32 $1.000000000e+00, v11;
	v49 =	vsub.f32 $1.000000000e+00, v12  }
0x1d8: {  	v15 =	vld.idx.msk [tilespmem:v59+s4+$0x0], $0xffff;
	v34 =	vsub.f32 $1.000000000e+00, v19;
	v50 =	vsub.f32 $1.000000000e+00, v52;
	v59 =	vand.u32 $0xFFFF, v48  }
0x1d9: {  	[tilespmem:$0x1FDF0] =	vst v3;
	v7 =	vand.u32 $0xFFFF, v7;
	v22 =	vand.u32 $0xFFFF, v22;
	v63 =	vsub.f32 $1.000000000e+00, v58;
	v18 =	vld.idx.msk [tilespmem:v36+s4+$0x0], $0xffff  }
0x1da: {  	[tilespmem:$0x1FE00] =	vst v58;
	v58 =	vshll.u32 v23, $0x10;
	v36 =	vld.idx.msk [tilespmem:v62+s4+$0x0], $0xffff;
	v62 =	vsub.f32 $1.000000000e+00, v3;
	v3 =	vsub.f32 $1.000000000e+00, v8  }
0x1db: {  	[tilespmem:$0x1FE40] =	vst v57;
	v53 =	vsub.f32 $1.000000000e+00, v57;
	v40 =	vsub.f32 $1.000000000e+00, v14;
	v51 =	vand.u32 $0xFFFF0000, v26  }
0x1dc: {  	v48 =	vmul.f32 v63, v4;
	v21 =	vld.idx.msk [tilespmem:v5+s4+$0x0], $0xffff;
	v5 =	vsub.f32 v9, v33;
	v57 =	vmul.f32 v62, v29  }
0x1dd: {  	v20 =	vld.idx.msk [tilespmem:v39+s4+$0x0], $0xffff;
	v33 =	vand.u32 $0xFFFF, v61;
	v47 =	vmul.f32 v62, v11;
	v61 =	vmul.f32 v49, v31  }
0x1de: {  	[tilespmem:$0x1FE10] =	vst v12;
	v12 =	vshll.u32 v16, $0x10;
	v49 =	vmul.f32 v49, v6;
	v62 =	vmul.f32 v50, v34  }
0x1df: {  	[tilespmem:$0x1FE20] =	vst v52;
	v16 =	vand.u32 $0xFFFF0000, v16;
	v50 =	vmul.f32 v50, v19;
	v52 =	vmul.f32 v3, v10  }
0x1e0: {  	[tilespmem:$0x1FEB0] =	vst v1;
	v9 =	vshll.u32 v32, $0x10;
	v2 =	vmul.f32 v53, v38;
	v53 =	vmul.f32 v53, v1  }
0x1e1: {  	[tilespmem:$0x1FE90] =	vst v19;
	v56 =	vld.idx.msk [tilespmem:v56+s4+$0x0], $0xffff;
	v32 =	vand.u32 $0xFFFF0000, v32;
	v1 =	vshll.u32 v37, $0x10;
	v37 =	vand.u32 $0xFFFF0000, v37  }
0x1e2: {  	[tilespmem:$0x1FE60] =	vst v11;
	v11 =	vshll.u32 v13, $0x10;
	v13 =	vand.u32 $0xFFFF0000, v13;
	v19 =	vshll.u32 v20, $0x10;
	v46 =	vld.idx.msk [tilespmem:v30+s4+$0x0], $0xffff  }
0x1e3: {  	[tilespmem:$0x1FE30] =	vst v8;
	v20 =	vand.u32 $0xFFFF0000, v20;
	v30 =	vsub.f32 $1.000000000e+00, v4;
	v39 =	vld.idx.msk [tilespmem:v17+s4+$0x0], $0xffff;
	v17 =	vand.u32 $0xFFFF, v28  }
0x1e4: {  	[tilespmem:$0x1FE70] =	vst v4;
	v4 =	vshll.u32 v43, $0x10;
	v8 =	vshll.u32 v15, $0x10;
	v15 =	vand.u32 $0xFFFF0000, v15  }
0x1e5: {  	v28 =	vld.idx.msk [tilespmem:v7+s4+$0x0], $0xffff;
	v7 =	vand.u32 $0xFFFF, v25;
	v58 =	vmul.f32 v58, v57;
	v37 =	vmul.f32 v37, v49  }
0x1e6: {  	v55 =	vsub.f32 $1.000000000e+00, v5;
	v4 =	vmul.f32 v4, v50;
	v8 =	vmul.f32 v8, v52  }
0x1e7: {  	[tilespmem:$0x1FE50] =	vst v5;
	v5 =	vshll.u32 v56, $0x10;
	v15 =	vmul.f32 v15, v52;
	v11 =	vmul.f32 v11, v53  }
0x1e8: {  	v42 =	vld.idx.msk [tilespmem:v59+s4+$0x0], $0xffff;
	v56 =	vand.u32 $0xFFFF0000, v56;
	v13 =	vmul.f32 v13, v53;
	v59 =	vmul.f32 v63, v30  }
0x1e9: {  	v63 =	vmul.f32 v3, v35;
	v3 =	vshll.u32 v60, $0x10;
	v60 =	vand.u32 $0xFFFF0000, v60  }
0x1ea: {  	[tilespmem:$0x1FEA0] =	vst v10;
	v54 =	vld.idx.msk [tilespmem:v54+s4+$0x0], $0xffff;
	v10 =	vshll.u32 v18, $0x10;
	v5 =	vmul.f32 v5, v62;
	v56 =	vmul.f32 v56, v62  }
0x1eb: {  	[tilespmem:$0x1FE80] =	vst v6;
	v25 =	vld.idx.msk [tilespmem:v22+s4+$0x0], $0xffff;
	v18 =	vand.u32 $0xFFFF0000, v18;
	v6 =	vmul.f32 v55, v40;
	v55 =	vmul.f32 v55, v14  }
0x1ec: {  	[tilespmem:$0x1FEC0] =	vst v14;
	v53 =	vld [tilespmem:$0x1FDF0];
	v14 =	vshll.u32 v41, $0x10;
	v3 =	vmul.f32 v3, v48;
	v48 =	vmul.f32 v60, v48  }
0x1ed: {  	v41 =	vand.u32 $0xFFFF0000, v41;
	v10 =	vmul.f32 v10, v2;
	v2 =	vmul.f32 v18, v2;
	v24 =	vld.idx.msk [tilespmem:v33+s4+$0x0], $0xffff  }
0x1ee: {  	v33 =	vshll.u32 v26, $0x10;
	v9 =	vmul.f32 v9, v59;
	v32 =	vmul.f32 v32, v59;
	v22 =	vld.idx.msk [tilespmem:v17+s4+$0x0], $0xffff  }
0x1ef: {  	v4 =	vadd.f32 v4, v5;
	v17 =	vand.u32 $0xFFFF0000, v23;
	v23 =	vld.idx.msk [tilespmem:v0+s4+$0x0], $0xffff;
	v33 =	vmul.f32 v33, v47  }
0x1f0: {  	v0 =	vshll.u32 v54, $0x10;
	v12 =	vmul.f32 v12, v55;
	v16 =	vmul.f32 v16, v55;
	v55 =	vld [tilespmem:$0x1FE00]  }
0x1f1: {  	v54 =	vand.u32 $0xFFFF0000, v54;
	v47 =	vmul.f32 v51, v47;
	v14 =	vmul.f32 v14, v6;
	v26 =	vld.idx.msk [tilespmem:v7+s4+$0x0], $0xffff  }
0x1f2: {  	v7 =	vshll.u32 v45, $0x10;
	v0 =	vmul.f32 v0, v61;
	v54 =	vmul.f32 v54, v61;
	v61 =	vld [tilespmem:$0x1FE40]  }
0x1f3: {  	v6 =	vmul.f32 v41, v6;
	v41 =	vadd.f32 v48, v32;
	v32 =	vld [tilespmem:$0x1FE50];
	v7 =	vmul.f32 v7, v63  }
0x1f4: {  	v51 =	vshll.u32 v21, $0x10;
	v45 =	vand.u32 $0xFFFF0000, v45;
	v52 =	vshll.u32 v42, $0x10  }
0x1f5: {  	v18 =	vand.u32 $0xFFFF0000, v42;
	v42 =	vshll.u32 v39, $0x10;
	v7 =	vadd.f32 v8, v7;
	v8 =	vld [tilespmem:$0x1FE70]  }
0x1f6: {  	v60 =	vld [tilespmem:$0x1FE30];
	v39 =	vand.u32 $0xFFFF0000, v39;
	v29 =	vmul.f32 v53, v29;
	v45 =	vmul.f32 v45, v63  }
0x1f7: {  	v59 =	vld [tilespmem:$0x1FE20];
	v33 =	vadd.f32 v33, v58;
	v30 =	vmul.f32 v55, v30;
	v62 =	vmul.f32 v61, v38  }
0x1f8: {  	v5 =	vmul.f32 v20, v29;
	v63 =	vmul.f32 v32, v40;
	v40 =	vadd.f32 v37, v54  }
0x1f9: {  	v58 =	vld [tilespmem:$0x1FE10];
	v37 =	vshll.u32 v25, $0x10;
	v20 =	vmul.f32 v51, v30;
	v51 =	vmul.f32 v18, v62  }
0x1fa: {  	v18 =	vand.u32 $0xFFFF0000, v25;
	v25 =	vmul.f32 v39, v63;
	v39 =	vmul.f32 v55, v8;
	v8 =	vld [tilespmem:$0x1FE80]  }
0x1fb: {  	v43 =	vand.u32 $0xFFFF0000, v43;
	v1 =	vmul.f32 v1, v49  }
0x1fc: {  	v3 =	vadd.f32 v3, v9;
	v9 =	vmul.f32 v60, v35;
	v34 =	vmul.f32 v59, v34  }
0x1fd: {  	v49 =	vshll.u32 v44, $0x10;
	v43 =	vmul.f32 v43, v50;
	v50 =	vshll.u32 v46, $0x10  }
0x1fe: {  	v48 =	vmul.f32 v49, v34;
	v49 =	vmul.f32 v50, v9  }
0x1ff: {  	v50 =	vmul.f32 v52, v62;
	v62 =	vmul.f32 v58, v8;
	v8 =	vld [tilespmem:$0x1FE90]  }
0x200: {  	v27 =	vand.u32 $0xFFFF, v27  }
0x201: {  	v44 =	vand.u32 $0xFFFF0000, v44  }
0x202: {  	v43 =	vadd.f32 v43, v56;
	v56 =	vld [tilespmem:$0x1FE60];
	v21 =	vand.u32 $0xFFFF0000, v21;
	v46 =	vand.u32 $0xFFFF0000, v46  }
0x203: {  	v2 =	vadd.f32 v13, v2;
	v17 =	vmul.f32 v17, v57;
	v57 =	vshll.u32 v36, $0x10  }
0x204: {  	v21 =	vmul.f32 v21, v30;
	v30 =	vadd.f32 v16, v6;
	v16 =	vmul.f32 v59, v8;
	v8 =	vld [tilespmem:$0x1FEA0]  }
0x205: {  	v27 =	vld.idx.msk [tilespmem:v27+s4+$0x0], $0xffff;
	v36 =	vand.u32 $0xFFFF0000, v36;
	v13 =	vadd.f32 v12, v14;
	v17 =	vadd.f32 v47, v17  }
0x206: {  	v0 =	vadd.f32 v1, v0;
	v19 =	vmul.f32 v19, v29;
	v29 =	vand.u32 $0xFFFF0000, v28  }
0x207: {  	v15 =	vadd.f32 v15, v45;
	v45 =	vadd.f32 v11, v10;
	v1 =	vmul.f32 v53, v56  }
0x208: {  	v46 =	vmul.f32 v46, v9;
	v35 =	vand.u32 $0xFFFF0000, v23;
	v44 =	vmul.f32 v44, v34  }
0x209: {  	v38 =	vand.u32 $0xFFFF0000, v22;
	v34 =	vshll.u32 v23, $0x10;
	v12 =	vmul.f32 v60, v8;
	v8 =	vld [tilespmem:$0x1FEB0]  }
0x20a: {  	v9 =	vshll.u32 v27, $0x10;
	v29 =	vmul.f32 v29, v1;
	v31 =	vmul.f32 v58, v31  }
0x20b: {  	v6 =	vshll.u32 v28, $0x10;
	v28 =	vand.u32 $0xFFFF0000, v26;
	v42 =	vmul.f32 v42, v63  }
0x20c: {  	v63 =	vand.u32 $0xFFFF0000, v24;
	v14 =	vmul.f32 v57, v31;
	v47 =	vmul.f32 v36, v31  }
0x20d: {  	v57 =	vshll.u32 v24, $0x10;
	v31 =	vshll.u32 v26, $0x10;
	v26 =	vadd.f32 v33, v19  }
0x20e: {  	s6 =	sadd.s32 $0x8, s6;
	v23 =	vadd.f32 v3, v20;
	v24 =	vadd.f32 v41, v21;
	v11 =	vmul.f32 v61, v8;
	v8 =	vld [tilespmem:$0x1FEC0]  }
0x20f: {  	p1 =	slt.u32 s6, $0xF8;
	v36 =	vshll.u32 v22, $0x10;
	v20 =	vadd.f32 v4, v48;
	v19 =	vadd.f32 v7, v49  }
.Ltmp3:
0x210: {  	v13 =	vadd.f32 v13, v42;
	v22 =	vadd.f32 v0, v14;
	v37 =	vmul.f32 v37, v39;
	(pc) =	sbr.rel @p1 .LBB2_9-.Ltmp3, $4  }
0x211: {  	v21 =	vadd.f32 v40, v47;
	v33 =	vmul.f32 v18, v39;
	v18 =	vadd.f32 v43, v44  }
0x212: {  	v14 =	vadd.f32 v45, v50;
	v40 =	vmul.f32 v57, v62;
	v39 =	vmul.f32 v63, v62  }
0x213: {  	v10 =	vmul.f32 v32, v8;
	v8 =	vand.u32 $0xFFFF0000, v27;
	v27 =	vadd.f32 v17, v5  }
0x214: {  	s20 =	sadd.s32 $0x80, s20;
	v7 =	vld [tilespmem:$0x1FF80];
	v32 =	vmul.f32 v6, v1;
	v17 =	vadd.f32 v15, v46;
	v15 =	vadd.f32 v2, v51  }
0x215: {  	v63 =	vadd.f32 v23, v37  }
0x216: {  	v3 =	vadd.f32 v22, v40  }
0x217: {  	v0 =	vadd.f32 v26, v32;
	[tilespmem:s18+$0xFFFFFFD0] =	vst v63  }
0x218: {  	v32 =	vadd.f32 v24, v33;
	[tilespmem:s18+$0xFFFFFFE0] =	vst v3  }
0x219: {  	v2 =	vmul.f32 v36, v16;
	v4 =	vadd.f32 v21, v39;
	[tilespmem:s18+$0xFFFFFFC0] =	vst v0  }
0x21a: {  	v1 =	vadd.f32 v27, v29;
	v33 =	vmul.f32 v38, v16;
	[tilespmem:s10+$0xFFFFFFD0] =	vst v32  }
0x21b: {  	v36 =	vmul.f32 v31, v11;
	v2 =	vadd.f32 v20, v2;
	[tilespmem:s10+$0xFFFFFFE0] =	vst v4  }
0x21c: {  	v34 =	vmul.f32 v34, v12;
	v0 =	vadd.f32 v18, v33;
	[tilespmem:s10+$0xFFFFFFC0] =	vst v1  }
0x21d: {  	v37 =	vmul.f32 v28, v11;
	v4 =	vadd.f32 v14, v36;
	[tilespmem:s18+$0xFFFFFFF0] =	vst v2  }
0x21e: {  	v35 =	vmul.f32 v35, v12;
	v1 =	vadd.f32 v19, v34;
	[tilespmem:s10+$0xFFFFFFF0] =	vst v0  }
0x21f: {  	v38 =	vmul.f32 v9, v10;
	v2 =	vadd.f32 v15, v37;
	[tilespmem:s18+$0x10] =	vst v4  }
0x220: {  	v39 =	vadd.f32 v30, v25;
	v5 =	vmul.f32 v8, v10;
	v3 =	vadd.f32 v17, v35;
	[tilespmem:s18+$0x0] =	vst v1  }
0x221: {  	v0 =	vadd.f32 v13, v38;
	[tilespmem:s10+$0x10] =	vst v2  }
0x222: {  	s3 =	sor.u32 s14, s24;
	v1 =	vadd.f32 v39, v5;
	[tilespmem:s10+$0x0] =	vst v3  }
0x223: {  	s3 =	sshrl.u32 s3, $0x3;
	[tilespmem:s18+$0x20] =	vst v0  }
0x224: {  	s6 =	simm.s32 $0x18000;
	s20 =	sor.u32 s15, s24;
	s3 =	sadd.s32 s5, s3;
	[tilespmem:s10+$0x20] =	vst v1  }
0x225: {  	[hbm4b:s3+s4] =	stream.linear.scatter [tilespmem:s6], [sflag:$0x3], $0x1000, $0x38;
	[tilespmem:$0x1C010] =	vst v63  }
0x226: {  	s3 =	sshrl.u32 s20, $0x3  }
0x227: {  	s22 =	simm.s32 $0x19000;
	p1 =	seq.s32 s11, $0x7;
	s3 =	sadd.s32 s5, s3  }
0x228: {  	[hbm4b:s3+s4] =	stream.linear.scatter [tilespmem:s22], [sflag:$0x3], $0x1000, $0x38;
	[tilespmem:$0x1C010] =	vst v63  }
0x229: {  	s3 =	sadd.s32 @!p1 $0x2000, s24  }
0x22a: {  	s6 =	sor.u32 @!p1 s9, s3  }
0x22b: {  	s16 =	simm.s32 @!p1 $0x14000;
	s3 =	sadd.s32 @!p1 s12, s3;
	s6 =	sshrl.u32 @!p1 s6, $0x3  }
0x22c: {  	s10 =	simm.s32 @!p1 $0x0;
	s3 =	sshrl.u32 @!p1 s3, $0x3;
	s6 =	sadd.s32 @!p1 s2, s6  }
0x22d: {  	[tilespmem:s16], [sflag:$0x2] =	stream.linear.gather @!p1 [hbm4b:s6+s10], $0x1000, $0x38;
	[tilespmem:$0x1C010] =	vst v63  }
0x22e: {  	s3 =	sadd.s32 @!p1 s2, s3;
	s6 =	simm.s32 @!p1 $0x16000  }
0x22f: {  	[tilespmem:s6], [sflag:$0x2] =	stream.linear.gather @!p1 [hbm4b:s3+s10], $0x1000, $0x38;
	[tilespmem:$0x1C010] =	vst v63  }
0x230: {  	_ =	swait.ge [sflag:s31], $0x1000  }
0x231: {  	[sflag:s31] =	ssyncset.done $0x0  }
0x232: {  	[sflag:s31] =	ssyncadd.s32 $0xFFFFF000  }
0x233: {  	_ =	swait.ge [sflag:s31], $0x1000  }
0x234: {  	[sflag:s31] =	ssyncset.done $0x0  }
0x235: {  	s3 =	simm.s32 @!p0 $0x3;
	[sflag:s31] =	ssyncadd.s32 $0xFFFFF000  }
0x236: {  	_ =	swait.ge @!p0 [sflag:s3], $0x1000  }
0x237: {  	[sflag:s3] =	ssyncset.done @!p0 $0x0  }
0x238: {  	[sflag:s3] =	ssyncadd.s32 @!p0 $0xFFFFF000  }
0x239: {  	_ =	swait.ge @!p0 [sflag:s3], $0x1000  }
0x23a: {  	[sflag:s3] =	ssyncset.done @!p0 $0x0  }
0x23b: {  	s24 =	simm.s32 $0x17040;
	[sflag:s3] =	ssyncadd.s32 @!p0 $0xFFFFF000  }
0x23c: {  	v40 =	vld [tilespmem:s24+$0x30]  }
0x23d: {  	s22 =	simm.s32 $0x15040;
	v41 =	vld [tilespmem:s24+$0xFFFFFFC0]  }
0x23e: {  	v42 =	vld [tilespmem:s22+$0x30]  }
0x23f: {  	v43 =	vld [tilespmem:s24+$0xFFFFFFD0]  }
0x240: {  	v44 =	vld [tilespmem:s24+$0xFFFFFFE0]  }
0x241: {  	v45 =	vld [tilespmem:s24+$0xFFFFFFF0]  }
0x242: {  	v46 =	vld [tilespmem:s24+$0x0]  }
0x243: {  	v6 =	vld [tilespmem:s24+$0x10]  }
0x244: {  	v47 =	vld [tilespmem:s24+$0x20]  }
0x245: {  	v9 =	vld [tilespmem:s22+$0xFFFFFFE0]  }
0x246: {  	v14 =	vld [tilespmem:s22+$0xFFFFFFF0]  }
0x247: {  	v50 =	vld [tilespmem:s22+$0x0];
	v0 =	vmul.f32 v40, v7  }
0x248: {  	v29 =	vmov v7;
	v21 =	vld [tilespmem:s22+$0x10];
	v11 =	vmul.f32 v41, v7;
	v2 =	vmul.f32 v42, v7  }
0x249: {  	v13 =	vmul.f32 v43, v29;
	v15 =	vmul.f32 v44, v29  }
0x24a: {  	v17 =	vmul.f32 v45, v29;
	v19 =	vmul.f32 v46, v29  }
0x24b: {  	v22 =	vmul.f32 v6, v29;
	v23 =	vmul.f32 v47, v29  }
0x24c: {  	v16 =	vmul.f32 v9, v29;
	v18 =	vmul.f32 v14, v29  }
0x24d: {  	v20 =	vmul.f32 v50, v29;
	v21 =	vmul.f32 v21, v29  }
0x24e: {  	v7 =	vtrunc.f32 v0;
	v48 =	vtrunc.f32 v2  }
0x24f: {  	v10 =	vtrunc.f32 v11;
	v27 =	vtrunc.f32 v13  }
0x250: {  	v28 =	vtrunc.f32 v15;
	v7 =	vcvt.f32.s32 v7  }
0x251: {  	v8 =	vld [tilespmem:s22+$0xFFFFFFD0];
	v56 =	vtrunc.f32 v22;
	v14 =	vtrunc.f32 v23  }
0x252: {  	v61 =	vtrunc.f32 v21;
	v4 =	vcvt.f32.s32 v48;
	v49 =	vmul.u32 $0x9E3779B1, v7  }
0x253: {  	v10 =	vcvt.f32.s32 v10;
	v27 =	vcvt.f32.s32 v27  }
0x254: {  	v28 =	vcvt.f32.s32 v28;
	v6 =	vadd.s32 $0x1, v4;
	v12 =	vxor.u32 v4, v49  }
0x255: {  	v52 =	vcvt.s32.f32 v4;
	v51 =	vxor.u32 v6, v49;
	v24 =	vand.u32 $0xFFFF, v12  }
0x256: {  	v5 =	vadd.s32 $0x9E3779B1, v49;
	v12 =	vmul.f32 v8, v29;
	v8 =	vld [tilespmem:s22+$0x20];
	v3 =	vand.u32 $0xFFFF, v51  }
0x257: {  	v25 =	vld [tilespmem:s22+$0xFFFFFFC0];
	v33 =	vcvt.f32.s32 v61;
	v54 =	vcvt.s32.f32 v7;
	v9 =	vxor.u32 v4, v5  }
0x258: {  	v7 =	vtrunc.f32 v17;
	v1 =	vsub.f32 v2, v52;
	v9 =	vand.u32 $0xFFFF, v9  }
0x259: {  	v53 =	vxor.u32 v6, v5;
	v5 =	vcvt.f32.s32 v14;
	v14 =	vtrunc.f32 v16  }
0x25a: {  	v0 =	vsub.f32 v0, v54;
	v4 =	vand.u32 $0xFFFF, v53;
	v14 =	vcvt.f32.s32 v14;
	v6 =	vld.idx.msk [tilespmem:v24+s4+$0x0], $0xffff  }
0x25b: {  	v60 =	vtrunc.f32 v12;
	v26 =	vmul.f32 v8, v29;
	v55 =	vld.idx.msk [tilespmem:v3+s4+$0x0], $0xffff;
	v24 =	vsub.f32 $1.000000000e+00, v1  }
0x25c: {  	v3 =	vmul.f32 v25, v29;
	v8 =	vtrunc.f32 v19;
	v25 =	vsub.f32 $1.000000000e+00, v0  }
0x25d: {  	v9 =	vld.idx.msk [tilespmem:v9+s4+$0x0], $0xffff;
	v29 =	vmul.f32 v0, v24;
	v0 =	vmul.f32 v0, v1  }
0x25e: {  	v31 =	vmul.u32 $0x9E3779B1, v10;
	v24 =	vmul.f32 v25, v24;
	v1 =	vmul.f32 v25, v1  }
0x25f: {  	v45 =	vadd.s32 $0x1, v33;
	v4 =	vld.idx.msk [tilespmem:v4+s4+$0x0], $0xffff;
	v59 =	vtrunc.f32 v3;
	v62 =	vtrunc.f32 v26  }
0x260: {  	v25 =	vshll.u32 v6, $0x10;
	v30 =	vshll.u32 v55, $0x10;
	v6 =	vand.u32 $0xFFFF0000, v6  }
0x261: {  	v2 =	vand.u32 $0xFFFF0000, v55;
	v25 =	vmul.f32 v25, v24;
	v30 =	vmul.f32 v30, v1  }
0x262: {  	v57 =	vshll.u32 v9, $0x10;
	v6 =	vmul.f32 v6, v24;
	v1 =	vmul.f32 v2, v1  }
0x263: {  	v9 =	vand.u32 $0xFFFF0000, v9;
	v24 =	vmul.f32 v57, v29;
	v58 =	vadd.f32 v30, v25  }
0x264: {  	v25 =	vshll.u32 v4, $0x10;
	v1 =	vadd.f32 v1, v6;
	v6 =	vmul.f32 v9, v29  }
0x265: {  	v4 =	vand.u32 $0xFFFF0000, v4;
	v29 =	vmul.u32 $0x9E3779B1, v28;
	v28 =	vcvt.s32.f32 v28  }
0x266: {  	v30 =	vmul.u32 $0x9E3779B1, v5;
	v5 =	vcvt.s32.f32 v5;
	v9 =	vmul.f32 v25, v0  }
0x267: {  	v42 =	vadd.s32 $0x1, v14;
	v0 =	vmul.f32 v4, v0;
	v4 =	vcvt.f32.s32 v7  }
0x268: {  	v7 =	vmul.u32 $0x9E3779B1, v27;
	v25 =	vtrunc.f32 v20;
	v27 =	vcvt.s32.f32 v27  }
0x269: {  	v2 =	vadd.f32 v58, v24;
	v1 =	vadd.f32 v1, v6;
	v6 =	vcvt.f32.s32 v8  }
0x26a: {  	v24 =	vtrunc.f32 v18;
	v38 =	vcvt.f32.s32 v25;
	v48 =	vxor.u32 v14, v29  }
0x26b: {  	v49 =	vxor.u32 v42, v29;
	v29 =	vadd.s32 $0x9E3779B1, v29;
	v15 =	vsub.f32 v15, v28  }
0x26c: {  	v23 =	vsub.f32 v23, v5;
	v37 =	vcvt.f32.s32 v24;
	v24 =	vcvt.f32.s32 v62  }
0x26d: {  	v32 =	vmul.u32 $0x9E3779B1, v4;
	v62 =	vcvt.s32.f32 v14;
	v4 =	vcvt.s32.f32 v4  }
0x26e: {  	v48 =	vand.u32 $0xFFFF, v48;
	v49 =	vand.u32 $0xFFFF, v49;
	v42 =	vxor.u32 v42, v29  }
0x26f: {  	v2 =	vadd.f32 v2, v9;
	v0 =	vadd.f32 v1, v0;
	v34 =	vmul.u32 $0x9E3779B1, v6  }
0x270: {  	v1 =	vcvt.f32.s32 v60;
	v44 =	vadd.s32 $0x1, v38;
	v6 =	vcvt.s32.f32 v6  }
0x271: {  	v9 =	vxor.u32 v14, v29;
	v14 =	vsub.f32 v13, v27;
	v43 =	vadd.s32 $0x1, v37  }
0x272: {  	v25 =	vadd.s32 $0x1, v24;
	v50 =	vxor.u32 v37, v32;
	v57 =	vxor.u32 v24, v30  }
0x273: {  	v13 =	vsub.f32 v16, v62;
	v9 =	vand.u32 $0xFFFF, v9;
	[tilespmem:$0x1FDD0] =	vst v2;
	v2 =	vcvt.f32.s32 v56  }
0x274: {  	[tilespmem:$0x1FDE0] =	vst v0;
	v0 =	vcvt.f32.s32 v59;
	v41 =	vadd.s32 $0x1, v1;
	v46 =	vxor.u32 v1, v7  }
0x275: {  	v51 =	vxor.u32 v43, v32;
	v52 =	vxor.u32 v38, v34;
	v53 =	vxor.u32 v44, v34  }
0x276: {  	v58 =	vxor.u32 v25, v30;
	v59 =	vcvt.s32.f32 v10;
	v35 =	vcvt.s32.f32 v1  }
0x277: {  	v10 =	vcvt.s32.f32 v33;
	v50 =	vand.u32 $0xFFFF, v50;
	v57 =	vand.u32 $0xFFFF, v57  }
0x278: {  	v32 =	vadd.s32 $0x9E3779B1, v32;
	v34 =	vadd.s32 $0x9E3779B1, v34;
	v30 =	vadd.s32 $0x9E3779B1, v30  }
0x279: {  	v47 =	vxor.u32 v41, v7;
	v46 =	vand.u32 $0xFFFF, v46;
	v51 =	vand.u32 $0xFFFF, v51  }
0x27a: {  	v52 =	vand.u32 $0xFFFF, v52;
	v53 =	vand.u32 $0xFFFF, v53;
	v58 =	vand.u32 $0xFFFF, v58  }
0x27b: {  	v7 =	vadd.s32 $0x9E3779B1, v7;
	v62 =	vxor.u32 v43, v32;
	v29 =	vxor.u32 v44, v34  }
0x27c: {  	v36 =	vmul.u32 $0x9E3779B1, v2;
	v40 =	vadd.s32 $0x1, v0;
	v63 =	vxor.u32 v0, v31  }
0x27d: {  	v56 =	vcvt.s32.f32 v0;
	v47 =	vand.u32 $0xFFFF, v47;
	v2 =	vcvt.s32.f32 v2  }
0x27e: {  	v1 =	vxor.u32 v1, v7;
	v11 =	vsub.f32 v11, v59;
	v12 =	vsub.f32 v12, v35  }
0x27f: {  	v35 =	vxor.u32 v37, v32;
	v59 =	vxor.u32 v38, v34;
	v21 =	vsub.f32 v21, v10  }
0x280: {  	v10 =	vsub.f32 $1.000000000e+00, v14;
	v39 =	vxor.u32 v40, v31;
	v60 =	vand.u32 $0xFFFF, v63  }
0x281: {  	v63 =	vcvt.s32.f32 v37;
	v31 =	vadd.s32 $0x9E3779B1, v31;
	v1 =	vand.u32 $0xFFFF, v1  }
0x282: {  	v54 =	vxor.u32 v33, v36;
	v55 =	vxor.u32 v45, v36;
	v61 =	vand.u32 $0xFFFF, v39  }
0x283: {  	v39 =	vcvt.s32.f32 v38;
	v8 =	vsub.f32 v3, v56;
	v56 =	vcvt.s32.f32 v24  }
0x284: {  	v36 =	vadd.s32 $0x9E3779B1, v36;
	v0 =	vxor.u32 v0, v31;
	v22 =	vsub.f32 v22, v2  }
0x285: {  	v38 =	vsub.f32 $1.000000000e+00, v13;
	v24 =	vxor.u32 v24, v30;
	v54 =	vand.u32 $0xFFFF, v54  }
0x286: {  	v55 =	vand.u32 $0xFFFF, v55;
	v16 =	vsub.f32 v18, v63;
	v27 =	vxor.u32 v33, v36  }
0x287: {  	v18 =	vsub.f32 v17, v4;
	v4 =	vand.u32 $0xFFFF, v0;
	v63 =	vsub.f32 $1.000000000e+00, v15  }
0x288: {  	v28 =	vxor.u32 v45, v36;
	v33 =	vsub.f32 $1.000000000e+00, v21;
	v17 =	vsub.f32 v20, v39  }
0x289: {  	v24 =	vand.u32 $0xFFFF, v24;
	v20 =	vsub.f32 v19, v6;
	v19 =	vsub.f32 v26, v56  }
0x28a: {  	v26 =	vxor.u32 v40, v31;
	v2 =	vsub.f32 $1.000000000e+00, v8;
	v56 =	vsub.f32 $1.000000000e+00, v11  }
0x28b: {  	[tilespmem:$0x1FDB0] =	vst v42;
	v31 =	vxor.u32 v41, v7;
	v6 =	vsub.f32 $1.000000000e+00, v12;
	v39 =	vmul.f32 v63, v13  }
0x28c: {  	v37 =	vsub.f32 $1.000000000e+00, v16;
	v7 =	vld.idx.msk [tilespmem:v60+s4+$0x0], $0xffff;
	[tilespmem:$0x1FDC0] =	vst v62;
	v41 =	vmul.f32 v56, v2;
	v5 =	vmul.f32 v56, v8  }
0x28d: {  	v36 =	vsub.f32 $1.000000000e+00, v18;
	v44 =	vmul.f32 v10, v6;
	v10 =	vmul.f32 v10, v12;
	v32 =	vld.idx.msk [tilespmem:v61+s4+$0x0], $0xffff  }
0x28e: {  	v34 =	vsub.f32 $1.000000000e+00, v17;
	v2 =	vmul.f32 v11, v2;
	v6 =	vmul.f32 v14, v6;
	v42 =	vld.idx.msk [tilespmem:v46+s4+$0x0], $0xffff  }
0x28f: {  	v40 =	vsub.f32 $1.000000000e+00, v20;
	v45 =	vld.idx.msk [tilespmem:v47+s4+$0x0], $0xffff;
	v47 =	vmul.f32 v63, v38;
	v60 =	vmul.f32 v36, v37  }
0x290: {  	v43 =	vsub.f32 $1.000000000e+00, v22;
	v48 =	vld.idx.msk [tilespmem:v48+s4+$0x0], $0xffff;
	v36 =	vmul.f32 v36, v16;
	v38 =	vmul.f32 v15, v38  }
0x291: {  	v27 =	vand.u32 $0xFFFF, v27;
	v49 =	vld.idx.msk [tilespmem:v49+s4+$0x0], $0xffff;
	v37 =	vmul.f32 v18, v37;
	v61 =	vmul.f32 v40, v34  }
0x292: {  	v31 =	vand.u32 $0xFFFF, v31;
	v40 =	vmul.f32 v40, v17;
	v34 =	vmul.f32 v20, v34  }
0x293: {  	v0 =	vshll.u32 v7, $0x10;
	v7 =	vand.u32 $0xFFFF0000, v7;
	v3 =	vshll.u32 v32, $0x10  }
0x294: {  	v32 =	vand.u32 $0xFFFF0000, v32;
	v46 =	vmul.f32 v0, v41;
	v7 =	vmul.f32 v7, v41  }
0x295: {  	v0 =	vshll.u32 v42, $0x10;
	v42 =	vand.u32 $0xFFFF0000, v42;
	v62 =	vshll.u32 v48, $0x10  }
0x296: {  	v51 =	vld.idx.msk [tilespmem:v51+s4+$0x0], $0xffff;
	v63 =	vshll.u32 v49, $0x10;
	v48 =	vand.u32 $0xFFFF0000, v48;
	v56 =	vmul.f32 v3, v5  }
0x297: {  	v41 =	vld.idx.msk [tilespmem:v50+s4+$0x0], $0xffff;
	v49 =	vand.u32 $0xFFFF0000, v49;
	v5 =	vmul.f32 v32, v5;
	v50 =	vmul.f32 v0, v44  }
0x298: {  	v53 =	vld.idx.msk [tilespmem:v53+s4+$0x0], $0xffff;
	v3 =	vshll.u32 v45, $0x10;
	v42 =	vmul.f32 v42, v44;
	v44 =	vmul.f32 v62, v47  }
0x299: {  	v45 =	vand.u32 $0xFFFF0000, v45;
	v47 =	vmul.f32 v48, v47;
	v32 =	vmul.f32 v3, v10  }
0x29a: {  	v62 =	vsub.f32 $1.000000000e+00, v19;
	v10 =	vmul.f32 v45, v10;
	v45 =	vld.idx.msk [tilespmem:v52+s4+$0x0], $0xffff;
	v52 =	vmul.f32 v63, v39  }
0x29b: {  	v39 =	vmul.f32 v49, v39;
	v3 =	vshll.u32 v51, $0x10;
	v51 =	vand.u32 $0xFFFF0000, v51  }
0x29c: {  	v49 =	vld.idx.msk [tilespmem:v54+s4+$0x0], $0xffff;
	v63 =	vsub.f32 $1.000000000e+00, v23;
	v54 =	vmul.f32 v3, v36;
	v36 =	vmul.f32 v51, v36  }
0x29d: {  	v3 =	vshll.u32 v53, $0x10;
	v53 =	vand.u32 $0xFFFF0000, v53;
	v0 =	vshll.u32 v41, $0x10  }
0x29e: {  	v55 =	vld.idx.msk [tilespmem:v55+s4+$0x0], $0xffff;
	v42 =	vadd.f32 v10, v42;
	v41 =	vand.u32 $0xFFFF0000, v41;
	v48 =	vmul.f32 v0, v60  }
0x29f: {  	v41 =	vmul.f32 v41, v60;
	v60 =	vmul.f32 v43, v33;
	v0 =	vshll.u32 v45, $0x10  }
0x2a0: {  	v57 =	vld.idx.msk [tilespmem:v57+s4+$0x0], $0xffff;
	v43 =	vmul.f32 v43, v21;
	v45 =	vand.u32 $0xFFFF0000, v45;
	v51 =	vmul.f32 v0, v61  }
0x2a1: {  	v10 =	vand.u32 $0xFFFF, v35;
	v45 =	vmul.f32 v45, v61;
	v61 =	vmul.f32 v3, v40  }
0x2a2: {  	v40 =	vmul.f32 v53, v40;
	v0 =	vshll.u32 v49, $0x10;
	v49 =	vand.u32 $0xFFFF0000, v49  }
0x2a3: {  	v58 =	vld.idx.msk [tilespmem:v58+s4+$0x0], $0xffff;
	v3 =	vshll.u32 v55, $0x10;
	v53 =	vmul.f32 v0, v60;
	v49 =	vmul.f32 v49, v60  }
0x2a4: {  	v4 =	vld.idx.msk [tilespmem:v4+s4+$0x0], $0xffff;
	v55 =	vand.u32 $0xFFFF0000, v55;
	v60 =	vmul.f32 v3, v43;
	v0 =	vmul.f32 v63, v62  }
0x2a5: {  	v1 =	vld.idx.msk [tilespmem:v1+s4+$0x0], $0xffff;
	v43 =	vmul.f32 v55, v43;
	v55 =	vshll.u32 v57, $0x10;
	v57 =	vand.u32 $0xFFFF0000, v57  }
0x2a6: {  	v55 =	vmul.f32 v55, v0;
	v0 =	vmul.f32 v57, v0;
	v57 =	vand.u32 $0xFFFF, v59  }
0x2a7: {  	v5 =	vadd.f32 v5, v7;
	v3 =	vxor.u32 v25, v30;
	v25 =	vmul.f32 v63, v19  }
0x2a8: {  	v9 =	vld.idx.msk [tilespmem:v9+s4+$0x0], $0xffff;
	v7 =	vshll.u32 v58, $0x10;
	v33 =	vmul.f32 v22, v33;
	v30 =	vand.u32 $0xFFFF0000, v58  }
0x2a9: {  	v7 =	vmul.f32 v7, v25;
	v25 =	vmul.f32 v30, v25;
	v30 =	vshll.u32 v4, $0x10  }
0x2aa: {  	v10 =	vld.idx.msk [tilespmem:v10+s4+$0x0], $0xffff;
	v4 =	vand.u32 $0xFFFF0000, v4;
	v58 =	vmul.f32 v30, v2;
	v30 =	vshll.u32 v1, $0x10  }
0x2ab: {  	v35 =	vadd.f32 v39, v47;
	v2 =	vmul.f32 v4, v2;
	v59 =	vmul.f32 v30, v6;
	v30 =	vld.idx.msk [tilespmem:v57+s4+$0x0], $0xffff  }
0x2ac: {  	v27 =	vld.idx.msk [tilespmem:v27+s4+$0x0], $0xffff;
	v4 =	vadd.f32 v36, v41;
	v36 =	vadd.f32 v61, v51;
	v1 =	vand.u32 $0xFFFF0000, v1  }
0x2ad: {  	v24 =	vld.idx.msk [tilespmem:v24+s4+$0x0], $0xffff;
	v41 =	vadd.f32 v60, v53;
	v60 =	vshll.u32 v9, $0x10;
	v9 =	vand.u32 $0xFFFF0000, v9  }
0x2ae: {  	v1 =	vmul.f32 v1, v6;
	v6 =	vadd.f32 v43, v49;
	v43 =	vmul.f32 v60, v38  }
0x2af: {  	v9 =	vmul.f32 v9, v38;
	v61 =	vshll.u32 v10, $0x10;
	v10 =	vand.u32 $0xFFFF0000, v10  }
0x2b0: {  	v38 =	vmul.f32 v61, v37;
	v37 =	vmul.f32 v10, v37;
	v10 =	vshll.u32 v30, $0x10  }
0x2b1: {  	v63 =	vmul.f32 v23, v62;
	v47 =	vmul.f32 v10, v34;
	v10 =	vshll.u32 v27, $0x10  }
0x2b2: {  	v39 =	vadd.f32 v54, v48;
	v54 =	vmul.f32 v10, v33;
	v10 =	vshll.u32 v24, $0x10  }
0x2b3: {  	v46 =	vadd.f32 v56, v46;
	v56 =	vmul.f32 v10, v63;
	v10 =	vld [tilespmem:$0x1FDB0];
	_ =	sdelay $0x1  }
0x2b4: {  	v14 =	vmul.f32 v14, v12;
	v12 =	vmul.f32 v20, v17;
	v17 =	vand.u32 $0xFFFF, v29;
	_ =	sdelay $0x1  }
0x2b5: {  	v26 =	vand.u32 $0xFFFF, v26;
	v13 =	vmul.f32 v15, v13;
	v8 =	vmul.f32 v11, v8;
	v31 =	vld.idx.msk [tilespmem:v31+s4+$0x0], $0xffff  }
0x2b6: {  	v11 =	vmul.f32 v22, v21;
	v32 =	vadd.f32 v32, v50;
	v57 =	vand.u32 $0xFFFF, v10;
	v10 =	vld [tilespmem:$0x1FDC0]  }
0x2b7: {  	v44 =	vadd.f32 v52, v44;
	v40 =	vadd.f32 v40, v45;
	v3 =	vand.u32 $0xFFFF, v3  }
0x2b8: {  	v7 =	vadd.f32 v7, v55;
	v61 =	vld.idx.msk [tilespmem:v17+s4+$0x0], $0xffff;
	v30 =	vand.u32 $0xFFFF0000, v30;
	v24 =	vand.u32 $0xFFFF0000, v24  }
0x2b9: {  	v34 =	vmul.f32 v30, v34;
	v30 =	vadd.f32 v25, v0;
	v25 =	vmul.f32 v24, v63;
	v63 =	vld [tilespmem:$0x1FDD0]  }
0x2ba: {  	v16 =	vmul.f32 v18, v16;
	v22 =	vadd.f32 v44, v43;
	v21 =	vadd.f32 v35, v9;
	v24 =	vld.idx.msk [tilespmem:v26+s4+$0x0], $0xffff  }
0x2bb: {  	v9 =	vand.u32 $0xFFFF0000, v31;
	v20 =	vadd.f32 v39, v38;
	v15 =	vand.u32 $0xFFFF, v10  }
0x2bc: {  	v27 =	vand.u32 $0xFFFF0000, v27;
	v10 =	vmul.f32 v23, v19;
	v19 =	vand.u32 $0xFFFF, v28  }
0x2bd: {  	s10 =	simm.s32 $0x1A040;
	v3 =	vld.idx.msk [tilespmem:v3+s4+$0x0], $0xffff;
	v55 =	vmul.f32 v27, v33;
	v27 =	vadd.f32 v5, v2;
	v33 =	vmul.f32 v9, v14  }
0x2be: {  	v35 =	vand.u32 $0xFFFF0000, v61;
	v26 =	vadd.f32 v46, v58;
	[tilespmem:s10+$0x30] =	vst v63;
	v23 =	vadd.f32 v32, v59;
	v59 =	vld.idx.msk [tilespmem:v57+s4+$0x0], $0xffff  }
0x2bf: {  	v58 =	vshll.u32 v24, $0x10;
	v18 =	vand.u32 $0xFFFF0000, v24;
	v24 =	vadd.f32 v42, v1;
	v1 =	vld [tilespmem:$0x1FDE0]  }
0x2c0: {  	v17 =	vadd.f32 v40, v34;
	v34 =	vshll.u32 v61, $0x10;
	v29 =	vmul.f32 v18, v8;
	v60 =	vld.idx.msk [tilespmem:v15+s4+$0x0], $0xffff  }
0x2c1: {  	v18 =	vadd.f32 v4, v37;
	v32 =	vmul.f32 v58, v8;
	v8 =	vshll.u32 v31, $0x10;
	v62 =	vld.idx.msk [tilespmem:v19+s4+$0x0], $0xffff  }
0x2c2: {  	v28 =	vshll.u32 v3, $0x10;
	v37 =	vmul.f32 v8, v14;
	v14 =	vadd.f32 v41, v54  }
0x2c3: {  	v19 =	vadd.f32 v36, v47;
	v8 =	vshll.u32 v59, $0x10;
	v5 =	vand.u32 $0xFFFF0000, v59  }
0x2c4: {  	v15 =	vadd.f32 v6, v55;
	v40 =	vmul.f32 v8, v13;
	v39 =	vmul.f32 v5, v13  }
0x2c5: {  	s18 =	simm.s32 $0x1B040;
	v13 =	vadd.f32 v7, v56;
	v8 =	vand.u32 $0xFFFF0000, v3;
	v36 =	vshll.u32 v60, $0x10  }
0x2c6: {  	s20 =	simm.s32 $0x170C0;
	s6 =	simm.s32 $0x0;
	[tilespmem:s18+$0x30] =	vst v1;
	v38 =	vand.u32 $0xFFFF0000, v60;
	v31 =	vshll.u32 v62, $0x10;
	v9 =	vand.u32 $0xFFFF0000, v62  }
.LBB2_11:
0x2c7: {  	v0 =	vld [tilespmem:s20+$0x30]  }
0x2c8: {  	v4 =	vld [tilespmem:s20+$0xFFFFFFC0]  }
0x2c9: {  	v3 =	vadd.f32 v30, v25;
	v30 =	vld [tilespmem:$0x1FF80]  }
0x2ca: {  	v1 =	vmul.f32 v36, v16;
	s22 =	sadd.s32 $0x80, s22;
	v47 =	vld [tilespmem:s20+$0x0]  }
0x2cb: {  	v6 =	vmul.f32 v34, v12;
	v7 =	vmul.f32 v35, v12;
	v12 =	vld [tilespmem:s22+$0x30]  }
0x2cc: {  	v5 =	vadd.f32 v26, v32;
	v25 =	vmul.f32 v31, v11;
	v11 =	vmul.f32 v9, v11;
	v9 =	vld [tilespmem:s20+$0xFFFFFFD0]  }
0x2cd: {  	v45 =	vadd.f32 v23, v37;
	v23 =	vmul.f32 v28, v10;
	v26 =	vmul.f32 v8, v10;
	v10 =	vld [tilespmem:s20+$0xFFFFFFE0]  }
0x2ce: {  	v2 =	vmul.f32 v38, v16;
	v16 =	vadd.f32 v27, v29;
	v22 =	vadd.f32 v22, v40;
	[tilespmem:s10+$0xFFFFFFC0] =	vst v5  }
0x2cf: {  	v46 =	vadd.f32 v21, v39;
	v1 =	vadd.f32 v20, v1;
	[tilespmem:s10+$0xFFFFFFD0] =	vst v45  }
0x2d0: {  	v7 =	vadd.f32 v17, v7;
	v17 =	vld [tilespmem:s20+$0x20];
	[tilespmem:s10+$0xFFFFFFE0] =	vst v22;
	v0 =	vmul.f32 v0, v30;
	v21 =	vmul.f32 v4, v30  }
0x2d1: {  	v49 =	vadd.f32 v15, v11;
	[tilespmem:s18+$0xFFFFFFC0] =	vst v16;
	v15 =	vmul.f32 v47, v30;
	v27 =	vmul.f32 v12, v30  }
0x2d2: {  	v2 =	vadd.f32 v18, v2;
	[tilespmem:s18+$0xFFFFFFE0] =	vst v46;
	v29 =	vmul.f32 v9, v30;
	v10 =	vmul.f32 v10, v30  }
0x2d3: {  	v16 =	vadd.f32 v24, v33;
	v24 =	vld [tilespmem:s20+$0xFFFFFFF0];
	[tilespmem:s10+$0xFFFFFFF0] =	vst v1;
	v12 =	vtrunc.f32 v0;
	v50 =	vtrunc.f32 v21  }
0x2d4: {  	v6 =	vadd.f32 v19, v6;
	v11 =	vld [tilespmem:s22+$0xFFFFFFE0];
	[tilespmem:s18+$0xFFFFFFF0] =	vst v2;
	v56 =	vtrunc.f32 v15;
	v22 =	vcvt.f32.s32 v12  }
0x2d5: {  	[tilespmem:s18+$0xFFFFFFD0] =	vst v16;
	v16 =	vld [tilespmem:s20+$0x10];
	v9 =	vtrunc.f32 v27;
	v12 =	vmul.f32 v17, v30  }
0x2d6: {  	v48 =	vadd.f32 v14, v25;
	[tilespmem:s10+$0x0] =	vst v6;
	v14 =	vmovc v21;
	v21 =	vld [tilespmem:s22+$0xFFFFFFF0];
	v28 =	vtrunc.f32 v29;
	v54 =	vtrunc.f32 v10  }
0x2d7: {  	v51 =	vadd.f32 v13, v23;
	v6 =	vld [tilespmem:s22+$0x0];
	v2 =	vcvt.f32.s32 v50;
	v1 =	vcvt.f32.s32 v56  }
0x2d8: {  	v18 =	vld [tilespmem:s22+$0xFFFFFFD0];
	v8 =	vmul.f32 v24, v30;
	v20 =	vcvt.f32.s32 v9;
	v19 =	vmul.u32 $0x9E3779B1, v22  }
0x2d9: {  	v3 =	vadd.f32 v3, v26;
	[tilespmem:s18+$0x0] =	vst v7;
	v7 =	vld [tilespmem:s22+$0x10];
	v31 =	vcvt.f32.s32 v28;
	v4 =	vcvt.f32.s32 v54  }
0x2da: {  	v9 =	vmul.f32 v16, v30;
	v23 =	vadd.s32 $0x1, v20;
	v16 =	vxor.u32 v20, v19  }
0x2db: {  	v52 =	vld [tilespmem:s22+$0x20];
	v17 =	vxor.u32 v23, v19;
	v25 =	vadd.s32 $0x9E3779B1, v19;
	v19 =	vmul.f32 v21, v30  }
0x2dc: {  	v21 =	vmul.f32 v6, v30;
	v6 =	vcvt.s32.f32 v20;
	v24 =	vand.u32 $0xFFFF, v16  }
0x2dd: {  	v16 =	vmul.f32 v18, v30;
	v17 =	vand.u32 $0xFFFF, v17;
	v18 =	vmul.f32 v11, v30  }
0x2de: {  	v53 =	vld [tilespmem:s22+$0xFFFFFFC0];
	v11 =	vxor.u32 v20, v25;
	v20 =	vmul.f32 v7, v30;
	v7 =	vcvt.s32.f32 v22  }
0x2df: {  	v13 =	vmovc v29;
	v34 =	vmul.u32 $0x9E3779B1, v1;
	v1 =	vcvt.s32.f32 v1;
	v29 =	vand.u32 $0xFFFF, v11  }
0x2e0: {  	v22 =	vmul.f32 v52, v30;
	v11 =	vxor.u32 v23, v25;
	v0 =	vsub.f32 v0, v7  }
0x2e1: {  	v25 =	vtrunc.f32 v8;
	v55 =	vsub.f32 v27, v6;
	v27 =	vtrunc.f32 v12;
	v23 =	vld.idx.msk [tilespmem:v24+s4+$0x0], $0xffff  }
0x2e2: {  	v7 =	vtrunc.f32 v9;
	v60 =	vtrunc.f32 v18;
	v28 =	vsub.f32 $1.000000000e+00, v0;
	v6 =	vld.idx.msk [tilespmem:v17+s4+$0x0], $0xffff  }
0x2e3: {  	v24 =	vand.u32 $0xFFFF, v11;
	v11 =	vmul.f32 v53, v30;
	v30 =	vsub.f32 $1.000000000e+00, v55  }
0x2e4: {  	v17 =	vmul.u32 $0x9E3779B1, v2;
	v2 =	vcvt.s32.f32 v2;
	v29 =	vld.idx.msk [tilespmem:v29+s4+$0x0], $0xffff;
	v5 =	vmul.f32 v28, v55  }
0x2e5: {  	v15 =	vsub.f32 v15, v1;
	v57 =	vmul.f32 v0, v30;
	v0 =	vmul.f32 v0, v55  }
0x2e6: {  	v26 =	vmul.f32 v28, v30;
	v59 =	vtrunc.f32 v11;
	v2 =	vsub.f32 v14, v2  }
0x2e7: {  	v28 =	vshll.u32 v23, $0x10;
	v30 =	vshll.u32 v6, $0x10;
	v23 =	vand.u32 $0xFFFF0000, v23  }
0x2e8: {  	v24 =	vld.idx.msk [tilespmem:v24+s4+$0x0], $0xffff;
	v6 =	vand.u32 $0xFFFF0000, v6;
	v58 =	vmul.f32 v28, v26;
	v28 =	vmul.f32 v30, v5  }
0x2e9: {  	v30 =	vshll.u32 v29, $0x10;
	v23 =	vmul.f32 v23, v26;
	v5 =	vmul.f32 v6, v5  }
0x2ea: {  	[tilespmem:s10+$0x20] =	vst v51;
	v26 =	vand.u32 $0xFFFF0000, v29;
	v29 =	vmul.u32 $0x9E3779B1, v31;
	v31 =	vcvt.s32.f32 v31  }
0x2eb: {  	[tilespmem:s18+$0x20] =	vst v3;
	v6 =	vmul.f32 v30, v57;
	v30 =	vmul.u32 $0x9E3779B1, v4;
	v3 =	vadd.f32 v28, v58  }
0x2ec: {  	v5 =	vadd.f32 v5, v23;
	v23 =	vmul.f32 v26, v57;
	v26 =	vtrunc.f32 v21  }
0x2ed: {  	v4 =	vcvt.s32.f32 v4;
	v40 =	vcvt.f32.s32 v26;
	v28 =	vshll.u32 v24, $0x10  }
0x2ee: {  	v3 =	vadd.f32 v3, v6;
	v5 =	vadd.f32 v5, v23;
	v23 =	vcvt.f32.s32 v25  }
0x2ef: {  	v24 =	vand.u32 $0xFFFF0000, v24;
	v25 =	vtrunc.f32 v19;
	v6 =	vmul.f32 v28, v0  }
0x2f0: {  	v4 =	vsub.f32 v10, v4;
	v0 =	vmul.f32 v24, v0;
	v24 =	vtrunc.f32 v16  }
0x2f1: {  	v28 =	vtrunc.f32 v22;
	v39 =	vcvt.f32.s32 v25;
	v50 =	vxor.u32 v40, v34  }
0x2f2: {  	v35 =	vcvt.f32.s32 v24;
	v47 =	vcvt.f32.s32 v28;
	v24 =	vadd.s32 $0x1, v40  }
0x2f3: {  	v50 =	vand.u32 $0xFFFF, v50;
	v3 =	vadd.f32 v3, v6;
	v6 =	vcvt.f32.s32 v7  }
0x2f4: {  	v7 =	vcvt.f32.s32 v27;
	v0 =	vadd.f32 v5, v0;
	v27 =	vtrunc.f32 v20  }
0x2f5: {  	v5 =	vcvt.f32.s32 v59;
	v28 =	vadd.s32 $0x1, v39;
	v51 =	vxor.u32 v24, v34  }
0x2f6: {  	v59 =	vcvt.s32.f32 v39;
	v34 =	vadd.s32 $0x9E3779B1, v34;
	v46 =	vcvt.f32.s32 v27  }
0x2f7: {  	[tilespmem:s10+$0x10] =	vst v48;
	v48 =	vadd.s32 $0x1, v35;
	v27 =	vadd.s32 $0x1, v47;
	v62 =	vxor.u32 v35, v29  }
0x2f8: {  	s10 =	sadd.s32 $0x80, s10;
	v57 =	vcvt.s32.f32 v35;
	v51 =	vand.u32 $0xFFFF, v51;
	v24 =	vxor.u32 v24, v34  }
0x2f9: {  	[tilespmem:s10+$0x30] =	vst v3;
	v3 =	vcvt.f32.s32 v60;
	v38 =	vmul.u32 $0x9E3779B1, v6;
	v42 =	vmul.u32 $0x9E3779B1, v7  }
0x2fa: {  	v44 =	vadd.s32 $0x1, v5;
	v26 =	vxor.u32 v5, v17;
	v63 =	vxor.u32 v48, v29  }
0x2fb: {  	v54 =	vcvt.s32.f32 v5;
	v33 =	vand.u32 $0xFFFF, v62;
	v60 =	vcvt.s32.f32 v23  }
0x2fc: {  	[tilespmem:s18+$0x10] =	vst v49;
	s18 =	sadd.s32 $0x80, s18;
	v6 =	vcvt.s32.f32 v6;
	v7 =	vcvt.s32.f32 v7;
	v29 =	vadd.s32 $0x9E3779B1, v29  }
0x2fd: {  	[tilespmem:s18+$0x30] =	vst v0;
	v0 =	vmul.u32 $0x9E3779B1, v23;
	v25 =	vadd.s32 $0x1, v46;
	v61 =	vxor.u32 v44, v17  }
0x2fe: {  	v26 =	vand.u32 $0xFFFF, v26;
	v36 =	vand.u32 $0xFFFF, v63;
	v62 =	vcvt.s32.f32 v46  }
0x2ff: {  	v63 =	vcvt.s32.f32 v47;
	v17 =	vadd.s32 $0x9E3779B1, v17;
	v35 =	vxor.u32 v35, v29  }
0x300: {  	v16 =	vsub.f32 v16, v57;
	v57 =	vsub.f32 v13, v31;
	v49 =	vadd.s32 $0x1, v3  }
0x301: {  	v37 =	vxor.u32 v3, v30;
	v52 =	vxor.u32 v46, v38;
	v32 =	vand.u32 $0xFFFF, v61  }
0x302: {  	v53 =	vxor.u32 v25, v38;
	v55 =	vxor.u32 v47, v42;
	v56 =	vxor.u32 v27, v42  }
0x303: {  	v58 =	vcvt.s32.f32 v3;
	v61 =	vcvt.s32.f32 v40;
	v38 =	vadd.s32 $0x9E3779B1, v38  }
0x304: {  	v5 =	vxor.u32 v5, v17;
	v40 =	vxor.u32 v40, v34;
	v31 =	vand.u32 $0xFFFF, v35  }
0x305: {  	v11 =	vsub.f32 v11, v54;
	v10 =	vsub.f32 v8, v60;
	v37 =	vand.u32 $0xFFFF, v37;
	v23 =	vld.idx.msk [tilespmem:v26+s4+$0x0], $0xffff  }
0x306: {  	v17 =	vxor.u32 v44, v17;
	v41 =	vxor.u32 v49, v30;
	v53 =	vand.u32 $0xFFFF, v53;
	v26 =	vld.idx.msk [tilespmem:v32+s4+$0x0], $0xffff  }
0x307: {  	v56 =	vand.u32 $0xFFFF, v56;
	v54 =	vxor.u32 v46, v38;
	v5 =	vand.u32 $0xFFFF, v5;
	v32 =	vld.idx.msk [tilespmem:v33+s4+$0x0], $0xffff  }
0x308: {  	v17 =	vand.u32 $0xFFFF, v17;
	v8 =	vsub.f32 v21, v61;
	v61 =	vand.u32 $0xFFFF, v40;
	v33 =	vld.idx.msk [tilespmem:v36+s4+$0x0], $0xffff  }
0x309: {  	v40 =	vsub.f32 v20, v62;
	v62 =	vsub.f32 v9, v6;
	v6 =	vand.u32 $0xFFFF, v54;
	v54 =	vld.idx.msk [tilespmem:v31+s4+$0x0], $0xffff  }
0x30a: {  	v42 =	vadd.s32 $0x9E3779B1, v42;
	v43 =	vxor.u32 v39, v0;
	v41 =	vand.u32 $0xFFFF, v41;
	v36 =	vld.idx.msk [tilespmem:v37+s4+$0x0], $0xffff  }
0x30b: {  	v45 =	vxor.u32 v28, v0;
	v52 =	vand.u32 $0xFFFF, v52;
	v43 =	vand.u32 $0xFFFF, v43;
	v14 =	vld.idx.msk [tilespmem:v53+s4+$0x0], $0xffff  }
0x30c: {  	v55 =	vand.u32 $0xFFFF, v55;
	v30 =	vadd.s32 $0x9E3779B1, v30;
	v45 =	vand.u32 $0xFFFF, v45;
	v53 =	vld.idx.msk [tilespmem:v56+s4+$0x0], $0xffff  }
0x30d: {  	v0 =	vadd.s32 $0x9E3779B1, v0;
	v13 =	vsub.f32 v18, v58;
	v18 =	vsub.f32 v19, v59;
	v19 =	vld.idx.msk [tilespmem:v5+s4+$0x0], $0xffff  }
0x30e: {  	v47 =	vxor.u32 v47, v42;
	v39 =	vxor.u32 v39, v0;
	v0 =	vxor.u32 v28, v0;
	v28 =	vld.idx.msk [tilespmem:v17+s4+$0x0], $0xffff  }
0x30f: {  	v63 =	vsub.f32 v22, v63;
	v22 =	vxor.u32 v48, v29;
	v25 =	vxor.u32 v25, v38;
	v37 =	vld.idx.msk [tilespmem:v41+s4+$0x0], $0xffff  }
0x310: {  	v27 =	vxor.u32 v27, v42;
	v48 =	vsub.f32 $1.000000000e+00, v4;
	v3 =	vxor.u32 v3, v30;
	v41 =	vld.idx.msk [tilespmem:v43+s4+$0x0], $0xffff  }
0x311: {  	v21 =	vsub.f32 v12, v7;
	v7 =	vand.u32 $0xFFFF, v47;
	v29 =	vsub.f32 $1.000000000e+00, v11;
	v43 =	vld.idx.msk [tilespmem:v45+s4+$0x0], $0xffff  }
0x312: {  	v1 =	vand.u32 $0xFFFF, v27;
	v3 =	vand.u32 $0xFFFF, v3;
	v60 =	vand.u32 $0xFFFF, v39;
	v45 =	vld.idx.msk [tilespmem:v50+s4+$0x0], $0xffff  }
0x313: {  	[tilespmem:$0x1FCF0] =	vst v4;
	v0 =	vand.u32 $0xFFFF, v0;
	v34 =	vsub.f32 $1.000000000e+00, v18;
	v35 =	vsub.f32 $1.000000000e+00, v8;
	v50 =	vld.idx.msk [tilespmem:v51+s4+$0x0], $0xffff  }
0x314: {  	v4 =	vmovc v40;
	[tilespmem:$0x1FD90] =	vst v40;
	v38 =	vsub.f32 $1.000000000e+00, v40;
	v40 =	vsub.f32 $1.000000000e+00, v63;
	v31 =	vxor.u32 v49, v30;
	v51 =	vld.idx.msk [tilespmem:v52+s4+$0x0], $0xffff  }
0x315: {  	[tilespmem:$0x1FD10] =	vst v15;
	v30 =	vsub.f32 $1.000000000e+00, v16;
	v49 =	vand.u32 $0xFFFF, v24;
	v17 =	vand.u32 $0xFFFF, v25;
	v46 =	vld.idx.msk [tilespmem:v61+s4+$0x0], $0xffff  }
0x316: {  	[tilespmem:$0x1FCE0] =	vst v57;
	v56 =	vsub.f32 $1.000000000e+00, v62;
	v42 =	vld.idx.msk [tilespmem:v6+s4+$0x0], $0xffff;
	v6 =	vand.u32 $0xFFFF, v31;
	v31 =	vsub.f32 $1.000000000e+00, v13  }
0x317: {  	[tilespmem:$0x1FDA0] =	vst v63;
	v61 =	vand.u32 $0xFFFF, v22;
	v22 =	vsub.f32 $1.000000000e+00, v57;
	v39 =	vld.idx.msk [tilespmem:v7+s4+$0x0], $0xffff;
	v7 =	vsub.f32 $1.000000000e+00, v10  }
0x318: {  	[tilespmem:$0x1FD20] =	vst v62;
	v52 =	vld.idx.msk [tilespmem:v55+s4+$0x0], $0xffff;
	v55 =	vsub.f32 $1.000000000e+00, v15;
	v57 =	vsub.f32 $1.000000000e+00, v21;
	v62 =	vmul.f32 v48, v31  }
0x319: {  	v5 =	vmovc v63;
	v44 =	vld.idx.msk [tilespmem:v60+s4+$0x0], $0xffff;
	v60 =	vsub.f32 $1.000000000e+00, v2;
	v48 =	vmul.f32 v48, v13;
	v63 =	vmul.f32 v7, v34  }
0x31a: {  	[tilespmem:$0x1FCD0] =	vst v2;
	v59 =	vshll.u32 v23, $0x10;
	v7 =	vmul.f32 v7, v18;
	v27 =	vmul.f32 v55, v35  }
0x31b: {  	[tilespmem:$0x1FD40] =	vst v16;
	v15 =	vand.u32 $0xFFFF0000, v23;
	v55 =	vmul.f32 v55, v8;
	v58 =	vmul.f32 v60, v29  }
0x31c: {  	v20 =	vld.idx.msk [tilespmem:v3+s4+$0x0], $0xffff;
	v2 =	vmovc v16;
	v47 =	vmul.f32 v60, v11;
	v16 =	vshll.u32 v26, $0x10;
	v60 =	vmul.f32 v22, v30  }
0x31d: {  	v23 =	vld.idx.msk [tilespmem:v49+s4+$0x0], $0xffff;
	v49 =	vand.u32 $0xFFFF0000, v26;
	v3 =	vshll.u32 v33, $0x10;
	v33 =	vand.u32 $0xFFFF0000, v33  }
0x31e: {  	[tilespmem:$0x1FD30] =	vst v11;
	v26 =	vld.idx.msk [tilespmem:v17+s4+$0x0], $0xffff;
	v17 =	vshll.u32 v32, $0x10;
	v32 =	vand.u32 $0xFFFF0000, v32;
	v11 =	vshll.u32 v14, $0x10  }
0x31f: {  	v14 =	vand.u32 $0xFFFF0000, v14;
	v12 =	vshll.u32 v53, $0x10;
	v53 =	vand.u32 $0xFFFF0000, v53  }
0x320: {  	[tilespmem:$0x1FD60] =	vst v18;
	v18 =	vshll.u32 v19, $0x10;
	v25 =	vld.idx.msk [tilespmem:v61+s4+$0x0], $0xffff;
	v61 =	vmul.f32 v22, v2;
	v2 =	vmul.f32 v56, v38  }
0x321: {  	v19 =	vand.u32 $0xFFFF0000, v19;
	v24 =	vld.idx.msk [tilespmem:v6+s4+$0x0], $0xffff;
	v56 =	vmul.f32 v56, v4;
	v6 =	vmul.f32 v57, v40  }
0x322: {  	v22 =	vld.idx.msk [tilespmem:v1+s4+$0x0], $0xffff;
	v57 =	vmul.f32 v57, v5;
	v1 =	vshll.u32 v37, $0x10;
	v37 =	vand.u32 $0xFFFF0000, v37  }
0x323: {  	v5 =	vshll.u32 v41, $0x10;
	v4 =	vshll.u32 v43, $0x10;
	v41 =	vand.u32 $0xFFFF0000, v41  }
0x324: {  	[tilespmem:$0x1FD80] =	vst v8;
	v43 =	vand.u32 $0xFFFF0000, v43;
	v8 =	vshll.u32 v45, $0x10;
	v9 =	vshll.u32 v50, $0x10  }
0x325: {  	v45 =	vand.u32 $0xFFFF0000, v45;
	v50 =	vand.u32 $0xFFFF0000, v50;
	v59 =	vmul.f32 v59, v58  }
0x326: {  	[tilespmem:$0x1FD00] =	vst v10;
	v10 =	vshll.u32 v51, $0x10;
	v16 =	vmul.f32 v16, v47;
	v15 =	vmul.f32 v15, v58  }
0x327: {  	v0 =	vld.idx.msk [tilespmem:v0+s4+$0x0], $0xffff;
	v51 =	vand.u32 $0xFFFF0000, v51;
	v47 =	vmul.f32 v49, v47;
	v17 =	vmul.f32 v17, v60  }
0x328: {  	[tilespmem:$0x1FD50] =	vst v13;
	v13 =	vshll.u32 v52, $0x10;
	v32 =	vmul.f32 v32, v60;
	v1 =	vmul.f32 v1, v48  }
0x329: {  	v52 =	vand.u32 $0xFFFF0000, v52;
	v37 =	vmul.f32 v37, v48;
	v5 =	vmul.f32 v5, v63  }
0x32a: {  	v49 =	vshll.u32 v54, $0x10;
	v8 =	vmul.f32 v8, v27;
	v9 =	vmul.f32 v9, v55  }
0x32b: {  	v54 =	vand.u32 $0xFFFF0000, v54;
	v27 =	vmul.f32 v45, v27;
	v45 =	vmul.f32 v50, v55;
	v55 =	vld [tilespmem:$0x1FCD0]  }
0x32c: {  	[tilespmem:$0x1FD70] =	vst v0;
	v0 =	vshll.u32 v36, $0x10;
	v4 =	vmul.f32 v4, v7;
	v41 =	vmul.f32 v41, v63  }
0x32d: {  	v36 =	vand.u32 $0xFFFF0000, v36;
	v7 =	vmul.f32 v43, v7;
	v11 =	vmul.f32 v11, v56  }
0x32e: {  	v60 =	vld [tilespmem:$0x1FD10];
	v58 =	vshll.u32 v20, $0x10;
	v14 =	vmul.f32 v14, v56;
	v13 =	vmul.f32 v13, v6  }
0x32f: {  	v20 =	vand.u32 $0xFFFF0000, v20;
	v12 =	vmul.f32 v12, v57;
	v6 =	vmul.f32 v52, v6;
	v56 =	vld [tilespmem:$0x1FCE0]  }
0x330: {  	v48 =	vshll.u32 v44, $0x10;
	v52 =	vmul.f32 v53, v57;
	v57 =	vld [tilespmem:$0x1FCF0];
	v29 =	vmul.f32 v55, v29  }
0x331: {  	v43 =	vand.u32 $0xFFFF0000, v44;
	v44 =	vshll.u32 v46, $0x10;
	v3 =	vmul.f32 v3, v61  }
0x332: {  	v4 =	vadd.f32 v4, v5;
	v5 =	vmul.f32 v19, v29;
	v19 =	vadd.f32 v9, v8;
	v8 =	vld [tilespmem:$0x1FD40]  }
0x333: {  	v46 =	vand.u32 $0xFFFF0000, v46;
	v50 =	vshll.u32 v42, $0x10;
	v10 =	vmul.f32 v10, v2  }
0x334: {  	v2 =	vmul.f32 v51, v2;
	v3 =	vadd.f32 v3, v17;
	v17 =	vmul.f32 v60, v35;
	v35 =	vld [tilespmem:$0x1FD20]  }
0x335: {  	v53 =	vadd.f32 v16, v59;
	v16 =	vmul.f32 v56, v30;
	v30 =	vmul.f32 v57, v31  }
0x336: {  	v42 =	vand.u32 $0xFFFF0000, v42;
	v63 =	vmul.f32 v21, v40;
	v33 =	vmul.f32 v33, v61  }
0x337: {  	v2 =	vadd.f32 v14, v2;
	v14 =	vmul.f32 v58, v30;
	v58 =	vmul.f32 v56, v8;
	v8 =	vld [tilespmem:$0x1FD50]  }
0x338: {  	v0 =	vmul.f32 v0, v62;
	v36 =	vmul.f32 v36, v62;
	v51 =	vshll.u32 v39, $0x10  }
0x339: {  	v39 =	vand.u32 $0xFFFF0000, v39;
	v15 =	vadd.f32 v47, v15;
	v59 =	vld [tilespmem:$0x1FD00];
	v62 =	vmul.f32 v35, v38  }
0x33a: {  	v7 =	vadd.f32 v7, v41;
	v41 =	vadd.f32 v45, v27;
	v18 =	vmul.f32 v18, v29  }
0x33b: {  	v33 =	vadd.f32 v33, v32;
	v29 =	vmul.f32 v49, v16;
	v49 =	vmul.f32 v50, v62  }
0x33c: {  	v0 =	vadd.f32 v1, v0;
	v42 =	vmul.f32 v42, v62;
	v62 =	vmul.f32 v57, v8;
	v8 =	vld [tilespmem:$0x1FD60]  }
0x33d: {  	v51 =	vmul.f32 v51, v63;
	v40 =	vadd.f32 v37, v36;
	v13 =	vadd.f32 v12, v13  }
0x33e: {  	v45 =	vadd.f32 v11, v10;
	v61 =	vshll.u32 v24, $0x10;
	v31 =	vmul.f32 v59, v34  }
0x33f: {  	v13 =	vadd.f32 v13, v51;
	v44 =	vmul.f32 v44, v17;
	v17 =	vmul.f32 v46, v17;
	v9 =	vld [tilespmem:$0x1FD80]  }
0x340: {  	v46 =	vshll.u32 v25, $0x10;
	v34 =	vshll.u32 v23, $0x10;
	v37 =	vmul.f32 v54, v16;
	v54 =	vld [tilespmem:$0x1FD30]  }
0x341: {  	v20 =	vmul.f32 v20, v30;
	v30 =	vadd.f32 v52, v6;
	v16 =	vmul.f32 v59, v8;
	v8 =	vld [tilespmem:$0x1FD70]  }
0x342: {  	v6 =	vshll.u32 v28, $0x10;
	v47 =	vmul.f32 v48, v31;
	v43 =	vmul.f32 v43, v31  }
0x343: {  	v48 =	vand.u32 $0xFFFF0000, v28;
	v31 =	vshll.u32 v26, $0x10;
	v28 =	vshll.u32 v22, $0x10  }
0x344: {  	v17 =	vadd.f32 v41, v17;
	v27 =	vadd.f32 v15, v5;
	v12 =	vmul.f32 v60, v9;
	v9 =	vld [tilespmem:$0x1FD90]  }
0x345: {  	v19 =	vadd.f32 v19, v44;
	v50 =	vand.u32 $0xFFFF0000, v25;
	v25 =	vmul.f32 v39, v63  }
0x346: {  	v1 =	vmul.f32 v55, v54;
	v36 =	vshll.u32 v8, $0x10;
	v38 =	vand.u32 $0xFFFF0000, v8;
	v8 =	vld [tilespmem:$0x1FDA0]  }
0x347: {  	s6 =	sadd.s32 $0x8, s6;
	v63 =	vand.u32 $0xFFFF0000, v24;
	v24 =	vadd.f32 v33, v37;
	v37 =	vmul.f32 v46, v58  }
0x348: {  	p0 =	slt.u32 s6, $0xF8;
	v15 =	vadd.f32 v2, v42;
	v33 =	vmul.f32 v50, v58;
	v32 =	vmul.f32 v6, v1  }
.Ltmp4:
0x349: {  	v11 =	vmul.f32 v35, v9;
	v35 =	vand.u32 $0xFFFF0000, v23;
	v9 =	vand.u32 $0xFFFF0000, v26;
	(pc) =	sbr.rel @p0 .LBB2_11-.Ltmp4, $4  }
0x34a: {  	v26 =	vadd.f32 v53, v18;
	v23 =	vadd.f32 v3, v29;
	v29 =	vmul.f32 v48, v1  }
0x34b: {  	v18 =	vadd.f32 v7, v43;
	v39 =	vmul.f32 v63, v62;
	v10 =	vmul.f32 v21, v8  }
0x34c: {  	v8 =	vand.u32 $0xFFFF0000, v22;
	v22 =	vadd.f32 v0, v14;
	v21 =	vadd.f32 v40, v20  }
0x34d: {  	s20 =	sadd.s32 $0x80, s20;
	v20 =	vadd.f32 v4, v47;
	v40 =	vmul.f32 v61, v62;
	v14 =	vadd.f32 v45, v49  }
0x34e: {  	v0 =	vadd.f32 v26, v32  }
0x34f: {  	v56 =	vadd.f32 v23, v37  }
0x350: {  	v1 =	vadd.f32 v27, v29;
	[tilespmem:s10+$0xFFFFFFC0] =	vst v0  }
0x351: {  	v57 =	vadd.f32 v24, v33;
	[tilespmem:s10+$0xFFFFFFD0] =	vst v56  }
0x352: {  	v2 =	vmul.f32 v36, v16;
	v3 =	vadd.f32 v22, v40;
	[tilespmem:s18+$0xFFFFFFC0] =	vst v1  }
0x353: {  	v58 =	vmul.f32 v38, v16;
	v4 =	vadd.f32 v21, v39;
	[tilespmem:s18+$0xFFFFFFD0] =	vst v57  }
0x354: {  	v59 =	vmul.f32 v34, v12;
	v2 =	vadd.f32 v20, v2;
	[tilespmem:s10+$0xFFFFFFE0] =	vst v3  }
0x355: {  	v60 =	vmul.f32 v35, v12;
	v0 =	vadd.f32 v18, v58;
	[tilespmem:s18+$0xFFFFFFE0] =	vst v4  }
0x356: {  	v61 =	vmul.f32 v28, v10;
	v1 =	vadd.f32 v19, v59;
	[tilespmem:s10+$0xFFFFFFF0] =	vst v2  }
0x357: {  	v63 =	vadd.f32 v30, v25;
	v5 =	vmul.f32 v8, v10;
	v3 =	vadd.f32 v17, v60;
	[tilespmem:s18+$0xFFFFFFF0] =	vst v0  }
0x358: {  	v4 =	vmul.f32 v31, v11;
	v2 =	vadd.f32 v13, v61;
	[tilespmem:s10+$0x0] =	vst v1  }
0x359: {  	v62 =	vmul.f32 v9, v11;
	v1 =	vadd.f32 v63, v5;
	[tilespmem:s18+$0x0] =	vst v3  }
0x35a: {  	v4 =	vadd.f32 v14, v4;
	[tilespmem:s10+$0x20] =	vst v2  }
0x35b: {  	s3 =	sor.u32 s14, s13;
	s11 =	sadd.s32 $0x1, s11;
	v0 =	vadd.f32 v15, v62;
	[tilespmem:s18+$0x20] =	vst v1  }
0x35c: {  	s3 =	sshrl.u32 s3, $0x3;
	p0 =	sne.s32 s11, $0x8;
	[tilespmem:s10+$0x10] =	vst v4  }
.Ltmp5:
0x35d: {  	s24 =	sor.u32 s15, s13;
	s3 =	sadd.s32 s5, s3;
	[tilespmem:s18+$0x10] =	vst v0;
	(pc) =	sbr.rel @p0 .LBB2_8-.Ltmp5, $4  }
0x35e: {  	[hbm4b:s3+s4] =	stream.linear.scatter [tilespmem:s8], [sflag:$0x3], $0x1000, $0x38;
	[tilespmem:$0x1C010] =	vst v63  }
0x35f: {  	s3 =	sshrl.u32 s24, $0x3  }
0x360: {  	s3 =	sadd.s32 s5, s3  }
0x361: {  	v7 =	vld [tilespmem:$0x1FF80];
	[hbm4b:s3+s4] =	stream.linear.scatter [tilespmem:s17], [sflag:$0x3], $0x1000, $0x38  }
0x362: {  	s3 =	simm.s32 $0x3  }
0x363: {  	_ =	swait.ge [sflag:s3], $0x1000  }
0x364: {  	[sflag:s3] =	ssyncset.done $0x0  }
0x365: {  	[sflag:s3] =	ssyncadd.s32 $0xFFFFF000  }
0x366: {  	_ =	swait.ge [sflag:s3], $0x1000  }
0x367: {  	[sflag:s3] =	ssyncset.done $0x0  }
0x368: {  	[sflag:s3] =	ssyncadd.s32 $0xFFFFF000  }
0x369: {  	_ =	swait.ge [sflag:s3], $0x1000  }
0x36a: {  	[sflag:s3] =	ssyncset.done $0x0  }
0x36b: {  	[sflag:s3] =	ssyncadd.s32 $0xFFFFF000  }
0x36c: {  	_ =	swait.ge [sflag:s3], $0x1000  }
0x36d: {  	s11 =	simm.s32 $0x0;
	s6 =	simm.s32 $0x1C000;
	[sflag:s3] =	ssyncset.done $0x0  }
0x36e: {  	s23 =	simm.s32 $0x4;
	s22 =	rddreg [dreg:$0x9];
	[sflag:s3] =	ssyncadd.s32 $0xFFFFF000  }
0x36f: {  	[tilespmem:s6], [sflag:$0x4] =	stream.linear.gather [hbm4b:s22+s11], $0x10, $0x38;
	[tilespmem:$0x1C010] =	vst v63  }
0x370: {  	_ =	swait.ge [sflag:s23], $0x10  }
0x371: {  	[sflag:s23] =	ssyncset.done $0x0;
	v7 =	vld [tilespmem:$0x1FF90]  }
0x372: {  	v24 =	vld [tilespmem:$0x1FFA0];
	[sflag:s23] =	ssyncadd.s32 $0xFFFFFFF0  }
0x373: {  	v0 =	vld [tilespmem:$0x1C000]  }
0x374: {  	v25 =	vld [tilespmem:$0x1FFB0]  }
0x375: {  	v26 =	vld [tilespmem:$0x1FFC0]  }
0x376: {  	s24 =	rddreg [dreg:$0xa];
	v27 =	vld [tilespmem:$0x1FFD0]  }
0x377: {  	v28 =	vld [tilespmem:$0x1FFE0];
	[tilespmem:s28], [sflag:$0x1] =	stream.strided.gather [hbm4b:s24+s25], $0x2000, s26, s25, $0x38  }
0x378: {  	s13 =	simm.s32 $0x40;
	s22 =	simm.s32 $0x1070;
	v29 =	vld [tilespmem:$0x1FFF0];
	[tilespmem:$0x1FCC0] =	vst v0  }
.LBB2_14:
0x379: {  	s3 =	simm.s32 $0xE0;
	s6 =	simm.s32 $0xC0  }
0x37a: {  	s16 =	simm.s32 $0x20;
	s18 =	simm.s32 $0x60;
	s20 =	simm.s32 $0x0;
	v0 =	vmov s3;
	v1 =	vmov s6  }
0x37b: {  	s10 =	sshll.u32 s11, $0x11;
	s23 =	simm.s32 $0x80;
	s24 =	simm.s32 $0xA0;
	v2 =	vmov s16;
	v4 =	vmov s18;
	v5 =	vmov s20  }
0x37c: {  	s10 =	sadd.s32 s10, s7;
	s16 =	simm.s32 $0x40;
	v6 =	vmov s23;
	v8 =	vmov s24;
	v1 =	vshrl.u32 v1, $0x7  }
0x37d: {  	v0 =	vshrl.u32 v0, $0x7;
	s3 =	sadd.s32 $0x10000, s10;
	v3 =	vmov s16;
	v1 =	vshll.u32 v1, v24  }
0x37e: {  	s16 =	simm.s32 $0xC1;
	v5 =	vshrl.u32 v5, $0x7;
	v2 =	vshrl.u32 v2, $0x7;
	s3 =	sshrl.u32 s3, $0x3;
	v1 =	vbroadcast v1, $0x0  }
0x37f: {  	s18 =	simm.s32 $0x21;
	s20 =	simm.s32 $0x41;
	v4 =	vshrl.u32 v4, $0x7;
	v9 =	vor.u32 s16, v7;
	v5 =	vshll.u32 v5, v24;
	s3 =	sadd.s32 s1, s3  }
0x380: {  	v6 =	vshrl.u32 v6, $0x7;
	v5 =	vbroadcast v5, $0x0;
	[tilespmem:s29], [sflag:$0x1] =	stream.strided.gather [hbm4b:s3+s25], $0x2000, s26, s25, $0x38;
	v1 =	vor.u32 v27, v1;
	[tilespmem:$0x1C010] =	vst v63  }
0x381: {  	s23 =	simm.s32 $0x81;
	v8 =	vshrl.u32 v8, $0x7;
	v10 =	vor.u32 s18, v7;
	v13 =	vor.u32 s20, v7;
	_ =	swait.ge [sflag:s30], $0x2000  }
0x382: {  	v17 =	vor.u32 s23, v7;
	v3 =	vshrl.u32 v3, $0x7;
	v11 =	vor.u32 v7, v5;
	[sflag:s30] =	ssyncset.done $0x0  }
0x383: {  	v2 =	vshll.u32 v2, v24;
	v4 =	vshll.u32 v4, v24;
	v6 =	vshll.u32 v6, v24;
	[sflag:s30] =	ssyncadd.s32 $0xFFFFE000  }
0x384: {  	v8 =	vshll.u32 v8, v24;
	v0 =	vshll.u32 v0, v24;
	v2 =	vbroadcast v2, $0x0;
	v9 =	vld.idx.msk [tilespmem:v9+s28+$0x0], $0xffff  }
0x385: {  	v3 =	vshll.u32 v3, v24;
	v4 =	vbroadcast v4, $0x0;
	v5 =	vor.u32 v25, v5;
	v1 =	vld.idx.msk [tilespmem:v1+s28+$0x0], $0xffff  }
0x386: {  	v6 =	vbroadcast v6, $0x0;
	v3 =	vbroadcast v3, $0x0;
	v2 =	vor.u32 v26, v2;
	v10 =	vld.idx.msk [tilespmem:v10+s28+$0x0], $0xffff  }
0x387: {  	v8 =	vbroadcast v8, $0x0;
	v0 =	vbroadcast v0, $0x0;
	v12 =	vor.u32 v28, v4;
	v11 =	vld.idx.msk [tilespmem:v11+s28+$0x0], $0xffff  }
0x388: {  	v4 =	vor.u32 v29, v4;
	v6 =	vor.u32 v7, v6;
	v3 =	vor.u32 v27, v3  }
0x389: {  	v8 =	vor.u32 v26, v8;
	v14 =	vor.u32 v28, v0;
	v16 =	vshrl.u32 v9, $0x10  }
0x38a: {  	v0 =	vor.u32 v29, v0;
	v5 =	vld.idx.msk [tilespmem:v5+s28+$0x0], $0xffff;
	v16 =	vand.u32 $0x1, v16;
	v15 =	vshrl.u32 v1, $0x10  }
0x38b: {  	v2 =	vld.idx.msk [tilespmem:v2+s28+$0x0], $0xffff;
	v9 =	vadd.s32 v16, v9;
	v16 =	vshrl.u32 v10, $0x10;
	v15 =	vand.u32 $0x1, v15  }
0x38c: {  	s24 =	simm.s32 $0xA1;
	v13 =	vld.idx.msk [tilespmem:v13+s28+$0x0], $0xffff;
	v18 =	vshrl.u32 v11, $0x10;
	v9 =	vadd.s32 $0x7FFF, v9;
	v1 =	vadd.s32 v15, v1  }
0x38d: {  	v3 =	vld.idx.msk [tilespmem:v3+s28+$0x0], $0xffff;
	v16 =	vand.u32 $0x1, v16;
	v15 =	vor.u32 s24, v7;
	v1 =	vadd.s32 $0x7FFF, v1  }
0x38e: {  	v12 =	vld.idx.msk [tilespmem:v12+s28+$0x0], $0xffff;
	v9 =	vand.u32 $0xFFFF0000, v9;
	v10 =	vadd.s32 v16, v10;
	v1 =	vshrl.u32 v1, $0x10  }
0x38f: {  	v1 =	vor.u32 v1, v9;
	v9 =	vand.u32 $0x1, v18;
	v18 =	vshrl.u32 v5, $0x10  }
0x390: {  	v4 =	vld.idx.msk [tilespmem:v4+s28+$0x0], $0xffff;
	v16 =	vshrl.u32 v2, $0x10;
	v9 =	vadd.s32 v9, v11;
	v11 =	vand.u32 $0x1, v18  }
0x391: {  	v6 =	vld.idx.msk [tilespmem:v6+s28+$0x0], $0xffff;
	v18 =	vshrl.u32 v13, $0x10;
	v5 =	vadd.s32 v11, v5;
	v11 =	vand.u32 $0x1, v16  }
0x392: {  	v16 =	vshrl.u32 v3, $0x10;
	v9 =	vadd.s32 $0x7FFF, v9;
	v2 =	vadd.s32 v11, v2  }
0x393: {  	v8 =	vld.idx.msk [tilespmem:v8+s28+$0x0], $0xffff;
	v11 =	vand.u32 $0x1, v16;
	v16 =	vshrl.u32 v12, $0x10;
	v5 =	vadd.s32 $0x7FFF, v5  }
0x394: {  	v19 =	vshrl.u32 v9, $0x10;
	v3 =	vadd.s32 v11, v3;
	v11 =	vand.u32 $0x1, v16  }
0x395: {  	v14 =	vld.idx.msk [tilespmem:v14+s28+$0x0], $0xffff;
	v16 =	vshrl.u32 v4, $0x10;
	v2 =	vadd.s32 $0x7FFF, v2;
	v5 =	vand.u32 $0xFFFF0000, v5  }
0x396: {  	v0 =	vld.idx.msk [tilespmem:v0+s28+$0x0], $0xffff;
	v11 =	vadd.s32 v11, v12;
	v12 =	vand.u32 $0x1, v16;
	v16 =	vshrl.u32 v6, $0x10  }
0x397: {  	v3 =	vadd.s32 $0x7FFF, v3;
	v2 =	vshrl.u32 v2, $0x10;
	v19 =	vor.u32 v19, v5  }
0x398: {  	v17 =	vld.idx.msk [tilespmem:v17+s28+$0x0], $0xffff;
	v4 =	vadd.s32 v12, v4;
	v12 =	vand.u32 $0x1, v16;
	v16 =	vshrl.u32 v8, $0x10  }
0x399: {  	v15 =	vld.idx.msk [tilespmem:v15+s28+$0x0], $0xffff;
	v11 =	vadd.s32 $0x7FFF, v11;
	v6 =	vadd.s32 v12, v6;
	v12 =	vand.u32 $0x1, v16  }
0x39a: {  	v16 =	vshrl.u32 v14, $0x10;
	v4 =	vadd.s32 $0x7FFF, v4;
	v8 =	vadd.s32 v12, v8  }
0x39b: {  	v12 =	vand.u32 $0x1, v16;
	v16 =	vshrl.u32 v0, $0x10;
	v6 =	vadd.s32 $0x7FFF, v6  }
0x39c: {  	v12 =	vadd.s32 v12, v14;
	v14 =	vand.u32 $0x1, v16;
	v16 =	vand.u32 $0x1, v18  }
0x39d: {  	v18 =	vshrl.u32 v17, $0x10;
	v8 =	vadd.s32 $0x7FFF, v8;
	v0 =	vadd.s32 v14, v0  }
0x39e: {  	v13 =	vadd.s32 v16, v13;
	v14 =	vand.u32 $0x1, v18;
	v16 =	vshrl.u32 v15, $0x10  }
0x39f: {  	v12 =	vadd.s32 $0x7FFF, v12;
	v14 =	vadd.s32 v14, v17;
	v16 =	vand.u32 $0x1, v16  }
0x3a0: {  	v17 =	vadd.s32 $0x7FFF, v10;
	v13 =	vadd.s32 $0x7FFF, v13;
	v0 =	vadd.s32 $0x7FFF, v0  }
0x3a1: {  	v10 =	vshrl.u32 v8, $0x10;
	v8 =	vshrl.u32 v12, $0x10;
	v15 =	vadd.s32 v16, v15  }
0x3a2: {  	v20 =	vadd.s32 $0x7FFF, v14;
	v14 =	vshrl.u32 v3, $0x10;
	v16 =	vand.u32 $0xFFFF0000, v4  }
0x3a3: {  	v9 =	vand.u32 $0xFFFF0000, v0;
	v63 =	vand.u32 $0xFFFF0000, v17;
	v18 =	vand.u32 $0xFFFF0000, v13  }
0x3a4: {  	v21 =	vadd.s32 $0x7FFF, v15;
	v15 =	vshrl.u32 v11, $0x10;
	v11 =	vshrl.u32 v6, $0x10  }
0x3a5: {  	s6 =	smov.u32 s13;
	s10 =	simm.s32 $0x0;
	s18 =	simm.s32 $0x1E0;
	[tilespmem:s13+$0x20] =	vst v1;
	v12 =	vand.u32 $0xFFFF0000, v20;
	v17 =	vor.u32 v2, v63;
	v13 =	vand.u32 $0xFFFF0000, v21  }
.LBB2_15:
0x3a6: {  	s3 =	sadd.s32 $0xFFFFFF40, s18;
	s16 =	sadd.s32 $0xFFFFFFE0, s18;
	v0 =	vmov s18;
	s10 =	sadd.s32 $0x8, s10;
	[tilespmem:s6+$0xFFFFFFC0] =	vst v19;
	v1 =	vor.u32 v14, v18;
	v2 =	vor.u32 v15, v16  }
0x3a7: {  	s20 =	sadd.s32 $0xFFFFFF80, s18;
	v3 =	vmov s3;
	s3 =	sadd.s32 $0xFFFFFF60, s18;
	v4 =	vmov s16;
	v0 =	vshrl.u32 v0, $0x7;
	p0 =	slt.u32 s10, $0xF8;
	[tilespmem:s6+$0xFFFFFFD0] =	vst v17  }
0x3a8: {  	s16 =	sadd.s32 $0xFFFFFF20, s18;
	v6 =	vmov s20;
	s20 =	sadd.s32 $0xFFFFFFC0, s18;
	v5 =	vmov s3;
	s3 =	sadd.s32 $0xFFFFFFA0, s18;
	v4 =	vshrl.u32 v4, $0x7;
	[tilespmem:s6+$0xFFFFFFE0] =	vst v1  }
0x3a9: {  	s23 =	sadd.s32 $0xFFFFFF61, s18;
	v1 =	vmov s16;
	s16 =	sadd.s32 $0xFFFFFF41, s18;
	v14 =	vmov s3;
	s3 =	sadd.s32 $0xFFFFFFA1, s18;
	v4 =	vshll.u32 v4, v24;
	[tilespmem:s6+$0xFFFFFFF0] =	vst v2  }
0x3aa: {  	s24 =	sadd.s32 $0xFFFFFFE1, s18;
	v1 =	vshrl.u32 v1, $0x7;
	v2 =	vmov s20;
	s20 =	sadd.s32 $0xFFFFFFC1, s18;
	v4 =	vbroadcast v4, $0x0  }
0x3ab: {  	v15 =	vor.u32 s24, v7;
	v3 =	vshrl.u32 v3, $0x7;
	v5 =	vshrl.u32 v5, $0x7  }
0x3ac: {  	v6 =	vshrl.u32 v6, $0x7;
	v14 =	vshrl.u32 v14, $0x7;
	v4 =	vor.u32 v27, v4  }
0x3ad: {  	v3 =	vshll.u32 v3, v24;
	v1 =	vshll.u32 v1, v24;
	v2 =	vshrl.u32 v2, $0x7  }
0x3ae: {  	v6 =	vshll.u32 v6, v24;
	v5 =	vshll.u32 v5, v24;
	v14 =	vshll.u32 v14, v24  }
0x3af: {  	v0 =	vshll.u32 v0, v24;
	v1 =	vbroadcast v1, $0x0;
	v2 =	vshll.u32 v2, v24  }
0x3b0: {  	v16 =	vor.u32 s16, v7;
	v3 =	vbroadcast v3, $0x0;
	v5 =	vbroadcast v5, $0x0;
	v15 =	vld.idx.msk [tilespmem:v15+s28+$0x0], $0xffff  }
0x3b1: {  	v6 =	vbroadcast v6, $0x0;
	v14 =	vbroadcast v14, $0x0;
	v17 =	vor.u32 v7, v1;
	v4 =	vld.idx.msk [tilespmem:v4+s28+$0x0], $0xffff  }
0x3b2: {  	v0 =	vbroadcast v0, $0x0;
	v2 =	vbroadcast v2, $0x0;
	v1 =	vor.u32 v25, v1  }
0x3b3: {  	v3 =	vor.u32 v26, v3;
	v18 =	vor.u32 v28, v6;
	v5 =	vor.u32 v27, v5  }
0x3b4: {  	v6 =	vor.u32 v29, v6;
	v14 =	vor.u32 v7, v14;
	v2 =	vor.u32 v26, v2  }
0x3b5: {  	v19 =	vor.u32 s23, v7;
	v20 =	vor.u32 v28, v0;
	v0 =	vor.u32 v29, v0;
	v16 =	vld.idx.msk [tilespmem:v16+s28+$0x0], $0xffff  }
0x3b6: {  	v11 =	vor.u32 v11, v12;
	v21 =	vor.u32 s3, v7;
	v22 =	vor.u32 s20, v7;
	v17 =	vld.idx.msk [tilespmem:v17+s28+$0x0], $0xffff  }
0x3b7: {  	v10 =	vor.u32 v10, v13;
	v23 =	vshrl.u32 v15, $0x10;
	v12 =	vshrl.u32 v4, $0x10;
	v1 =	vld.idx.msk [tilespmem:v1+s28+$0x0], $0xffff;
	[tilespmem:s6+$0x0] =	vst v11  }
0x3b8: {  	v8 =	vor.u32 v8, v9;
	v11 =	vand.u32 $0x1, v12;
	v12 =	vand.u32 $0x1, v23;
	v3 =	vld.idx.msk [tilespmem:v3+s28+$0x0], $0xffff;
	[tilespmem:s6+$0x10] =	vst v10  }
0x3b9: {  	v4 =	vadd.s32 v11, v4;
	v9 =	vadd.s32 v12, v15;
	v5 =	vld.idx.msk [tilespmem:v5+s28+$0x0], $0xffff;
	[tilespmem:s6+$0x30] =	vst v8  }
0x3ba: {  	v4 =	vadd.s32 $0x7FFF, v4;
	v9 =	vadd.s32 $0x7FFF, v9;
	v8 =	vld.idx.msk [tilespmem:v18+s28+$0x0], $0xffff  }
0x3bb: {  	v10 =	vshrl.u32 v16, $0x10;
	v4 =	vshrl.u32 v4, $0x10;
	v9 =	vand.u32 $0xFFFF0000, v9;
	v6 =	vld.idx.msk [tilespmem:v6+s28+$0x0], $0xffff  }
0x3bc: {  	s6 =	sadd.s32 $0x80, s6;
	v11 =	vshrl.u32 v17, $0x10;
	v10 =	vand.u32 $0x1, v10;
	v4 =	vor.u32 v4, v9;
	v12 =	vld.idx.msk [tilespmem:v14+s28+$0x0], $0xffff  }
0x3bd: {  	v9 =	vand.u32 $0x1, v11;
	v11 =	vshrl.u32 v1, $0x10;
	v10 =	vadd.s32 v10, v16;
	v2 =	vld.idx.msk [tilespmem:v2+s28+$0x0], $0xffff;
	[tilespmem:s6+$0x20] =	vst v4  }
0x3be: {  	v4 =	vadd.s32 v9, v17;
	v9 =	vand.u32 $0x1, v11;
	v11 =	vshrl.u32 v3, $0x10;
	v13 =	vld.idx.msk [tilespmem:v20+s28+$0x0], $0xffff  }
0x3bf: {  	v1 =	vadd.s32 v9, v1;
	v9 =	vand.u32 $0x1, v11;
	v11 =	vshrl.u32 v5, $0x10;
	v0 =	vld.idx.msk [tilespmem:v0+s28+$0x0], $0xffff  }
0x3c0: {  	v3 =	vadd.s32 v9, v3;
	v11 =	vand.u32 $0x1, v11;
	v14 =	vshrl.u32 v8, $0x10;
	v9 =	vld.idx.msk [tilespmem:v19+s28+$0x0], $0xffff  }
0x3c1: {  	v5 =	vadd.s32 v11, v5;
	v11 =	vand.u32 $0x1, v14;
	v14 =	vshrl.u32 v6, $0x10;
	v15 =	vld.idx.msk [tilespmem:v21+s28+$0x0], $0xffff  }
0x3c2: {  	v8 =	vadd.s32 v11, v8;
	v11 =	vand.u32 $0x1, v14;
	v14 =	vshrl.u32 v12, $0x10;
	v16 =	vld.idx.msk [tilespmem:v22+s28+$0x0], $0xffff  }
0x3c3: {  	v6 =	vadd.s32 v11, v6;
	v11 =	vand.u32 $0x1, v14;
	v14 =	vshrl.u32 v2, $0x10  }
0x3c4: {  	v11 =	vadd.s32 v11, v12;
	v12 =	vand.u32 $0x1, v14;
	v14 =	vshrl.u32 v13, $0x10  }
0x3c5: {  	v2 =	vadd.s32 v12, v2;
	v12 =	vand.u32 $0x1, v14;
	v14 =	vshrl.u32 v0, $0x10  }
0x3c6: {  	v17 =	vshrl.u32 v9, $0x10;
	v12 =	vadd.s32 v12, v13;
	v13 =	vand.u32 $0x1, v14  }
0x3c7: {  	v14 =	vand.u32 $0x1, v17;
	v17 =	vshrl.u32 v15, $0x10;
	v0 =	vadd.s32 v13, v0  }
0x3c8: {  	v9 =	vadd.s32 v14, v9;
	v13 =	vand.u32 $0x1, v17;
	v14 =	vshrl.u32 v16, $0x10  }
0x3c9: {  	v4 =	vadd.s32 $0x7FFF, v4;
	v13 =	vadd.s32 v13, v15;
	v14 =	vand.u32 $0x1, v14  }
0x3ca: {  	v1 =	vadd.s32 $0x7FFF, v1;
	v3 =	vadd.s32 $0x7FFF, v3;
	v14 =	vadd.s32 v14, v16  }
0x3cb: {  	v5 =	vadd.s32 $0x7FFF, v5;
	v8 =	vadd.s32 $0x7FFF, v8;
	v6 =	vadd.s32 $0x7FFF, v6  }
0x3cc: {  	v11 =	vadd.s32 $0x7FFF, v11;
	v2 =	vadd.s32 $0x7FFF, v2;
	v12 =	vadd.s32 $0x7FFF, v12  }
0x3cd: {  	v17 =	vadd.s32 $0x7FFF, v10;
	v0 =	vadd.s32 $0x7FFF, v0;
	v18 =	vadd.s32 $0x7FFF, v9  }
0x3ce: {  	v4 =	vshrl.u32 v4, $0x10;
	v13 =	vadd.s32 $0x7FFF, v13;
	v20 =	vadd.s32 $0x7FFF, v14  }
.Ltmp6:
0x3cf: {  	v1 =	vand.u32 $0xFFFF0000, v1;
	v3 =	vshrl.u32 v3, $0x10;
	v14 =	vshrl.u32 v5, $0x10;
	(pc) =	sbr.rel @p0 .LBB2_15-.Ltmp6, $4  }
0x3d0: {  	v11 =	vshrl.u32 v11, $0x10;
	v15 =	vshrl.u32 v8, $0x10;
	v16 =	vand.u32 $0xFFFF0000, v6  }
0x3d1: {  	v10 =	vshrl.u32 v2, $0x10;
	v8 =	vshrl.u32 v12, $0x10;
	v9 =	vand.u32 $0xFFFF0000, v0  }
0x3d2: {  	v0 =	vand.u32 $0xFFFF0000, v17;
	v18 =	vand.u32 $0xFFFF0000, v18;
	v12 =	vand.u32 $0xFFFF0000, v13  }
0x3d3: {  	s18 =	sadd.s32 $0x100, s18;
	v19 =	vor.u32 v4, v1;
	v17 =	vor.u32 v3, v0;
	v13 =	vand.u32 $0xFFFF0000, v20  }
0x3d4: {  	[tilespmem:s6+$0xFFFFFFC0] =	vst v19;
	v0 =	vor.u32 v14, v18  }
0x3d5: {  	v1 =	vor.u32 v15, v16;
	[tilespmem:s6+$0xFFFFFFD0] =	vst v17;
	v2 =	vor.u32 v11, v12;
	v3 =	vor.u32 v10, v13;
	s3 =	simm.s32 $0xE0;
	s10 =	simm.s32 $0xC0  }
0x3d6: {  	v57 =	vor.u32 v8, v9;
	s18 =	simm.s32 $0x20;
	s20 =	simm.s32 $0x40;
	s23 =	simm.s32 $0x60;
	[tilespmem:s6+$0xFFFFFFE0] =	vst v0;
	v4 =	vmov s3;
	v5 =	vmov s10  }
0x3d7: {  	p0 =	seq.s32 s11, $0x7;
	s24 =	simm.s32 $0x0;
	[tilespmem:s6+$0xFFFFFFF0] =	vst v1;
	v58 =	vmov s18;
	v59 =	vmov s20;
	v6 =	vmov s23  }
0x3d8: {  	s16 =	sshll.u32 @!p0 s11, $0x11;
	s20 =	simm.s32 $0x80;
	v60 =	vmov s24;
	s3 =	rddreg [dreg:$0xb];
	v4 =	vshrl.u32 v4, $0x7;
	v5 =	vshrl.u32 v5, $0x7  }
0x3d9: {  	s23 =	simm.s32 $0xA0;
	[tilespmem:s6+$0x0] =	vst v2;
	v8 =	vmov s20;
	v61 =	vshrl.u32 v60, $0x7;
	s3 =	sadd.s32 @!p0 s16, s3;
	v5 =	vshll.u32 v5, v24  }
0x3da: {  	s24 =	simm.s32 $0xC1;
	s18 =	simm.s32 @!p0 $0x400;
	[tilespmem:s6+$0x10] =	vst v3;
	v62 =	vmov s23;
	v0 =	vshll.u32 v61, v24;
	s3 =	sshrl.u32 @!p0 s3, $0x3;
	v5 =	vbroadcast v5, $0x0  }
0x3db: {  	[tilespmem:s6+$0x30] =	vst v57;
	s6 =	simm.s32 @!p0 $0x80;
	s20 =	simm.s32 @!p0 $0x10000;
	v9 =	vor.u32 s24, v7;
	v1 =	vshrl.u32 v58, $0x7;
	v0 =	vbroadcast v0, $0x0;
	s3 =	sadd.s32 @!p0 s1, s3  }
0x3dc: {  	v2 =	vshrl.u32 v59, $0x7;
	v6 =	vshrl.u32 v6, $0x7;
	[tilespmem:s20], [sflag:$0x1] =	stream.strided.gather @!p0 [hbm4b:s3+s6], $0x2000, s18, s6, $0x38;
	v5 =	vor.u32 v27, v5;
	[tilespmem:$0x1C010] =	vst v63  }
0x3dd: {  	v8 =	vshrl.u32 v8, $0x7;
	v1 =	vshll.u32 v1, v24;
	s18 =	simm.s32 $0x21;
	v11 =	vor.u32 v7, v0;
	_ =	swait.ge [sflag:s30], $0x2000  }
0x3de: {  	s23 =	simm.s32 $0x81;
	v3 =	vshrl.u32 v62, $0x7;
	v2 =	vshll.u32 v2, v24;
	v10 =	vor.u32 s18, v7;
	[sflag:s30] =	ssyncset.done $0x0  }
0x3df: {  	v6 =	vshll.u32 v6, v24;
	v4 =	vshll.u32 v4, v24;
	v17 =	vor.u32 s23, v7;
	[sflag:s30] =	ssyncadd.s32 $0xFFFFE000  }
0x3e0: {  	v8 =	vshll.u32 v8, v24;
	v3 =	vshll.u32 v3, v24;
	v1 =	vbroadcast v1, $0x0;
	v9 =	vld.idx.msk [tilespmem:v9+s29+$0x0], $0xffff  }
0x3e1: {  	v2 =	vbroadcast v2, $0x0;
	v6 =	vbroadcast v6, $0x0;
	v0 =	vor.u32 v25, v0;
	v5 =	vld.idx.msk [tilespmem:v5+s29+$0x0], $0xffff  }
0x3e2: {  	v4 =	vbroadcast v4, $0x0;
	v8 =	vbroadcast v8, $0x0;
	v1 =	vor.u32 v26, v1;
	s20 =	simm.s32 $0x41;
	v11 =	vld.idx.msk [tilespmem:v11+s29+$0x0], $0xffff  }
0x3e3: {  	v3 =	vbroadcast v3, $0x0;
	v2 =	vor.u32 v27, v2;
	v13 =	vor.u32 s20, v7;
	v10 =	vld.idx.msk [tilespmem:v10+s29+$0x0], $0xffff  }
0x3e4: {  	v12 =	vor.u32 v28, v6;
	v6 =	vor.u32 v29, v6;
	v14 =	vor.u32 v28, v4  }
0x3e5: {  	v4 =	vor.u32 v29, v4;
	v8 =	vor.u32 v7, v8;
	v16 =	vshrl.u32 v9, $0x10  }
0x3e6: {  	v3 =	vor.u32 v26, v3;
	v0 =	vld.idx.msk [tilespmem:v0+s29+$0x0], $0xffff;
	v15 =	vshrl.u32 v5, $0x10;
	v16 =	vand.u32 $0x1, v16  }
0x3e7: {  	s24 =	simm.s32 $0xA1;
	v1 =	vld.idx.msk [tilespmem:v1+s29+$0x0], $0xffff;
	v18 =	vshrl.u32 v11, $0x10;
	v15 =	vand.u32 $0x1, v15;
	v9 =	vadd.s32 v16, v9  }
0x3e8: {  	v13 =	vld.idx.msk [tilespmem:v13+s29+$0x0], $0xffff;
	v16 =	vshrl.u32 v10, $0x10;
	v5 =	vadd.s32 v15, v5;
	v15 =	vor.u32 s24, v7  }
0x3e9: {  	v2 =	vld.idx.msk [tilespmem:v2+s29+$0x0], $0xffff;
	v9 =	vadd.s32 $0x7FFF, v9;
	v16 =	vand.u32 $0x1, v16;
	v5 =	vadd.s32 $0x7FFF, v5  }
0x3ea: {  	v12 =	vld.idx.msk [tilespmem:v12+s29+$0x0], $0xffff;
	v9 =	vand.u32 $0xFFFF0000, v9;
	v10 =	vadd.s32 v16, v10;
	v5 =	vshrl.u32 v5, $0x10  }
0x3eb: {  	v5 =	vor.u32 v5, v9;
	v9 =	vand.u32 $0x1, v18;
	v18 =	vshrl.u32 v0, $0x10  }
0x3ec: {  	v6 =	vld.idx.msk [tilespmem:v6+s29+$0x0], $0xffff;
	v16 =	vshrl.u32 v1, $0x10;
	v9 =	vadd.s32 v9, v11;
	v11 =	vand.u32 $0x1, v18  }
0x3ed: {  	v8 =	vld.idx.msk [tilespmem:v8+s29+$0x0], $0xffff;
	v18 =	vshrl.u32 v13, $0x10;
	v0 =	vadd.s32 v11, v0;
	v11 =	vand.u32 $0x1, v16  }
0x3ee: {  	v16 =	vshrl.u32 v2, $0x10;
	v9 =	vadd.s32 $0x7FFF, v9;
	v1 =	vadd.s32 v11, v1  }
0x3ef: {  	v3 =	vld.idx.msk [tilespmem:v3+s29+$0x0], $0xffff;
	v11 =	vand.u32 $0x1, v16;
	v16 =	vshrl.u32 v12, $0x10;
	v0 =	vadd.s32 $0x7FFF, v0  }
0x3f0: {  	v19 =	vshrl.u32 v9, $0x10;
	v2 =	vadd.s32 v11, v2;
	v11 =	vand.u32 $0x1, v16  }
0x3f1: {  	v14 =	vld.idx.msk [tilespmem:v14+s29+$0x0], $0xffff;
	v16 =	vshrl.u32 v6, $0x10;
	v1 =	vadd.s32 $0x7FFF, v1;
	v0 =	vand.u32 $0xFFFF0000, v0  }
0x3f2: {  	v4 =	vld.idx.msk [tilespmem:v4+s29+$0x0], $0xffff;
	v11 =	vadd.s32 v11, v12;
	v12 =	vand.u32 $0x1, v16;
	v16 =	vshrl.u32 v8, $0x10  }
0x3f3: {  	v2 =	vadd.s32 $0x7FFF, v2;
	v1 =	vshrl.u32 v1, $0x10;
	v19 =	vor.u32 v19, v0  }
0x3f4: {  	v17 =	vld.idx.msk [tilespmem:v17+s29+$0x0], $0xffff;
	v6 =	vadd.s32 v12, v6;
	v12 =	vand.u32 $0x1, v16;
	v16 =	vshrl.u32 v3, $0x10  }
0x3f5: {  	v15 =	vld.idx.msk [tilespmem:v15+s29+$0x0], $0xffff;
	v11 =	vadd.s32 $0x7FFF, v11;
	v8 =	vadd.s32 v12, v8;
	v12 =	vand.u32 $0x1, v16  }
0x3f6: {  	v16 =	vshrl.u32 v14, $0x10;
	v6 =	vadd.s32 $0x7FFF, v6;
	v3 =	vadd.s32 v12, v3  }
0x3f7: {  	v12 =	vand.u32 $0x1, v16;
	v16 =	vshrl.u32 v4, $0x10;
	v8 =	vadd.s32 $0x7FFF, v8  }
0x3f8: {  	v12 =	vadd.s32 v12, v14;
	v14 =	vand.u32 $0x1, v16;
	v16 =	vand.u32 $0x1, v18  }
0x3f9: {  	v18 =	vshrl.u32 v17, $0x10;
	v3 =	vadd.s32 $0x7FFF, v3;
	v4 =	vadd.s32 v14, v4  }
0x3fa: {  	v13 =	vadd.s32 v16, v13;
	v14 =	vand.u32 $0x1, v18;
	v16 =	vshrl.u32 v15, $0x10  }
0x3fb: {  	v12 =	vadd.s32 $0x7FFF, v12;
	v14 =	vadd.s32 v14, v17;
	v16 =	vand.u32 $0x1, v16  }
0x3fc: {  	v17 =	vadd.s32 $0x7FFF, v10;
	v13 =	vadd.s32 $0x7FFF, v13;
	v4 =	vadd.s32 $0x7FFF, v4  }
0x3fd: {  	v10 =	vshrl.u32 v3, $0x10;
	v15 =	vadd.s32 v16, v15;
	v20 =	vadd.s32 $0x7FFF, v14  }
0x3fe: {  	v14 =	vshrl.u32 v2, $0x10;
	v16 =	vand.u32 $0xFFFF0000, v6;
	v9 =	vand.u32 $0xFFFF0000, v4  }
0x3ff: {  	v63 =	vand.u32 $0xFFFF0000, v17;
	v18 =	vand.u32 $0xFFFF0000, v13;
	v21 =	vadd.s32 $0x7FFF, v15  }
0x400: {  	v15 =	vshrl.u32 v11, $0x10;
	v11 =	vshrl.u32 v8, $0x10;
	v8 =	vshrl.u32 v12, $0x10  }
0x401: {  	s10 =	simm.s32 $0x0;
	s6 =	smov.u32 s22;
	s18 =	simm.s32 $0x1E0;
	[tilespmem:s22+$0xFFFFFFF0] =	vst v5;
	v12 =	vand.u32 $0xFFFF0000, v20;
	v17 =	vor.u32 v1, v63;
	v13 =	vand.u32 $0xFFFF0000, v21  }
.LBB2_17:
0x402: {  	s3 =	sadd.s32 $0xFFFFFF40, s18;
	s16 =	sadd.s32 $0xFFFFFFE0, s18;
	v0 =	vmov s18;
	s10 =	sadd.s32 $0x8, s10;
	[tilespmem:s6+$0xFFFFFF90] =	vst v19;
	v1 =	vor.u32 v14, v18;
	v2 =	vor.u32 v15, v16  }
0x403: {  	s20 =	sadd.s32 $0xFFFFFF80, s18;
	v3 =	vmov s3;
	s3 =	sadd.s32 $0xFFFFFF60, s18;
	v4 =	vmov s16;
	v0 =	vshrl.u32 v0, $0x7;
	p0 =	slt.u32 s10, $0xF8;
	[tilespmem:s6+$0xFFFFFFA0] =	vst v17  }
0x404: {  	s16 =	sadd.s32 $0xFFFFFF20, s18;
	v6 =	vmov s20;
	s20 =	sadd.s32 $0xFFFFFFC0, s18;
	v5 =	vmov s3;
	s3 =	sadd.s32 $0xFFFFFFA0, s18;
	v4 =	vshrl.u32 v4, $0x7;
	[tilespmem:s6+$0xFFFFFFB0] =	vst v1  }
0x405: {  	s23 =	sadd.s32 $0xFFFFFF61, s18;
	v1 =	vmov s16;
	s16 =	sadd.s32 $0xFFFFFF41, s18;
	v14 =	vmov s3;
	s3 =	sadd.s32 $0xFFFFFFA1, s18;
	v4 =	vshll.u32 v4, v24;
	[tilespmem:s6+$0xFFFFFFC0] =	vst v2  }
0x406: {  	s24 =	sadd.s32 $0xFFFFFFE1, s18;
	v1 =	vshrl.u32 v1, $0x7;
	v2 =	vmov s20;
	s20 =	sadd.s32 $0xFFFFFFC1, s18;
	v4 =	vbroadcast v4, $0x0  }
0x407: {  	v15 =	vor.u32 s24, v7;
	v3 =	vshrl.u32 v3, $0x7;
	v5 =	vshrl.u32 v5, $0x7  }
0x408: {  	v6 =	vshrl.u32 v6, $0x7;
	v14 =	vshrl.u32 v14, $0x7;
	v4 =	vor.u32 v27, v4  }
0x409: {  	v3 =	vshll.u32 v3, v24;
	v1 =	vshll.u32 v1, v24;
	v2 =	vshrl.u32 v2, $0x7  }
0x40a: {  	v6 =	vshll.u32 v6, v24;
	v5 =	vshll.u32 v5, v24;
	v14 =	vshll.u32 v14, v24  }
0x40b: {  	v0 =	vshll.u32 v0, v24;
	v1 =	vbroadcast v1, $0x0;
	v2 =	vshll.u32 v2, v24  }
0x40c: {  	v16 =	vor.u32 s16, v7;
	v3 =	vbroadcast v3, $0x0;
	v5 =	vbroadcast v5, $0x0;
	v15 =	vld.idx.msk [tilespmem:v15+s29+$0x0], $0xffff  }
0x40d: {  	v6 =	vbroadcast v6, $0x0;
	v14 =	vbroadcast v14, $0x0;
	v17 =	vor.u32 v7, v1;
	v4 =	vld.idx.msk [tilespmem:v4+s29+$0x0], $0xffff  }
0x40e: {  	v0 =	vbroadcast v0, $0x0;
	v2 =	vbroadcast v2, $0x0;
	v1 =	vor.u32 v25, v1  }
0x40f: {  	v3 =	vor.u32 v26, v3;
	v18 =	vor.u32 v28, v6;
	v5 =	vor.u32 v27, v5  }
0x410: {  	v6 =	vor.u32 v29, v6;
	v14 =	vor.u32 v7, v14;
	v2 =	vor.u32 v26, v2  }
0x411: {  	v19 =	vor.u32 s23, v7;
	v20 =	vor.u32 v28, v0;
	v0 =	vor.u32 v29, v0;
	v16 =	vld.idx.msk [tilespmem:v16+s29+$0x0], $0xffff  }
0x412: {  	v11 =	vor.u32 v11, v12;
	v21 =	vor.u32 s3, v7;
	v22 =	vor.u32 s20, v7;
	v17 =	vld.idx.msk [tilespmem:v17+s29+$0x0], $0xffff  }
0x413: {  	v10 =	vor.u32 v10, v13;
	v23 =	vshrl.u32 v15, $0x10;
	v12 =	vshrl.u32 v4, $0x10;
	v1 =	vld.idx.msk [tilespmem:v1+s29+$0x0], $0xffff;
	[tilespmem:s6+$0xFFFFFFD0] =	vst v11  }
0x414: {  	v8 =	vor.u32 v8, v9;
	v11 =	vand.u32 $0x1, v12;
	v12 =	vand.u32 $0x1, v23;
	v3 =	vld.idx.msk [tilespmem:v3+s29+$0x0], $0xffff;
	[tilespmem:s6+$0xFFFFFFE0] =	vst v10  }
0x415: {  	v4 =	vadd.s32 v11, v4;
	v9 =	vadd.s32 v12, v15;
	v5 =	vld.idx.msk [tilespmem:v5+s29+$0x0], $0xffff;
	[tilespmem:s6+$0x0] =	vst v8  }
0x416: {  	v4 =	vadd.s32 $0x7FFF, v4;
	v9 =	vadd.s32 $0x7FFF, v9;
	v8 =	vld.idx.msk [tilespmem:v18+s29+$0x0], $0xffff  }
0x417: {  	v10 =	vshrl.u32 v16, $0x10;
	v4 =	vshrl.u32 v4, $0x10;
	v9 =	vand.u32 $0xFFFF0000, v9;
	v6 =	vld.idx.msk [tilespmem:v6+s29+$0x0], $0xffff  }
0x418: {  	s6 =	sadd.s32 $0x80, s6;
	v11 =	vshrl.u32 v17, $0x10;
	v10 =	vand.u32 $0x1, v10;
	v4 =	vor.u32 v4, v9;
	v12 =	vld.idx.msk [tilespmem:v14+s29+$0x0], $0xffff  }
0x419: {  	v9 =	vand.u32 $0x1, v11;
	v11 =	vshrl.u32 v1, $0x10;
	v10 =	vadd.s32 v10, v16;
	v2 =	vld.idx.msk [tilespmem:v2+s29+$0x0], $0xffff;
	[tilespmem:s6+$0xFFFFFFF0] =	vst v4  }
0x41a: {  	v4 =	vadd.s32 v9, v17;
	v9 =	vand.u32 $0x1, v11;
	v11 =	vshrl.u32 v3, $0x10;
	v13 =	vld.idx.msk [tilespmem:v20+s29+$0x0], $0xffff  }
0x41b: {  	v1 =	vadd.s32 v9, v1;
	v9 =	vand.u32 $0x1, v11;
	v11 =	vshrl.u32 v5, $0x10;
	v0 =	vld.idx.msk [tilespmem:v0+s29+$0x0], $0xffff  }
0x41c: {  	v3 =	vadd.s32 v9, v3;
	v11 =	vand.u32 $0x1, v11;
	v14 =	vshrl.u32 v8, $0x10;
	v9 =	vld.idx.msk [tilespmem:v19+s29+$0x0], $0xffff  }
0x41d: {  	v5 =	vadd.s32 v11, v5;
	v11 =	vand.u32 $0x1, v14;
	v14 =	vshrl.u32 v6, $0x10;
	v15 =	vld.idx.msk [tilespmem:v21+s29+$0x0], $0xffff  }
0x41e: {  	v8 =	vadd.s32 v11, v8;
	v11 =	vand.u32 $0x1, v14;
	v14 =	vshrl.u32 v12, $0x10;
	v16 =	vld.idx.msk [tilespmem:v22+s29+$0x0], $0xffff  }
0x41f: {  	v6 =	vadd.s32 v11, v6;
	v11 =	vand.u32 $0x1, v14;
	v14 =	vshrl.u32 v2, $0x10  }
0x420: {  	v11 =	vadd.s32 v11, v12;
	v12 =	vand.u32 $0x1, v14;
	v14 =	vshrl.u32 v13, $0x10  }
0x421: {  	v2 =	vadd.s32 v12, v2;
	v12 =	vand.u32 $0x1, v14;
	v14 =	vshrl.u32 v0, $0x10  }
0x422: {  	v17 =	vshrl.u32 v9, $0x10;
	v12 =	vadd.s32 v12, v13;
	v13 =	vand.u32 $0x1, v14  }
0x423: {  	v14 =	vand.u32 $0x1, v17;
	v17 =	vshrl.u32 v15, $0x10;
	v0 =	vadd.s32 v13, v0  }
0x424: {  	v9 =	vadd.s32 v14, v9;
	v13 =	vand.u32 $0x1, v17;
	v14 =	vshrl.u32 v16, $0x10  }
0x425: {  	v4 =	vadd.s32 $0x7FFF, v4;
	v13 =	vadd.s32 v13, v15;
	v14 =	vand.u32 $0x1, v14  }
0x426: {  	v1 =	vadd.s32 $0x7FFF, v1;
	v3 =	vadd.s32 $0x7FFF, v3;
	v14 =	vadd.s32 v14, v16  }
0x427: {  	v5 =	vadd.s32 $0x7FFF, v5;
	v8 =	vadd.s32 $0x7FFF, v8;
	v6 =	vadd.s32 $0x7FFF, v6  }
0x428: {  	v11 =	vadd.s32 $0x7FFF, v11;
	v2 =	vadd.s32 $0x7FFF, v2;
	v12 =	vadd.s32 $0x7FFF, v12  }
0x429: {  	v17 =	vadd.s32 $0x7FFF, v10;
	v0 =	vadd.s32 $0x7FFF, v0;
	v18 =	vadd.s32 $0x7FFF, v9  }
0x42a: {  	v4 =	vshrl.u32 v4, $0x10;
	v13 =	vadd.s32 $0x7FFF, v13;
	v20 =	vadd.s32 $0x7FFF, v14  }
.Ltmp7:
0x42b: {  	v1 =	vand.u32 $0xFFFF0000, v1;
	v3 =	vshrl.u32 v3, $0x10;
	v14 =	vshrl.u32 v5, $0x10;
	(pc) =	sbr.rel @p0 .LBB2_17-.Ltmp7, $4  }
0x42c: {  	v11 =	vshrl.u32 v11, $0x10;
	v15 =	vshrl.u32 v8, $0x10;
	v16 =	vand.u32 $0xFFFF0000, v6  }
0x42d: {  	v10 =	vshrl.u32 v2, $0x10;
	v8 =	vshrl.u32 v12, $0x10;
	v9 =	vand.u32 $0xFFFF0000, v0  }
0x42e: {  	v0 =	vand.u32 $0xFFFF0000, v17;
	v18 =	vand.u32 $0xFFFF0000, v18;
	v12 =	vand.u32 $0xFFFF0000, v13  }
0x42f: {  	s18 =	sadd.s32 $0x100, s18;
	v19 =	vor.u32 v4, v1;
	v17 =	vor.u32 v3, v0;
	v13 =	vand.u32 $0xFFFF0000, v20  }
0x430: {  	[tilespmem:s6+$0xFFFFFF90] =	vst v19;
	s11 =	sadd.s32 $0x1, s11  }
0x431: {  	v0 =	vor.u32 v14, v18;
	[tilespmem:s6+$0xFFFFFFA0] =	vst v17;
	p0 =	sne.s32 s11, $0x8  }
.Ltmp8:
0x432: {  	v1 =	vor.u32 v15, v16;
	[tilespmem:s6+$0xFFFFFFB0] =	vst v0;
	(pc) =	sbr.rel @p0 .LBB2_14-.Ltmp8, $4  }
0x433: {  	v61 =	vor.u32 v11, v12;
	[tilespmem:s6+$0xFFFFFFC0] =	vst v1  }
0x434: {  	v62 =	vor.u32 v10, v13;
	[tilespmem:s6+$0xFFFFFFD0] =	vst v61  }
0x435: {  	v63 =	vor.u32 v8, v9;
	[tilespmem:s6+$0xFFFFFFE0] =	vst v62  }
0x436: {  	s13 =	sadd.s32 $0x2000, s13;
	s22 =	sadd.s32 $0x2000, s22;
	[tilespmem:s6+$0x0] =	vst v63  }
0x437: {  	s11 =	simm.s32 $0x0;
	s3 =	rddreg [dreg:$0x7];
	s6 =	simm.s32 $0x14000  }
0x438: {  	[tilespmem:s6], [sflag:$0x2] =	stream.linear.gather [hbm4b:s3+s11], $0x1000, $0x38;
	[tilespmem:$0x1C010] =	vst v63  }
0x439: {  	s23 =	rddreg [dreg:$0x8];
	s24 =	simm.s32 $0x16000  }
0x43a: {  	[tilespmem:s24], [sflag:$0x2] =	stream.linear.gather [hbm4b:s23+s11], $0x1000, $0x38;
	[tilespmem:$0x1C010] =	vst v63  }
0x43b: {  	s23 =	simm.s32 $0x15000  }
.LBB2_20:
0x43c: {  	s24 =	sshll.u32 s11, $0xD  }
0x43d: {  	s13 =	sor.u32 $0x1000, s24  }
0x43e: {  	s3 =	sor.u32 s9, s13  }
0x43f: {  	s3 =	sshrl.u32 s3, $0x3  }
0x440: {  	s18 =	sor.u32 s12, s13;
	s3 =	sadd.s32 s2, s3  }
0x441: {  	[tilespmem:s23], [sflag:$0x2] =	stream.linear.gather [hbm4b:s3+s4], $0x1000, $0x38;
	[tilespmem:$0x1C010] =	vst v63  }
0x442: {  	s3 =	sshrl.u32 s18, $0x3  }
0x443: {  	s6 =	simm.s32 $0x17000;
	s3 =	sadd.s32 s2, s3  }
0x444: {  	[tilespmem:s6], [sflag:$0x2] =	stream.linear.gather [hbm4b:s3+s4], $0x1000, $0x38;
	[tilespmem:$0x1C010] =	vst v63  }
0x445: {  	_ =	swait.ge [sflag:s31], $0x1000  }
0x446: {  	[sflag:s31] =	ssyncset.done $0x0  }
0x447: {  	[sflag:s31] =	ssyncadd.s32 $0xFFFFF000  }
0x448: {  	_ =	swait.ge [sflag:s31], $0x1000  }
0x449: {  	p0 =	seq.s32 s11, $0x0;
	[sflag:s31] =	ssyncset.done $0x0  }
0x44a: {  	s3 =	simm.s32 @!p0 $0x3;
	[sflag:s31] =	ssyncadd.s32 $0xFFFFF000  }
0x44b: {  	_ =	swait.ge @!p0 [sflag:s3], $0x1000  }
0x44c: {  	[sflag:s3] =	ssyncset.done @!p0 $0x0  }
0x44d: {  	[sflag:s3] =	ssyncadd.s32 @!p0 $0xFFFFF000  }
0x44e: {  	_ =	swait.ge @!p0 [sflag:s3], $0x1000  }
0x44f: {  	[sflag:s3] =	ssyncset.done @!p0 $0x0  }
0x450: {  	s20 =	simm.s32 $0x16040;
	v7 =	vld [tilespmem:$0x1FCC0];
	[sflag:s3] =	ssyncadd.s32 @!p0 $0xFFFFF000  }
0x451: {  	v1 =	vld [tilespmem:s20+$0xFFFFFFC0]  }
0x452: {  	s22 =	simm.s32 $0x14040;
	v0 =	vld [tilespmem:s20+$0x30]  }
0x453: {  	v2 =	vld [tilespmem:s22+$0x30]  }
0x454: {  	v3 =	vld [tilespmem:s20+$0xFFFFFFD0]  }
0x455: {  	v4 =	vld [tilespmem:s20+$0xFFFFFFE0]  }
0x456: {  	v5 =	vld [tilespmem:s20+$0xFFFFFFF0];
	v11 =	vmul.f32 v1, v7;
	_ =	sdelay $0x1  }
0x457: {  	[tilespmem:$0x1FC60] =	vst v11  }
0x458: {  	v0 =	vmul.f32 v0, v7;
	v2 =	vmul.f32 v2, v7;
	v55 =	vld [tilespmem:s20+$0x0]  }
0x459: {  	v13 =	vmul.f32 v3, v7;
	v15 =	vmul.f32 v4, v7;
	v6 =	vld [tilespmem:s20+$0x10]  }
0x45a: {  	v17 =	vmul.f32 v5, v7;
	v8 =	vtrunc.f32 v0;
	v56 =	vld [tilespmem:s20+$0x20]  }
0x45b: {  	v4 =	vtrunc.f32 v2;
	v14 =	vtrunc.f32 v11;
	v9 =	vld [tilespmem:s22+$0xFFFFFFD0]  }
0x45c: {  	v8 =	vcvt.f32.s32 v8;
	v10 =	vld [tilespmem:s22+$0xFFFFFFE0];
	v4 =	vcvt.f32.s32 v4  }
0x45d: {  	v27 =	vtrunc.f32 v13;
	v18 =	vld [tilespmem:s22+$0xFFFFFFF0];
	v14 =	vcvt.f32.s32 v14  }
0x45e: {  	v28 =	vtrunc.f32 v15;
	v57 =	vld [tilespmem:s22+$0x0];
	v5 =	vmul.u32 $0x9E3779B1, v8;
	v59 =	vcvt.s32.f32 v4  }
0x45f: {  	v21 =	vld [tilespmem:s22+$0x10];
	v27 =	vcvt.f32.s32 v27;
	v28 =	vcvt.f32.s32 v28;
	v31 =	vmul.u32 $0x9E3779B1, v14  }
0x460: {  	v25 =	vld [tilespmem:s22+$0xFFFFFFC0];
	v14 =	vcvt.s32.f32 v14;
	v12 =	vxor.u32 v4, v5;
	v1 =	vsub.f32 v2, v59  }
0x461: {  	v19 =	vmul.f32 v55, v7;
	v22 =	vmul.f32 v6, v7;
	v6 =	vadd.s32 $0x1, v4  }
0x462: {  	v23 =	vmul.f32 v56, v7;
	v24 =	vand.u32 $0xFFFF, v12;
	v12 =	vmul.f32 v9, v7  }
0x463: {  	v16 =	vmul.f32 v10, v7;
	v18 =	vmul.f32 v18, v7;
	v58 =	vxor.u32 v6, v5  }
0x464: {  	v20 =	vmul.f32 v57, v7;
	v5 =	vadd.s32 $0x9E3779B1, v5;
	v3 =	vand.u32 $0xFFFF, v58  }
0x465: {  	v9 =	vld [tilespmem:s22+$0x20];
	v21 =	vmul.f32 v21, v7;
	v11 =	vmul.f32 v25, v7;
	v10 =	vxor.u32 v4, v5  }
0x466: {  	v4 =	vxor.u32 v6, v5;
	v5 =	vcvt.s32.f32 v8;
	v10 =	vand.u32 $0xFFFF, v10  }
0x467: {  	v25 =	vsub.f32 $1.000000000e+00, v1;
	v8 =	vtrunc.f32 v17;
	v62 =	vtrunc.f32 v11  }
0x468: {  	v63 =	vtrunc.f32 v12;
	v34 =	vtrunc.f32 v21;
	v4 =	vand.u32 $0xFFFF, v4;
	v6 =	vld.idx.msk [tilespmem:v24+s4+$0x0], $0xffff  }
0x469: {  	v34 =	vcvt.f32.s32 v34;
	v0 =	vsub.f32 v0, v5;
	v5 =	vtrunc.f32 v22;
	v60 =	vld.idx.msk [tilespmem:v3+s4+$0x0], $0xffff  }
0x46a: {  	v26 =	vmul.f32 v9, v7;
	v9 =	vtrunc.f32 v19  }
0x46b: {  	v24 =	vtrunc.f32 v23;
	v29 =	vsub.f32 $1.000000000e+00, v0;
	v30 =	vmul.f32 v0, v25;
	v10 =	vld.idx.msk [tilespmem:v10+s4+$0x0], $0xffff  }
0x46c: {  	v0 =	vmul.f32 v0, v1;
	v36 =	vtrunc.f32 v26  }
0x46d: {  	v4 =	vld.idx.msk [tilespmem:v4+s4+$0x0], $0xffff;
	v25 =	vmul.f32 v29, v25;
	v1 =	vmul.f32 v29, v1  }
0x46e: {  	v29 =	vshll.u32 v6, $0x10;
	v6 =	vand.u32 $0xFFFF0000, v6;
	v32 =	vshll.u32 v60, $0x10  }
0x46f: {  	v29 =	vmul.f32 v29, v25;
	v2 =	vand.u32 $0xFFFF0000, v60;
	v32 =	vmul.f32 v32, v1  }
0x470: {  	v6 =	vmul.f32 v6, v25;
	v33 =	vshll.u32 v10, $0x10;
	v1 =	vmul.f32 v2, v1  }
0x471: {  	v10 =	vand.u32 $0xFFFF0000, v10;
	v25 =	vmul.f32 v33, v30;
	v61 =	vadd.f32 v32, v29  }
0x472: {  	v29 =	vshll.u32 v4, $0x10;
	v1 =	vadd.f32 v1, v6;
	v6 =	vmul.f32 v10, v30  }
0x473: {  	v4 =	vand.u32 $0xFFFF0000, v4;
	v32 =	vmul.u32 $0x9E3779B1, v28;
	v28 =	vcvt.s32.f32 v28  }
0x474: {  	v46 =	vadd.s32 $0x1, v34;
	v10 =	vmul.f32 v29, v0;
	v0 =	vmul.f32 v4, v0  }
0x475: {  	v4 =	vcvt.f32.s32 v8;
	v29 =	vmul.u32 $0x9E3779B1, v27;
	v27 =	vcvt.s32.f32 v27  }
0x476: {  	v2 =	vadd.f32 v61, v25;
	v1 =	vadd.f32 v1, v6;
	v6 =	vcvt.f32.s32 v9  }
0x477: {  	v25 =	vtrunc.f32 v20;
	v15 =	vsub.f32 v15, v28;
	v33 =	vmul.u32 $0x9E3779B1, v4  }
0x478: {  	v40 =	vcvt.f32.s32 v25;
	v4 =	vcvt.s32.f32 v4;
	v2 =	vadd.f32 v2, v10  }
0x479: {  	v0 =	vadd.f32 v1, v0;
	v10 =	vtrunc.f32 v16;
	v1 =	vcvt.f32.s32 v63  }
0x47a: {  	v35 =	vmul.u32 $0x9E3779B1, v6;
	v6 =	vcvt.s32.f32 v6;
	v37 =	vcvt.f32.s32 v10  }
0x47b: {  	v45 =	vadd.s32 $0x1, v40;
	[tilespmem:$0x1FCA0] =	vst v2;
	v2 =	vcvt.f32.s32 v5;
	v5 =	vcvt.f32.s32 v24  }
0x47c: {  	[tilespmem:$0x1FCB0] =	vst v0;
	v24 =	vtrunc.f32 v18;
	v0 =	vcvt.f32.s32 v62;
	v42 =	vadd.s32 $0x1, v1  }
0x47d: {  	v47 =	vxor.u32 v1, v29;
	v53 =	vxor.u32 v40, v35;
	v54 =	vxor.u32 v45, v35  }
0x47e: {  	v61 =	vcvt.s32.f32 v1;
	v35 =	vadd.s32 $0x9E3779B1, v35;
	v39 =	vcvt.f32.s32 v24  }
0x47f: {  	v24 =	vcvt.f32.s32 v36;
	v43 =	vadd.s32 $0x1, v37;
	v48 =	vxor.u32 v42, v29  }
0x480: {  	v49 =	vxor.u32 v37, v32;
	v36 =	vcvt.s32.f32 v37;
	v47 =	vand.u32 $0xFFFF, v47  }
0x481: {  	v53 =	vand.u32 $0xFFFF, v53;
	v54 =	vand.u32 $0xFFFF, v54;
	v29 =	vadd.s32 $0x9E3779B1, v29  }
0x482: {  	v38 =	vmul.u32 $0x9E3779B1, v2;
	v30 =	vmul.u32 $0x9E3779B1, v5;
	v41 =	vadd.s32 $0x1, v0  }
0x483: {  	v10 =	vxor.u32 v0, v31;
	v50 =	vxor.u32 v43, v32;
	v57 =	vcvt.s32.f32 v0  }
0x484: {  	v48 =	vand.u32 $0xFFFF, v48;
	v49 =	vand.u32 $0xFFFF, v49;
	v2 =	vcvt.s32.f32 v2  }
0x485: {  	v5 =	vcvt.s32.f32 v5;
	v32 =	vadd.s32 $0x9E3779B1, v32;
	v9 =	vxor.u32 v1, v29  }
0x486: {  	v12 =	vsub.f32 v12, v61;
	v44 =	vadd.s32 $0x1, v39;
	v25 =	vadd.s32 $0x1, v24  }
0x487: {  	v3 =	vxor.u32 v41, v31;
	v51 =	vxor.u32 v39, v33;
	v60 =	vand.u32 $0xFFFF, v10  }
0x488: {  	v63 =	vcvt.s32.f32 v39;
	v10 =	vcvt.s32.f32 v40;
	v50 =	vand.u32 $0xFFFF, v50  }
0x489: {  	v31 =	vadd.s32 $0x9E3779B1, v31;
	v37 =	vxor.u32 v37, v32;
	v61 =	vxor.u32 v43, v32  }
0x48a: {  	v9 =	vand.u32 $0xFFFF, v9;
	v52 =	vxor.u32 v44, v33;
	v55 =	vxor.u32 v34, v38  }
0x48b: {  	v56 =	vxor.u32 v46, v38;
	v58 =	vxor.u32 v24, v30;
	v59 =	vxor.u32 v25, v30  }
0x48c: {  	v62 =	vand.u32 $0xFFFF, v3;
	v3 =	vcvt.s32.f32 v34;
	v57 =	vsub.f32 v11, v57  }
0x48d: {  	v11 =	vcvt.s32.f32 v24;
	v51 =	vand.u32 $0xFFFF, v51;
	v33 =	vadd.s32 $0x9E3779B1, v33  }
0x48e: {  	v38 =	vadd.s32 $0x9E3779B1, v38;
	v0 =	vxor.u32 v0, v31;
	[tilespmem:$0x1FC70] =	vst v37;
	v37 =	vld [tilespmem:$0x1FC60];
	v22 =	vsub.f32 v22, v2  }
0x48f: {  	v23 =	vsub.f32 v23, v5;
	v30 =	vadd.s32 $0x9E3779B1, v30;
	v52 =	vand.u32 $0xFFFF, v52  }
0x490: {  	v55 =	vand.u32 $0xFFFF, v55;
	v56 =	vand.u32 $0xFFFF, v56;
	v58 =	vand.u32 $0xFFFF, v58  }
0x491: {  	v59 =	vand.u32 $0xFFFF, v59;
	v39 =	vxor.u32 v39, v33;
	v28 =	vxor.u32 v46, v38  }
0x492: {  	v24 =	vxor.u32 v24, v30;
	v21 =	vsub.f32 v21, v3;
	v3 =	vsub.f32 $1.000000000e+00, v57  }
0x493: {  	v24 =	vand.u32 $0xFFFF, v24;
	v8 =	vsub.f32 v37, v14;
	v14 =	vsub.f32 v13, v27  }
0x494: {  	v13 =	vsub.f32 v16, v36;
	v36 =	vxor.u32 v40, v35;
	v16 =	vsub.f32 v18, v63  }
0x495: {  	v40 =	vxor.u32 v34, v38;
	v18 =	vsub.f32 v17, v4;
	v17 =	vsub.f32 v20, v10  }
0x496: {  	v20 =	vsub.f32 v19, v6;
	v19 =	vsub.f32 v26, v11;
	v26 =	vxor.u32 v41, v31  }
0x497: {  	v31 =	vxor.u32 v42, v29;
	v6 =	vsub.f32 $1.000000000e+00, v12;
	v63 =	vxor.u32 v44, v33  }
0x498: {  	v29 =	vxor.u32 v45, v35;
	v35 =	vsub.f32 $1.000000000e+00, v15;
	v33 =	vsub.f32 $1.000000000e+00, v21  }
0x499: {  	[tilespmem:$0x1FC80] =	vst v61;
	v27 =	vand.u32 $0xFFFF, v0;
	v5 =	vsub.f32 $1.000000000e+00, v8;
	v11 =	vsub.f32 $1.000000000e+00, v14  }
0x49a: {  	v10 =	vld.idx.msk [tilespmem:v60+s4+$0x0], $0xffff;
	v4 =	vxor.u32 v25, v30;
	v2 =	vsub.f32 $1.000000000e+00, v13;
	v37 =	vsub.f32 $1.000000000e+00, v16  }
0x49b: {  	v30 =	vld [tilespmem:$0x1FC70];
	[tilespmem:$0x1FC90] =	vst v63;
	v38 =	vsub.f32 $1.000000000e+00, v18;
	v42 =	vmul.f32 v5, v3;
	v5 =	vmul.f32 v5, v57  }
0x49c: {  	v32 =	vld.idx.msk [tilespmem:v62+s4+$0x0], $0xffff;
	v34 =	vsub.f32 $1.000000000e+00, v17;
	v45 =	vmul.f32 v11, v6;
	v11 =	vmul.f32 v11, v12  }
0x49d: {  	v41 =	vsub.f32 $1.000000000e+00, v20;
	v46 =	vld.idx.msk [tilespmem:v48+s4+$0x0], $0xffff;
	v48 =	vmul.f32 v35, v2;
	v35 =	vmul.f32 v35, v13  }
0x49e: {  	v44 =	vsub.f32 $1.000000000e+00, v22;
	v43 =	vld.idx.msk [tilespmem:v47+s4+$0x0], $0xffff;
	v61 =	vmul.f32 v38, v37;
	v38 =	vmul.f32 v38, v16  }
0x49f: {  	v36 =	vand.u32 $0xFFFF, v36;
	v50 =	vld.idx.msk [tilespmem:v50+s4+$0x0], $0xffff;
	v62 =	vmul.f32 v41, v34;
	v41 =	vmul.f32 v41, v17  }
0x4a0: {  	v26 =	vand.u32 $0xFFFF, v26;
	v3 =	vmul.f32 v8, v3;
	v6 =	vmul.f32 v14, v6  }
0x4a1: {  	v2 =	vmul.f32 v15, v2;
	v37 =	vmul.f32 v18, v37;
	v1 =	vshll.u32 v10, $0x10  }
0x4a2: {  	v49 =	vld.idx.msk [tilespmem:v49+s4+$0x0], $0xffff;
	v10 =	vand.u32 $0xFFFF0000, v10;
	v30 =	vand.u32 $0xFFFF, v30;
	v47 =	vmul.f32 v1, v42  }
0x4a3: {  	v10 =	vmul.f32 v10, v42;
	v0 =	vshll.u32 v32, $0x10;
	v32 =	vand.u32 $0xFFFF0000, v32  }
0x4a4: {  	v52 =	vld.idx.msk [tilespmem:v52+s4+$0x0], $0xffff;
	v1 =	vshll.u32 v43, $0x10;
	v43 =	vand.u32 $0xFFFF0000, v43;
	v63 =	vshll.u32 v50, $0x10  }
0x4a5: {  	v54 =	vld.idx.msk [tilespmem:v54+s4+$0x0], $0xffff;
	v50 =	vand.u32 $0xFFFF0000, v50;
	v60 =	vmul.f32 v0, v5;
	v5 =	vmul.f32 v32, v5  }
0x4a6: {  	v42 =	vld.idx.msk [tilespmem:v51+s4+$0x0], $0xffff;
	v0 =	vshll.u32 v46, $0x10;
	v46 =	vand.u32 $0xFFFF0000, v46;
	v51 =	vmul.f32 v1, v45  }
0x4a7: {  	v43 =	vmul.f32 v43, v45;
	v1 =	vshll.u32 v49, $0x10;
	v32 =	vmul.f32 v0, v11  }
0x4a8: {  	v59 =	vld.idx.msk [tilespmem:v59+s4+$0x0], $0xffff;
	v49 =	vand.u32 $0xFFFF0000, v49;
	v11 =	vmul.f32 v46, v11;
	v45 =	vmul.f32 v1, v48  }
0x4a9: {  	v46 =	vld.idx.msk [tilespmem:v53+s4+$0x0], $0xffff;
	v48 =	vmul.f32 v49, v48;
	v53 =	vmul.f32 v63, v35;
	v1 =	vshll.u32 v52, $0x10  }
0x4aa: {  	v35 =	vmul.f32 v50, v35;
	v50 =	vld.idx.msk [tilespmem:v55+s4+$0x0], $0xffff;
	v52 =	vand.u32 $0xFFFF0000, v52;
	v55 =	vmul.f32 v1, v38  }
0x4ab: {  	v38 =	vmul.f32 v52, v38;
	v1 =	vshll.u32 v54, $0x10;
	v54 =	vand.u32 $0xFFFF0000, v54  }
0x4ac: {  	v25 =	vld.idx.msk [tilespmem:v27+s4+$0x0], $0xffff;
	v27 =	vadd.f32 v60, v47;
	v5 =	vadd.f32 v5, v10;
	v0 =	vshll.u32 v42, $0x10  }
0x4ad: {  	v10 =	vshll.u32 v59, $0x10;
	v42 =	vand.u32 $0xFFFF0000, v42;
	v49 =	vmul.f32 v0, v61  }
0x4ae: {  	v56 =	vld.idx.msk [tilespmem:v56+s4+$0x0], $0xffff;
	v43 =	vadd.f32 v11, v43;
	v42 =	vmul.f32 v42, v61;
	v61 =	vmul.f32 v44, v33  }
0x4af: {  	v44 =	vmul.f32 v44, v21;
	v0 =	vshll.u32 v46, $0x10;
	v46 =	vand.u32 $0xFFFF0000, v46  }
0x4b0: {  	v58 =	vld.idx.msk [tilespmem:v58+s4+$0x0], $0xffff;
	v63 =	vshll.u32 v50, $0x10;
	v52 =	vmul.f32 v0, v62;
	v46 =	vmul.f32 v46, v62  }
0x4b1: {  	v9 =	vld.idx.msk [tilespmem:v9+s4+$0x0], $0xffff;
	v50 =	vand.u32 $0xFFFF0000, v50;
	v62 =	vmul.f32 v1, v41;
	v41 =	vmul.f32 v54, v41  }
0x4b2: {  	v54 =	vmul.f32 v63, v61;
	v63 =	vsub.f32 $1.000000000e+00, v19;
	v1 =	vsub.f32 $1.000000000e+00, v23  }
0x4b3: {  	v11 =	vand.u32 $0xFFFF, v39;
	v50 =	vmul.f32 v50, v61;
	v0 =	vshll.u32 v56, $0x10  }
0x4b4: {  	v56 =	vand.u32 $0xFFFF0000, v56;
	v61 =	vmul.f32 v0, v44;
	v0 =	vmul.f32 v1, v63  }
0x4b5: {  	v60 =	vand.u32 $0xFFFF0000, v59;
	v44 =	vmul.f32 v56, v44;
	v56 =	vshll.u32 v58, $0x10  }
0x4b6: {  	v59 =	vshll.u32 v9, $0x10;
	v58 =	vand.u32 $0xFFFF0000, v58;
	v56 =	vmul.f32 v56, v0  }
0x4b7: {  	v0 =	vmul.f32 v58, v0;
	v58 =	vshll.u32 v25, $0x10;
	v25 =	vand.u32 $0xFFFF0000, v25  }
0x4b8: {  	v30 =	vld.idx.msk [tilespmem:v30+s4+$0x0], $0xffff;
	v47 =	vmul.f32 v58, v3;
	v3 =	vmul.f32 v25, v3;
	v25 =	vand.u32 $0xFFFF, v40  }
0x4b9: {  	v9 =	vand.u32 $0xFFFF0000, v9;
	v33 =	vmul.f32 v22, v33;
	v11 =	vld.idx.msk [tilespmem:v11+s4+$0x0], $0xffff;
	v1 =	vmul.f32 v1, v19  }
0x4ba: {  	v39 =	vadd.f32 v55, v49;
	v38 =	vadd.f32 v38, v42;
	v42 =	vmul.f32 v59, v6  }
0x4bb: {  	v36 =	vld.idx.msk [tilespmem:v36+s4+$0x0], $0xffff;
	v6 =	vmul.f32 v9, v6;
	v41 =	vadd.f32 v41, v46;
	v10 =	vmul.f32 v10, v1  }
0x4bc: {  	v46 =	vadd.f32 v61, v54;
	v9 =	vadd.f32 v44, v50;
	v1 =	vmul.f32 v60, v1  }
0x4bd: {  	v44 =	vadd.f32 v10, v56;
	v10 =	vld.idx.msk [tilespmem:v25+s4+$0x0], $0xffff;
	v25 =	vshll.u32 v30, $0x10;
	v30 =	vand.u32 $0xFFFF0000, v30  }
0x4be: {  	v24 =	vld.idx.msk [tilespmem:v24+s4+$0x0], $0xffff;
	v60 =	vmul.f32 v25, v2;
	v2 =	vmul.f32 v30, v2;
	v25 =	vshll.u32 v11, $0x10  }
0x4bf: {  	v11 =	vand.u32 $0xFFFF0000, v11;
	v30 =	vmul.f32 v20, v34;
	v61 =	vmul.f32 v25, v37  }
0x4c0: {  	v37 =	vmul.f32 v11, v37;
	v11 =	vshll.u32 v36, $0x10;
	v25 =	vand.u32 $0xFFFF0000, v36  }
0x4c1: {  	v40 =	vadd.f32 v62, v52;
	v62 =	vmul.f32 v11, v30;
	v49 =	vmul.f32 v25, v30  }
0x4c2: {  	v25 =	vmul.f32 v23, v63;
	v11 =	vshll.u32 v10, $0x10;
	v10 =	vand.u32 $0xFFFF0000, v10  }
0x4c3: {  	v31 =	vand.u32 $0xFFFF, v31;
	v54 =	vmul.f32 v10, v33;
	v10 =	vshll.u32 v24, $0x10  }
0x4c4: {  	v55 =	vmul.f32 v10, v25;
	v10 =	vld [tilespmem:$0x1FC80];
	_ =	sdelay $0x1  }
0x4c5: {  	v56 =	vld.idx.msk [tilespmem:v26+s4+$0x0], $0xffff  }
0x4c6: {  	v8 =	vmul.f32 v8, v57  }
0x4c7: {  	v4 =	vand.u32 $0xFFFF, v4;
	v14 =	vmul.f32 v14, v12;
	v13 =	vmul.f32 v15, v13;
	v31 =	vld.idx.msk [tilespmem:v31+s4+$0x0], $0xffff  }
0x4c8: {  	v63 =	vmul.f32 v11, v33;
	v11 =	vand.u32 $0xFFFF0000, v24;
	v24 =	vand.u32 $0xFFFF, v10;
	v10 =	vld [tilespmem:$0x1FC90]  }
0x4c9: {  	v16 =	vmul.f32 v18, v16;
	v12 =	vmul.f32 v20, v17;
	v17 =	vand.u32 $0xFFFF, v29  }
0x4ca: {  	v32 =	vadd.f32 v32, v51;
	v30 =	vadd.f32 v1, v0;
	v1 =	vand.u32 $0xFFFF0000, v56  }
0x4cb: {  	v45 =	vadd.f32 v53, v45;
	v58 =	vshll.u32 v56, $0x10;
	v29 =	vmul.f32 v1, v8  }
0x4cc: {  	v20 =	vadd.f32 v39, v61;
	v61 =	vshll.u32 v31, $0x10;
	v18 =	vadd.f32 v38, v37  }
0x4cd: {  	v15 =	vand.u32 $0xFFFF, v10;
	v10 =	vmul.f32 v23, v19;
	v19 =	vand.u32 $0xFFFF, v28  }
0x4ce: {  	v23 =	vadd.f32 v32, v42;
	v32 =	vmul.f32 v58, v8;
	v8 =	vand.u32 $0xFFFF0000, v31  }
0x4cf: {  	v37 =	vmul.f32 v61, v14;
	v33 =	vmul.f32 v8, v14;
	v14 =	vadd.f32 v46, v63;
	v63 =	vld [tilespmem:$0x1FCA0]  }
0x4d0: {  	v25 =	vmul.f32 v11, v25;
	v11 =	vmul.f32 v22, v21;
	v22 =	vadd.f32 v45, v60;
	v60 =	vld.idx.msk [tilespmem:v17+s4+$0x0], $0xffff  }
0x4d1: {  	v26 =	vadd.f32 v27, v47;
	v27 =	vadd.f32 v5, v3;
	v5 =	vld.idx.msk [tilespmem:v24+s4+$0x0], $0xffff  }
0x4d2: {  	v59 =	vld.idx.msk [tilespmem:v15+s4+$0x0], $0xffff  }
0x4d3: {  	s18 =	simm.s32 $0x18040;
	v35 =	vadd.f32 v35, v48;
	v24 =	vadd.f32 v43, v6;
	v6 =	vld.idx.msk [tilespmem:v19+s4+$0x0], $0xffff  }
0x4d4: {  	v19 =	vadd.f32 v40, v62;
	v62 =	vld.idx.msk [tilespmem:v4+s4+$0x0], $0xffff;
	[tilespmem:s18+$0x30] =	vst v63  }
0x4d5: {  	v21 =	vadd.f32 v35, v2;
	v1 =	vld [tilespmem:$0x1FCB0]  }
0x4d6: {  	v17 =	vadd.f32 v41, v49;
	v34 =	vshll.u32 v60, $0x10;
	v35 =	vand.u32 $0xFFFF0000, v60  }
0x4d7: {  	v4 =	vshll.u32 v5, $0x10;
	v5 =	vand.u32 $0xFFFF0000, v5;
	v15 =	vadd.f32 v9, v54  }
0x4d8: {  	v40 =	vmul.f32 v4, v13;
	v39 =	vmul.f32 v5, v13;
	v13 =	vadd.f32 v44, v55  }
0x4d9: {  	s10 =	simm.s32 $0x19040;
	v36 =	vshll.u32 v59, $0x10;
	v38 =	vand.u32 $0xFFFF0000, v59;
	v31 =	vshll.u32 v6, $0x10  }
0x4da: {  	s6 =	simm.s32 $0x0;
	s20 =	simm.s32 $0x160C0;
	v28 =	vand.u32 $0xFFFF0000, v6;
	v9 =	vshll.u32 v62, $0x10;
	v8 =	vand.u32 $0xFFFF0000, v62;
	[tilespmem:s10+$0x30] =	vst v1  }
.LBB2_21:
0x4db: {  	v0 =	vld [tilespmem:s20+$0x30]  }
0x4dc: {  	v4 =	vld [tilespmem:s20+$0xFFFFFFC0];
	s22 =	sadd.s32 $0x80, s22  }
0x4dd: {  	v1 =	vmul.f32 v36, v16;
	v2 =	vmul.f32 v38, v16;
	v3 =	vadd.f32 v30, v25;
	v16 =	vld [tilespmem:s22+$0x30]  }
0x4de: {  	v6 =	vmul.f32 v34, v12;
	v5 =	vadd.f32 v26, v32;
	v25 =	vadd.f32 v27, v29;
	v27 =	vld [tilespmem:s20+$0xFFFFFFD0]  }
0x4df: {  	v12 =	vmul.f32 v35, v12;
	v26 =	vmul.f32 v31, v11;
	v22 =	vadd.f32 v22, v40  }
0x4e0: {  	v11 =	vmul.f32 v28, v11;
	v28 =	vmul.f32 v8, v10;
	v6 =	vadd.f32 v19, v6;
	v19 =	vld [tilespmem:s20+$0x20];
	[tilespmem:s18+$0xFFFFFFC0] =	vst v5  }
0x4e1: {  	v1 =	vadd.f32 v20, v1;
	v5 =	vadd.f32 v23, v37;
	v23 =	vmul.f32 v9, v10;
	v10 =	vld [tilespmem:s20+$0xFFFFFFE0];
	[tilespmem:s18+$0xFFFFFFE0] =	vst v22  }
0x4e2: {  	v9 =	vadd.f32 v24, v33;
	v24 =	vld [tilespmem:s20+$0xFFFFFFF0];
	[tilespmem:s10+$0xFFFFFFC0] =	vst v25;
	v0 =	vmul.f32 v0, v7;
	v8 =	vmul.f32 v4, v7  }
0x4e3: {  	[tilespmem:s18+$0xFFFFFFD0] =	vst v5;
	v5 =	vadd.f32 v21, v39;
	v25 =	vmul.f32 v16, v7;
	v31 =	vmul.f32 v27, v7  }
0x4e4: {  	v2 =	vadd.f32 v18, v2;
	v4 =	vld [tilespmem:s20+$0x0];
	[tilespmem:s18+$0x0] =	vst v6;
	v16 =	vtrunc.f32 v0;
	v53 =	vtrunc.f32 v8  }
0x4e5: {  	v18 =	vld [tilespmem:s20+$0x10];
	[tilespmem:s10+$0xFFFFFFE0] =	vst v5;
	v5 =	vadd.f32 v14, v26;
	v14 =	vmovc v8;
	v8 =	vmul.f32 v19, v7;
	v22 =	vcvt.f32.s32 v16  }
0x4e6: {  	v17 =	vadd.f32 v17, v12;
	[tilespmem:s10+$0xFFFFFFD0] =	vst v9;
	v6 =	vld [tilespmem:s22+$0x0];
	v12 =	vmul.f32 v10, v7;
	v9 =	vtrunc.f32 v25  }
0x4e7: {  	[tilespmem:s18+$0xFFFFFFF0] =	vst v1;
	v16 =	vld [tilespmem:s22+$0xFFFFFFD0];
	v10 =	vmul.f32 v24, v7;
	v30 =	vtrunc.f32 v31  }
0x4e8: {  	v52 =	vadd.f32 v15, v11;
	[tilespmem:s10+$0xFFFFFFF0] =	vst v2;
	v11 =	vld [tilespmem:s22+$0xFFFFFFE0];
	v2 =	vcvt.f32.s32 v53;
	v20 =	vcvt.f32.s32 v9  }
0x4e9: {  	[tilespmem:s10+$0x0] =	vst v17;
	v24 =	vld [tilespmem:s22+$0xFFFFFFF0];
	v21 =	vmul.u32 $0x9E3779B1, v22;
	v15 =	vmul.f32 v4, v7;
	v4 =	vadd.f32 v13, v23  }
0x4ea: {  	v17 =	vld [tilespmem:s22+$0x10];
	v9 =	vmul.f32 v18, v7;
	[tilespmem:s18+$0x10] =	vst v5;
	v30 =	vcvt.f32.s32 v30;
	v23 =	vadd.s32 $0x1, v20  }
0x4eb: {  	v5 =	vld [tilespmem:s22+$0x20];
	v18 =	vxor.u32 v20, v21;
	v19 =	vxor.u32 v23, v21;
	[tilespmem:s18+$0x20] =	vst v4;
	v4 =	vtrunc.f32 v12  }
0x4ec: {  	v27 =	vadd.s32 $0x9E3779B1, v21;
	v21 =	vmul.f32 v6, v7;
	v6 =	vcvt.s32.f32 v20  }
0x4ed: {  	v55 =	vtrunc.f32 v15;
	v26 =	vand.u32 $0xFFFF, v18;
	v16 =	vmul.f32 v16, v7  }
0x4ee: {  	v29 =	vand.u32 $0xFFFF, v19;
	v18 =	vmul.f32 v11, v7;
	v19 =	vmul.f32 v24, v7  }
0x4ef: {  	v11 =	vxor.u32 v20, v27;
	v20 =	vmul.f32 v17, v7;
	v17 =	vcvt.s32.f32 v22  }
0x4f0: {  	v4 =	vcvt.f32.s32 v4;
	v1 =	vcvt.f32.s32 v55  }
0x4f1: {  	v54 =	vld [tilespmem:s22+$0xFFFFFFC0];
	v24 =	vand.u32 $0xFFFF, v11;
	v11 =	vxor.u32 v23, v27;
	v27 =	vtrunc.f32 v10  }
0x4f2: {  	v22 =	vmul.f32 v5, v7;
	v5 =	vsub.f32 v25, v6;
	v25 =	vtrunc.f32 v9  }
0x4f3: {  	v0 =	vsub.f32 v0, v17;
	v17 =	vmul.u32 $0x9E3779B1, v2;
	v61 =	vtrunc.f32 v18  }
0x4f4: {  	v34 =	vmul.u32 $0x9E3779B1, v4;
	v35 =	vmul.u32 $0x9E3779B1, v1;
	v2 =	vcvt.s32.f32 v2;
	v23 =	vld.idx.msk [tilespmem:v26+s4+$0x0], $0xffff  }
0x4f5: {  	v13 =	vmovc v31;
	v4 =	vcvt.s32.f32 v4;
	v1 =	vcvt.s32.f32 v1;
	v31 =	vsub.f32 $1.000000000e+00, v5;
	v6 =	vld.idx.msk [tilespmem:v29+s4+$0x0], $0xffff  }
0x4f6: {  	v56 =	vsub.f32 $1.000000000e+00, v0;
	v26 =	vand.u32 $0xFFFF, v11;
	v11 =	vmul.f32 v54, v7  }
0x4f7: {  	v29 =	vtrunc.f32 v8;
	v57 =	vmul.f32 v0, v31  }
0x4f8: {  	v3 =	vadd.f32 v3, v28;
	v0 =	vmul.f32 v0, v5;
	v24 =	vld.idx.msk [tilespmem:v24+s4+$0x0], $0xffff;
	v28 =	vmul.f32 v56, v31  }
0x4f9: {  	v5 =	vmul.f32 v56, v5;
	v29 =	vcvt.f32.s32 v29  }
0x4fa: {  	v31 =	vshll.u32 v23, $0x10;
	v58 =	vshll.u32 v6, $0x10;
	v23 =	vand.u32 $0xFFFF0000, v23  }
0x4fb: {  	v26 =	vld.idx.msk [tilespmem:v26+s4+$0x0], $0xffff;
	v6 =	vand.u32 $0xFFFF0000, v6;
	v59 =	vmul.f32 v31, v28;
	v31 =	vmul.f32 v58, v5  }
0x4fc: {  	v43 =	vmul.u32 $0x9E3779B1, v29;
	v23 =	vmul.f32 v23, v28;
	v5 =	vmul.f32 v6, v5  }
0x4fd: {  	v29 =	vcvt.s32.f32 v29;
	v60 =	vshll.u32 v24, $0x10;
	v24 =	vand.u32 $0xFFFF0000, v24  }
0x4fe: {  	v6 =	vmul.f32 v60, v57;
	v5 =	vadd.f32 v5, v23;
	v23 =	vmul.f32 v24, v57  }
0x4ff: {  	[tilespmem:s10+$0x20] =	vst v3;
	v3 =	vadd.f32 v31, v59;
	v31 =	vmul.u32 $0x9E3779B1, v30;
	v30 =	vcvt.s32.f32 v30  }
0x500: {  	v28 =	vshll.u32 v26, $0x10;
	v5 =	vadd.f32 v5, v23;
	v23 =	vcvt.f32.s32 v27  }
0x501: {  	v24 =	vand.u32 $0xFFFF0000, v26;
	v26 =	vtrunc.f32 v21;
	v27 =	vtrunc.f32 v20  }
0x502: {  	v3 =	vadd.f32 v3, v6;
	v6 =	vmul.f32 v28, v0;
	v0 =	vmul.f32 v24, v0  }
0x503: {  	v4 =	vsub.f32 v12, v4;
	v24 =	vtrunc.f32 v16;
	v28 =	vtrunc.f32 v22  }
0x504: {  	v15 =	vsub.f32 v15, v1;
	v42 =	vcvt.f32.s32 v26;
	v46 =	vcvt.f32.s32 v27  }
0x505: {  	v38 =	vcvt.f32.s32 v24;
	v47 =	vcvt.f32.s32 v28;
	v3 =	vadd.f32 v3, v6  }
0x506: {  	v6 =	vcvt.f32.s32 v25;
	v0 =	vadd.f32 v5, v0;
	v5 =	vtrunc.f32 v11  }
0x507: {  	v25 =	vtrunc.f32 v19;
	v24 =	vadd.s32 $0x1, v42;
	v51 =	vxor.u32 v42, v35  }
0x508: {  	v5 =	vcvt.f32.s32 v5;
	v40 =	vcvt.f32.s32 v25;
	v48 =	vadd.s32 $0x1, v38  }
0x509: {  	v25 =	vadd.s32 $0x1, v46;
	v27 =	vadd.s32 $0x1, v47;
	v63 =	vxor.u32 v38, v31  }
0x50a: {  	[tilespmem:s10+$0x10] =	vst v52;
	v52 =	vxor.u32 v24, v35;
	v56 =	vxor.u32 v47, v43;
	v58 =	vcvt.s32.f32 v38  }
0x50b: {  	s18 =	sadd.s32 $0x80, s18;
	v7 =	vcvt.s32.f32 v47;
	v51 =	vand.u32 $0xFFFF, v51;
	v35 =	vadd.s32 $0x9E3779B1, v35  }
0x50c: {  	[tilespmem:s18+$0x30] =	vst v3;
	v3 =	vcvt.f32.s32 v61;
	v39 =	vmul.u32 $0x9E3779B1, v6;
	v36 =	vxor.u32 v48, v31  }
0x50d: {  	v57 =	vxor.u32 v27, v43;
	v33 =	vand.u32 $0xFFFF, v63;
	v61 =	vcvt.s32.f32 v23  }
0x50e: {  	v63 =	vcvt.s32.f32 v46;
	v6 =	vcvt.s32.f32 v6;
	v52 =	vand.u32 $0xFFFF, v52  }
0x50f: {  	s10 =	sadd.s32 $0x80, s10;
	v56 =	vand.u32 $0xFFFF, v56;
	v31 =	vadd.s32 $0x9E3779B1, v31;
	v43 =	vadd.s32 $0x9E3779B1, v43  }
0x510: {  	v24 =	vxor.u32 v24, v35;
	[tilespmem:s10+$0x30] =	vst v0;
	v0 =	vmul.u32 $0x9E3779B1, v23;
	v44 =	vadd.s32 $0x1, v5  }
0x511: {  	v28 =	vadd.s32 $0x1, v40;
	v26 =	vxor.u32 v5, v17;
	v55 =	vcvt.s32.f32 v5  }
0x512: {  	v60 =	vcvt.s32.f32 v40;
	v36 =	vand.u32 $0xFFFF, v36;
	v57 =	vand.u32 $0xFFFF, v57  }
0x513: {  	v38 =	vxor.u32 v38, v31;
	v47 =	vxor.u32 v47, v43;
	v16 =	vsub.f32 v16, v58  }
0x514: {  	v58 =	vsub.f32 v13, v30;
	v27 =	vxor.u32 v27, v43;
	v49 =	vadd.s32 $0x1, v3  }
0x515: {  	v62 =	vxor.u32 v44, v17;
	v37 =	vxor.u32 v3, v34;
	v53 =	vxor.u32 v46, v39  }
0x516: {  	v54 =	vxor.u32 v25, v39;
	v26 =	vand.u32 $0xFFFF, v26;
	v59 =	vcvt.s32.f32 v3  }
0x517: {  	v17 =	vadd.s32 $0x9E3779B1, v17;
	v39 =	vadd.s32 $0x9E3779B1, v39;
	v30 =	vand.u32 $0xFFFF, v38  }
0x518: {  	v12 =	vsub.f32 v10, v61;
	v1 =	vand.u32 $0xFFFF, v27;
	v32 =	vand.u32 $0xFFFF, v62  }
0x519: {  	v41 =	vxor.u32 v49, v34;
	v45 =	vxor.u32 v40, v0;
	v50 =	vxor.u32 v28, v0  }
0x51a: {  	v62 =	vcvt.s32.f32 v42;
	v37 =	vand.u32 $0xFFFF, v37;
	v53 =	vand.u32 $0xFFFF, v53  }
0x51b: {  	v54 =	vand.u32 $0xFFFF, v54;
	v34 =	vadd.s32 $0x9E3779B1, v34;
	v0 =	vadd.s32 $0x9E3779B1, v0;
	v23 =	vld.idx.msk [tilespmem:v26+s4+$0x0], $0xffff  }
0x51c: {  	v5 =	vxor.u32 v5, v17;
	v13 =	vsub.f32 v18, v59;
	v59 =	vsub.f32 v19, v60;
	v19 =	vld.idx.msk [tilespmem:v30+s4+$0x0], $0xffff  }
0x51d: {  	v42 =	vxor.u32 v42, v35;
	v11 =	vsub.f32 v11, v55;
	v46 =	vxor.u32 v46, v39;
	v26 =	vld.idx.msk [tilespmem:v32+s4+$0x0], $0xffff  }
0x51e: {  	v55 =	vsub.f32 v14, v2;
	v25 =	vxor.u32 v25, v39;
	v41 =	vand.u32 $0xFFFF, v41;
	v32 =	vld.idx.msk [tilespmem:v33+s4+$0x0], $0xffff  }
0x51f: {  	v45 =	vand.u32 $0xFFFF, v45;
	v50 =	vand.u32 $0xFFFF, v50;
	v3 =	vxor.u32 v3, v34;
	v33 =	vld.idx.msk [tilespmem:v36+s4+$0x0], $0xffff  }
0x520: {  	v40 =	vxor.u32 v40, v0;
	v5 =	vand.u32 $0xFFFF, v5;
	v61 =	vand.u32 $0xFFFF, v42;
	v36 =	vld.idx.msk [tilespmem:v37+s4+$0x0], $0xffff  }
0x521: {  	v0 =	vxor.u32 v28, v0;
	v3 =	vand.u32 $0xFFFF, v3;
	v10 =	vsub.f32 v21, v62;
	v14 =	vld.idx.msk [tilespmem:v54+s4+$0x0], $0xffff  }
0x522: {  	v60 =	vand.u32 $0xFFFF, v40;
	v62 =	vsub.f32 v20, v63;
	v63 =	vsub.f32 v9, v6;
	v54 =	vld.idx.msk [tilespmem:v57+s4+$0x0], $0xffff  }
0x523: {  	v6 =	vand.u32 $0xFFFF, v46;
	v9 =	vsub.f32 v22, v7;
	v7 =	vxor.u32 v44, v17;
	v37 =	vld.idx.msk [tilespmem:v41+s4+$0x0], $0xffff  }
0x524: {  	v21 =	vsub.f32 v8, v29;
	v22 =	vand.u32 $0xFFFF, v47;
	v29 =	vsub.f32 $1.000000000e+00, v11;
	v41 =	vld.idx.msk [tilespmem:v45+s4+$0x0], $0xffff  }
0x525: {  	[tilespmem:$0x1FBA0] =	vst v4;
	v47 =	vsub.f32 $1.000000000e+00, v58;
	v30 =	vxor.u32 v48, v31;
	v48 =	vsub.f32 $1.000000000e+00, v4;
	v45 =	vld.idx.msk [tilespmem:v51+s4+$0x0], $0xffff  }
0x526: {  	[tilespmem:$0x1FBC0] =	vst v15;
	v31 =	vxor.u32 v49, v34;
	v34 =	vsub.f32 $1.000000000e+00, v59;
	v49 =	vsub.f32 $1.000000000e+00, v12;
	v51 =	vld.idx.msk [tilespmem:v52+s4+$0x0], $0xffff  }
0x527: {  	[tilespmem:$0x1FB90] =	vst v58;
	v0 =	vand.u32 $0xFFFF, v0;
	v35 =	vsub.f32 $1.000000000e+00, v10;
	v38 =	vsub.f32 $1.000000000e+00, v62;
	v52 =	vld.idx.msk [tilespmem:v53+s4+$0x0], $0xffff  }
0x528: {  	[tilespmem:$0x1FBF0] =	vst v16;
	v7 =	vand.u32 $0xFFFF, v7;
	v40 =	vsub.f32 $1.000000000e+00, v9;
	v58 =	vsub.f32 $1.000000000e+00, v21;
	v53 =	vld.idx.msk [tilespmem:v56+s4+$0x0], $0xffff  }
0x529: {  	[tilespmem:$0x1FBB0] =	vst v12;
	v4 =	vmovc v59;
	v57 =	vsub.f32 $1.000000000e+00, v63;
	v46 =	vld.idx.msk [tilespmem:v61+s4+$0x0], $0xffff;
	v61 =	vand.u32 $0xFFFF, v30;
	v30 =	vsub.f32 $1.000000000e+00, v16  }
0x52a: {  	[tilespmem:$0x1FBD0] =	vst v63;
	v56 =	vsub.f32 $1.000000000e+00, v15;
	v63 =	vmul.f32 v49, v34;
	v49 =	vmul.f32 v49, v4;
	v44 =	vld.idx.msk [tilespmem:v60+s4+$0x0], $0xffff  }
0x52b: {  	[tilespmem:$0x1FB80] =	vst v55;
	v8 =	vmovc v62;
	v60 =	vsub.f32 $1.000000000e+00, v55;
	v42 =	vld.idx.msk [tilespmem:v6+s4+$0x0], $0xffff;
	v6 =	vand.u32 $0xFFFF, v31;
	v31 =	vsub.f32 $1.000000000e+00, v13  }
0x52c: {  	v18 =	vld.idx.msk [tilespmem:v5+s4+$0x0], $0xffff;
	v5 =	vmovc v10;
	v55 =	vand.u32 $0xFFFF, v24;
	v2 =	vmul.f32 v57, v38;
	v57 =	vmul.f32 v57, v8  }
0x52d: {  	[tilespmem:$0x1FC10] =	vst v59;
	v28 =	vld.idx.msk [tilespmem:v7+s4+$0x0], $0xffff;
	v7 =	vand.u32 $0xFFFF, v25;
	v27 =	vmul.f32 v56, v35;
	v56 =	vmul.f32 v56, v5  }
0x52e: {  	[tilespmem:$0x1FC30] =	vst v10;
	v59 =	vmul.f32 v60, v29;
	v43 =	vmul.f32 v60, v11;
	v60 =	vshll.u32 v23, $0x10  }
0x52f: {  	[tilespmem:$0x1FC40] =	vst v62;
	v50 =	vld.idx.msk [tilespmem:v50+s4+$0x0], $0xffff;
	v15 =	vand.u32 $0xFFFF0000, v23;
	v62 =	vmul.f32 v48, v31;
	v48 =	vmul.f32 v48, v13  }
0x530: {  	[tilespmem:$0x1FC50] =	vst v9;
	v10 =	vmovc v9;
	v20 =	vld.idx.msk [tilespmem:v3+s4+$0x0], $0xffff;
	v3 =	vmovc v16;
	v16 =	vshll.u32 v26, $0x10;
	v9 =	vshll.u32 v32, $0x10;
	v32 =	vand.u32 $0xFFFF0000, v32  }
0x531: {  	[tilespmem:$0x1FBE0] =	vst v11;
	v39 =	vld.idx.msk [tilespmem:v22+s4+$0x0], $0xffff;
	v11 =	vshll.u32 v14, $0x10;
	v14 =	vand.u32 $0xFFFF0000, v14;
	v12 =	vshll.u32 v54, $0x10  }
0x532: {  	v54 =	vand.u32 $0xFFFF0000, v54;
	v25 =	vld.idx.msk [tilespmem:v61+s4+$0x0], $0xffff;
	v61 =	vmul.f32 v47, v30;
	v47 =	vmul.f32 v47, v3  }
0x533: {  	v22 =	vld.idx.msk [tilespmem:v1+s4+$0x0], $0xffff;
	v3 =	vshll.u32 v33, $0x10;
	v33 =	vand.u32 $0xFFFF0000, v33;
	v1 =	vshll.u32 v37, $0x10  }
0x534: {  	v37 =	vand.u32 $0xFFFF0000, v37;
	v5 =	vshll.u32 v41, $0x10;
	v4 =	vshll.u32 v50, $0x10  }
0x535: {  	v0 =	vld.idx.msk [tilespmem:v0+s4+$0x0], $0xffff;
	v41 =	vand.u32 $0xFFFF0000, v41;
	v50 =	vand.u32 $0xFFFF0000, v50;
	v8 =	vshll.u32 v51, $0x10  }
0x536: {  	[tilespmem:$0x1FC00] =	vst v13;
	v51 =	vand.u32 $0xFFFF0000, v51;
	v13 =	vshll.u32 v53, $0x10;
	v53 =	vand.u32 $0xFFFF0000, v53  }
0x537: {  	v60 =	vmul.f32 v60, v59;
	v16 =	vmul.f32 v16, v43;
	v17 =	vshll.u32 v18, $0x10  }
0x538: {  	v15 =	vmul.f32 v15, v59;
	v18 =	vand.u32 $0xFFFF0000, v18;
	v11 =	vmul.f32 v11, v57;
	v24 =	vld.idx.msk [tilespmem:v6+s4+$0x0], $0xffff  }
0x539: {  	v14 =	vmul.f32 v14, v57;
	v23 =	vld.idx.msk [tilespmem:v55+s4+$0x0], $0xffff;
	v55 =	vand.u32 $0xFFFF0000, v26;
	v6 =	vmul.f32 v58, v40  }
0x53a: {  	[tilespmem:$0x1FC20] =	vst v0;
	v58 =	vmul.f32 v58, v10;
	v0 =	vshll.u32 v36, $0x10;
	v36 =	vand.u32 $0xFFFF0000, v36  }
0x53b: {  	v10 =	vshll.u32 v52, $0x10;
	v1 =	vmul.f32 v1, v48;
	v37 =	vmul.f32 v37, v48  }
0x53c: {  	v52 =	vand.u32 $0xFFFF0000, v52;
	v5 =	vmul.f32 v5, v63;
	v4 =	vmul.f32 v4, v49  }
0x53d: {  	v48 =	vshll.u32 v44, $0x10;
	v41 =	vmul.f32 v41, v63;
	v49 =	vmul.f32 v50, v49  }
0x53e: {  	v44 =	vand.u32 $0xFFFF0000, v44;
	v8 =	vmul.f32 v8, v56;
	v50 =	vshll.u32 v46, $0x10  }
0x53f: {  	v46 =	vand.u32 $0xFFFF0000, v46;
	v63 =	vmul.f32 v21, v40;
	v43 =	vmul.f32 v55, v43  }
0x540: {  	v26 =	vld.idx.msk [tilespmem:v7+s4+$0x0], $0xffff;
	v7 =	vshll.u32 v45, $0x10;
	v9 =	vmul.f32 v9, v61;
	v3 =	vmul.f32 v3, v47  }
0x541: {  	v45 =	vand.u32 $0xFFFF0000, v45;
	v32 =	vmul.f32 v32, v61;
	v13 =	vmul.f32 v13, v6  }
0x542: {  	v6 =	vmul.f32 v53, v6;
	v53 =	vmul.f32 v54, v58;
	v54 =	vadd.f32 v16, v60;
	v60 =	vld [tilespmem:$0x1FBC0]  }
0x543: {  	v55 =	vshll.u32 v19, $0x10;
	v33 =	vmul.f32 v33, v47;
	v7 =	vmul.f32 v7, v27  }
0x544: {  	v57 =	vld [tilespmem:$0x1FB90];
	v19 =	vand.u32 $0xFFFF0000, v19;
	v0 =	vmul.f32 v0, v62;
	v47 =	vshll.u32 v20, $0x10  }
0x545: {  	v36 =	vmul.f32 v36, v62;
	v10 =	vmul.f32 v10, v2;
	v7 =	vadd.f32 v8, v7;
	v8 =	vld [tilespmem:$0x1FBF0]  }
0x546: {  	v20 =	vand.u32 $0xFFFF0000, v20;
	v27 =	vmul.f32 v45, v27;
	v45 =	vmul.f32 v51, v56;
	v56 =	vld [tilespmem:$0x1FB80]  }
0x547: {  	v2 =	vmul.f32 v52, v2;
	v3 =	vadd.f32 v3, v9;
	v9 =	vmul.f32 v60, v35;
	v35 =	vld [tilespmem:$0x1FBD0]  }
0x548: {  	v52 =	vshll.u32 v39, $0x10;
	v39 =	vand.u32 $0xFFFF0000, v39;
	v12 =	vmul.f32 v12, v58;
	v58 =	vld [tilespmem:$0x1FBA0]  }
0x549: {  	v51 =	vshll.u32 v42, $0x10;
	v4 =	vadd.f32 v4, v5;
	v15 =	vadd.f32 v43, v15  }
0x54a: {  	v33 =	vadd.f32 v33, v32;
	v16 =	vmul.f32 v57, v30;
	v57 =	vmul.f32 v57, v8;
	v8 =	vld [tilespmem:$0x1FC00]  }
0x54b: {  	v59 =	vld [tilespmem:$0x1FBB0];
	v42 =	vand.u32 $0xFFFF0000, v42;
	v0 =	vadd.f32 v1, v0;
	v40 =	vadd.f32 v37, v36  }
0x54c: {  	v43 =	vadd.f32 v11, v10;
	v29 =	vmul.f32 v56, v29;
	v62 =	vmul.f32 v35, v38  }
0x54d: {  	v2 =	vadd.f32 v14, v2;
	v19 =	vmul.f32 v19, v16;
	v30 =	vmul.f32 v58, v31  }
0x54e: {  	v5 =	vmul.f32 v18, v29;
	v18 =	vadd.f32 v49, v41;
	v49 =	vmul.f32 v51, v62  }
0x54f: {  	v37 =	vand.u32 $0xFFFF0000, v28;
	v42 =	vmul.f32 v42, v62;
	v62 =	vmul.f32 v58, v8;
	v8 =	vld [tilespmem:$0x1FC10]  }
0x550: {  	v13 =	vadd.f32 v12, v13;
	v31 =	vmul.f32 v59, v34;
	v17 =	vmul.f32 v17, v29  }
0x551: {  	v61 =	vshll.u32 v24, $0x10;
	v29 =	vmul.f32 v55, v16;
	v14 =	vmul.f32 v47, v30  }
0x552: {  	v34 =	vshll.u32 v23, $0x10;
	v47 =	vmul.f32 v50, v9;
	v46 =	vmul.f32 v46, v9;
	v9 =	vld [tilespmem:$0x1FC30]  }
0x553: {  	v41 =	vadd.f32 v45, v27;
	v20 =	vmul.f32 v20, v30;
	v30 =	vadd.f32 v53, v6;
	v55 =	vld [tilespmem:$0x1FBE0]  }
0x554: {  	v6 =	vshll.u32 v28, $0x10;
	v45 =	vmul.f32 v48, v31;
	v16 =	vmul.f32 v59, v8;
	v8 =	vld [tilespmem:$0x1FC20]  }
0x555: {  	v44 =	vmul.f32 v44, v31;
	v48 =	vshll.u32 v25, $0x10;
	v50 =	vand.u32 $0xFFFF0000, v25  }
0x556: {  	v25 =	vmul.f32 v39, v63;
	v31 =	vshll.u32 v26, $0x10;
	v28 =	vand.u32 $0xFFFF0000, v26  }
0x557: {  	v26 =	vadd.f32 v54, v17;
	v27 =	vadd.f32 v15, v5;
	v12 =	vmul.f32 v60, v9;
	v9 =	vld [tilespmem:$0x1FC40]  }
0x558: {  	v18 =	vadd.f32 v18, v44;
	v17 =	vadd.f32 v41, v46;
	v51 =	vmul.f32 v52, v63  }
0x559: {  	v1 =	vmul.f32 v56, v55;
	v36 =	vshll.u32 v8, $0x10;
	v38 =	vand.u32 $0xFFFF0000, v8;
	v8 =	vld [tilespmem:$0x1FC50]  }
0x55a: {  	s6 =	sadd.s32 $0x8, s6;
	v63 =	vand.u32 $0xFFFF0000, v24;
	v24 =	vadd.f32 v33, v19;
	v33 =	vmul.f32 v50, v57  }
0x55b: {  	p1 =	slt.u32 s6, $0xF8;
	v19 =	vadd.f32 v7, v47;
	v32 =	vmul.f32 v6, v1;
	v39 =	vmul.f32 v63, v62  }
.Ltmp9:
0x55c: {  	v15 =	vadd.f32 v2, v42;
	v13 =	vadd.f32 v13, v51;
	v11 =	vmul.f32 v35, v9;
	(pc) =	sbr.rel @p1 .LBB2_21-.Ltmp9, $4  }
0x55d: {  	v35 =	vand.u32 $0xFFFF0000, v23;
	v23 =	vadd.f32 v3, v29;
	v29 =	vmul.f32 v37, v1  }
0x55e: {  	v9 =	vshll.u32 v22, $0x10;
	v37 =	vmul.f32 v48, v57;
	v10 =	vmul.f32 v21, v8  }
0x55f: {  	v8 =	vand.u32 $0xFFFF0000, v22;
	v22 =	vadd.f32 v0, v14;
	v21 =	vadd.f32 v40, v20  }
0x560: {  	s20 =	sadd.s32 $0x80, s20;
	v7 =	vld [tilespmem:$0x1FCC0];
	v20 =	vadd.f32 v4, v45;
	v40 =	vmul.f32 v61, v62;
	v14 =	vadd.f32 v43, v49  }
0x561: {  	v0 =	vadd.f32 v26, v32  }
0x562: {  	v63 =	vadd.f32 v23, v37  }
0x563: {  	v1 =	vadd.f32 v27, v29;
	[tilespmem:s18+$0xFFFFFFC0] =	vst v0  }
0x564: {  	v32 =	vadd.f32 v24, v33;
	[tilespmem:s18+$0xFFFFFFD0] =	vst v63  }
0x565: {  	v2 =	vmul.f32 v36, v16;
	v3 =	vadd.f32 v22, v40;
	[tilespmem:s10+$0xFFFFFFC0] =	vst v1  }
0x566: {  	v33 =	vmul.f32 v38, v16;
	v4 =	vadd.f32 v21, v39;
	[tilespmem:s10+$0xFFFFFFD0] =	vst v32  }
0x567: {  	v34 =	vmul.f32 v34, v12;
	v2 =	vadd.f32 v20, v2;
	[tilespmem:s18+$0xFFFFFFE0] =	vst v3  }
0x568: {  	v35 =	vmul.f32 v35, v12;
	v0 =	vadd.f32 v18, v33;
	[tilespmem:s10+$0xFFFFFFE0] =	vst v4  }
0x569: {  	v36 =	vmul.f32 v31, v11;
	v1 =	vadd.f32 v19, v34;
	[tilespmem:s18+$0xFFFFFFF0] =	vst v2  }
0x56a: {  	v37 =	vmul.f32 v28, v11;
	v3 =	vadd.f32 v17, v35;
	[tilespmem:s10+$0xFFFFFFF0] =	vst v0  }
0x56b: {  	v38 =	vmul.f32 v9, v10;
	v4 =	vadd.f32 v14, v36;
	[tilespmem:s18+$0x0] =	vst v1  }
0x56c: {  	v39 =	vadd.f32 v30, v25;
	v5 =	vmul.f32 v8, v10;
	v2 =	vadd.f32 v15, v37;
	[tilespmem:s10+$0x0] =	vst v3  }
0x56d: {  	v0 =	vadd.f32 v13, v38;
	[tilespmem:s18+$0x10] =	vst v4  }
0x56e: {  	s3 =	sor.u32 s19, s24;
	v1 =	vadd.f32 v39, v5;
	[tilespmem:s10+$0x10] =	vst v2  }
0x56f: {  	s3 =	sshrl.u32 s3, $0x3;
	[tilespmem:s18+$0x20] =	vst v0  }
0x570: {  	s6 =	simm.s32 $0x18000;
	s20 =	sor.u32 s21, s24;
	s3 =	sadd.s32 s5, s3;
	[tilespmem:s10+$0x20] =	vst v1  }
0x571: {  	[hbm4b:s3+s4] =	stream.linear.scatter [tilespmem:s6], [sflag:$0x3], $0x1000, $0x38;
	[tilespmem:$0x1C010] =	vst v63  }
0x572: {  	s3 =	sshrl.u32 s20, $0x3  }
0x573: {  	s22 =	simm.s32 $0x19000;
	p1 =	seq.s32 s11, $0x7;
	s3 =	sadd.s32 s5, s3  }
0x574: {  	[hbm4b:s3+s4] =	stream.linear.scatter [tilespmem:s22], [sflag:$0x3], $0x1000, $0x38;
	[tilespmem:$0x1C010] =	vst v63  }
0x575: {  	s3 =	sadd.s32 @!p1 $0x2000, s24  }
0x576: {  	s6 =	sor.u32 @!p1 s9, s3  }
0x577: {  	s16 =	simm.s32 @!p1 $0x14000;
	s3 =	sadd.s32 @!p1 s12, s3;
	s6 =	sshrl.u32 @!p1 s6, $0x3  }
0x578: {  	s10 =	simm.s32 @!p1 $0x0;
	s3 =	sshrl.u32 @!p1 s3, $0x3;
	s6 =	sadd.s32 @!p1 s2, s6  }
0x579: {  	[tilespmem:s16], [sflag:$0x2] =	stream.linear.gather @!p1 [hbm4b:s6+s10], $0x1000, $0x38;
	[tilespmem:$0x1C010] =	vst v63  }
0x57a: {  	s3 =	sadd.s32 @!p1 s2, s3;
	s6 =	simm.s32 @!p1 $0x16000  }
0x57b: {  	[tilespmem:s6], [sflag:$0x2] =	stream.linear.gather @!p1 [hbm4b:s3+s10], $0x1000, $0x38;
	[tilespmem:$0x1C010] =	vst v63  }
0x57c: {  	_ =	swait.ge [sflag:s31], $0x1000  }
0x57d: {  	[sflag:s31] =	ssyncset.done $0x0  }
0x57e: {  	[sflag:s31] =	ssyncadd.s32 $0xFFFFF000  }
0x57f: {  	_ =	swait.ge [sflag:s31], $0x1000  }
0x580: {  	[sflag:s31] =	ssyncset.done $0x0  }
0x581: {  	s3 =	simm.s32 @!p0 $0x3;
	[sflag:s31] =	ssyncadd.s32 $0xFFFFF000  }
0x582: {  	_ =	swait.ge @!p0 [sflag:s3], $0x1000  }
0x583: {  	[sflag:s3] =	ssyncset.done @!p0 $0x0  }
0x584: {  	[sflag:s3] =	ssyncadd.s32 @!p0 $0xFFFFF000  }
0x585: {  	_ =	swait.ge @!p0 [sflag:s3], $0x1000  }
0x586: {  	[sflag:s3] =	ssyncset.done @!p0 $0x0  }
0x587: {  	s24 =	simm.s32 $0x17040;
	[sflag:s3] =	ssyncadd.s32 @!p0 $0xFFFFF000  }
0x588: {  	v40 =	vld [tilespmem:s24+$0x30]  }
0x589: {  	s22 =	simm.s32 $0x15040;
	v41 =	vld [tilespmem:s24+$0xFFFFFFC0]  }
0x58a: {  	v42 =	vld [tilespmem:s22+$0x30]  }
0x58b: {  	v43 =	vld [tilespmem:s24+$0xFFFFFFD0]  }
0x58c: {  	v44 =	vld [tilespmem:s24+$0xFFFFFFE0]  }
0x58d: {  	v45 =	vld [tilespmem:s24+$0xFFFFFFF0]  }
0x58e: {  	v46 =	vld [tilespmem:s24+$0x0]  }
0x58f: {  	v6 =	vld [tilespmem:s24+$0x10]  }
0x590: {  	v47 =	vld [tilespmem:s24+$0x20]  }
0x591: {  	v9 =	vld [tilespmem:s22+$0xFFFFFFE0]  }
0x592: {  	v14 =	vld [tilespmem:s22+$0xFFFFFFF0]  }
0x593: {  	v50 =	vld [tilespmem:s22+$0x0];
	v0 =	vmul.f32 v40, v7  }
0x594: {  	v29 =	vmov v7;
	v21 =	vld [tilespmem:s22+$0x10];
	v11 =	vmul.f32 v41, v7;
	v2 =	vmul.f32 v42, v7  }
0x595: {  	v13 =	vmul.f32 v43, v29;
	v15 =	vmul.f32 v44, v29  }
0x596: {  	v17 =	vmul.f32 v45, v29;
	v19 =	vmul.f32 v46, v29  }
0x597: {  	v22 =	vmul.f32 v6, v29;
	v23 =	vmul.f32 v47, v29  }
0x598: {  	v16 =	vmul.f32 v9, v29;
	v18 =	vmul.f32 v14, v29  }
0x599: {  	v20 =	vmul.f32 v50, v29;
	v21 =	vmul.f32 v21, v29  }
0x59a: {  	v7 =	vtrunc.f32 v0;
	v48 =	vtrunc.f32 v2  }
0x59b: {  	v10 =	vtrunc.f32 v11;
	v27 =	vtrunc.f32 v13  }
0x59c: {  	v28 =	vtrunc.f32 v15;
	v7 =	vcvt.f32.s32 v7  }
0x59d: {  	v8 =	vld [tilespmem:s22+$0xFFFFFFD0];
	v56 =	vtrunc.f32 v22;
	v14 =	vtrunc.f32 v23  }
0x59e: {  	v61 =	vtrunc.f32 v21;
	v4 =	vcvt.f32.s32 v48;
	v49 =	vmul.u32 $0x9E3779B1, v7  }
0x59f: {  	v10 =	vcvt.f32.s32 v10;
	v27 =	vcvt.f32.s32 v27  }
0x5a0: {  	v28 =	vcvt.f32.s32 v28;
	v6 =	vadd.s32 $0x1, v4;
	v12 =	vxor.u32 v4, v49  }
0x5a1: {  	v52 =	vcvt.s32.f32 v4;
	v51 =	vxor.u32 v6, v49;
	v24 =	vand.u32 $0xFFFF, v12  }
0x5a2: {  	v5 =	vadd.s32 $0x9E3779B1, v49;
	v12 =	vmul.f32 v8, v29;
	v8 =	vld [tilespmem:s22+$0x20];
	v3 =	vand.u32 $0xFFFF, v51  }
0x5a3: {  	v25 =	vld [tilespmem:s22+$0xFFFFFFC0];
	v33 =	vcvt.f32.s32 v61;
	v54 =	vcvt.s32.f32 v7;
	v9 =	vxor.u32 v4, v5  }
0x5a4: {  	v7 =	vtrunc.f32 v17;
	v1 =	vsub.f32 v2, v52;
	v9 =	vand.u32 $0xFFFF, v9  }
0x5a5: {  	v53 =	vxor.u32 v6, v5;
	v5 =	vcvt.f32.s32 v14;
	v14 =	vtrunc.f32 v16  }
0x5a6: {  	v0 =	vsub.f32 v0, v54;
	v4 =	vand.u32 $0xFFFF, v53;
	v14 =	vcvt.f32.s32 v14;
	v6 =	vld.idx.msk [tilespmem:v24+s4+$0x0], $0xffff  }
0x5a7: {  	v60 =	vtrunc.f32 v12;
	v26 =	vmul.f32 v8, v29;
	v55 =	vld.idx.msk [tilespmem:v3+s4+$0x0], $0xffff;
	v24 =	vsub.f32 $1.000000000e+00, v1  }
0x5a8: {  	v3 =	vmul.f32 v25, v29;
	v8 =	vtrunc.f32 v19;
	v25 =	vsub.f32 $1.000000000e+00, v0  }
0x5a9: {  	v9 =	vld.idx.msk [tilespmem:v9+s4+$0x0], $0xffff;
	v29 =	vmul.f32 v0, v24;
	v0 =	vmul.f32 v0, v1  }
0x5aa: {  	v31 =	vmul.u32 $0x9E3779B1, v10;
	v24 =	vmul.f32 v25, v24;
	v1 =	vmul.f32 v25, v1  }
0x5ab: {  	v45 =	vadd.s32 $0x1, v33;
	v4 =	vld.idx.msk [tilespmem:v4+s4+$0x0], $0xffff;
	v59 =	vtrunc.f32 v3;
	v62 =	vtrunc.f32 v26  }
0x5ac: {  	v25 =	vshll.u32 v6, $0x10;
	v30 =	vshll.u32 v55, $0x10;
	v6 =	vand.u32 $0xFFFF0000, v6  }
0x5ad: {  	v2 =	vand.u32 $0xFFFF0000, v55;
	v25 =	vmul.f32 v25, v24;
	v30 =	vmul.f32 v30, v1  }
0x5ae: {  	v57 =	vshll.u32 v9, $0x10;
	v6 =	vmul.f32 v6, v24;
	v1 =	vmul.f32 v2, v1  }
0x5af: {  	v9 =	vand.u32 $0xFFFF0000, v9;
	v24 =	vmul.f32 v57, v29;
	v58 =	vadd.f32 v30, v25  }
0x5b0: {  	v25 =	vshll.u32 v4, $0x10;
	v1 =	vadd.f32 v1, v6;
	v6 =	vmul.f32 v9, v29  }
0x5b1: {  	v4 =	vand.u32 $0xFFFF0000, v4;
	v29 =	vmul.u32 $0x9E3779B1, v28;
	v28 =	vcvt.s32.f32 v28  }
0x5b2: {  	v30 =	vmul.u32 $0x9E3779B1, v5;
	v5 =	vcvt.s32.f32 v5;
	v9 =	vmul.f32 v25, v0  }
0x5b3: {  	v42 =	vadd.s32 $0x1, v14;
	v0 =	vmul.f32 v4, v0;
	v4 =	vcvt.f32.s32 v7  }
0x5b4: {  	v7 =	vmul.u32 $0x9E3779B1, v27;
	v25 =	vtrunc.f32 v20;
	v27 =	vcvt.s32.f32 v27  }
0x5b5: {  	v2 =	vadd.f32 v58, v24;
	v1 =	vadd.f32 v1, v6;
	v6 =	vcvt.f32.s32 v8  }
0x5b6: {  	v24 =	vtrunc.f32 v18;
	v38 =	vcvt.f32.s32 v25;
	v48 =	vxor.u32 v14, v29  }
0x5b7: {  	v49 =	vxor.u32 v42, v29;
	v29 =	vadd.s32 $0x9E3779B1, v29;
	v15 =	vsub.f32 v15, v28  }
0x5b8: {  	v23 =	vsub.f32 v23, v5;
	v37 =	vcvt.f32.s32 v24;
	v24 =	vcvt.f32.s32 v62  }
0x5b9: {  	v32 =	vmul.u32 $0x9E3779B1, v4;
	v62 =	vcvt.s32.f32 v14;
	v4 =	vcvt.s32.f32 v4  }
0x5ba: {  	v48 =	vand.u32 $0xFFFF, v48;
	v49 =	vand.u32 $0xFFFF, v49;
	v42 =	vxor.u32 v42, v29  }
0x5bb: {  	v2 =	vadd.f32 v2, v9;
	v0 =	vadd.f32 v1, v0;
	v34 =	vmul.u32 $0x9E3779B1, v6  }
0x5bc: {  	v1 =	vcvt.f32.s32 v60;
	v44 =	vadd.s32 $0x1, v38;
	v6 =	vcvt.s32.f32 v6  }
0x5bd: {  	v9 =	vxor.u32 v14, v29;
	v14 =	vsub.f32 v13, v27;
	v43 =	vadd.s32 $0x1, v37  }
0x5be: {  	v25 =	vadd.s32 $0x1, v24;
	v50 =	vxor.u32 v37, v32;
	v57 =	vxor.u32 v24, v30  }
0x5bf: {  	v13 =	vsub.f32 v16, v62;
	v9 =	vand.u32 $0xFFFF, v9;
	[tilespmem:$0x1FB60] =	vst v2;
	v2 =	vcvt.f32.s32 v56  }
0x5c0: {  	[tilespmem:$0x1FB70] =	vst v0;
	v0 =	vcvt.f32.s32 v59;
	v41 =	vadd.s32 $0x1, v1;
	v46 =	vxor.u32 v1, v7  }
0x5c1: {  	v51 =	vxor.u32 v43, v32;
	v52 =	vxor.u32 v38, v34;
	v53 =	vxor.u32 v44, v34  }
0x5c2: {  	v58 =	vxor.u32 v25, v30;
	v59 =	vcvt.s32.f32 v10;
	v35 =	vcvt.s32.f32 v1  }
0x5c3: {  	v10 =	vcvt.s32.f32 v33;
	v50 =	vand.u32 $0xFFFF, v50;
	v57 =	vand.u32 $0xFFFF, v57  }
0x5c4: {  	v32 =	vadd.s32 $0x9E3779B1, v32;
	v34 =	vadd.s32 $0x9E3779B1, v34;
	v30 =	vadd.s32 $0x9E3779B1, v30  }
0x5c5: {  	v47 =	vxor.u32 v41, v7;
	v46 =	vand.u32 $0xFFFF, v46;
	v51 =	vand.u32 $0xFFFF, v51  }
0x5c6: {  	v52 =	vand.u32 $0xFFFF, v52;
	v53 =	vand.u32 $0xFFFF, v53;
	v58 =	vand.u32 $0xFFFF, v58  }
0x5c7: {  	v7 =	vadd.s32 $0x9E3779B1, v7;
	v62 =	vxor.u32 v43, v32;
	v29 =	vxor.u32 v44, v34  }
0x5c8: {  	v36 =	vmul.u32 $0x9E3779B1, v2;
	v40 =	vadd.s32 $0x1, v0;
	v63 =	vxor.u32 v0, v31  }
0x5c9: {  	v56 =	vcvt.s32.f32 v0;
	v47 =	vand.u32 $0xFFFF, v47;
	v2 =	vcvt.s32.f32 v2  }
0x5ca: {  	v1 =	vxor.u32 v1, v7;
	v11 =	vsub.f32 v11, v59;
	v12 =	vsub.f32 v12, v35  }
0x5cb: {  	v35 =	vxor.u32 v37, v32;
	v59 =	vxor.u32 v38, v34;
	v21 =	vsub.f32 v21, v10  }
0x5cc: {  	v10 =	vsub.f32 $1.000000000e+00, v14;
	v39 =	vxor.u32 v40, v31;
	v60 =	vand.u32 $0xFFFF, v63  }
0x5cd: {  	v63 =	vcvt.s32.f32 v37;
	v31 =	vadd.s32 $0x9E3779B1, v31;
	v1 =	vand.u32 $0xFFFF, v1  }
0x5ce: {  	v54 =	vxor.u32 v33, v36;
	v55 =	vxor.u32 v45, v36;
	v61 =	vand.u32 $0xFFFF, v39  }
0x5cf: {  	v39 =	vcvt.s32.f32 v38;
	v8 =	vsub.f32 v3, v56;
	v56 =	vcvt.s32.f32 v24  }
0x5d0: {  	v36 =	vadd.s32 $0x9E3779B1, v36;
	v0 =	vxor.u32 v0, v31;
	v22 =	vsub.f32 v22, v2  }
0x5d1: {  	v38 =	vsub.f32 $1.000000000e+00, v13;
	v24 =	vxor.u32 v24, v30;
	v54 =	vand.u32 $0xFFFF, v54  }
0x5d2: {  	v55 =	vand.u32 $0xFFFF, v55;
	v16 =	vsub.f32 v18, v63;
	v27 =	vxor.u32 v33, v36  }
0x5d3: {  	v18 =	vsub.f32 v17, v4;
	v4 =	vand.u32 $0xFFFF, v0;
	v63 =	vsub.f32 $1.000000000e+00, v15  }
0x5d4: {  	v28 =	vxor.u32 v45, v36;
	v33 =	vsub.f32 $1.000000000e+00, v21;
	v17 =	vsub.f32 v20, v39  }
0x5d5: {  	v24 =	vand.u32 $0xFFFF, v24;
	v20 =	vsub.f32 v19, v6;
	v19 =	vsub.f32 v26, v56  }
0x5d6: {  	v26 =	vxor.u32 v40, v31;
	v2 =	vsub.f32 $1.000000000e+00, v8;
	v56 =	vsub.f32 $1.000000000e+00, v11  }
0x5d7: {  	[tilespmem:$0x1FB40] =	vst v42;
	v31 =	vxor.u32 v41, v7;
	v6 =	vsub.f32 $1.000000000e+00, v12;
	v39 =	vmul.f32 v63, v13  }
0x5d8: {  	v37 =	vsub.f32 $1.000000000e+00, v16;
	v7 =	vld.idx.msk [tilespmem:v60+s4+$0x0], $0xffff;
	[tilespmem:$0x1FB50] =	vst v62;
	v41 =	vmul.f32 v56, v2;
	v5 =	vmul.f32 v56, v8  }
0x5d9: {  	v36 =	vsub.f32 $1.000000000e+00, v18;
	v44 =	vmul.f32 v10, v6;
	v10 =	vmul.f32 v10, v12;
	v32 =	vld.idx.msk [tilespmem:v61+s4+$0x0], $0xffff  }
0x5da: {  	v34 =	vsub.f32 $1.000000000e+00, v17;
	v2 =	vmul.f32 v11, v2;
	v6 =	vmul.f32 v14, v6;
	v42 =	vld.idx.msk [tilespmem:v46+s4+$0x0], $0xffff  }
0x5db: {  	v40 =	vsub.f32 $1.000000000e+00, v20;
	v45 =	vld.idx.msk [tilespmem:v47+s4+$0x0], $0xffff;
	v47 =	vmul.f32 v63, v38;
	v60 =	vmul.f32 v36, v37  }
0x5dc: {  	v43 =	vsub.f32 $1.000000000e+00, v22;
	v48 =	vld.idx.msk [tilespmem:v48+s4+$0x0], $0xffff;
	v36 =	vmul.f32 v36, v16;
	v38 =	vmul.f32 v15, v38  }
0x5dd: {  	v27 =	vand.u32 $0xFFFF, v27;
	v49 =	vld.idx.msk [tilespmem:v49+s4+$0x0], $0xffff;
	v37 =	vmul.f32 v18, v37;
	v61 =	vmul.f32 v40, v34  }
0x5de: {  	v31 =	vand.u32 $0xFFFF, v31;
	v40 =	vmul.f32 v40, v17;
	v34 =	vmul.f32 v20, v34  }
0x5df: {  	v0 =	vshll.u32 v7, $0x10;
	v7 =	vand.u32 $0xFFFF0000, v7;
	v3 =	vshll.u32 v32, $0x10  }
0x5e0: {  	v32 =	vand.u32 $0xFFFF0000, v32;
	v46 =	vmul.f32 v0, v41;
	v7 =	vmul.f32 v7, v41  }
0x5e1: {  	v0 =	vshll.u32 v42, $0x10;
	v42 =	vand.u32 $0xFFFF0000, v42;
	v62 =	vshll.u32 v48, $0x10  }
0x5e2: {  	v51 =	vld.idx.msk [tilespmem:v51+s4+$0x0], $0xffff;
	v63 =	vshll.u32 v49, $0x10;
	v48 =	vand.u32 $0xFFFF0000, v48;
	v56 =	vmul.f32 v3, v5  }
0x5e3: {  	v41 =	vld.idx.msk [tilespmem:v50+s4+$0x0], $0xffff;
	v49 =	vand.u32 $0xFFFF0000, v49;
	v5 =	vmul.f32 v32, v5;
	v50 =	vmul.f32 v0, v44  }
0x5e4: {  	v53 =	vld.idx.msk [tilespmem:v53+s4+$0x0], $0xffff;
	v3 =	vshll.u32 v45, $0x10;
	v42 =	vmul.f32 v42, v44;
	v44 =	vmul.f32 v62, v47  }
0x5e5: {  	v45 =	vand.u32 $0xFFFF0000, v45;
	v47 =	vmul.f32 v48, v47;
	v32 =	vmul.f32 v3, v10  }
0x5e6: {  	v62 =	vsub.f32 $1.000000000e+00, v19;
	v10 =	vmul.f32 v45, v10;
	v45 =	vld.idx.msk [tilespmem:v52+s4+$0x0], $0xffff;
	v52 =	vmul.f32 v63, v39  }
0x5e7: {  	v39 =	vmul.f32 v49, v39;
	v3 =	vshll.u32 v51, $0x10;
	v51 =	vand.u32 $0xFFFF0000, v51  }
0x5e8: {  	v49 =	vld.idx.msk [tilespmem:v54+s4+$0x0], $0xffff;
	v63 =	vsub.f32 $1.000000000e+00, v23;
	v54 =	vmul.f32 v3, v36;
	v36 =	vmul.f32 v51, v36  }
0x5e9: {  	v3 =	vshll.u32 v53, $0x10;
	v53 =	vand.u32 $0xFFFF0000, v53;
	v0 =	vshll.u32 v41, $0x10  }
0x5ea: {  	v55 =	vld.idx.msk [tilespmem:v55+s4+$0x0], $0xffff;
	v42 =	vadd.f32 v10, v42;
	v41 =	vand.u32 $0xFFFF0000, v41;
	v48 =	vmul.f32 v0, v60  }
0x5eb: {  	v41 =	vmul.f32 v41, v60;
	v60 =	vmul.f32 v43, v33;
	v0 =	vshll.u32 v45, $0x10  }
0x5ec: {  	v57 =	vld.idx.msk [tilespmem:v57+s4+$0x0], $0xffff;
	v43 =	vmul.f32 v43, v21;
	v45 =	vand.u32 $0xFFFF0000, v45;
	v51 =	vmul.f32 v0, v61  }
0x5ed: {  	v10 =	vand.u32 $0xFFFF, v35;
	v45 =	vmul.f32 v45, v61;
	v61 =	vmul.f32 v3, v40  }
0x5ee: {  	v40 =	vmul.f32 v53, v40;
	v0 =	vshll.u32 v49, $0x10;
	v49 =	vand.u32 $0xFFFF0000, v49  }
0x5ef: {  	v58 =	vld.idx.msk [tilespmem:v58+s4+$0x0], $0xffff;
	v3 =	vshll.u32 v55, $0x10;
	v53 =	vmul.f32 v0, v60;
	v49 =	vmul.f32 v49, v60  }
0x5f0: {  	v4 =	vld.idx.msk [tilespmem:v4+s4+$0x0], $0xffff;
	v55 =	vand.u32 $0xFFFF0000, v55;
	v60 =	vmul.f32 v3, v43;
	v0 =	vmul.f32 v63, v62  }
0x5f1: {  	v1 =	vld.idx.msk [tilespmem:v1+s4+$0x0], $0xffff;
	v43 =	vmul.f32 v55, v43;
	v55 =	vshll.u32 v57, $0x10;
	v57 =	vand.u32 $0xFFFF0000, v57  }
0x5f2: {  	v55 =	vmul.f32 v55, v0;
	v0 =	vmul.f32 v57, v0;
	v57 =	vand.u32 $0xFFFF, v59  }
0x5f3: {  	v5 =	vadd.f32 v5, v7;
	v3 =	vxor.u32 v25, v30;
	v25 =	vmul.f32 v63, v19  }
0x5f4: {  	v9 =	vld.idx.msk [tilespmem:v9+s4+$0x0], $0xffff;
	v7 =	vshll.u32 v58, $0x10;
	v33 =	vmul.f32 v22, v33;
	v30 =	vand.u32 $0xFFFF0000, v58  }
0x5f5: {  	v7 =	vmul.f32 v7, v25;
	v25 =	vmul.f32 v30, v25;
	v30 =	vshll.u32 v4, $0x10  }
0x5f6: {  	v10 =	vld.idx.msk [tilespmem:v10+s4+$0x0], $0xffff;
	v4 =	vand.u32 $0xFFFF0000, v4;
	v58 =	vmul.f32 v30, v2;
	v30 =	vshll.u32 v1, $0x10  }
0x5f7: {  	v35 =	vadd.f32 v39, v47;
	v2 =	vmul.f32 v4, v2;
	v59 =	vmul.f32 v30, v6;
	v30 =	vld.idx.msk [tilespmem:v57+s4+$0x0], $0xffff  }
0x5f8: {  	v27 =	vld.idx.msk [tilespmem:v27+s4+$0x0], $0xffff;
	v4 =	vadd.f32 v36, v41;
	v36 =	vadd.f32 v61, v51;
	v1 =	vand.u32 $0xFFFF0000, v1  }
0x5f9: {  	v24 =	vld.idx.msk [tilespmem:v24+s4+$0x0], $0xffff;
	v41 =	vadd.f32 v60, v53;
	v60 =	vshll.u32 v9, $0x10;
	v9 =	vand.u32 $0xFFFF0000, v9  }
0x5fa: {  	v1 =	vmul.f32 v1, v6;
	v6 =	vadd.f32 v43, v49;
	v43 =	vmul.f32 v60, v38  }
0x5fb: {  	v9 =	vmul.f32 v9, v38;
	v61 =	vshll.u32 v10, $0x10;
	v10 =	vand.u32 $0xFFFF0000, v10  }
0x5fc: {  	v38 =	vmul.f32 v61, v37;
	v37 =	vmul.f32 v10, v37;
	v10 =	vshll.u32 v30, $0x10  }
0x5fd: {  	v63 =	vmul.f32 v23, v62;
	v47 =	vmul.f32 v10, v34;
	v10 =	vshll.u32 v27, $0x10  }
0x5fe: {  	v39 =	vadd.f32 v54, v48;
	v54 =	vmul.f32 v10, v33;
	v10 =	vshll.u32 v24, $0x10  }
0x5ff: {  	v46 =	vadd.f32 v56, v46;
	v56 =	vmul.f32 v10, v63;
	v10 =	vld [tilespmem:$0x1FB40];
	_ =	sdelay $0x1  }
0x600: {  	v14 =	vmul.f32 v14, v12;
	v12 =	vmul.f32 v20, v17;
	v17 =	vand.u32 $0xFFFF, v29;
	_ =	sdelay $0x1  }
0x601: {  	v26 =	vand.u32 $0xFFFF, v26;
	v13 =	vmul.f32 v15, v13;
	v8 =	vmul.f32 v11, v8;
	v31 =	vld.idx.msk [tilespmem:v31+s4+$0x0], $0xffff  }
0x602: {  	v11 =	vmul.f32 v22, v21;
	v32 =	vadd.f32 v32, v50;
	v57 =	vand.u32 $0xFFFF, v10;
	v10 =	vld [tilespmem:$0x1FB50]  }
0x603: {  	v44 =	vadd.f32 v52, v44;
	v40 =	vadd.f32 v40, v45;
	v3 =	vand.u32 $0xFFFF, v3  }
0x604: {  	v7 =	vadd.f32 v7, v55;
	v61 =	vld.idx.msk [tilespmem:v17+s4+$0x0], $0xffff;
	v30 =	vand.u32 $0xFFFF0000, v30;
	v24 =	vand.u32 $0xFFFF0000, v24  }
0x605: {  	v34 =	vmul.f32 v30, v34;
	v30 =	vadd.f32 v25, v0;
	v25 =	vmul.f32 v24, v63;
	v63 =	vld [tilespmem:$0x1FB60]  }
0x606: {  	v16 =	vmul.f32 v18, v16;
	v22 =	vadd.f32 v44, v43;
	v21 =	vadd.f32 v35, v9;
	v24 =	vld.idx.msk [tilespmem:v26+s4+$0x0], $0xffff  }
0x607: {  	v9 =	vand.u32 $0xFFFF0000, v31;
	v20 =	vadd.f32 v39, v38;
	v15 =	vand.u32 $0xFFFF, v10  }
0x608: {  	v27 =	vand.u32 $0xFFFF0000, v27;
	v10 =	vmul.f32 v23, v19;
	v19 =	vand.u32 $0xFFFF, v28  }
0x609: {  	s10 =	simm.s32 $0x1A040;
	v3 =	vld.idx.msk [tilespmem:v3+s4+$0x0], $0xffff;
	v55 =	vmul.f32 v27, v33;
	v27 =	vadd.f32 v5, v2;
	v33 =	vmul.f32 v9, v14  }
0x60a: {  	v35 =	vand.u32 $0xFFFF0000, v61;
	v26 =	vadd.f32 v46, v58;
	[tilespmem:s10+$0x30] =	vst v63;
	v23 =	vadd.f32 v32, v59;
	v59 =	vld.idx.msk [tilespmem:v57+s4+$0x0], $0xffff  }
0x60b: {  	v58 =	vshll.u32 v24, $0x10;
	v18 =	vand.u32 $0xFFFF0000, v24;
	v24 =	vadd.f32 v42, v1;
	v1 =	vld [tilespmem:$0x1FB70]  }
0x60c: {  	v17 =	vadd.f32 v40, v34;
	v34 =	vshll.u32 v61, $0x10;
	v29 =	vmul.f32 v18, v8;
	v60 =	vld.idx.msk [tilespmem:v15+s4+$0x0], $0xffff  }
0x60d: {  	v18 =	vadd.f32 v4, v37;
	v32 =	vmul.f32 v58, v8;
	v8 =	vshll.u32 v31, $0x10;
	v62 =	vld.idx.msk [tilespmem:v19+s4+$0x0], $0xffff  }
0x60e: {  	v28 =	vshll.u32 v3, $0x10;
	v37 =	vmul.f32 v8, v14;
	v14 =	vadd.f32 v41, v54  }
0x60f: {  	v19 =	vadd.f32 v36, v47;
	v8 =	vshll.u32 v59, $0x10;
	v5 =	vand.u32 $0xFFFF0000, v59  }
0x610: {  	v15 =	vadd.f32 v6, v55;
	v40 =	vmul.f32 v8, v13;
	v39 =	vmul.f32 v5, v13  }
0x611: {  	s18 =	simm.s32 $0x1B040;
	v13 =	vadd.f32 v7, v56;
	v8 =	vand.u32 $0xFFFF0000, v3;
	v36 =	vshll.u32 v60, $0x10  }
0x612: {  	s20 =	simm.s32 $0x170C0;
	s6 =	simm.s32 $0x0;
	[tilespmem:s18+$0x30] =	vst v1;
	v38 =	vand.u32 $0xFFFF0000, v60;
	v31 =	vshll.u32 v62, $0x10;
	v9 =	vand.u32 $0xFFFF0000, v62  }
.LBB2_23:
0x613: {  	v0 =	vld [tilespmem:s20+$0x30]  }
0x614: {  	v4 =	vld [tilespmem:s20+$0xFFFFFFC0]  }
0x615: {  	v3 =	vadd.f32 v30, v25;
	v30 =	vld [tilespmem:$0x1FCC0]  }
0x616: {  	v1 =	vmul.f32 v36, v16;
	s22 =	sadd.s32 $0x80, s22;
	v47 =	vld [tilespmem:s20+$0x0]  }
0x617: {  	v6 =	vmul.f32 v34, v12;
	v7 =	vmul.f32 v35, v12;
	v12 =	vld [tilespmem:s22+$0x30]  }
0x618: {  	v5 =	vadd.f32 v26, v32;
	v25 =	vmul.f32 v31, v11;
	v11 =	vmul.f32 v9, v11;
	v9 =	vld [tilespmem:s20+$0xFFFFFFD0]  }
0x619: {  	v45 =	vadd.f32 v23, v37;
	v23 =	vmul.f32 v28, v10;
	v26 =	vmul.f32 v8, v10;
	v10 =	vld [tilespmem:s20+$0xFFFFFFE0]  }
0x61a: {  	v2 =	vmul.f32 v38, v16;
	v16 =	vadd.f32 v27, v29;
	v22 =	vadd.f32 v22, v40;
	[tilespmem:s10+$0xFFFFFFC0] =	vst v5  }
0x61b: {  	v46 =	vadd.f32 v21, v39;
	v1 =	vadd.f32 v20, v1;
	[tilespmem:s10+$0xFFFFFFD0] =	vst v45  }
0x61c: {  	v7 =	vadd.f32 v17, v7;
	v17 =	vld [tilespmem:s20+$0x20];
	[tilespmem:s10+$0xFFFFFFE0] =	vst v22;
	v0 =	vmul.f32 v0, v30;
	v21 =	vmul.f32 v4, v30  }
0x61d: {  	v49 =	vadd.f32 v15, v11;
	[tilespmem:s18+$0xFFFFFFC0] =	vst v16;
	v15 =	vmul.f32 v47, v30;
	v27 =	vmul.f32 v12, v30  }
0x61e: {  	v2 =	vadd.f32 v18, v2;
	[tilespmem:s18+$0xFFFFFFE0] =	vst v46;
	v29 =	vmul.f32 v9, v30;
	v10 =	vmul.f32 v10, v30  }
0x61f: {  	v16 =	vadd.f32 v24, v33;
	v24 =	vld [tilespmem:s20+$0xFFFFFFF0];
	[tilespmem:s10+$0xFFFFFFF0] =	vst v1;
	v12 =	vtrunc.f32 v0;
	v50 =	vtrunc.f32 v21  }
0x620: {  	v6 =	vadd.f32 v19, v6;
	v11 =	vld [tilespmem:s22+$0xFFFFFFE0];
	[tilespmem:s18+$0xFFFFFFF0] =	vst v2;
	v56 =	vtrunc.f32 v15;
	v22 =	vcvt.f32.s32 v12  }
0x621: {  	[tilespmem:s18+$0xFFFFFFD0] =	vst v16;
	v16 =	vld [tilespmem:s20+$0x10];
	v9 =	vtrunc.f32 v27;
	v12 =	vmul.f32 v17, v30  }
0x622: {  	v48 =	vadd.f32 v14, v25;
	[tilespmem:s10+$0x0] =	vst v6;
	v14 =	vmovc v21;
	v21 =	vld [tilespmem:s22+$0xFFFFFFF0];
	v28 =	vtrunc.f32 v29;
	v54 =	vtrunc.f32 v10  }
0x623: {  	v51 =	vadd.f32 v13, v23;
	v6 =	vld [tilespmem:s22+$0x0];
	v2 =	vcvt.f32.s32 v50;
	v1 =	vcvt.f32.s32 v56  }
0x624: {  	v18 =	vld [tilespmem:s22+$0xFFFFFFD0];
	v8 =	vmul.f32 v24, v30;
	v20 =	vcvt.f32.s32 v9;
	v19 =	vmul.u32 $0x9E3779B1, v22  }
0x625: {  	v3 =	vadd.f32 v3, v26;
	[tilespmem:s18+$0x0] =	vst v7;
	v7 =	vld [tilespmem:s22+$0x10];
	v31 =	vcvt.f32.s32 v28;
	v4 =	vcvt.f32.s32 v54  }
0x626: {  	v9 =	vmul.f32 v16, v30;
	v23 =	vadd.s32 $0x1, v20;
	v16 =	vxor.u32 v20, v19  }
0x627: {  	v52 =	vld [tilespmem:s22+$0x20];
	v17 =	vxor.u32 v23, v19;
	v25 =	vadd.s32 $0x9E3779B1, v19;
	v19 =	vmul.f32 v21, v30  }
0x628: {  	v21 =	vmul.f32 v6, v30;
	v6 =	vcvt.s32.f32 v20;
	v24 =	vand.u32 $0xFFFF, v16  }
0x629: {  	v16 =	vmul.f32 v18, v30;
	v17 =	vand.u32 $0xFFFF, v17;
	v18 =	vmul.f32 v11, v30  }
0x62a: {  	v53 =	vld [tilespmem:s22+$0xFFFFFFC0];
	v11 =	vxor.u32 v20, v25;
	v20 =	vmul.f32 v7, v30;
	v7 =	vcvt.s32.f32 v22  }
0x62b: {  	v13 =	vmovc v29;
	v34 =	vmul.u32 $0x9E3779B1, v1;
	v1 =	vcvt.s32.f32 v1;
	v29 =	vand.u32 $0xFFFF, v11  }
0x62c: {  	v22 =	vmul.f32 v52, v30;
	v11 =	vxor.u32 v23, v25;
	v0 =	vsub.f32 v0, v7  }
0x62d: {  	v25 =	vtrunc.f32 v8;
	v55 =	vsub.f32 v27, v6;
	v27 =	vtrunc.f32 v12;
	v23 =	vld.idx.msk [tilespmem:v24+s4+$0x0], $0xffff  }
0x62e: {  	v7 =	vtrunc.f32 v9;
	v60 =	vtrunc.f32 v18;
	v28 =	vsub.f32 $1.000000000e+00, v0;
	v6 =	vld.idx.msk [tilespmem:v17+s4+$0x0], $0xffff  }
0x62f: {  	v24 =	vand.u32 $0xFFFF, v11;
	v11 =	vmul.f32 v53, v30;
	v30 =	vsub.f32 $1.000000000e+00, v55  }
0x630: {  	v17 =	vmul.u32 $0x9E3779B1, v2;
	v2 =	vcvt.s32.f32 v2;
	v29 =	vld.idx.msk [tilespmem:v29+s4+$0x0], $0xffff;
	v5 =	vmul.f32 v28, v55  }
0x631: {  	v15 =	vsub.f32 v15, v1;
	v57 =	vmul.f32 v0, v30;
	v0 =	vmul.f32 v0, v55  }
0x632: {  	v26 =	vmul.f32 v28, v30;
	v59 =	vtrunc.f32 v11;
	v2 =	vsub.f32 v14, v2  }
0x633: {  	v28 =	vshll.u32 v23, $0x10;
	v30 =	vshll.u32 v6, $0x10;
	v23 =	vand.u32 $0xFFFF0000, v23  }
0x634: {  	v24 =	vld.idx.msk [tilespmem:v24+s4+$0x0], $0xffff;
	v6 =	vand.u32 $0xFFFF0000, v6;
	v58 =	vmul.f32 v28, v26;
	v28 =	vmul.f32 v30, v5  }
0x635: {  	v30 =	vshll.u32 v29, $0x10;
	v23 =	vmul.f32 v23, v26;
	v5 =	vmul.f32 v6, v5  }
0x636: {  	[tilespmem:s10+$0x20] =	vst v51;
	v26 =	vand.u32 $0xFFFF0000, v29;
	v29 =	vmul.u32 $0x9E3779B1, v31;
	v31 =	vcvt.s32.f32 v31  }
0x637: {  	[tilespmem:s18+$0x20] =	vst v3;
	v6 =	vmul.f32 v30, v57;
	v30 =	vmul.u32 $0x9E3779B1, v4;
	v3 =	vadd.f32 v28, v58  }
0x638: {  	v5 =	vadd.f32 v5, v23;
	v23 =	vmul.f32 v26, v57;
	v26 =	vtrunc.f32 v21  }
0x639: {  	v4 =	vcvt.s32.f32 v4;
	v40 =	vcvt.f32.s32 v26;
	v28 =	vshll.u32 v24, $0x10  }
0x63a: {  	v3 =	vadd.f32 v3, v6;
	v5 =	vadd.f32 v5, v23;
	v23 =	vcvt.f32.s32 v25  }
0x63b: {  	v24 =	vand.u32 $0xFFFF0000, v24;
	v25 =	vtrunc.f32 v19;
	v6 =	vmul.f32 v28, v0  }
0x63c: {  	v4 =	vsub.f32 v10, v4;
	v0 =	vmul.f32 v24, v0;
	v24 =	vtrunc.f32 v16  }
0x63d: {  	v28 =	vtrunc.f32 v22;
	v39 =	vcvt.f32.s32 v25;
	v50 =	vxor.u32 v40, v34  }
0x63e: {  	v35 =	vcvt.f32.s32 v24;
	v47 =	vcvt.f32.s32 v28;
	v24 =	vadd.s32 $0x1, v40  }
0x63f: {  	v50 =	vand.u32 $0xFFFF, v50;
	v3 =	vadd.f32 v3, v6;
	v6 =	vcvt.f32.s32 v7  }
0x640: {  	v7 =	vcvt.f32.s32 v27;
	v0 =	vadd.f32 v5, v0;
	v27 =	vtrunc.f32 v20  }
0x641: {  	v5 =	vcvt.f32.s32 v59;
	v28 =	vadd.s32 $0x1, v39;
	v51 =	vxor.u32 v24, v34  }
0x642: {  	v59 =	vcvt.s32.f32 v39;
	v34 =	vadd.s32 $0x9E3779B1, v34;
	v46 =	vcvt.f32.s32 v27  }
0x643: {  	[tilespmem:s10+$0x10] =	vst v48;
	v48 =	vadd.s32 $0x1, v35;
	v27 =	vadd.s32 $0x1, v47;
	v62 =	vxor.u32 v35, v29  }
0x644: {  	s10 =	sadd.s32 $0x80, s10;
	v57 =	vcvt.s32.f32 v35;
	v51 =	vand.u32 $0xFFFF, v51;
	v24 =	vxor.u32 v24, v34  }
0x645: {  	[tilespmem:s10+$0x30] =	vst v3;
	v3 =	vcvt.f32.s32 v60;
	v38 =	vmul.u32 $0x9E3779B1, v6;
	v42 =	vmul.u32 $0x9E3779B1, v7  }
0x646: {  	v44 =	vadd.s32 $0x1, v5;
	v26 =	vxor.u32 v5, v17;
	v63 =	vxor.u32 v48, v29  }
0x647: {  	v54 =	vcvt.s32.f32 v5;
	v33 =	vand.u32 $0xFFFF, v62;
	v60 =	vcvt.s32.f32 v23  }
0x648: {  	[tilespmem:s18+$0x10] =	vst v49;
	s18 =	sadd.s32 $0x80, s18;
	v6 =	vcvt.s32.f32 v6;
	v7 =	vcvt.s32.f32 v7;
	v29 =	vadd.s32 $0x9E3779B1, v29  }
0x649: {  	[tilespmem:s18+$0x30] =	vst v0;
	v0 =	vmul.u32 $0x9E3779B1, v23;
	v25 =	vadd.s32 $0x1, v46;
	v61 =	vxor.u32 v44, v17  }
0x64a: {  	v26 =	vand.u32 $0xFFFF, v26;
	v36 =	vand.u32 $0xFFFF, v63;
	v62 =	vcvt.s32.f32 v46  }
0x64b: {  	v63 =	vcvt.s32.f32 v47;
	v17 =	vadd.s32 $0x9E3779B1, v17;
	v35 =	vxor.u32 v35, v29  }
0x64c: {  	v16 =	vsub.f32 v16, v57;
	v57 =	vsub.f32 v13, v31;
	v49 =	vadd.s32 $0x1, v3  }
0x64d: {  	v37 =	vxor.u32 v3, v30;
	v52 =	vxor.u32 v46, v38;
	v32 =	vand.u32 $0xFFFF, v61  }
0x64e: {  	v53 =	vxor.u32 v25, v38;
	v55 =	vxor.u32 v47, v42;
	v56 =	vxor.u32 v27, v42  }
0x64f: {  	v58 =	vcvt.s32.f32 v3;
	v61 =	vcvt.s32.f32 v40;
	v38 =	vadd.s32 $0x9E3779B1, v38  }
0x650: {  	v5 =	vxor.u32 v5, v17;
	v40 =	vxor.u32 v40, v34;
	v31 =	vand.u32 $0xFFFF, v35  }
0x651: {  	v11 =	vsub.f32 v11, v54;
	v10 =	vsub.f32 v8, v60;
	v37 =	vand.u32 $0xFFFF, v37;
	v23 =	vld.idx.msk [tilespmem:v26+s4+$0x0], $0xffff  }
0x652: {  	v17 =	vxor.u32 v44, v17;
	v41 =	vxor.u32 v49, v30;
	v53 =	vand.u32 $0xFFFF, v53;
	v26 =	vld.idx.msk [tilespmem:v32+s4+$0x0], $0xffff  }
0x653: {  	v56 =	vand.u32 $0xFFFF, v56;
	v54 =	vxor.u32 v46, v38;
	v5 =	vand.u32 $0xFFFF, v5;
	v32 =	vld.idx.msk [tilespmem:v33+s4+$0x0], $0xffff  }
0x654: {  	v17 =	vand.u32 $0xFFFF, v17;
	v8 =	vsub.f32 v21, v61;
	v61 =	vand.u32 $0xFFFF, v40;
	v33 =	vld.idx.msk [tilespmem:v36+s4+$0x0], $0xffff  }
0x655: {  	v40 =	vsub.f32 v20, v62;
	v62 =	vsub.f32 v9, v6;
	v6 =	vand.u32 $0xFFFF, v54;
	v54 =	vld.idx.msk [tilespmem:v31+s4+$0x0], $0xffff  }
0x656: {  	v42 =	vadd.s32 $0x9E3779B1, v42;
	v43 =	vxor.u32 v39, v0;
	v41 =	vand.u32 $0xFFFF, v41;
	v36 =	vld.idx.msk [tilespmem:v37+s4+$0x0], $0xffff  }
0x657: {  	v45 =	vxor.u32 v28, v0;
	v52 =	vand.u32 $0xFFFF, v52;
	v43 =	vand.u32 $0xFFFF, v43;
	v14 =	vld.idx.msk [tilespmem:v53+s4+$0x0], $0xffff  }
0x658: {  	v55 =	vand.u32 $0xFFFF, v55;
	v30 =	vadd.s32 $0x9E3779B1, v30;
	v45 =	vand.u32 $0xFFFF, v45;
	v53 =	vld.idx.msk [tilespmem:v56+s4+$0x0], $0xffff  }
0x659: {  	v0 =	vadd.s32 $0x9E3779B1, v0;
	v13 =	vsub.f32 v18, v58;
	v18 =	vsub.f32 v19, v59;
	v19 =	vld.idx.msk [tilespmem:v5+s4+$0x0], $0xffff  }
0x65a: {  	v47 =	vxor.u32 v47, v42;
	v39 =	vxor.u32 v39, v0;
	v0 =	vxor.u32 v28, v0;
	v28 =	vld.idx.msk [tilespmem:v17+s4+$0x0], $0xffff  }
0x65b: {  	v63 =	vsub.f32 v22, v63;
	v22 =	vxor.u32 v48, v29;
	v25 =	vxor.u32 v25, v38;
	v37 =	vld.idx.msk [tilespmem:v41+s4+$0x0], $0xffff  }
0x65c: {  	v27 =	vxor.u32 v27, v42;
	v48 =	vsub.f32 $1.000000000e+00, v4;
	v3 =	vxor.u32 v3, v30;
	v41 =	vld.idx.msk [tilespmem:v43+s4+$0x0], $0xffff  }
0x65d: {  	v21 =	vsub.f32 v12, v7;
	v7 =	vand.u32 $0xFFFF, v47;
	v29 =	vsub.f32 $1.000000000e+00, v11;
	v43 =	vld.idx.msk [tilespmem:v45+s4+$0x0], $0xffff  }
0x65e: {  	v1 =	vand.u32 $0xFFFF, v27;
	v3 =	vand.u32 $0xFFFF, v3;
	v60 =	vand.u32 $0xFFFF, v39;
	v45 =	vld.idx.msk [tilespmem:v50+s4+$0x0], $0xffff  }
0x65f: {  	[tilespmem:$0x1FA80] =	vst v4;
	v0 =	vand.u32 $0xFFFF, v0;
	v34 =	vsub.f32 $1.000000000e+00, v18;
	v35 =	vsub.f32 $1.000000000e+00, v8;
	v50 =	vld.idx.msk [tilespmem:v51+s4+$0x0], $0xffff  }
0x660: {  	v4 =	vmovc v40;
	[tilespmem:$0x1FB20] =	vst v40;
	v38 =	vsub.f32 $1.000000000e+00, v40;
	v40 =	vsub.f32 $1.000000000e+00, v63;
	v31 =	vxor.u32 v49, v30;
	v51 =	vld.idx.msk [tilespmem:v52+s4+$0x0], $0xffff  }
0x661: {  	[tilespmem:$0x1FAA0] =	vst v15;
	v30 =	vsub.f32 $1.000000000e+00, v16;
	v49 =	vand.u32 $0xFFFF, v24;
	v17 =	vand.u32 $0xFFFF, v25;
	v46 =	vld.idx.msk [tilespmem:v61+s4+$0x0], $0xffff  }
0x662: {  	[tilespmem:$0x1FA70] =	vst v57;
	v56 =	vsub.f32 $1.000000000e+00, v62;
	v42 =	vld.idx.msk [tilespmem:v6+s4+$0x0], $0xffff;
	v6 =	vand.u32 $0xFFFF, v31;
	v31 =	vsub.f32 $1.000000000e+00, v13  }
0x663: {  	[tilespmem:$0x1FB30] =	vst v63;
	v61 =	vand.u32 $0xFFFF, v22;
	v22 =	vsub.f32 $1.000000000e+00, v57;
	v39 =	vld.idx.msk [tilespmem:v7+s4+$0x0], $0xffff;
	v7 =	vsub.f32 $1.000000000e+00, v10  }
0x664: {  	[tilespmem:$0x1FAB0] =	vst v62;
	v52 =	vld.idx.msk [tilespmem:v55+s4+$0x0], $0xffff;
	v55 =	vsub.f32 $1.000000000e+00, v15;
	v57 =	vsub.f32 $1.000000000e+00, v21;
	v62 =	vmul.f32 v48, v31  }
0x665: {  	v5 =	vmovc v63;
	v44 =	vld.idx.msk [tilespmem:v60+s4+$0x0], $0xffff;
	v60 =	vsub.f32 $1.000000000e+00, v2;
	v48 =	vmul.f32 v48, v13;
	v63 =	vmul.f32 v7, v34  }
0x666: {  	[tilespmem:$0x1FA60] =	vst v2;
	v59 =	vshll.u32 v23, $0x10;
	v7 =	vmul.f32 v7, v18;
	v27 =	vmul.f32 v55, v35  }
0x667: {  	[tilespmem:$0x1FAD0] =	vst v16;
	v15 =	vand.u32 $0xFFFF0000, v23;
	v55 =	vmul.f32 v55, v8;
	v58 =	vmul.f32 v60, v29  }
0x668: {  	v20 =	vld.idx.msk [tilespmem:v3+s4+$0x0], $0xffff;
	v2 =	vmovc v16;
	v47 =	vmul.f32 v60, v11;
	v16 =	vshll.u32 v26, $0x10;
	v60 =	vmul.f32 v22, v30  }
0x669: {  	v23 =	vld.idx.msk [tilespmem:v49+s4+$0x0], $0xffff;
	v49 =	vand.u32 $0xFFFF0000, v26;
	v3 =	vshll.u32 v33, $0x10;
	v33 =	vand.u32 $0xFFFF0000, v33  }
0x66a: {  	[tilespmem:$0x1FAC0] =	vst v11;
	v26 =	vld.idx.msk [tilespmem:v17+s4+$0x0], $0xffff;
	v17 =	vshll.u32 v32, $0x10;
	v32 =	vand.u32 $0xFFFF0000, v32;
	v11 =	vshll.u32 v14, $0x10  }
0x66b: {  	v14 =	vand.u32 $0xFFFF0000, v14;
	v12 =	vshll.u32 v53, $0x10;
	v53 =	vand.u32 $0xFFFF0000, v53  }
0x66c: {  	[tilespmem:$0x1FAF0] =	vst v18;
	v18 =	vshll.u32 v19, $0x10;
	v25 =	vld.idx.msk [tilespmem:v61+s4+$0x0], $0xffff;
	v61 =	vmul.f32 v22, v2;
	v2 =	vmul.f32 v56, v38  }
0x66d: {  	v19 =	vand.u32 $0xFFFF0000, v19;
	v24 =	vld.idx.msk [tilespmem:v6+s4+$0x0], $0xffff;
	v56 =	vmul.f32 v56, v4;
	v6 =	vmul.f32 v57, v40  }
0x66e: {  	v22 =	vld.idx.msk [tilespmem:v1+s4+$0x0], $0xffff;
	v57 =	vmul.f32 v57, v5;
	v1 =	vshll.u32 v37, $0x10;
	v37 =	vand.u32 $0xFFFF0000, v37  }
0x66f: {  	v5 =	vshll.u32 v41, $0x10;
	v4 =	vshll.u32 v43, $0x10;
	v41 =	vand.u32 $0xFFFF0000, v41  }
0x670: {  	[tilespmem:$0x1FB10] =	vst v8;
	v43 =	vand.u32 $0xFFFF0000, v43;
	v8 =	vshll.u32 v45, $0x10;
	v9 =	vshll.u32 v50, $0x10  }
0x671: {  	v45 =	vand.u32 $0xFFFF0000, v45;
	v50 =	vand.u32 $0xFFFF0000, v50;
	v59 =	vmul.f32 v59, v58  }
0x672: {  	[tilespmem:$0x1FA90] =	vst v10;
	v10 =	vshll.u32 v51, $0x10;
	v16 =	vmul.f32 v16, v47;
	v15 =	vmul.f32 v15, v58  }
0x673: {  	v0 =	vld.idx.msk [tilespmem:v0+s4+$0x0], $0xffff;
	v51 =	vand.u32 $0xFFFF0000, v51;
	v47 =	vmul.f32 v49, v47;
	v17 =	vmul.f32 v17, v60  }
0x674: {  	[tilespmem:$0x1FAE0] =	vst v13;
	v13 =	vshll.u32 v52, $0x10;
	v32 =	vmul.f32 v32, v60;
	v1 =	vmul.f32 v1, v48  }
0x675: {  	v52 =	vand.u32 $0xFFFF0000, v52;
	v37 =	vmul.f32 v37, v48;
	v5 =	vmul.f32 v5, v63  }
0x676: {  	v49 =	vshll.u32 v54, $0x10;
	v8 =	vmul.f32 v8, v27;
	v9 =	vmul.f32 v9, v55  }
0x677: {  	v54 =	vand.u32 $0xFFFF0000, v54;
	v27 =	vmul.f32 v45, v27;
	v45 =	vmul.f32 v50, v55;
	v55 =	vld [tilespmem:$0x1FA60]  }
0x678: {  	[tilespmem:$0x1FB00] =	vst v0;
	v0 =	vshll.u32 v36, $0x10;
	v4 =	vmul.f32 v4, v7;
	v41 =	vmul.f32 v41, v63  }
0x679: {  	v36 =	vand.u32 $0xFFFF0000, v36;
	v7 =	vmul.f32 v43, v7;
	v11 =	vmul.f32 v11, v56  }
0x67a: {  	v60 =	vld [tilespmem:$0x1FAA0];
	v58 =	vshll.u32 v20, $0x10;
	v14 =	vmul.f32 v14, v56;
	v13 =	vmul.f32 v13, v6  }
0x67b: {  	v20 =	vand.u32 $0xFFFF0000, v20;
	v12 =	vmul.f32 v12, v57;
	v6 =	vmul.f32 v52, v6;
	v56 =	vld [tilespmem:$0x1FA70]  }
0x67c: {  	v48 =	vshll.u32 v44, $0x10;
	v52 =	vmul.f32 v53, v57;
	v57 =	vld [tilespmem:$0x1FA80];
	v29 =	vmul.f32 v55, v29  }
0x67d: {  	v43 =	vand.u32 $0xFFFF0000, v44;
	v44 =	vshll.u32 v46, $0x10;
	v3 =	vmul.f32 v3, v61  }
0x67e: {  	v4 =	vadd.f32 v4, v5;
	v5 =	vmul.f32 v19, v29;
	v19 =	vadd.f32 v9, v8;
	v8 =	vld [tilespmem:$0x1FAD0]  }
0x67f: {  	v46 =	vand.u32 $0xFFFF0000, v46;
	v50 =	vshll.u32 v42, $0x10;
	v10 =	vmul.f32 v10, v2  }
0x680: {  	v2 =	vmul.f32 v51, v2;
	v3 =	vadd.f32 v3, v17;
	v17 =	vmul.f32 v60, v35;
	v35 =	vld [tilespmem:$0x1FAB0]  }
0x681: {  	v53 =	vadd.f32 v16, v59;
	v16 =	vmul.f32 v56, v30;
	v30 =	vmul.f32 v57, v31  }
0x682: {  	v42 =	vand.u32 $0xFFFF0000, v42;
	v63 =	vmul.f32 v21, v40;
	v33 =	vmul.f32 v33, v61  }
0x683: {  	v2 =	vadd.f32 v14, v2;
	v14 =	vmul.f32 v58, v30;
	v58 =	vmul.f32 v56, v8;
	v8 =	vld [tilespmem:$0x1FAE0]  }
0x684: {  	v0 =	vmul.f32 v0, v62;
	v36 =	vmul.f32 v36, v62;
	v51 =	vshll.u32 v39, $0x10  }
0x685: {  	v39 =	vand.u32 $0xFFFF0000, v39;
	v15 =	vadd.f32 v47, v15;
	v59 =	vld [tilespmem:$0x1FA90];
	v62 =	vmul.f32 v35, v38  }
0x686: {  	v7 =	vadd.f32 v7, v41;
	v41 =	vadd.f32 v45, v27;
	v18 =	vmul.f32 v18, v29  }
0x687: {  	v33 =	vadd.f32 v33, v32;
	v29 =	vmul.f32 v49, v16;
	v49 =	vmul.f32 v50, v62  }
0x688: {  	v0 =	vadd.f32 v1, v0;
	v42 =	vmul.f32 v42, v62;
	v62 =	vmul.f32 v57, v8;
	v8 =	vld [tilespmem:$0x1FAF0]  }
0x689: {  	v51 =	vmul.f32 v51, v63;
	v40 =	vadd.f32 v37, v36;
	v13 =	vadd.f32 v12, v13  }
0x68a: {  	v45 =	vadd.f32 v11, v10;
	v61 =	vshll.u32 v24, $0x10;
	v31 =	vmul.f32 v59, v34  }
0x68b: {  	v13 =	vadd.f32 v13, v51;
	v44 =	vmul.f32 v44, v17;
	v17 =	vmul.f32 v46, v17;
	v9 =	vld [tilespmem:$0x1FB10]  }
0x68c: {  	v46 =	vshll.u32 v25, $0x10;
	v34 =	vshll.u32 v23, $0x10;
	v37 =	vmul.f32 v54, v16;
	v54 =	vld [tilespmem:$0x1FAC0]  }
0x68d: {  	v20 =	vmul.f32 v20, v30;
	v30 =	vadd.f32 v52, v6;
	v16 =	vmul.f32 v59, v8;
	v8 =	vld [tilespmem:$0x1FB00]  }
0x68e: {  	v6 =	vshll.u32 v28, $0x10;
	v47 =	vmul.f32 v48, v31;
	v43 =	vmul.f32 v43, v31  }
0x68f: {  	v48 =	vand.u32 $0xFFFF0000, v28;
	v31 =	vshll.u32 v26, $0x10;
	v28 =	vshll.u32 v22, $0x10  }
0x690: {  	v17 =	vadd.f32 v41, v17;
	v27 =	vadd.f32 v15, v5;
	v12 =	vmul.f32 v60, v9;
	v9 =	vld [tilespmem:$0x1FB20]  }
0x691: {  	v19 =	vadd.f32 v19, v44;
	v50 =	vand.u32 $0xFFFF0000, v25;
	v25 =	vmul.f32 v39, v63  }
0x692: {  	v1 =	vmul.f32 v55, v54;
	v36 =	vshll.u32 v8, $0x10;
	v38 =	vand.u32 $0xFFFF0000, v8;
	v8 =	vld [tilespmem:$0x1FB30]  }
0x693: {  	s6 =	sadd.s32 $0x8, s6;
	v63 =	vand.u32 $0xFFFF0000, v24;
	v24 =	vadd.f32 v33, v37;
	v37 =	vmul.f32 v46, v58  }
0x694: {  	p0 =	slt.u32 s6, $0xF8;
	v15 =	vadd.f32 v2, v42;
	v33 =	vmul.f32 v50, v58;
	v32 =	vmul.f32 v6, v1  }
.Ltmp10:
0x695: {  	v11 =	vmul.f32 v35, v9;
	v35 =	vand.u32 $0xFFFF0000, v23;
	v9 =	vand.u32 $0xFFFF0000, v26;
	(pc) =	sbr.rel @p0 .LBB2_23-.Ltmp10, $4  }
0x696: {  	v26 =	vadd.f32 v53, v18;
	v23 =	vadd.f32 v3, v29;
	v29 =	vmul.f32 v48, v1  }
0x697: {  	v18 =	vadd.f32 v7, v43;
	v39 =	vmul.f32 v63, v62;
	v10 =	vmul.f32 v21, v8  }
0x698: {  	v8 =	vand.u32 $0xFFFF0000, v22;
	v22 =	vadd.f32 v0, v14;
	v21 =	vadd.f32 v40, v20  }
0x699: {  	s20 =	sadd.s32 $0x80, s20;
	v20 =	vadd.f32 v4, v47;
	v40 =	vmul.f32 v61, v62;
	v14 =	vadd.f32 v45, v49  }
0x69a: {  	v0 =	vadd.f32 v26, v32  }
0x69b: {  	v55 =	vadd.f32 v23, v37  }
0x69c: {  	v1 =	vadd.f32 v27, v29;
	[tilespmem:s10+$0xFFFFFFC0] =	vst v0  }
0x69d: {  	v56 =	vadd.f32 v24, v33;
	[tilespmem:s10+$0xFFFFFFD0] =	vst v55  }
0x69e: {  	v2 =	vmul.f32 v36, v16;
	v3 =	vadd.f32 v22, v40;
	[tilespmem:s18+$0xFFFFFFC0] =	vst v1  }
0x69f: {  	v57 =	vmul.f32 v38, v16;
	v4 =	vadd.f32 v21, v39;
	[tilespmem:s18+$0xFFFFFFD0] =	vst v56  }
0x6a0: {  	v58 =	vmul.f32 v34, v12;
	v2 =	vadd.f32 v20, v2;
	[tilespmem:s10+$0xFFFFFFE0] =	vst v3  }
0x6a1: {  	v59 =	vmul.f32 v35, v12;
	v0 =	vadd.f32 v18, v57;
	[tilespmem:s18+$0xFFFFFFE0] =	vst v4  }
0x6a2: {  	v60 =	vmul.f32 v31, v11;
	v1 =	vadd.f32 v19, v58;
	[tilespmem:s10+$0xFFFFFFF0] =	vst v2  }
0x6a3: {  	v61 =	vmul.f32 v28, v10;
	v3 =	vadd.f32 v17, v59;
	[tilespmem:s18+$0xFFFFFFF0] =	vst v0  }
0x6a4: {  	v62 =	vmul.f32 v9, v11;
	v4 =	vadd.f32 v14, v60;
	[tilespmem:s10+$0x0] =	vst v1  }
0x6a5: {  	v63 =	vadd.f32 v30, v25;
	v5 =	vmul.f32 v8, v10;
	v2 =	vadd.f32 v13, v61;
	[tilespmem:s18+$0x0] =	vst v3  }
0x6a6: {  	v0 =	vadd.f32 v15, v62;
	[tilespmem:s10+$0x10] =	vst v4  }
0x6a7: {  	s3 =	sor.u32 s19, s13;
	s11 =	sadd.s32 $0x1, s11;
	v1 =	vadd.f32 v63, v5;
	[tilespmem:s10+$0x20] =	vst v2  }
0x6a8: {  	s3 =	sshrl.u32 s3, $0x3;
	p0 =	sne.s32 s11, $0x8;
	[tilespmem:s18+$0x10] =	vst v0  }
.Ltmp11:
0x6a9: {  	s24 =	sor.u32 s21, s13;
	s3 =	sadd.s32 s5, s3;
	[tilespmem:s18+$0x20] =	vst v1;
	(pc) =	sbr.rel @p0 .LBB2_20-.Ltmp11, $4  }
0x6aa: {  	[hbm4b:s3+s4] =	stream.linear.scatter [tilespmem:s8], [sflag:$0x3], $0x1000, $0x38;
	[tilespmem:$0x1C010] =	vst v63  }
0x6ab: {  	s3 =	sshrl.u32 s24, $0x3  }
0x6ac: {  	s3 =	sadd.s32 s5, s3  }
0x6ad: {  	[hbm4b:s3+s4] =	stream.linear.scatter [tilespmem:s17], [sflag:$0x3], $0x1000, $0x38;
	[tilespmem:$0x1C010] =	vst v63  }
0x6ae: {  	s6 =	simm.s32 $0x3  }
0x6af: {  	_ =	swait.ge [sflag:s6], $0x1000  }
0x6b0: {  	[sflag:s6] =	ssyncset.done $0x0  }
0x6b1: {  	[sflag:s6] =	ssyncadd.s32 $0xFFFFF000  }
0x6b2: {  	_ =	swait.ge [sflag:s6], $0x1000  }
0x6b3: {  	[sflag:s6] =	ssyncset.done $0x0  }
0x6b4: {  	[sflag:s6] =	ssyncadd.s32 $0xFFFFF000  }
0x6b5: {  	_ =	swait.ge [sflag:s6], $0x1000  }
0x6b6: {  	[sflag:s6] =	ssyncset.done $0x0  }
0x6b7: {  	[sflag:s6] =	ssyncadd.s32 $0xFFFFF000  }
0x6b8: {  	_ =	swait.ge [sflag:s6], $0x1000  }
0x6b9: {  	s10 =	rddreg [dreg:$0xd]  }
0x6ba: {  	s3 =	rddreg [dreg:$0xc];
	v0 =	vld [tilespmem:$0x1FF90];
	s10 =	sadd.s32 $0x1, s10  }
0x6bb: {  	v1 =	vld [tilespmem:$0x1FFA0];
	p0 =	sne.s32 s10, s3  }
.Ltmp12:
0x6bc: {  	v2 =	vld [tilespmem:$0x1FFB0];
	(pc) =	sbr.rel @p0 .LBB2_1-.Ltmp12, $4  }
0x6bd: {  	v3 =	vld [tilespmem:$0x1FFC0]  }
0x6be: {  	v4 =	vld [tilespmem:$0x1FFD0]  }
0x6bf: {  	[sflag:s6] =	ssyncset.done $0x0;
	v5 =	vld [tilespmem:$0x1FFE0]  }
0x6c0: {  	v6 =	vld [tilespmem:$0x1FFF0];
	[sflag:s6] =	ssyncadd.s32 $0xFFFFF000  }
0x6c1: {  	_ =	sfence.sel $0x180000  }
0x6c2: {  	[bflag:$0x0] =	sbarrier.arrive $0xFFFF  }
0x6c3: {  	_ =	strace $0x90000047  }
0x6c4: {  	s0 =	stileid.u32;
	[bflag:$0x2] =	sbarrier.arrive $0xFFFF  }
0x6c5: {  	p0 =	sne.s32 s0, $0x0;
	s0 =	rddreg [dreg:$0x3]  }
0x6c6: {  	s0 =	sadd.s32 @!p0 $0x100000, s0  }
0x6c7: {  	[sflag:s0] =	ssyncadd.tile.s32 @!p0 $0x1;
	_ =	shalt  }
.Lfunc_end2:
_tile_overlayer_lowered:
.L_overlay_start_2:
0x6c8: {  	(tag) =	ssettag $0x2  }
0x6c9: {  	s0 =	rddreg [dreg:$0x0];
	s2 =	stileid.u32  }
0x6ca: {  	s1 =	rddreg [dreg:$0x1];
	p0 =	sne.s32 s2, $0x0  }
0x6cb: {  	s3 =	rddreg [dreg:$0x2];
	[bflag:$0x3] =	sbarrier.arrive $0xFFFF;
	s2 =	simm.s32 @!p0 $0x1C04  }
0x6cc: {  	[timem:s3], [sflag:s2] =	dma.local @!p0 [hbm:s0], s1  }
0x6cd: {  	s0 =	simm.s32 @!p0 $0x4  }
0x6ce: {  	_ =	swait.ge @!p0 [sflag:s0], s1  }
0x6cf: {  	s1 =	ssub.s32 @!p0 $0x0, s1;
	[sflag:s0] =	ssyncset.done @!p0 $0x0  }
0x6d0: {  	[sflag:s0] =	ssyncadd.s32 @!p0 s1  }
0x6d1: {  	[bflag:$0x3] =	sbarrier.arrive $0xFFFF  }
0x6d2: {  	_ =	shalt  }

</sc_bundles>
